<compile_context>
chip_gen: v7x
topology: tpu7x:2x2x1
jax: 0.10.2.dev20260603
libtpu: 0.0.44.dev20260713+nightly
codegen_flags: <defaults>
</compile_context>

<pallas_src>
import functools

import jax
import jax.numpy as jnp
from jax import lax
from jax.experimental import pallas as pl
from jax.experimental.pallas import tpu as pltpu
from jax.experimental.pallas import tpu_sc as plsc

N = 16777216
NBINS = 10
NCORES = 2
NSUB = 16
NWORK = NCORES * NSUB
PER_W = N // NWORK
CHUNK = 16384
RING = 2
NBLK = PER_W // CHUNK
NVEC = CHUNK // 16

_mesh = plsc.VectorSubcoreMesh(core_axis_name="c", subcore_axis_name="s")


@functools.partial(
    pl.kernel,
    mesh=_mesh,
    out_type=jax.ShapeDtypeStruct((3 * NWORK, 16), jnp.float32),
    compiler_params=pltpu.CompilerParams(needs_layout_passes=False),
    scratch_types=[
        pltpu.VMEM((RING, CHUNK), jnp.float32),
        pltpu.VMEM((RING, CHUNK), jnp.int32),
        pltpu.VMEM((RING, CHUNK), jnp.int32),
        pltpu.VMEM((NBINS, 16), jnp.int32),
        pltpu.VMEM((NBINS, 16), jnp.int32),
        pltpu.VMEM((NBINS, 16), jnp.int32),
        pltpu.VMEM((NBINS, 16), jnp.int32),
        pltpu.VMEM((NBINS, 16), jnp.float32),
        pltpu.VMEM((NBINS, 16), jnp.float32),
        pltpu.VMEM((NBINS, 16), jnp.float32),
        pltpu.VMEM((NBINS, 16), jnp.float32),
        pltpu.VMEM((16,), jnp.float32),
    ] + [pltpu.SemaphoreType.DMA] * (3 * RING),
)
def _ece_partials(c_hbm, p_hbm, l_hbm, out_hbm, cbuf, pbuf, lbuf,
                  hia0, hia1, hia2, hia3, hs0, hs1, hs2, hs3,
                  row, *sems):
    hia = (hia0, hia1, hia2, hia3)
    hs = (hs0, hs1, hs2, hs3)
    wid = lax.axis_index("s") * NCORES + lax.axis_index("c")
    base = wid * PER_W
    zero = jnp.zeros((16,), jnp.float32)
    izero = jnp.zeros((16,), jnp.int32)
    lane = lax.iota(jnp.int32, 16)
    for b in range(NBINS):
        for j in range(4):
            hia[j][b] = izero
            hs[j][b] = zero

    csem = sems[0:RING]
    psem = sems[RING:2 * RING]
    lsem = sems[2 * RING:3 * RING]

    def _start(g, slot):
        off = base + g * CHUNK
        pltpu.async_copy(c_hbm.at[pl.ds(off, CHUNK)], cbuf.at[slot], csem[slot])
        pltpu.async_copy(p_hbm.at[pl.ds(off, CHUNK)], pbuf.at[slot], psem[slot])
        pltpu.async_copy(l_hbm.at[pl.ds(off, CHUNK)], lbuf.at[slot], lsem[slot])

    def _wait(slot):
        pltpu.make_async_copy(c_hbm.at[pl.ds(0, CHUNK)], cbuf.at[slot], csem[slot]).wait()
        pltpu.make_async_copy(p_hbm.at[pl.ds(0, CHUNK)], pbuf.at[slot], psem[slot]).wait()
        pltpu.make_async_copy(l_hbm.at[pl.ds(0, CHUNK)], lbuf.at[slot], lsem[slot]).wait()

    for s in range(RING - 1):
        _start(s, s)

    def _compute(slot):
        @plsc.parallel_loop(0, NVEC, 4, unroll=16)
        def _vbody(v4):
            for j in range(4):
                off = (v4 + j) * 16
                c = cbuf[slot, pl.ds(off, 16)]
                p = pbuf[slot, pl.ds(off, 16)]
                l = lbuf[slot, pl.ds(off, 16)]
                ca = jnp.where(p == l, jnp.int32(0x10001), jnp.int32(1))
                bi = (c * 10.0).astype(jnp.int32)
                plsc.addupdate_scatter(hia[j], [bi, lane], ca)
                plsc.addupdate_scatter(hs[j], [bi, lane], c)

    def _outer(i, carry):
        for slot in range(RING):
            g = i * RING + slot
            _wait(slot)
            @pl.when(g + RING - 1 < NBLK)
            def _():
                _start(g + RING - 1, (slot + RING - 1) % RING)
            _compute(slot)
        return carry

    lax.fori_loop(0, NBLK // RING, _outer, 0)

    cnt_row = zero
    acc_row = zero
    conf_row = zero
    for b in range(NBINS):
        cnt_b = jnp.float32(0.0)
        acc_b = jnp.float32(0.0)
        conf_b = jnp.float32(0.0)
        for j in range(4):
            va = hia[j][b]
            cnt_b += jnp.sum(jnp.bitwise_and(va, 0xFFFF).astype(jnp.float32))
            acc_b += jnp.sum(lax.shift_right_logical(va, 16).astype(jnp.float32))
            conf_b += jnp.sum(hs[j][b])
        m = lane == b
        cnt_row = jnp.where(m, cnt_b, cnt_row)
        acc_row = jnp.where(m, acc_b, acc_row)
        conf_row = jnp.where(m, conf_b, conf_row)

    row[...] = cnt_row
    pltpu.sync_copy(row, out_hbm.at[wid])
    row[...] = acc_row
    pltpu.sync_copy(row, out_hbm.at[NWORK + wid])
    row[...] = conf_row
    pltpu.sync_copy(row, out_hbm.at[2 * NWORK + wid])


def _finalize_body(p_ref, o_ref):
    x = p_ref[...]
    cnt = jnp.sum(x[0:NWORK, :], axis=0, keepdims=True)
    acc = jnp.sum(x[NWORK:2 * NWORK, :], axis=0, keepdims=True)
    cs = jnp.sum(x[2 * NWORK:, :], axis=0, keepdims=True)
    safe = jnp.maximum(cnt, 1.0)
    contrib = (jnp.abs(cs - acc) / safe) * (cnt * (1.0 / N))
    o_ref[0, 0] = jnp.sum(jnp.where(cnt > 0.0, contrib, 0.0))


_finalize = pl.pallas_call(
    _finalize_body,
    out_shape=jax.ShapeDtypeStruct((1, 1), jnp.float32),
    out_specs=pl.BlockSpec(memory_space=pltpu.SMEM),
)


def kernel(confidences, predictions, labels):
    p = predictions.astype(jnp.int32)
    l = labels.astype(jnp.int32)
    parts = _ece_partials(confidences, p, l)
    return _finalize(parts)[0, 0]

# --- scband reference (transcript-rebuilt; emitter-appended) ---
"""Pipeline reference for scband-ece-18631568130668 (READ-ONLY COPY).

The authoritative reference and input builder live on the scoring server;
editing this copy changes nothing except your own understanding.
"""

import jax, jax.numpy as jnp
import numpy as np

N = 16777216
N_BINS = 10
NUM_CLASSES = 1000

def setup_inputs(seed: int = 0) -> dict:
    key = jax.random.key(seed)
    k1, k2, k3 = jax.random.split(key, 3)
    confidences = jax.random.uniform(k1, (N,), dtype=jnp.float32)
    predictions = jax.random.randint(k2, (N,), 0, NUM_CLASSES, dtype=jnp.int64)
    labels = jax.random.randint(k3, (N,), 0, NUM_CLASSES, dtype=jnp.int64)
    return {"confidences": confidences, "predictions": predictions, "labels": labels}

def reference(confidences, predictions, labels):
    accuracies = (predictions == labels).astype(jnp.float32)
    bin_boundaries = jnp.linspace(0.0, 1.0, N_BINS + 1)
    ece = jnp.zeros((), dtype=jnp.float32)
    n = confidences.shape[0]
    for i in range(N_BINS):
        bin_lower = bin_boundaries[i]
        bin_upper = bin_boundaries[i + 1]
        in_bin = (confidences > bin_lower) & (confidences <= bin_upper)
        if i == 0:
            in_bin = in_bin | (confidences == 0.0)
        in_binf = in_bin.astype(jnp.float32)
        cnt = in_binf.sum()
        prop_in_bin = cnt / n
        safe_cnt = jnp.maximum(cnt, 1.0)
        accuracy_in_bin = (accuracies * in_binf).sum() / safe_cnt
        avg_confidence_in_bin = (confidences * in_binf).sum() / safe_cnt
        contrib = jnp.abs(avg_confidence_in_bin - accuracy_in_bin) * prop_in_bin
        ece = ece + jnp.where(cnt > 0, contrib, 0.0)
    return ece

if __name__ == "__main__":
    import jax
    _d = setup_inputs()
    print(jax.jit(kernel)(*tuple(_d.values())))

</pallas_src>

<mosaic_0001>
#map = affine_map<(d0, d1) -> (0)>
#map1 = affine_map<(d0, d1) -> (0, 0)>
module attributes {stable_mosaic.version = 14 : i64} {
  func.func @_ece_partials(%arg0: i32, %arg1: i32, %arg2: memref<16777216xf32, #tpu.memory_space<hbm>>, %arg3: memref<16777216xi32, #tpu.memory_space<hbm>>, %arg4: memref<16777216xi32, #tpu.memory_space<hbm>>, %arg5: memref<96x16xf32, #tpu.memory_space<hbm>>, %arg6: memref<2x16384xf32, #tpu.memory_space<vmem>>, %arg7: memref<2x16384xi32, #tpu.memory_space<vmem>>, %arg8: memref<2x16384xi32, #tpu.memory_space<vmem>>, %arg9: memref<10x16xi32, #tpu.memory_space<vmem>>, %arg10: memref<10x16xi32, #tpu.memory_space<vmem>>, %arg11: memref<10x16xi32, #tpu.memory_space<vmem>>, %arg12: memref<10x16xi32, #tpu.memory_space<vmem>>, %arg13: memref<10x16xf32, #tpu.memory_space<vmem>>, %arg14: memref<10x16xf32, #tpu.memory_space<vmem>>, %arg15: memref<10x16xf32, #tpu.memory_space<vmem>>, %arg16: memref<10x16xf32, #tpu.memory_space<vmem>>, %arg17: memref<16xf32, #tpu.memory_space<vmem>>, %arg18: memref<!tpu.dma_semaphore, #tpu.memory_space<semaphore_mem>>, %arg19: memref<!tpu.dma_semaphore, #tpu.memory_space<semaphore_mem>>, %arg20: memref<!tpu.dma_semaphore, #tpu.memory_space<semaphore_mem>>, %arg21: memref<!tpu.dma_semaphore, #tpu.memory_space<semaphore_mem>>, %arg22: memref<!tpu.dma_semaphore, #tpu.memory_space<semaphore_mem>>, %arg23: memref<!tpu.dma_semaphore, #tpu.memory_space<semaphore_mem>>) attributes {dimension_semantics = [#tpu.dimension_semantics<core_parallel>, #tpu.dimension_semantics<subcore_parallel>], iteration_bounds = array<i64: 2, 16>, scalar_prefetch = 0 : i64, scratch_operands = 18 : i64, tpu.core_type = #tpu.core_type<sc_vector_subcore>, window_params = [{transform_indices = #map}, {transform_indices = #map}, {transform_indices = #map}, {transform_indices = #map1}]} {
    %mul3A = arith.constant 2 : i32
    %mul3A_0 = arith.muli %arg1, %mul3A : i32
    %add3A = arith.addi %mul3A_0, %arg0 : i32
    %mul3A_1 = arith.constant 524288 : i32
    %mul3A_2 = arith.muli %add3A, %mul3A_1 : i32
    %broadcast_in_dim3A = arith.constant 0.000000e+00 : f32
    %broadcast_in_dim3A_3 = vector.broadcast %broadcast_in_dim3A : f32 to vector<16xf32>
    %broadcast_in_dim3A_4 = arith.constant 0 : i32
    %broadcast_in_dim3A_5 = vector.broadcast %broadcast_in_dim3A_4 : i32 to vector<16xi32>
    %iota3A = tpu.iota {dimensions = array<i32: 0>} : vector<16xi32>
    %swap3A = arith.constant 0 : i32
    %swap3A_6 = arith.index_cast %swap3A : i32 to index
    %swap3A_7 = arith.constant 0 : index
    %swap3A_8 = tpu.vector_load %arg9[%swap3A_6, %swap3A_7] {strides = array<i32>} : memref<10x16xi32, #tpu.memory_space<vmem>>, vector<16xi32>,
    tpu.vector_store %arg9[%swap3A_6, %swap3A_7], %broadcast_in_dim3A_5 {strides = array<i32>} : memref<10x16xi32, #tpu.memory_space<vmem>>, vector<16xi32>,
    %swap3A_9 = arith.constant 0 : i32
    %swap3A_10 = arith.index_cast %swap3A_9 : i32 to index
    %swap3A_11 = arith.constant 0 : index
    %swap3A_12 = tpu.vector_load %arg13[%swap3A_10, %swap3A_11] {strides = array<i32>} : memref<10x16xf32, #tpu.memory_space<vmem>>, vector<16xf32>,
    tpu.vector_store %arg13[%swap3A_10, %swap3A_11], %broadcast_in_dim3A_3 {strides = array<i32>} : memref<10x16xf32, #tpu.memory_space<vmem>>, vector<16xf32>,
    %swap3A_13 = arith.constant 0 : i32
    %swap3A_14 = arith.index_cast %swap3A_13 : i32 to index
    %swap3A_15 = arith.constant 0 : index
    %swap3A_16 = tpu.vector_load %arg10[%swap3A_14, %swap3A_15] {strides = array<i32>} : memref<10x16xi32, #tpu.memory_space<vmem>>, vector<16xi32>,
    tpu.vector_store %arg10[%swap3A_14, %swap3A_15], %broadcast_in_dim3A_5 {strides = array<i32>} : memref<10x16xi32, #tpu.memory_space<vmem>>, vector<16xi32>,
    %swap3A_17 = arith.constant 0 : i32
    %swap3A_18 = arith.index_cast %swap3A_17 : i32 to index
    %swap3A_19 = arith.constant 0 : index
    %swap3A_20 = tpu.vector_load %arg14[%swap3A_18, %swap3A_19] {strides = array<i32>} : memref<10x16xf32, #tpu.memory_space<vmem>>, vector<16xf32>,
    tpu.vector_store %arg14[%swap3A_18, %swap3A_19], %broadcast_in_dim3A_3 {strides = array<i32>} : memref<10x16xf32, #tpu.memory_space<vmem>>, vector<16xf32>,
    %swap3A_21 = arith.constant 0 : i32
    %swap3A_22 = arith.index_cast %swap3A_21 : i32 to index
    %swap3A_23 = arith.constant 0 : index
    %swap3A_24 = tpu.vector_load %arg11[%swap3A_22, %swap3A_23] {strides = array<i32>} : memref<10x16xi32, #tpu.memory_space<vmem>>, vector<16xi32>,
    tpu.vector_store %arg11[%swap3A_22, %swap3A_23], %broadcast_in_dim3A_5 {strides = array<i32>} : memref<10x16xi32, #tpu.memory_space<vmem>>, vector<16xi32>,
    %swap3A_25 = arith.constant 0 : i32
    %swap3A_26 = arith.index_cast %swap3A_25 : i32 to index
    %swap3A_27 = arith.constant 0 : index
    %swap3A_28 = tpu.vector_load %arg15[%swap3A_26, %swap3A_27] {strides = array<i32>} : memref<10x16xf32, #tpu.memory_space<vmem>>, vector<16xf32>,
    tpu.vector_store %arg15[%swap3A_26, %swap3A_27], %broadcast_in_dim3A_3 {strides = array<i32>} : memref<10x16xf32, #tpu.memory_space<vmem>>, vector<16xf32>,
    %swap3A_29 = arith.constant 0 : i32
    %swap3A_30 = arith.index_cast %swap3A_29 : i32 to index
    %swap3A_31 = arith.constant 0 : index
    %swap3A_32 = tpu.vector_load %arg12[%swap3A_30, %swap3A_31] {strides = array<i32>} : memref<10x16xi32, #tpu.memory_space<vmem>>, vector<16xi32>,
    tpu.vector_store %arg12[%swap3A_30, %swap3A_31], %broadcast_in_dim3A_5 {strides = array<i32>} : memref<10x16xi32, #tpu.memory_space<vmem>>, vector<16xi32>,
    %swap3A_33 = arith.constant 0 : i32
    %swap3A_34 = arith.index_cast %swap3A_33 : i32 to index
    %swap3A_35 = arith.constant 0 : index
    %swap3A_36 = tpu.vector_load %arg16[%swap3A_34, %swap3A_35] {strides = array<i32>} : memref<10x16xf32, #tpu.memory_space<vmem>>, vector<16xf32>,
    tpu.vector_store %arg16[%swap3A_34, %swap3A_35], %broadcast_in_dim3A_3 {strides = array<i32>} : memref<10x16xf32, #tpu.memory_space<vmem>>, vector<16xf32>,
    %swap3A_37 = arith.constant 1 : i32
    %swap3A_38 = arith.index_cast %swap3A_37 : i32 to index
    %swap3A_39 = arith.constant 0 : index
    %swap3A_40 = tpu.vector_load %arg9[%swap3A_38, %swap3A_39] {strides = array<i32>} : memref<10x16xi32, #tpu.memory_space<vmem>>, vector<16xi32>,
    tpu.vector_store %arg9[%swap3A_38, %swap3A_39], %broadcast_in_dim3A_5 {strides = array<i32>} : memref<10x16xi32, #tpu.memory_space<vmem>>, vector<16xi32>,
    %swap3A_41 = arith.constant 1 : i32
    %swap3A_42 = arith.index_cast %swap3A_41 : i32 to index
    %swap3A_43 = arith.constant 0 : index
    %swap3A_44 = tpu.vector_load %arg13[%swap3A_42, %swap3A_43] {strides = array<i32>} : memref<10x16xf32, #tpu.memory_space<vmem>>, vector<16xf32>,
    tpu.vector_store %arg13[%swap3A_42, %swap3A_43], %broadcast_in_dim3A_3 {strides = array<i32>} : memref<10x16xf32, #tpu.memory_space<vmem>>, vector<16xf32>,
    %swap3A_45 = arith.constant 1 : i32
    %swap3A_46 = arith.index_cast %swap3A_45 : i32 to index
    %swap3A_47 = arith.constant 0 : index
    %swap3A_48 = tpu.vector_load %arg10[%swap3A_46, %swap3A_47] {strides = array<i32>} : memref<10x16xi32, #tpu.memory_space<vmem>>, vector<16xi32>,
    tpu.vector_store %arg10[%swap3A_46, %swap3A_47], %broadcast_in_dim3A_5 {strides = array<i32>} : memref<10x16xi32, #tpu.memory_space<vmem>>, vector<16xi32>,
    %swap3A_49 = arith.constant 1 : i32
    %swap3A_50 = arith.index_cast %swap3A_49 : i32 to index
    %swap3A_51 = arith.constant 0 : index
    %swap3A_52 = tpu.vector_load %arg14[%swap3A_50, %swap3A_51] {strides = array<i32>} : memref<10x16xf32, #tpu.memory_space<vmem>>, vector<16xf32>,
    tpu.vector_store %arg14[%swap3A_50, %swap3A_51], %broadcast_in_dim3A_3 {strides = array<i32>} : memref<10x16xf32, #tpu.memory_space<vmem>>, vector<16xf32>,
    %swap3A_53 = arith.constant 1 : i32
    %swap3A_54 = arith.index_cast %swap3A_53 : i32 to index
    %swap3A_55 = arith.constant 0 : index
    %swap3A_56 = tpu.vector_load %arg11[%swap3A_54, %swap3A_55] {strides = array<i32>} : memref<10x16xi32, #tpu.memory_space<vmem>>, vector<16xi32>,
    tpu.vector_store %arg11[%swap3A_54, %swap3A_55], %broadcast_in_dim3A_5 {strides = array<i32>} : memref<10x16xi32, #tpu.memory_space<vmem>>, vector<16xi32>,
    %swap3A_57 = arith.constant 1 : i32
    %swap3A_58 = arith.index_cast %swap3A_57 : i32 to index
    %swap3A_59 = arith.constant 0 : index
    %swap3A_60 = tpu.vector_load %arg15[%swap3A_58, %swap3A_59] {strides = array<i32>} : memref<10x16xf32, #tpu.memory_space<vmem>>, vector<16xf32>,
    tpu.vector_store %arg15[%swap3A_58, %swap3A_59], %broadcast_in_dim3A_3 {strides = array<i32>} : memref<10x16xf32, #tpu.memory_space<vmem>>, vector<16xf32>,
    %swap3A_61 = arith.constant 1 : i32
    %swap3A_62 = arith.index_cast %swap3A_61 : i32 to index
    %swap3A_63 = arith.constant 0 : index
    %swap3A_64 = tpu.vector_load %arg12[%swap3A_62, %swap3A_63] {strides = array<i32>} : memref<10x16xi32, #tpu.memory_space<vmem>>, vector<16xi32>,
    tpu.vector_store %arg12[%swap3A_62, %swap3A_63], %broadcast_in_dim3A_5 {strides = array<i32>} : memref<10x16xi32, #tpu.memory_space<vmem>>, vector<16xi32>,
    %swap3A_65 = arith.constant 1 : i32
    %swap3A_66 = arith.index_cast %swap3A_65 : i32 to index
    %swap3A_67 = arith.constant 0 : index
    %swap3A_68 = tpu.vector_load %arg16[%swap3A_66, %swap3A_67] {strides = array<i32>} : memref<10x16xf32, #tpu.memory_space<vmem>>, vector<16xf32>,
    tpu.vector_store %arg16[%swap3A_66, %swap3A_67], %broadcast_in_dim3A_3 {strides = array<i32>} : memref<10x16xf32, #tpu.memory_space<vmem>>, vector<16xf32>,
    %swap3A_69 = arith.constant 2 : i32
    %swap3A_70 = arith.index_cast %swap3A_69 : i32 to index
    %swap3A_71 = arith.constant 0 : index
    %swap3A_72 = tpu.vector_load %arg9[%swap3A_70, %swap3A_71] {strides = array<i32>} : memref<10x16xi32, #tpu.memory_space<vmem>>, vector<16xi32>,
    tpu.vector_store %arg9[%swap3A_70, %swap3A_71], %broadcast_in_dim3A_5 {strides = array<i32>} : memref<10x16xi32, #tpu.memory_space<vmem>>, vector<16xi32>,
    %swap3A_73 = arith.constant 2 : i32
    %swap3A_74 = arith.index_cast %swap3A_73 : i32 to index
    %swap3A_75 = arith.constant 0 : index
    %swap3A_76 = tpu.vector_load %arg13[%swap3A_74, %swap3A_75] {strides = array<i32>} : memref<10x16xf32, #tpu.memory_space<vmem>>, vector<16xf32>,
    tpu.vector_store %arg13[%swap3A_74, %swap3A_75], %broadcast_in_dim3A_3 {strides = array<i32>} : memref<10x16xf32, #tpu.memory_space<vmem>>, vector<16xf32>,
    %swap3A_77 = arith.constant 2 : i32
    %swap3A_78 = arith.index_cast %swap3A_77 : i32 to index
    %swap3A_79 = arith.constant 0 : index
    %swap3A_80 = tpu.vector_load %arg10[%swap3A_78, %swap3A_79] {strides = array<i32>} : memref<10x16xi32, #tpu.memory_space<vmem>>, vector<16xi32>,
    tpu.vector_store %arg10[%swap3A_78, %swap3A_79], %broadcast_in_dim3A_5 {strides = array<i32>} : memref<10x16xi32, #tpu.memory_space<vmem>>, vector<16xi32>,
    %swap3A_81 = arith.constant 2 : i32
    %swap3A_82 = arith.index_cast %swap3A_81 : i32 to index
    %swap3A_83 = arith.constant 0 : index
    %swap3A_84 = tpu.vector_load %arg14[%swap3A_82, %swap3A_83] {strides = array<i32>} : memref<10x16xf32, #tpu.memory_space<vmem>>, vector<16xf32>,
    tpu.vector_store %arg14[%swap3A_82, %swap3A_83], %broadcast_in_dim3A_3 {strides = array<i32>} : memref<10x16xf32, #tpu.memory_space<vmem>>, vector<16xf32>,
    %swap3A_85 = arith.constant 2 : i32
    %swap3A_86 = arith.index_cast %swap3A_85 : i32 to index
    %swap3A_87 = arith.constant 0 : index
    %swap3A_88 = tpu.vector_load %arg11[%swap3A_86, %swap3A_87] {strides = array<i32>} : memref<10x16xi32, #tpu.memory_space<vmem>>, vector<16xi32>,
    tpu.vector_store %arg11[%swap3A_86, %swap3A_87], %broadcast_in_dim3A_5 {strides = array<i32>} : memref<10x16xi32, #tpu.memory_space<vmem>>, vector<16xi32>,
    %swap3A_89 = arith.constant 2 : i32
    %swap3A_90 = arith.index_cast %swap3A_89 : i32 to index
    %swap3A_91 = arith.constant 0 : index
    %swap3A_92 = tpu.vector_load %arg15[%swap3A_90, %swap3A_91] {strides = array<i32>} : memref<10x16xf32, #tpu.memory_space<vmem>>, vector<16xf32>,
    tpu.vector_store %arg15[%swap3A_90, %swap3A_91], %broadcast_in_dim3A_3 {strides = array<i32>} : memref<10x16xf32, #tpu.memory_space<vmem>>, vector<16xf32>,
    %swap3A_93 = arith.constant 2 : i32
    %swap3A_94 = arith.index_cast %swap3A_93 : i32 to index
    %swap3A_95 = arith.constant 0 : index
    %swap3A_96 = tpu.vector_load %arg12[%swap3A_94, %swap3A_95] {strides = array<i32>} : memref<10x16xi32, #tpu.memory_space<vmem>>, vector<16xi32>,
    tpu.vector_store %arg12[%swap3A_94, %swap3A_95], %broadcast_in_dim3A_5 {strides = array<i32>} : memref<10x16xi32, #tpu.memory_space<vmem>>, vector<16xi32>,
    %swap3A_97 = arith.constant 2 : i32
    %swap3A_98 = arith.index_cast %swap3A_97 : i32 to index
    %swap3A_99 = arith.constant 0 : index
    %swap3A_100 = tpu.vector_load %arg16[%swap3A_98, %swap3A_99] {strides = array<i32>} : memref<10x16xf32, #tpu.memory_space<vmem>>, vector<16xf32>,
    tpu.vector_store %arg16[%swap3A_98, %swap3A_99], %broadcast_in_dim3A_3 {strides = array<i32>} : memref<10x16xf32, #tpu.memory_space<vmem>>, vector<16xf32>,
    %swap3A_101 = arith.constant 3 : i32
    %swap3A_102 = arith.index_cast %swap3A_101 : i32 to index
    %swap3A_103 = arith.constant 0 : index
    %swap3A_104 = tpu.vector_load %arg9[%swap3A_102, %swap3A_103] {strides = array<i32>} : memref<10x16xi32, #tpu.memory_space<vmem>>, vector<16xi32>,
    tpu.vector_store %arg9[%swap3A_102, %swap3A_103], %broadcast_in_dim3A_5 {strides = array<i32>} : memref<10x16xi32, #tpu.memory_space<vmem>>, vector<16xi32>,
    %swap3A_105 = arith.constant 3 : i32
    %swap3A_106 = arith.index_cast %swap3A_105 : i32 to index
    %swap3A_107 = arith.constant 0 : index
    %swap3A_108 = tpu.vector_load %arg13[%swap3A_106, %swap3A_107] {strides = array<i32>} : memref<10x16xf32, #tpu.memory_space<vmem>>, vector<16xf32>,
    tpu.vector_store %arg13[%swap3A_106, %swap3A_107], %broadcast_in_dim3A_3 {strides = array<i32>} : memref<10x16xf32, #tpu.memory_space<vmem>>, vector<16xf32>,
    %swap3A_109 = arith.constant 3 : i32
    %swap3A_110 = arith.index_cast %swap3A_109 : i32 to index
    %swap3A_111 = arith.constant 0 : index
    %swap3A_112 = tpu.vector_load %arg10[%swap3A_110, %swap3A_111] {strides = array<i32>} : memref<10x16xi32, #tpu.memory_space<vmem>>, vector<16xi32>,
    tpu.vector_store %arg10[%swap3A_110, %swap3A_111], %broadcast_in_dim3A_5 {strides = array<i32>} : memref<10x16xi32, #tpu.memory_space<vmem>>, vector<16xi32>,
    %swap3A_113 = arith.constant 3 : i32
    %swap3A_114 = arith.index_cast %swap3A_113 : i32 to index
    %swap3A_115 = arith.constant 0 : index
    %swap3A_116 = tpu.vector_load %arg14[%swap3A_114, %swap3A_115] {strides = array<i32>} : memref<10x16xf32, #tpu.memory_space<vmem>>, vector<16xf32>,
    tpu.vector_store %arg14[%swap3A_114, %swap3A_115], %broadcast_in_dim3A_3 {strides = array<i32>} : memref<10x16xf32, #tpu.memory_space<vmem>>, vector<16xf32>,
    %swap3A_117 = arith.constant 3 : i32
    %swap3A_118 = arith.index_cast %swap3A_117 : i32 to index
    %swap3A_119 = arith.constant 0 : index
    %swap3A_120 = tpu.vector_load %arg11[%swap3A_118, %swap3A_119] {strides = array<i32>} : memref<10x16xi32, #tpu.memory_space<vmem>>, vector<16xi32>,
    tpu.vector_store %arg11[%swap3A_118, %swap3A_119], %broadcast_in_dim3A_5 {strides = array<i32>} : memref<10x16xi32, #tpu.memory_space<vmem>>, vector<16xi32>,
    %swap3A_121 = arith.constant 3 : i32
    %swap3A_122 = arith.index_cast %swap3A_121 : i32 to index
    %swap3A_123 = arith.constant 0 : index
    %swap3A_124 = tpu.vector_load %arg15[%swap3A_122, %swap3A_123] {strides = array<i32>} : memref<10x16xf32, #tpu.memory_space<vmem>>, vector<16xf32>,
    tpu.vector_store %arg15[%swap3A_122, %swap3A_123], %broadcast_in_dim3A_3 {strides = array<i32>} : memref<10x16xf32, #tpu.memory_space<vmem>>, vector<16xf32>,
    %swap3A_125 = arith.constant 3 : i32
    %swap3A_126 = arith.index_cast %swap3A_125 : i32 to index
    %swap3A_127 = arith.constant 0 : index
    %swap3A_128 = tpu.vector_load %arg12[%swap3A_126, %swap3A_127] {strides = array<i32>} : memref<10x16xi32, #tpu.memory_space<vmem>>, vector<16xi32>,
    tpu.vector_store %arg12[%swap3A_126, %swap3A_127], %broadcast_in_dim3A_5 {strides = array<i32>} : memref<10x16xi32, #tpu.memory_space<vmem>>, vector<16xi32>,
    %swap3A_129 = arith.constant 3 : i32
    %swap3A_130 = arith.index_cast %swap3A_129 : i32 to index
    %swap3A_131 = arith.constant 0 : index
    %swap3A_132 = tpu.vector_load %arg16[%swap3A_130, %swap3A_131] {strides = array<i32>} : memref<10x16xf32, #tpu.memory_space<vmem>>, vector<16xf32>,
    tpu.vector_store %arg16[%swap3A_130, %swap3A_131], %broadcast_in_dim3A_3 {strides = array<i32>} : memref<10x16xf32, #tpu.memory_space<vmem>>, vector<16xf32>,
    %swap3A_133 = arith.constant 4 : i32
    %swap3A_134 = arith.index_cast %swap3A_133 : i32 to index
    %swap3A_135 = arith.constant 0 : index
    %swap3A_136 = tpu.vector_load %arg9[%swap3A_134, %swap3A_135] {strides = array<i32>} : memref<10x16xi32, #tpu.memory_space<vmem>>, vector<16xi32>,
    tpu.vector_store %arg9[%swap3A_134, %swap3A_135], %broadcast_in_dim3A_5 {strides = array<i32>} : memref<10x16xi32, #tpu.memory_space<vmem>>, vector<16xi32>,
    %swap3A_137 = arith.constant 4 : i32
    %swap3A_138 = arith.index_cast %swap3A_137 : i32 to index
    %swap3A_139 = arith.constant 0 : index
    %swap3A_140 = tpu.vector_load %arg13[%swap3A_138, %swap3A_139] {strides = array<i32>} : memref<10x16xf32, #tpu.memory_space<vmem>>, vector<16xf32>,
    tpu.vector_store %arg13[%swap3A_138, %swap3A_139], %broadcast_in_dim3A_3 {strides = array<i32>} : memref<10x16xf32, #tpu.memory_space<vmem>>, vector<16xf32>,
    %swap3A_141 = arith.constant 4 : i32
    %swap3A_142 = arith.index_cast %swap3A_141 : i32 to index
    %swap3A_143 = arith.constant 0 : index
    %swap3A_144 = tpu.vector_load %arg10[%swap3A_142, %swap3A_143] {strides = array<i32>} : memref<10x16xi32, #tpu.memory_space<vmem>>, vector<16xi32>,
    tpu.vector_store %arg10[%swap3A_142, %swap3A_143], %broadcast_in_dim3A_5 {strides = array<i32>} : memref<10x16xi32, #tpu.memory_space<vmem>>, vector<16xi32>,
    %swap3A_145 = arith.constant 4 : i32
    %swap3A_146 = arith.index_cast %swap3A_145 : i32 to index
    %swap3A_147 = arith.constant 0 : index
    %swap3A_148 = tpu.vector_load %arg14[%swap3A_146, %swap3A_147] {strides = array<i32>} : memref<10x16xf32, #tpu.memory_space<vmem>>, vector<16xf32>,
    tpu.vector_store %arg14[%swap3A_146, %swap3A_147], %broadcast_in_dim3A_3 {strides = array<i32>} : memref<10x16xf32, #tpu.memory_space<vmem>>, vector<16xf32>,
    %swap3A_149 = arith.constant 4 : i32
    %swap3A_150 = arith.index_cast %swap3A_149 : i32 to index
    %swap3A_151 = arith.constant 0 : index
    %swap3A_152 = tpu.vector_load %arg11[%swap3A_150, %swap3A_151] {strides = array<i32>} : memref<10x16xi32, #tpu.memory_space<vmem>>, vector<16xi32>,
    tpu.vector_store %arg11[%swap3A_150, %swap3A_151], %broadcast_in_dim3A_5 {strides = array<i32>} : memref<10x16xi32, #tpu.memory_space<vmem>>, vector<16xi32>,
    %swap3A_153 = arith.constant 4 : i32
    %swap3A_154 = arith.index_cast %swap3A_153 : i32 to index
    %swap3A_155 = arith.constant 0 : index
    %swap3A_156 = tpu.vector_load %arg15[%swap3A_154, %swap3A_155] {strides = array<i32>} : memref<10x16xf32, #tpu.memory_space<vmem>>, vector<16xf32>,
    tpu.vector_store %arg15[%swap3A_154, %swap3A_155], %broadcast_in_dim3A_3 {strides = array<i32>} : memref<10x16xf32, #tpu.memory_space<vmem>>, vector<16xf32>,
    %swap3A_157 = arith.constant 4 : i32
    %swap3A_158 = arith.index_cast %swap3A_157 : i32 to index
    %swap3A_159 = arith.constant 0 : index
    %swap3A_160 = tpu.vector_load %arg12[%swap3A_158, %swap3A_159] {strides = array<i32>} : memref<10x16xi32, #tpu.memory_space<vmem>>, vector<16xi32>,
    tpu.vector_store %arg12[%swap3A_158, %swap3A_159], %broadcast_in_dim3A_5 {strides = array<i32>} : memref<10x16xi32, #tpu.memory_space<vmem>>, vector<16xi32>,
    %swap3A_161 = arith.constant 4 : i32
    %swap3A_162 = arith.index_cast %swap3A_161 : i32 to index
    %swap3A_163 = arith.constant 0 : index
    %swap3A_164 = tpu.vector_load %arg16[%swap3A_162, %swap3A_163] {strides = array<i32>} : memref<10x16xf32, #tpu.memory_space<vmem>>, vector<16xf32>,
    tpu.vector_store %arg16[%swap3A_162, %swap3A_163], %broadcast_in_dim3A_3 {strides = array<i32>} : memref<10x16xf32, #tpu.memory_space<vmem>>, vector<16xf32>,
    %swap3A_165 = arith.constant 5 : i32
    %swap3A_166 = arith.index_cast %swap3A_165 : i32 to index
    %swap3A_167 = arith.constant 0 : index
    %swap3A_168 = tpu.vector_load %arg9[%swap3A_166, %swap3A_167] {strides = array<i32>} : memref<10x16xi32, #tpu.memory_space<vmem>>, vector<16xi32>,
    tpu.vector_store %arg9[%swap3A_166, %swap3A_167], %broadcast_in_dim3A_5 {strides = array<i32>} : memref<10x16xi32, #tpu.memory_space<vmem>>, vector<16xi32>,
    %swap3A_169 = arith.constant 5 : i32
    %swap3A_170 = arith.index_cast %swap3A_169 : i32 to index
    %swap3A_171 = arith.constant 0 : index
    %swap3A_172 = tpu.vector_load %arg13[%swap3A_170, %swap3A_171] {strides = array<i32>} : memref<10x16xf32, #tpu.memory_space<vmem>>, vector<16xf32>,
    tpu.vector_store %arg13[%swap3A_170, %swap3A_171], %broadcast_in_dim3A_3 {strides = array<i32>} : memref<10x16xf32, #tpu.memory_space<vmem>>, vector<16xf32>,
    %swap3A_173 = arith.constant 5 : i32
    %swap3A_174 = arith.index_cast %swap3A_173 : i32 to index
    %swap3A_175 = arith.constant 0 : index
    %swap3A_176 = tpu.vector_load %arg10[%swap3A_174, %swap3A_175] {strides = array<i32>} : memref<10x16xi32, #tpu.memory_space<vmem>>, vector<16xi32>,
    tpu.vector_store %arg10[%swap3A_174, %swap3A_175], %broadcast_in_dim3A_5 {strides = array<i32>} : memref<10x16xi32, #tpu.memory_space<vmem>>, vector<16xi32>,
    %swap3A_177 = arith.constant 5 : i32
    %swap3A_178 = arith.index_cast %swap3A_177 : i32 to index
    %swap3A_179 = arith.constant 0 : index
    %swap3A_180 = tpu.vector_load %arg14[%swap3A_178, %swap3A_179] {strides = array<i32>} : memref<10x16xf32, #tpu.memory_space<vmem>>, vector<16xf32>,
    tpu.vector_store %arg14[%swap3A_178, %swap3A_179], %broadcast_in_dim3A_3 {strides = array<i32>} : memref<10x16xf32, #tpu.memory_space<vmem>>, vector<16xf32>,
    %swap3A_181 = arith.constant 5 : i32
    %swap3A_182 = arith.index_cast %swap3A_181 : i32 to index
    %swap3A_183 = arith.constant 0 : index
    %swap3A_184 = tpu.vector_load %arg11[%swap3A_182, %swap3A_183] {strides = array<i32>} : memref<10x16xi32, #tpu.memory_space<vmem>>, vector<16xi32>,
    tpu.vector_store %arg11[%swap3A_182, %swap3A_183], %broadcast_in_dim3A_5 {strides = array<i32>} : memref<10x16xi32, #tpu.memory_space<vmem>>, vector<16xi32>,
    %swap3A_185 = arith.constant 5 : i32
    %swap3A_186 = arith.index_cast %swap3A_185 : i32 to index
    %swap3A_187 = arith.constant 0 : index
    %swap3A_188 = tpu.vector_load %arg15[%swap3A_186, %swap3A_187] {strides = array<i32>} : memref<10x16xf32, #tpu.memory_space<vmem>>, vector<16xf32>,
    tpu.vector_store %arg15[%swap3A_186, %swap3A_187], %broadcast_in_dim3A_3 {strides = array<i32>} : memref<10x16xf32, #tpu.memory_space<vmem>>, vector<16xf32>,
    %swap3A_189 = arith.constant 5 : i32
    %swap3A_190 = arith.index_cast %swap3A_189 : i32 to index
    %swap3A_191 = arith.constant 0 : index
    %swap3A_192 = tpu.vector_load %arg12[%swap3A_190, %swap3A_191] {strides = array<i32>} : memref<10x16xi32, #tpu.memory_space<vmem>>, vector<16xi32>,
    tpu.vector_store %arg12[%swap3A_190, %swap3A_191], %broadcast_in_dim3A_5 {strides = array<i32>} : memref<10x16xi32, #tpu.memory_space<vmem>>, vector<16xi32>,
    %swap3A_193 = arith.constant 5 : i32
    %swap3A_194 = arith.index_cast %swap3A_193 : i32 to index
    %swap3A_195 = arith.constant 0 : index
    %swap3A_196 = tpu.vector_load %arg16[%swap3A_194, %swap3A_195] {strides = array<i32>} : memref<10x16xf32, #tpu.memory_space<vmem>>, vector<16xf32>,
    tpu.vector_store %arg16[%swap3A_194, %swap3A_195], %broadcast_in_dim3A_3 {strides = array<i32>} : memref<10x16xf32, #tpu.memory_space<vmem>>, vector<16xf32>,
    %swap3A_197 = arith.constant 6 : i32
    %swap3A_198 = arith.index_cast %swap3A_197 : i32 to index
    %swap3A_199 = arith.constant 0 : index
    %swap3A_200 = tpu.vector_load %arg9[%swap3A_198, %swap3A_199] {strides = array<i32>} : memref<10x16xi32, #tpu.memory_space<vmem>>, vector<16xi32>,
    tpu.vector_store %arg9[%swap3A_198, %swap3A_199], %broadcast_in_dim3A_5 {strides = array<i32>} : memref<10x16xi32, #tpu.memory_space<vmem>>, vector<16xi32>,
    %swap3A_201 = arith.constant 6 : i32
    %swap3A_202 = arith.index_cast %swap3A_201 : i32 to index
    %swap3A_203 = arith.constant 0 : index
    %swap3A_204 = tpu.vector_load %arg13[%swap3A_202, %swap3A_203] {strides = array<i32>} : memref<10x16xf32, #tpu.memory_space<vmem>>, vector<16xf32>,
    tpu.vector_store %arg13[%swap3A_202, %swap3A_203], %broadcast_in_dim3A_3 {strides = array<i32>} : memref<10x16xf32, #tpu.memory_space<vmem>>, vector<16xf32>,
    %swap3A_205 = arith.constant 6 : i32
    %swap3A_206 = arith.index_cast %swap3A_205 : i32 to index
    %swap3A_207 = arith.constant 0 : index
    %swap3A_208 = tpu.vector_load %arg10[%swap3A_206, %swap3A_207] {strides = array<i32>} : memref<10x16xi32, #tpu.memory_space<vmem>>, vector<16xi32>,
    tpu.vector_store %arg10[%swap3A_206, %swap3A_207], %broadcast_in_dim3A_5 {strides = array<i32>} : memref<10x16xi32, #tpu.memory_space<vmem>>, vector<16xi32>,
    %swap3A_209 = arith.constant 6 : i32
    %swap3A_210 = arith.index_cast %swap3A_209 : i32 to index
    %swap3A_211 = arith.constant 0 : index
    %swap3A_212 = tpu.vector_load %arg14[%swap3A_210, %swap3A_211] {strides = array<i32>} : memref<10x16xf32, #tpu.memory_space<vmem>>, vector<16xf32>,
    tpu.vector_store %arg14[%swap3A_210, %swap3A_211], %broadcast_in_dim3A_3 {strides = array<i32>} : memref<10x16xf32, #tpu.memory_space<vmem>>, vector<16xf32>,
    %swap3A_213 = arith.constant 6 : i32
    %swap3A_214 = arith.index_cast %swap3A_213 : i32 to index
    %swap3A_215 = arith.constant 0 : index
    %swap3A_216 = tpu.vector_load %arg11[%swap3A_214, %swap3A_215] {strides = array<i32>} : memref<10x16xi32, #tpu.memory_space<vmem>>, vector<16xi32>,
    tpu.vector_store %arg11[%swap3A_214, %swap3A_215], %broadcast_in_dim3A_5 {strides = array<i32>} : memref<10x16xi32, #tpu.memory_space<vmem>>, vector<16xi32>,
    %swap3A_217 = arith.constant 6 : i32
    %swap3A_218 = arith.index_cast %swap3A_217 : i32 to index
    %swap3A_219 = arith.constant 0 : index
    %swap3A_220 = tpu.vector_load %arg15[%swap3A_218, %swap3A_219] {strides = array<i32>} : memref<10x16xf32, #tpu.memory_space<vmem>>, vector<16xf32>,
    tpu.vector_store %arg15[%swap3A_218, %swap3A_219], %broadcast_in_dim3A_3 {strides = array<i32>} : memref<10x16xf32, #tpu.memory_space<vmem>>, vector<16xf32>,
    %swap3A_221 = arith.constant 6 : i32
    %swap3A_222 = arith.index_cast %swap3A_221 : i32 to index
    %swap3A_223 = arith.constant 0 : index
    %swap3A_224 = tpu.vector_load %arg12[%swap3A_222, %swap3A_223] {strides = array<i32>} : memref<10x16xi32, #tpu.memory_space<vmem>>, vector<16xi32>,
    tpu.vector_store %arg12[%swap3A_222, %swap3A_223], %broadcast_in_dim3A_5 {strides = array<i32>} : memref<10x16xi32, #tpu.memory_space<vmem>>, vector<16xi32>,
    %swap3A_225 = arith.constant 6 : i32
    %swap3A_226 = arith.index_cast %swap3A_225 : i32 to index
    %swap3A_227 = arith.constant 0 : index
    %swap3A_228 = tpu.vector_load %arg16[%swap3A_226, %swap3A_227] {strides = array<i32>} : memref<10x16xf32, #tpu.memory_space<vmem>>, vector<16xf32>,
    tpu.vector_store %arg16[%swap3A_226, %swap3A_227], %broadcast_in_dim3A_3 {strides = array<i32>} : memref<10x16xf32, #tpu.memory_space<vmem>>, vector<16xf32>,
    %swap3A_229 = arith.constant 7 : i32
    %swap3A_230 = arith.index_cast %swap3A_229 : i32 to index
    %swap3A_231 = arith.constant 0 : index
    %swap3A_232 = tpu.vector_load %arg9[%swap3A_230, %swap3A_231] {strides = array<i32>} : memref<10x16xi32, #tpu.memory_space<vmem>>, vector<16xi32>,
    tpu.vector_store %arg9[%swap3A_230, %swap3A_231], %broadcast_in_dim3A_5 {strides = array<i32>} : memref<10x16xi32, #tpu.memory_space<vmem>>, vector<16xi32>,
    %swap3A_233 = arith.constant 7 : i32
    %swap3A_234 = arith.index_cast %swap3A_233 : i32 to index
    %swap3A_235 = arith.constant 0 : index
    %swap3A_236 = tpu.vector_load %arg13[%swap3A_234, %swap3A_235] {strides = array<i32>} : memref<10x16xf32, #tpu.memory_space<vmem>>, vector<16xf32>,
    tpu.vector_store %arg13[%swap3A_234, %swap3A_235], %broadcast_in_dim3A_3 {strides = array<i32>} : memref<10x16xf32, #tpu.memory_space<vmem>>, vector<16xf32>,
    %swap3A_237 = arith.constant 7 : i32
    %swap3A_238 = arith.index_cast %swap3A_237 : i32 to index
    %swap3A_239 = arith.constant 0 : index
    %swap3A_240 = tpu.vector_load %arg10[%swap3A_238, %swap3A_239] {strides = array<i32>} : memref<10x16xi32, #tpu.memory_space<vmem>>, vector<16xi32>,
    tpu.vector_store %arg10[%swap3A_238, %swap3A_239], %broadcast_in_dim3A_5 {strides = array<i32>} : memref<10x16xi32, #tpu.memory_space<vmem>>, vector<16xi32>,
    %swap3A_241 = arith.constant 7 : i32
    %swap3A_242 = arith.index_cast %swap3A_241 : i32 to index
    %swap3A_243 = arith.constant 0 : index
    %swap3A_244 = tpu.vector_load %arg14[%swap3A_242, %swap3A_243] {strides = array<i32>} : memref<10x16xf32, #tpu.memory_space<vmem>>, vector<16xf32>,
    tpu.vector_store %arg14[%swap3A_242, %swap3A_243], %broadcast_in_dim3A_3 {strides = array<i32>} : memref<10x16xf32, #tpu.memory_space<vmem>>, vector<16xf32>,
    %swap3A_245 = arith.constant 7 : i32
    %swap3A_246 = arith.index_cast %swap3A_245 : i32 to index
    %swap3A_247 = arith.constant 0 : index
    %swap3A_248 = tpu.vector_load %arg11[%swap3A_246, %swap3A_247] {strides = array<i32>} : memref<10x16xi32, #tpu.memory_space<vmem>>, vector<16xi32>,
    tpu.vector_store %arg11[%swap3A_246, %swap3A_247], %broadcast_in_dim3A_5 {strides = array<i32>} : memref<10x16xi32, #tpu.memory_space<vmem>>, vector<16xi32>,
    %swap3A_249 = arith.constant 7 : i32
    %swap3A_250 = arith.index_cast %swap3A_249 : i32 to index
    %swap3A_251 = arith.constant 0 : index
    %swap3A_252 = tpu.vector_load %arg15[%swap3A_250, %swap3A_251] {strides = array<i32>} : memref<10x16xf32, #tpu.memory_space<vmem>>, vector<16xf32>,
    tpu.vector_store %arg15[%swap3A_250, %swap3A_251], %broadcast_in_dim3A_3 {strides = array<i32>} : memref<10x16xf32, #tpu.memory_space<vmem>>, vector<16xf32>,
    %swap3A_253 = arith.constant 7 : i32
    %swap3A_254 = arith.index_cast %swap3A_253 : i32 to index
    %swap3A_255 = arith.constant 0 : index
    %swap3A_256 = tpu.vector_load %arg12[%swap3A_254, %swap3A_255] {strides = array<i32>} : memref<10x16xi32, #tpu.memory_space<vmem>>, vector<16xi32>,
    tpu.vector_store %arg12[%swap3A_254, %swap3A_255], %broadcast_in_dim3A_5 {strides = array<i32>} : memref<10x16xi32, #tpu.memory_space<vmem>>, vector<16xi32>,
    %swap3A_257 = arith.constant 7 : i32
    %swap3A_258 = arith.index_cast %swap3A_257 : i32 to index
    %swap3A_259 = arith.constant 0 : index
    %swap3A_260 = tpu.vector_load %arg16[%swap3A_258, %swap3A_259] {strides = array<i32>} : memref<10x16xf32, #tpu.memory_space<vmem>>, vector<16xf32>,
    tpu.vector_store %arg16[%swap3A_258, %swap3A_259], %broadcast_in_dim3A_3 {strides = array<i32>} : memref<10x16xf32, #tpu.memory_space<vmem>>, vector<16xf32>,
    %swap3A_261 = arith.constant 8 : i32
    %swap3A_262 = arith.index_cast %swap3A_261 : i32 to index
    %swap3A_263 = arith.constant 0 : index
    %swap3A_264 = tpu.vector_load %arg9[%swap3A_262, %swap3A_263] {strides = array<i32>} : memref<10x16xi32, #tpu.memory_space<vmem>>, vector<16xi32>,
    tpu.vector_store %arg9[%swap3A_262, %swap3A_263], %broadcast_in_dim3A_5 {strides = array<i32>} : memref<10x16xi32, #tpu.memory_space<vmem>>, vector<16xi32>,
    %swap3A_265 = arith.constant 8 : i32
    %swap3A_266 = arith.index_cast %swap3A_265 : i32 to index
    %swap3A_267 = arith.constant 0 : index
    %swap3A_268 = tpu.vector_load %arg13[%swap3A_266, %swap3A_267] {strides = array<i32>} : memref<10x16xf32, #tpu.memory_space<vmem>>, vector<16xf32>,
    tpu.vector_store %arg13[%swap3A_266, %swap3A_267], %broadcast_in_dim3A_3 {strides = array<i32>} : memref<10x16xf32, #tpu.memory_space<vmem>>, vector<16xf32>,
    %swap3A_269 = arith.constant 8 : i32
    %swap3A_270 = arith.index_cast %swap3A_269 : i32 to index
    %swap3A_271 = arith.constant 0 : index
    %swap3A_272 = tpu.vector_load %arg10[%swap3A_270, %swap3A_271] {strides = array<i32>} : memref<10x16xi32, #tpu.memory_space<vmem>>, vector<16xi32>,
    tpu.vector_store %arg10[%swap3A_270, %swap3A_271], %broadcast_in_dim3A_5 {strides = array<i32>} : memref<10x16xi32, #tpu.memory_space<vmem>>, vector<16xi32>,
    %swap3A_273 = arith.constant 8 : i32
    %swap3A_274 = arith.index_cast %swap3A_273 : i32 to index
    %swap3A_275 = arith.constant 0 : index
    %swap3A_276 = tpu.vector_load %arg14[%swap3A_274, %swap3A_275] {strides = array<i32>} : memref<10x16xf32, #tpu.memory_space<vmem>>, vector<16xf32>,
    tpu.vector_store %arg14[%swap3A_274, %swap3A_275], %broadcast_in_dim3A_3 {strides = array<i32>} : memref<10x16xf32, #tpu.memory_space<vmem>>, vector<16xf32>,
    %swap3A_277 = arith.constant 8 : i32
    %swap3A_278 = arith.index_cast %swap3A_277 : i32 to index
    %swap3A_279 = arith.constant 0 : index
    %swap3A_280 = tpu.vector_load %arg11[%swap3A_278, %swap3A_279] {strides = array<i32>} : memref<10x16xi32, #tpu.memory_space<vmem>>, vector<16xi32>,
    tpu.vector_store %arg11[%swap3A_278, %swap3A_279], %broadcast_in_dim3A_5 {strides = array<i32>} : memref<10x16xi32, #tpu.memory_space<vmem>>, vector<16xi32>,
    %swap3A_281 = arith.constant 8 : i32
    %swap3A_282 = arith.index_cast %swap3A_281 : i32 to index
    %swap3A_283 = arith.constant 0 : index
    %swap3A_284 = tpu.vector_load %arg15[%swap3A_282, %swap3A_283] {strides = array<i32>} : memref<10x16xf32, #tpu.memory_space<vmem>>, vector<16xf32>,
    tpu.vector_store %arg15[%swap3A_282, %swap3A_283], %broadcast_in_dim3A_3 {strides = array<i32>} : memref<10x16xf32, #tpu.memory_space<vmem>>, vector<16xf32>,
    %swap3A_285 = arith.constant 8 : i32
    %swap3A_286 = arith.index_cast %swap3A_285 : i32 to index
    %swap3A_287 = arith.constant 0 : index
    %swap3A_288 = tpu.vector_load %arg12[%swap3A_286, %swap3A_287] {strides = array<i32>} : memref<10x16xi32, #tpu.memory_space<vmem>>, vector<16xi32>,
    tpu.vector_store %arg12[%swap3A_286, %swap3A_287], %broadcast_in_dim3A_5 {strides = array<i32>} : memref<10x16xi32, #tpu.memory_space<vmem>>, vector<16xi32>,
    %swap3A_289 = arith.constant 8 : i32
    %swap3A_290 = arith.index_cast %swap3A_289 : i32 to index
    %swap3A_291 = arith.constant 0 : index
    %swap3A_292 = tpu.vector_load %arg16[%swap3A_290, %swap3A_291] {strides = array<i32>} : memref<10x16xf32, #tpu.memory_space<vmem>>, vector<16xf32>,
    tpu.vector_store %arg16[%swap3A_290, %swap3A_291], %broadcast_in_dim3A_3 {strides = array<i32>} : memref<10x16xf32, #tpu.memory_space<vmem>>, vector<16xf32>,
    %swap3A_293 = arith.constant 9 : i32
    %swap3A_294 = arith.index_cast %swap3A_293 : i32 to index
    %swap3A_295 = arith.constant 0 : index
    %swap3A_296 = tpu.vector_load %arg9[%swap3A_294, %swap3A_295] {strides = array<i32>} : memref<10x16xi32, #tpu.memory_space<vmem>>, vector<16xi32>,
    tpu.vector_store %arg9[%swap3A_294, %swap3A_295], %broadcast_in_dim3A_5 {strides = array<i32>} : memref<10x16xi32, #tpu.memory_space<vmem>>, vector<16xi32>,
    %swap3A_297 = arith.constant 9 : i32
    %swap3A_298 = arith.index_cast %swap3A_297 : i32 to index
    %swap3A_299 = arith.constant 0 : index
    %swap3A_300 = tpu.vector_load %arg13[%swap3A_298, %swap3A_299] {strides = array<i32>} : memref<10x16xf32, #tpu.memory_space<vmem>>, vector<16xf32>,
    tpu.vector_store %arg13[%swap3A_298, %swap3A_299], %broadcast_in_dim3A_3 {strides = array<i32>} : memref<10x16xf32, #tpu.memory_space<vmem>>, vector<16xf32>,
    %swap3A_301 = arith.constant 9 : i32
    %swap3A_302 = arith.index_cast %swap3A_301 : i32 to index
    %swap3A_303 = arith.constant 0 : index
    %swap3A_304 = tpu.vector_load %arg10[%swap3A_302, %swap3A_303] {strides = array<i32>} : memref<10x16xi32, #tpu.memory_space<vmem>>, vector<16xi32>,
    tpu.vector_store %arg10[%swap3A_302, %swap3A_303], %broadcast_in_dim3A_5 {strides = array<i32>} : memref<10x16xi32, #tpu.memory_space<vmem>>, vector<16xi32>,
    %swap3A_305 = arith.constant 9 : i32
    %swap3A_306 = arith.index_cast %swap3A_305 : i32 to index
    %swap3A_307 = arith.constant 0 : index
    %swap3A_308 = tpu.vector_load %arg14[%swap3A_306, %swap3A_307] {strides = array<i32>} : memref<10x16xf32, #tpu.memory_space<vmem>>, vector<16xf32>,
    tpu.vector_store %arg14[%swap3A_306, %swap3A_307], %broadcast_in_dim3A_3 {strides = array<i32>} : memref<10x16xf32, #tpu.memory_space<vmem>>, vector<16xf32>,
    %swap3A_309 = arith.constant 9 : i32
    %swap3A_310 = arith.index_cast %swap3A_309 : i32 to index
    %swap3A_311 = arith.constant 0 : index
    %swap3A_312 = tpu.vector_load %arg11[%swap3A_310, %swap3A_311] {strides = array<i32>} : memref<10x16xi32, #tpu.memory_space<vmem>>, vector<16xi32>,
    tpu.vector_store %arg11[%swap3A_310, %swap3A_311], %broadcast_in_dim3A_5 {strides = array<i32>} : memref<10x16xi32, #tpu.memory_space<vmem>>, vector<16xi32>,
    %swap3A_313 = arith.constant 9 : i32
    %swap3A_314 = arith.index_cast %swap3A_313 : i32 to index
    %swap3A_315 = arith.constant 0 : index
    %swap3A_316 = tpu.vector_load %arg15[%swap3A_314, %swap3A_315] {strides = array<i32>} : memref<10x16xf32, #tpu.memory_space<vmem>>, vector<16xf32>,
    tpu.vector_store %arg15[%swap3A_314, %swap3A_315], %broadcast_in_dim3A_3 {strides = array<i32>} : memref<10x16xf32, #tpu.memory_space<vmem>>, vector<16xf32>,
    %swap3A_317 = arith.constant 9 : i32
    %swap3A_318 = arith.index_cast %swap3A_317 : i32 to index
    %swap3A_319 = arith.constant 0 : index
    %swap3A_320 = tpu.vector_load %arg12[%swap3A_318, %swap3A_319] {strides = array<i32>} : memref<10x16xi32, #tpu.memory_space<vmem>>, vector<16xi32>,
    tpu.vector_store %arg12[%swap3A_318, %swap3A_319], %broadcast_in_dim3A_5 {strides = array<i32>} : memref<10x16xi32, #tpu.memory_space<vmem>>, vector<16xi32>,
    %swap3A_321 = arith.constant 9 : i32
    %swap3A_322 = arith.index_cast %swap3A_321 : i32 to index
    %swap3A_323 = arith.constant 0 : index
    %swap3A_324 = tpu.vector_load %arg16[%swap3A_322, %swap3A_323] {strides = array<i32>} : memref<10x16xf32, #tpu.memory_space<vmem>>, vector<16xf32>,
    tpu.vector_store %arg16[%swap3A_322, %swap3A_323], %broadcast_in_dim3A_3 {strides = array<i32>} : memref<10x16xf32, #tpu.memory_space<vmem>>, vector<16xf32>,
    %add3A_325 = arith.constant 0 : i32
    %add3A_326 = arith.addi %mul3A_2, %add3A_325 : i32
    %dma_start3A = arith.constant 0 : i32
    %dma_start3A_327 = arith.constant 0 : i32
    %dma_start3A_328 = tpu.memref_slice %arg6[%dma_start3A, %dma_start3A_327] : memref<2x16384xf32, #tpu.memory_space<vmem>> -> memref<1x16384xf32, #tpu.memory_space<vmem>>
    %dma_start3A_329 = tpu.memref_squeeze %dma_start3A_328 : memref<1x16384xf32, #tpu.memory_space<vmem>> -> memref<16384xf32, #tpu.memory_space<vmem>>
    %dma_start3A_330 = tpu.memref_slice %arg2[%add3A_326] : memref<16777216xf32, #tpu.memory_space<hbm>> -> memref<16384xf32, #tpu.memory_space<hbm>>
    %dma_start3A_331 = arith.constant 0 : i32
    %dma_start3A_332 = tpu.memref_slice %arg6[%dma_start3A, %dma_start3A_331] : memref<2x16384xf32, #tpu.memory_space<vmem>> -> memref<1x16384xf32, #tpu.memory_space<vmem>>
    %dma_start3A_333 = tpu.memref_squeeze %dma_start3A_332 : memref<1x16384xf32, #tpu.memory_space<vmem>> -> memref<16384xf32, #tpu.memory_space<vmem>>
    %dma_start3A_334 = tpu.memref_slice %arg2[%add3A_326] : memref<16777216xf32, #tpu.memory_space<hbm>> -> memref<16384xf32, #tpu.memory_space<hbm>>
    tpu.enqueue_dma source(%dma_start3A_334 : memref<16384xf32, #tpu.memory_space<hbm>>) target(%dma_start3A_333 : memref<16384xf32, #tpu.memory_space<vmem>>) target_semaphore(%arg18 : memref<!tpu.dma_semaphore, #tpu.memory_space<semaphore_mem>>)
    %dma_start3A_335 = arith.constant 0 : i32
    %dma_start3A_336 = arith.constant 0 : i32
    %dma_start3A_337 = tpu.memref_slice %arg7[%dma_start3A_335, %dma_start3A_336] : memref<2x16384xi32, #tpu.memory_space<vmem>> -> memref<1x16384xi32, #tpu.memory_space<vmem>>
    %dma_start3A_338 = tpu.memref_squeeze %dma_start3A_337 : memref<1x16384xi32, #tpu.memory_space<vmem>> -> memref<16384xi32, #tpu.memory_space<vmem>>
    %dma_start3A_339 = tpu.memref_slice %arg3[%add3A_326] : memref<16777216xi32, #tpu.memory_space<hbm>> -> memref<16384xi32, #tpu.memory_space<hbm>>
    %dma_start3A_340 = arith.constant 0 : i32
    %dma_start3A_341 = tpu.memref_slice %arg7[%dma_start3A_335, %dma_start3A_340] : memref<2x16384xi32, #tpu.memory_space<vmem>> -> memref<1x16384xi32, #tpu.memory_space<vmem>>
    %dma_start3A_342 = tpu.memref_squeeze %dma_start3A_341 : memref<1x16384xi32, #tpu.memory_space<vmem>> -> memref<16384xi32, #tpu.memory_space<vmem>>
    %dma_start3A_343 = tpu.memref_slice %arg3[%add3A_326] : memref<16777216xi32, #tpu.memory_space<hbm>> -> memref<16384xi32, #tpu.memory_space<hbm>>
    tpu.enqueue_dma source(%dma_start3A_343 : memref<16384xi32, #tpu.memory_space<hbm>>) target(%dma_start3A_342 : memref<16384xi32, #tpu.memory_space<vmem>>) target_semaphore(%arg20 : memref<!tpu.dma_semaphore, #tpu.memory_space<semaphore_mem>>)
    %dma_start3A_344 = arith.constant 0 : i32
    %dma_start3A_345 = arith.constant 0 : i32
    %dma_start3A_346 = tpu.memref_slice %arg8[%dma_start3A_344, %dma_start3A_345] : memref<2x16384xi32, #tpu.memory_space<vmem>> -> memref<1x16384xi32, #tpu.memory_space<vmem>>
    %dma_start3A_347 = tpu.memref_squeeze %dma_start3A_346 : memref<1x16384xi32, #tpu.memory_space<vmem>> -> memref<16384xi32, #tpu.memory_space<vmem>>
    %dma_start3A_348 = tpu.memref_slice %arg4[%add3A_326] : memref<16777216xi32, #tpu.memory_space<hbm>> -> memref<16384xi32, #tpu.memory_space<hbm>>
    %dma_start3A_349 = arith.constant 0 : i32
    %dma_start3A_350 = tpu.memref_slice %arg8[%dma_start3A_344, %dma_start3A_349] : memref<2x16384xi32, #tpu.memory_space<vmem>> -> memref<1x16384xi32, #tpu.memory_space<vmem>>
    %dma_start3A_351 = tpu.memref_squeeze %dma_start3A_350 : memref<1x16384xi32, #tpu.memory_space<vmem>> -> memref<16384xi32, #tpu.memory_space<vmem>>
    %dma_start3A_352 = tpu.memref_slice %arg4[%add3A_326] : memref<16777216xi32, #tpu.memory_space<hbm>> -> memref<16384xi32, #tpu.memory_space<hbm>>
    tpu.enqueue_dma source(%dma_start3A_352 : memref<16384xi32, #tpu.memory_space<hbm>>) target(%dma_start3A_351 : memref<16384xi32, #tpu.memory_space<vmem>>) target_semaphore(%arg22 : memref<!tpu.dma_semaphore, #tpu.memory_space<semaphore_mem>>)
    %scan3A = arith.constant 0 : i32
    %scan3A_353 = arith.constant 0 : i32
    %scan3A_354 = arith.constant 16 : i32
    %scan3A_355 = arith.addi %scan3A_353, %scan3A_354 : i32
    %scan3A_356 = arith.constant 1 : i32
    scf.for %scan3A_1721 = %scan3A_353 to %scan3A_355 step %scan3A_356  : i32 {
      %mul3A_1722 = arith.constant 2 : i32
      %mul3A_1723 = arith.muli %scan3A_1721, %mul3A_1722 : i32
      %add3A_1724 = arith.constant 0 : i32
      %add3A_1725 = arith.addi %mul3A_1723, %add3A_1724 : i32
      %dma_wait3A = arith.constant 0 : i32
      %dma_wait3A_1726 = arith.constant 0 : i32
      %dma_wait3A_1727 = tpu.memref_slice %arg6[%dma_wait3A, %dma_wait3A_1726] : memref<2x16384xf32, #tpu.memory_space<vmem>> -> memref<1x16384xf32, #tpu.memory_space<vmem>>
      %dma_wait3A_1728 = tpu.memref_squeeze %dma_wait3A_1727 : memref<1x16384xf32, #tpu.memory_space<vmem>> -> memref<16384xf32, #tpu.memory_space<vmem>>
      %dma_wait3A_1729 = arith.constant 0 : i32
      %dma_wait3A_1730 = tpu.memref_slice %arg2[%dma_wait3A_1729] : memref<16777216xf32, #tpu.memory_space<hbm>> -> memref<16384xf32, #tpu.memory_space<hbm>>
      %dma_wait3A_1731 = arith.constant 0 : i32
      %dma_wait3A_1732 = tpu.memref_slice %arg6[%dma_wait3A, %dma_wait3A_1731] : memref<2x16384xf32, #tpu.memory_space<vmem>> -> memref<1x16384xf32, #tpu.memory_space<vmem>>
      %dma_wait3A_1733 = tpu.memref_squeeze %dma_wait3A_1732 : memref<1x16384xf32, #tpu.memory_space<vmem>> -> memref<16384xf32, #tpu.memory_space<vmem>>
      %dma_wait3A_1734 = arith.constant 0 : i32
      %dma_wait3A_1735 = tpu.memref_slice %arg2[%dma_wait3A_1734] : memref<16777216xf32, #tpu.memory_space<hbm>> -> memref<16384xf32, #tpu.memory_space<hbm>>
      tpu.wait_dma2 semaphore(%arg18 : memref<!tpu.dma_semaphore, #tpu.memory_space<semaphore_mem>>) src(%dma_wait3A_1735 : memref<16384xf32, #tpu.memory_space<hbm>>) dst(%dma_wait3A_1733 : memref<16384xf32, #tpu.memory_space<vmem>>)
      %dma_wait3A_1736 = arith.constant 0 : i32
      %dma_wait3A_1737 = arith.constant 0 : i32
      %dma_wait3A_1738 = tpu.memref_slice %arg7[%dma_wait3A_1736, %dma_wait3A_1737] : memref<2x16384xi32, #tpu.memory_space<vmem>> -> memref<1x16384xi32, #tpu.memory_space<vmem>>
      %dma_wait3A_1739 = tpu.memref_squeeze %dma_wait3A_1738 : memref<1x16384xi32, #tpu.memory_space<vmem>> -> memref<16384xi32, #tpu.memory_space<vmem>>
      %dma_wait3A_1740 = arith.constant 0 : i32
      %dma_wait3A_1741 = tpu.memref_slice %arg3[%dma_wait3A_1740] : memref<16777216xi32, #tpu.memory_space<hbm>> -> memref<16384xi32, #tpu.memory_space<hbm>>
      %dma_wait3A_1742 = arith.constant 0 : i32
      %dma_wait3A_1743 = tpu.memref_slice %arg7[%dma_wait3A_1736, %dma_wait3A_1742] : memref<2x16384xi32, #tpu.memory_space<vmem>> -> memref<1x16384xi32, #tpu.memory_space<vmem>>
      %dma_wait3A_1744 = tpu.memref_squeeze %dma_wait3A_1743 : memref<1x16384xi32, #tpu.memory_space<vmem>> -> memref<16384xi32, #tpu.memory_space<vmem>>
      %dma_wait3A_1745 = arith.constant 0 : i32
      %dma_wait3A_1746 = tpu.memref_slice %arg3[%dma_wait3A_1745] : memref<16777216xi32, #tpu.memory_space<hbm>> -> memref<16384xi32, #tpu.memory_space<hbm>>
      tpu.wait_dma2 semaphore(%arg20 : memref<!tpu.dma_semaphore, #tpu.memory_space<semaphore_mem>>) src(%dma_wait3A_1746 : memref<16384xi32, #tpu.memory_space<hbm>>) dst(%dma_wait3A_1744 : memref<16384xi32, #tpu.memory_space<vmem>>)
      %dma_wait3A_1747 = arith.constant 0 : i32
      %dma_wait3A_1748 = arith.constant 0 : i32
      %dma_wait3A_1749 = tpu.memref_slice %arg8[%dma_wait3A_1747, %dma_wait3A_1748] : memref<2x16384xi32, #tpu.memory_space<vmem>> -> memref<1x16384xi32, #tpu.memory_space<vmem>>
      %dma_wait3A_1750 = tpu.memref_squeeze %dma_wait3A_1749 : memref<1x16384xi32, #tpu.memory_space<vmem>> -> memref<16384xi32, #tpu.memory_space<vmem>>
      %dma_wait3A_1751 = arith.constant 0 : i32
      %dma_wait3A_1752 = tpu.memref_slice %arg4[%dma_wait3A_1751] : memref<16777216xi32, #tpu.memory_space<hbm>> -> memref<16384xi32, #tpu.memory_space<hbm>>
      %dma_wait3A_1753 = arith.constant 0 : i32
      %dma_wait3A_1754 = tpu.memref_slice %arg8[%dma_wait3A_1747, %dma_wait3A_1753] : memref<2x16384xi32, #tpu.memory_space<vmem>> -> memref<1x16384xi32, #tpu.memory_space<vmem>>
      %dma_wait3A_1755 = tpu.memref_squeeze %dma_wait3A_1754 : memref<1x16384xi32, #tpu.memory_space<vmem>> -> memref<16384xi32, #tpu.memory_space<vmem>>
      %dma_wait3A_1756 = arith.constant 0 : i32
      %dma_wait3A_1757 = tpu.memref_slice %arg4[%dma_wait3A_1756] : memref<16777216xi32, #tpu.memory_space<hbm>> -> memref<16384xi32, #tpu.memory_space<hbm>>
      tpu.wait_dma2 semaphore(%arg22 : memref<!tpu.dma_semaphore, #tpu.memory_space<semaphore_mem>>) src(%dma_wait3A_1757 : memref<16384xi32, #tpu.memory_space<hbm>>) dst(%dma_wait3A_1755 : memref<16384xi32, #tpu.memory_space<vmem>>)
      %add3A_1758 = arith.constant 2 : i32
      %add3A_1759 = arith.addi %add3A_1725, %add3A_1758 : i32
      %sub3A = arith.constant 1 : i32
      %sub3A_1760 = arith.subi %add3A_1759, %sub3A : i32
      %lt3A = arith.constant 32 : i32
      %lt3A_1761 = arith.cmpi slt, %sub3A_1760, %lt3A : i32
      %convert_element_type3A_1762 = arith.extui %lt3A_1761 : i1 to i32
      %cond3A = arith.constant 0 : i32
      %cond3A_1763 = arith.cmpi ne, %convert_element_type3A_1762, %cond3A : i32
      scf.if %cond3A_1763 {
        %add3A_1815 = arith.constant 2 : i32
        %add3A_1816 = arith.addi %add3A_1725, %add3A_1815 : i32
        %sub3A_1817 = arith.constant 1 : i32
        %sub3A_1818 = arith.subi %add3A_1816, %sub3A_1817 : i32
        %mul3A_1819 = arith.constant 16384 : i32
        %mul3A_1820 = arith.muli %sub3A_1818, %mul3A_1819 : i32
        %add3A_1821 = arith.addi %mul3A_2, %mul3A_1820 : i32
        %dma_start3A_1822 = arith.constant 1 : i32
        %dma_start3A_1823 = arith.constant 0 : i32
        %dma_start3A_1824 = tpu.memref_slice %arg6[%dma_start3A_1822, %dma_start3A_1823] : memref<2x16384xf32, #tpu.memory_space<vmem>> -> memref<1x16384xf32, #tpu.memory_space<vmem>>
        %dma_start3A_1825 = tpu.memref_squeeze %dma_start3A_1824 : memref<1x16384xf32, #tpu.memory_space<vmem>> -> memref<16384xf32, #tpu.memory_space<vmem>>
        %dma_start3A_1826 = tpu.memref_slice %arg2[%add3A_1821] : memref<16777216xf32, #tpu.memory_space<hbm>> -> memref<16384xf32, #tpu.memory_space<hbm>>
        %dma_start3A_1827 = arith.constant 0 : i32
        %dma_start3A_1828 = tpu.memref_slice %arg6[%dma_start3A_1822, %dma_start3A_1827] : memref<2x16384xf32, #tpu.memory_space<vmem>> -> memref<1x16384xf32, #tpu.memory_space<vmem>>
        %dma_start3A_1829 = tpu.memref_squeeze %dma_start3A_1828 : memref<1x16384xf32, #tpu.memory_space<vmem>> -> memref<16384xf32, #tpu.memory_space<vmem>>
        %dma_start3A_1830 = tpu.memref_slice %arg2[%add3A_1821] : memref<16777216xf32, #tpu.memory_space<hbm>> -> memref<16384xf32, #tpu.memory_space<hbm>>
        tpu.enqueue_dma source(%dma_start3A_1830 : memref<16384xf32, #tpu.memory_space<hbm>>) target(%dma_start3A_1829 : memref<16384xf32, #tpu.memory_space<vmem>>) target_semaphore(%arg19 : memref<!tpu.dma_semaphore, #tpu.memory_space<semaphore_mem>>)
        %dma_start3A_1831 = arith.constant 1 : i32
        %dma_start3A_1832 = arith.constant 0 : i32
        %dma_start3A_1833 = tpu.memref_slice %arg7[%dma_start3A_1831, %dma_start3A_1832] : memref<2x16384xi32, #tpu.memory_space<vmem>> -> memref<1x16384xi32, #tpu.memory_space<vmem>>
        %dma_start3A_1834 = tpu.memref_squeeze %dma_start3A_1833 : memref<1x16384xi32, #tpu.memory_space<vmem>> -> memref<16384xi32, #tpu.memory_space<vmem>>
        %dma_start3A_1835 = tpu.memref_slice %arg3[%add3A_1821] : memref<16777216xi32, #tpu.memory_space<hbm>> -> memref<16384xi32, #tpu.memory_space<hbm>>
        %dma_start3A_1836 = arith.constant 0 : i32
        %dma_start3A_1837 = tpu.memref_slice %arg7[%dma_start3A_1831, %dma_start3A_1836] : memref<2x16384xi32, #tpu.memory_space<vmem>> -> memref<1x16384xi32, #tpu.memory_space<vmem>>
        %dma_start3A_1838 = tpu.memref_squeeze %dma_start3A_1837 : memref<1x16384xi32, #tpu.memory_space<vmem>> -> memref<16384xi32, #tpu.memory_space<vmem>>
        %dma_start3A_1839 = tpu.memref_slice %arg3[%add3A_1821] : memref<16777216xi32, #tpu.memory_space<hbm>> -> memref<16384xi32, #tpu.memory_space<hbm>>
        tpu.enqueue_dma source(%dma_start3A_1839 : memref<16384xi32, #tpu.memory_space<hbm>>) target(%dma_start3A_1838 : memref<16384xi32, #tpu.memory_space<vmem>>) target_semaphore(%arg21 : memref<!tpu.dma_semaphore, #tpu.memory_space<semaphore_mem>>)
        %dma_start3A_1840 = arith.constant 1 : i32
        %dma_start3A_1841 = arith.constant 0 : i32
        %dma_start3A_1842 = tpu.memref_slice %arg8[%dma_start3A_1840, %dma_start3A_1841] : memref<2x16384xi32, #tpu.memory_space<vmem>> -> memref<1x16384xi32, #tpu.memory_space<vmem>>
        %dma_start3A_1843 = tpu.memref_squeeze %dma_start3A_1842 : memref<1x16384xi32, #tpu.memory_space<vmem>> -> memref<16384xi32, #tpu.memory_space<vmem>>
        %dma_start3A_1844 = tpu.memref_slice %arg4[%add3A_1821] : memref<16777216xi32, #tpu.memory_space<hbm>> -> memref<16384xi32, #tpu.memory_space<hbm>>
        %dma_start3A_1845 = arith.constant 0 : i32
        %dma_start3A_1846 = tpu.memref_slice %arg8[%dma_start3A_1840, %dma_start3A_1845] : memref<2x16384xi32, #tpu.memory_space<vmem>> -> memref<1x16384xi32, #tpu.memory_space<vmem>>
        %dma_start3A_1847 = tpu.memref_squeeze %dma_start3A_1846 : memref<1x16384xi32, #tpu.memory_space<vmem>> -> memref<16384xi32, #tpu.memory_space<vmem>>
        %dma_start3A_1848 = tpu.memref_slice %arg4[%add3A_1821] : memref<16777216xi32, #tpu.memory_space<hbm>> -> memref<16384xi32, #tpu.memory_space<hbm>>
        tpu.enqueue_dma source(%dma_start3A_1848 : memref<16384xi32, #tpu.memory_space<hbm>>) target(%dma_start3A_1847 : memref<16384xi32, #tpu.memory_space<vmem>>) target_semaphore(%arg23 : memref<!tpu.dma_semaphore, #tpu.memory_space<semaphore_mem>>)
      } else {
      }
      %parallel_loop3A = arith.constant 0 : i32
      %parallel_loop3A_1764 = arith.constant 1024 : i32
      %parallel_loop3A_1765 = arith.constant 4 : i32
      scf.for %parallel_loop3A_1815 = %parallel_loop3A to %parallel_loop3A_1764 step %parallel_loop3A_1765  : i32 {
        %parallel_loop3A_1816 = arith.constant 0 : i32
        %parallel_loop3A_1817 = arith.addi %parallel_loop3A_1815, %parallel_loop3A_1816 : i32
        %parallel_loop3A_1818 = arith.constant 16 : i32
        %parallel_loop3A_1819 = arith.muli %parallel_loop3A_1817, %parallel_loop3A_1818 : i32
        %parallel_loop3A_1820 = arith.constant 0 : i32
        %parallel_loop3A_1821 = arith.index_cast %parallel_loop3A_1820 : i32 to index
        %parallel_loop3A_1822 = arith.index_cast %parallel_loop3A_1819 : i32 to index
        %parallel_loop3A_1823 = tpu.vector_load %arg6[%parallel_loop3A_1821, %parallel_loop3A_1822] {strides = array<i32>} : memref<2x16384xf32, #tpu.memory_space<vmem>>, vector<16xf32>,
        %parallel_loop3A_1824 = arith.constant 0 : i32
        %parallel_loop3A_1825 = arith.index_cast %parallel_loop3A_1824 : i32 to index
        %parallel_loop3A_1826 = arith.index_cast %parallel_loop3A_1819 : i32 to index
        %parallel_loop3A_1827 = tpu.vector_load %arg7[%parallel_loop3A_1825, %parallel_loop3A_1826] {strides = array<i32>} : memref<2x16384xi32, #tpu.memory_space<vmem>>, vector<16xi32>,
        %parallel_loop3A_1828 = arith.constant 0 : i32
        %parallel_loop3A_1829 = arith.index_cast %parallel_loop3A_1828 : i32 to index
        %parallel_loop3A_1830 = arith.index_cast %parallel_loop3A_1819 : i32 to index
        %parallel_loop3A_1831 = tpu.vector_load %arg8[%parallel_loop3A_1829, %parallel_loop3A_1830] {strides = array<i32>} : memref<2x16384xi32, #tpu.memory_space<vmem>>, vector<16xi32>,
        %parallel_loop3A_1832 = arith.cmpi eq, %parallel_loop3A_1827, %parallel_loop3A_1831 : vector<16xi32>
        %parallel_loop3A_1833 = arith.constant 65537 : i32
        %parallel_loop3A_1834 = arith.constant 1 : i32
        %parallel_loop3A_1835 = vector.broadcast %parallel_loop3A_1833 : i32 to vector<16xi32>
        %parallel_loop3A_1836 = vector.broadcast %parallel_loop3A_1834 : i32 to vector<16xi32>
        %parallel_loop3A_1837 = arith.select %parallel_loop3A_1832, %parallel_loop3A_1835, %parallel_loop3A_1836 : vector<16xi1>, vector<16xi32>
        %parallel_loop3A_1838 = arith.constant 1.000000e+01 : f32
        %parallel_loop3A_1839 = vector.broadcast %parallel_loop3A_1838 : f32 to vector<16xf32>
        %parallel_loop3A_1840 = arith.mulf %parallel_loop3A_1823, %parallel_loop3A_1839 : vector<16xf32>
        %parallel_loop3A_1841 = arith.fptosi %parallel_loop3A_1840 : vector<16xf32> to vector<16xi32>
        tpu.vector_store_idx %arg9[%parallel_loop3A_1841, %iota3A], %parallel_loop3A_1837 {add = true} : memref<10x16xi32, #tpu.memory_space<vmem>>[vector<16xi32>, vector<16xi32>], vector<16xi32>,
        tpu.vector_store_idx %arg13[%parallel_loop3A_1841, %iota3A], %parallel_loop3A_1823 {add = true} : memref<10x16xf32, #tpu.memory_space<vmem>>[vector<16xi32>, vector<16xi32>], vector<16xf32>,
        %parallel_loop3A_1842 = arith.constant 1 : i32
        %parallel_loop3A_1843 = arith.addi %parallel_loop3A_1815, %parallel_loop3A_1842 : i32
        %parallel_loop3A_1844 = arith.constant 16 : i32
        %parallel_loop3A_1845 = arith.muli %parallel_loop3A_1843, %parallel_loop3A_1844 : i32
        %parallel_loop3A_1846 = arith.constant 0 : i32
        %parallel_loop3A_1847 = arith.index_cast %parallel_loop3A_1846 : i32 to index
        %parallel_loop3A_1848 = arith.index_cast %parallel_loop3A_1845 : i32 to index
        %parallel_loop3A_1849 = tpu.vector_load %arg6[%parallel_loop3A_1847, %parallel_loop3A_1848] {strides = array<i32>} : memref<2x16384xf32, #tpu.memory_space<vmem>>, vector<16xf32>,
        %parallel_loop3A_1850 = arith.constant 0 : i32
        %parallel_loop3A_1851 = arith.index_cast %parallel_loop3A_1850 : i32 to index
        %parallel_loop3A_1852 = arith.index_cast %parallel_loop3A_1845 : i32 to index
        %parallel_loop3A_1853 = tpu.vector_load %arg7[%parallel_loop3A_1851, %parallel_loop3A_1852] {strides = array<i32>} : memref<2x16384xi32, #tpu.memory_space<vmem>>, vector<16xi32>,
        %parallel_loop3A_1854 = arith.constant 0 : i32
        %parallel_loop3A_1855 = arith.index_cast %parallel_loop3A_1854 : i32 to index
        %parallel_loop3A_1856 = arith.index_cast %parallel_loop3A_1845 : i32 to index
        %parallel_loop3A_1857 = tpu.vector_load %arg8[%parallel_loop3A_1855, %parallel_loop3A_1856] {strides = array<i32>} : memref<2x16384xi32, #tpu.memory_space<vmem>>, vector<16xi32>,
        %parallel_loop3A_1858 = arith.cmpi eq, %parallel_loop3A_1853, %parallel_loop3A_1857 : vector<16xi32>
        %parallel_loop3A_1859 = arith.constant 65537 : i32
        %parallel_loop3A_1860 = arith.constant 1 : i32
        %parallel_loop3A_1861 = vector.broadcast %parallel_loop3A_1859 : i32 to vector<16xi32>
        %parallel_loop3A_1862 = vector.broadcast %parallel_loop3A_1860 : i32 to vector<16xi32>
        %parallel_loop3A_1863 = arith.select %parallel_loop3A_1858, %parallel_loop3A_1861, %parallel_loop3A_1862 : vector<16xi1>, vector<16xi32>
        %parallel_loop3A_1864 = arith.constant 1.000000e+01 : f32
        %parallel_loop3A_1865 = vector.broadcast %parallel_loop3A_1864 : f32 to vector<16xf32>
        %parallel_loop3A_1866 = arith.mulf %parallel_loop3A_1849, %parallel_loop3A_1865 : vector<16xf32>
        %parallel_loop3A_1867 = arith.fptosi %parallel_loop3A_1866 : vector<16xf32> to vector<16xi32>
        tpu.vector_store_idx %arg10[%parallel_loop3A_1867, %iota3A], %parallel_loop3A_1863 {add = true} : memref<10x16xi32, #tpu.memory_space<vmem>>[vector<16xi32>, vector<16xi32>], vector<16xi32>,
        tpu.vector_store_idx %arg14[%parallel_loop3A_1867, %iota3A], %parallel_loop3A_1849 {add = true} : memref<10x16xf32, #tpu.memory_space<vmem>>[vector<16xi32>, vector<16xi32>], vector<16xf32>,
        %parallel_loop3A_1868 = arith.constant 2 : i32
        %parallel_loop3A_1869 = arith.addi %parallel_loop3A_1815, %parallel_loop3A_1868 : i32
        %parallel_loop3A_1870 = arith.constant 16 : i32
        %parallel_loop3A_1871 = arith.muli %parallel_loop3A_1869, %parallel_loop3A_1870 : i32
        %parallel_loop3A_1872 = arith.constant 0 : i32
        %parallel_loop3A_1873 = arith.index_cast %parallel_loop3A_1872 : i32 to index
        %parallel_loop3A_1874 = arith.index_cast %parallel_loop3A_1871 : i32 to index
        %parallel_loop3A_1875 = tpu.vector_load %arg6[%parallel_loop3A_1873, %parallel_loop3A_1874] {strides = array<i32>} : memref<2x16384xf32, #tpu.memory_space<vmem>>, vector<16xf32>,
        %parallel_loop3A_1876 = arith.constant 0 : i32
        %parallel_loop3A_1877 = arith.index_cast %parallel_loop3A_1876 : i32 to index
        %parallel_loop3A_1878 = arith.index_cast %parallel_loop3A_1871 : i32 to index
        %parallel_loop3A_1879 = tpu.vector_load %arg7[%parallel_loop3A_1877, %parallel_loop3A_1878] {strides = array<i32>} : memref<2x16384xi32, #tpu.memory_space<vmem>>, vector<16xi32>,
        %parallel_loop3A_1880 = arith.constant 0 : i32
        %parallel_loop3A_1881 = arith.index_cast %parallel_loop3A_1880 : i32 to index
        %parallel_loop3A_1882 = arith.index_cast %parallel_loop3A_1871 : i32 to index
        %parallel_loop3A_1883 = tpu.vector_load %arg8[%parallel_loop3A_1881, %parallel_loop3A_1882] {strides = array<i32>} : memref<2x16384xi32, #tpu.memory_space<vmem>>, vector<16xi32>,
        %parallel_loop3A_1884 = arith.cmpi eq, %parallel_loop3A_1879, %parallel_loop3A_1883 : vector<16xi32>
        %parallel_loop3A_1885 = arith.constant 65537 : i32
        %parallel_loop3A_1886 = arith.constant 1 : i32
        %parallel_loop3A_1887 = vector.broadcast %parallel_loop3A_1885 : i32 to vector<16xi32>
        %parallel_loop3A_1888 = vector.broadcast %parallel_loop3A_1886 : i32 to vector<16xi32>
        %parallel_loop3A_1889 = arith.select %parallel_loop3A_1884, %parallel_loop3A_1887, %parallel_loop3A_1888 : vector<16xi1>, vector<16xi32>
        %parallel_loop3A_1890 = arith.constant 1.000000e+01 : f32
        %parallel_loop3A_1891 = vector.broadcast %parallel_loop3A_1890 : f32 to vector<16xf32>
        %parallel_loop3A_1892 = arith.mulf %parallel_loop3A_1875, %parallel_loop3A_1891 : vector<16xf32>
        %parallel_loop3A_1893 = arith.fptosi %parallel_loop3A_1892 : vector<16xf32> to vector<16xi32>
        tpu.vector_store_idx %arg11[%parallel_loop3A_1893, %iota3A], %parallel_loop3A_1889 {add = true} : memref<10x16xi32, #tpu.memory_space<vmem>>[vector<16xi32>, vector<16xi32>], vector<16xi32>,
        tpu.vector_store_idx %arg15[%parallel_loop3A_1893, %iota3A], %parallel_loop3A_1875 {add = true} : memref<10x16xf32, #tpu.memory_space<vmem>>[vector<16xi32>, vector<16xi32>], vector<16xf32>,
        %parallel_loop3A_1894 = arith.constant 3 : i32
        %parallel_loop3A_1895 = arith.addi %parallel_loop3A_1815, %parallel_loop3A_1894 : i32
        %parallel_loop3A_1896 = arith.constant 16 : i32
        %parallel_loop3A_1897 = arith.muli %parallel_loop3A_1895, %parallel_loop3A_1896 : i32
        %parallel_loop3A_1898 = arith.constant 0 : i32
        %parallel_loop3A_1899 = arith.index_cast %parallel_loop3A_1898 : i32 to index
        %parallel_loop3A_1900 = arith.index_cast %parallel_loop3A_1897 : i32 to index
        %parallel_loop3A_1901 = tpu.vector_load %arg6[%parallel_loop3A_1899, %parallel_loop3A_1900] {strides = array<i32>} : memref<2x16384xf32, #tpu.memory_space<vmem>>, vector<16xf32>,
        %parallel_loop3A_1902 = arith.constant 0 : i32
        %parallel_loop3A_1903 = arith.index_cast %parallel_loop3A_1902 : i32 to index
        %parallel_loop3A_1904 = arith.index_cast %parallel_loop3A_1897 : i32 to index
        %parallel_loop3A_1905 = tpu.vector_load %arg7[%parallel_loop3A_1903, %parallel_loop3A_1904] {strides = array<i32>} : memref<2x16384xi32, #tpu.memory_space<vmem>>, vector<16xi32>,
        %parallel_loop3A_1906 = arith.constant 0 : i32
        %parallel_loop3A_1907 = arith.index_cast %parallel_loop3A_1906 : i32 to index
        %parallel_loop3A_1908 = arith.index_cast %parallel_loop3A_1897 : i32 to index
        %parallel_loop3A_1909 = tpu.vector_load %arg8[%parallel_loop3A_1907, %parallel_loop3A_1908] {strides = array<i32>} : memref<2x16384xi32, #tpu.memory_space<vmem>>, vector<16xi32>,
        %parallel_loop3A_1910 = arith.cmpi eq, %parallel_loop3A_1905, %parallel_loop3A_1909 : vector<16xi32>
        %parallel_loop3A_1911 = arith.constant 65537 : i32
        %parallel_loop3A_1912 = arith.constant 1 : i32
        %parallel_loop3A_1913 = vector.broadcast %parallel_loop3A_1911 : i32 to vector<16xi32>
        %parallel_loop3A_1914 = vector.broadcast %parallel_loop3A_1912 : i32 to vector<16xi32>
        %parallel_loop3A_1915 = arith.select %parallel_loop3A_1910, %parallel_loop3A_1913, %parallel_loop3A_1914 : vector<16xi1>, vector<16xi32>
        %parallel_loop3A_1916 = arith.constant 1.000000e+01 : f32
        %parallel_loop3A_1917 = vector.broadcast %parallel_loop3A_1916 : f32 to vector<16xf32>
        %parallel_loop3A_1918 = arith.mulf %parallel_loop3A_1901, %parallel_loop3A_1917 : vector<16xf32>
        %parallel_loop3A_1919 = arith.fptosi %parallel_loop3A_1918 : vector<16xf32> to vector<16xi32>
        tpu.vector_store_idx %arg12[%parallel_loop3A_1919, %iota3A], %parallel_loop3A_1915 {add = true} : memref<10x16xi32, #tpu.memory_space<vmem>>[vector<16xi32>, vector<16xi32>], vector<16xi32>,
        tpu.vector_store_idx %arg16[%parallel_loop3A_1919, %iota3A], %parallel_loop3A_1901 {add = true} : memref<10x16xf32, #tpu.memory_space<vmem>>[vector<16xi32>, vector<16xi32>], vector<16xf32>,
      } {sc.loop_unroll_factor = 16 : i64, sc.parallel_access}
      %mul3A_1766 = arith.constant 2 : i32
      %mul3A_1767 = arith.muli %scan3A_1721, %mul3A_1766 : i32
      %add3A_1768 = arith.constant 1 : i32
      %add3A_1769 = arith.addi %mul3A_1767, %add3A_1768 : i32
      %dma_wait3A_1770 = arith.constant 1 : i32
      %dma_wait3A_1771 = arith.constant 0 : i32
      %dma_wait3A_1772 = tpu.memref_slice %arg6[%dma_wait3A_1770, %dma_wait3A_1771] : memref<2x16384xf32, #tpu.memory_space<vmem>> -> memref<1x16384xf32, #tpu.memory_space<vmem>>
      %dma_wait3A_1773 = tpu.memref_squeeze %dma_wait3A_1772 : memref<1x16384xf32, #tpu.memory_space<vmem>> -> memref<16384xf32, #tpu.memory_space<vmem>>
      %dma_wait3A_1774 = arith.constant 0 : i32
      %dma_wait3A_1775 = tpu.memref_slice %arg2[%dma_wait3A_1774] : memref<16777216xf32, #tpu.memory_space<hbm>> -> memref<16384xf32, #tpu.memory_space<hbm>>
      %dma_wait3A_1776 = arith.constant 0 : i32
      %dma_wait3A_1777 = tpu.memref_slice %arg6[%dma_wait3A_1770, %dma_wait3A_1776] : memref<2x16384xf32, #tpu.memory_space<vmem>> -> memref<1x16384xf32, #tpu.memory_space<vmem>>
      %dma_wait3A_1778 = tpu.memref_squeeze %dma_wait3A_1777 : memref<1x16384xf32, #tpu.memory_space<vmem>> -> memref<16384xf32, #tpu.memory_space<vmem>>
      %dma_wait3A_1779 = arith.constant 0 : i32
      %dma_wait3A_1780 = tpu.memref_slice %arg2[%dma_wait3A_1779] : memref<16777216xf32, #tpu.memory_space<hbm>> -> memref<16384xf32, #tpu.memory_space<hbm>>
      tpu.wait_dma2 semaphore(%arg19 : memref<!tpu.dma_semaphore, #tpu.memory_space<semaphore_mem>>) src(%dma_wait3A_1780 : memref<16384xf32, #tpu.memory_space<hbm>>) dst(%dma_wait3A_1778 : memref<16384xf32, #tpu.memory_space<vmem>>)
      %dma_wait3A_1781 = arith.constant 1 : i32
      %dma_wait3A_1782 = arith.constant 0 : i32
      %dma_wait3A_1783 = tpu.memref_slice %arg7[%dma_wait3A_1781, %dma_wait3A_1782] : memref<2x16384xi32, #tpu.memory_space<vmem>> -> memref<1x16384xi32, #tpu.memory_space<vmem>>
      %dma_wait3A_1784 = tpu.memref_squeeze %dma_wait3A_1783 : memref<1x16384xi32, #tpu.memory_space<vmem>> -> memref<16384xi32, #tpu.memory_space<vmem>>
      %dma_wait3A_1785 = arith.constant 0 : i32
      %dma_wait3A_1786 = tpu.memref_slice %arg3[%dma_wait3A_1785] : memref<16777216xi32, #tpu.memory_space<hbm>> -> memref<16384xi32, #tpu.memory_space<hbm>>
      %dma_wait3A_1787 = arith.constant 0 : i32
      %dma_wait3A_1788 = tpu.memref_slice %arg7[%dma_wait3A_1781, %dma_wait3A_1787] : memref<2x16384xi32, #tpu.memory_space<vmem>> -> memref<1x16384xi32, #tpu.memory_space<vmem>>
      %dma_wait3A_1789 = tpu.memref_squeeze %dma_wait3A_1788 : memref<1x16384xi32, #tpu.memory_space<vmem>> -> memref<16384xi32, #tpu.memory_space<vmem>>
      %dma_wait3A_1790 = arith.constant 0 : i32
      %dma_wait3A_1791 = tpu.memref_slice %arg3[%dma_wait3A_1790] : memref<16777216xi32, #tpu.memory_space<hbm>> -> memref<16384xi32, #tpu.memory_space<hbm>>
      tpu.wait_dma2 semaphore(%arg21 : memref<!tpu.dma_semaphore, #tpu.memory_space<semaphore_mem>>) src(%dma_wait3A_1791 : memref<16384xi32, #tpu.memory_space<hbm>>) dst(%dma_wait3A_1789 : memref<16384xi32, #tpu.memory_space<vmem>>)
      %dma_wait3A_1792 = arith.constant 1 : i32
      %dma_wait3A_1793 = arith.constant 0 : i32
      %dma_wait3A_1794 = tpu.memref_slice %arg8[%dma_wait3A_1792, %dma_wait3A_1793] : memref<2x16384xi32, #tpu.memory_space<vmem>> -> memref<1x16384xi32, #tpu.memory_space<vmem>>
      %dma_wait3A_1795 = tpu.memref_squeeze %dma_wait3A_1794 : memref<1x16384xi32, #tpu.memory_space<vmem>> -> memref<16384xi32, #tpu.memory_space<vmem>>
      %dma_wait3A_1796 = arith.constant 0 : i32
      %dma_wait3A_1797 = tpu.memref_slice %arg4[%dma_wait3A_1796] : memref<16777216xi32, #tpu.memory_space<hbm>> -> memref<16384xi32, #tpu.memory_space<hbm>>
      %dma_wait3A_1798 = arith.constant 0 : i32
      %dma_wait3A_1799 = tpu.memref_slice %arg8[%dma_wait3A_1792, %dma_wait3A_1798] : memref<2x16384xi32, #tpu.memory_space<vmem>> -> memref<1x16384xi32, #tpu.memory_space<vmem>>
      %dma_wait3A_1800 = tpu.memref_squeeze %dma_wait3A_1799 : memref<1x16384xi32, #tpu.memory_space<vmem>> -> memref<16384xi32, #tpu.memory_space<vmem>>
      %dma_wait3A_1801 = arith.constant 0 : i32
      %dma_wait3A_1802 = tpu.memref_slice %arg4[%dma_wait3A_1801] : memref<16777216xi32, #tpu.memory_space<hbm>> -> memref<16384xi32, #tpu.memory_space<hbm>>
      tpu.wait_dma2 semaphore(%arg23 : memref<!tpu.dma_semaphore, #tpu.memory_space<semaphore_mem>>) src(%dma_wait3A_1802 : memref<16384xi32, #tpu.memory_space<hbm>>) dst(%dma_wait3A_1800 : memref<16384xi32, #tpu.memory_space<vmem>>)
      %add3A_1803 = arith.constant 2 : i32
      %add3A_1804 = arith.addi %add3A_1769, %add3A_1803 : i32
      %sub3A_1805 = arith.constant 1 : i32
      %sub3A_1806 = arith.subi %add3A_1804, %sub3A_1805 : i32
      %lt3A_1807 = arith.constant 32 : i32
      %lt3A_1808 = arith.cmpi slt, %sub3A_1806, %lt3A_1807 : i32
      %convert_element_type3A_1809 = arith.extui %lt3A_1808 : i1 to i32
      %cond3A_1810 = arith.constant 0 : i32
      %cond3A_1811 = arith.cmpi ne, %convert_element_type3A_1809, %cond3A_1810 : i32
      scf.if %cond3A_1811 {
        %add3A_1815 = arith.constant 2 : i32
        %add3A_1816 = arith.addi %add3A_1769, %add3A_1815 : i32
        %sub3A_1817 = arith.constant 1 : i32
        %sub3A_1818 = arith.subi %add3A_1816, %sub3A_1817 : i32
        %mul3A_1819 = arith.constant 16384 : i32
        %mul3A_1820 = arith.muli %sub3A_1818, %mul3A_1819 : i32
        %add3A_1821 = arith.addi %mul3A_2, %mul3A_1820 : i32
        %dma_start3A_1822 = arith.constant 0 : i32
        %dma_start3A_1823 = arith.constant 0 : i32
        %dma_start3A_1824 = tpu.memref_slice %arg6[%dma_start3A_1822, %dma_start3A_1823] : memref<2x16384xf32, #tpu.memory_space<vmem>> -> memref<1x16384xf32, #tpu.memory_space<vmem>>
        %dma_start3A_1825 = tpu.memref_squeeze %dma_start3A_1824 : memref<1x16384xf32, #tpu.memory_space<vmem>> -> memref<16384xf32, #tpu.memory_space<vmem>>
        %dma_start3A_1826 = tpu.memref_slice %arg2[%add3A_1821] : memref<16777216xf32, #tpu.memory_space<hbm>> -> memref<16384xf32, #tpu.memory_space<hbm>>
        %dma_start3A_1827 = arith.constant 0 : i32
        %dma_start3A_1828 = tpu.memref_slice %arg6[%dma_start3A_1822, %dma_start3A_1827] : memref<2x16384xf32, #tpu.memory_space<vmem>> -> memref<1x16384xf32, #tpu.memory_space<vmem>>
        %dma_start3A_1829 = tpu.memref_squeeze %dma_start3A_1828 : memref<1x16384xf32, #tpu.memory_space<vmem>> -> memref<16384xf32, #tpu.memory_space<vmem>>
        %dma_start3A_1830 = tpu.memref_slice %arg2[%add3A_1821] : memref<16777216xf32, #tpu.memory_space<hbm>> -> memref<16384xf32, #tpu.memory_space<hbm>>
        tpu.enqueue_dma source(%dma_start3A_1830 : memref<16384xf32, #tpu.memory_space<hbm>>) target(%dma_start3A_1829 : memref<16384xf32, #tpu.memory_space<vmem>>) target_semaphore(%arg18 : memref<!tpu.dma_semaphore, #tpu.memory_space<semaphore_mem>>)
        %dma_start3A_1831 = arith.constant 0 : i32
        %dma_start3A_1832 = arith.constant 0 : i32
        %dma_start3A_1833 = tpu.memref_slice %arg7[%dma_start3A_1831, %dma_start3A_1832] : memref<2x16384xi32, #tpu.memory_space<vmem>> -> memref<1x16384xi32, #tpu.memory_space<vmem>>
        %dma_start3A_1834 = tpu.memref_squeeze %dma_start3A_1833 : memref<1x16384xi32, #tpu.memory_space<vmem>> -> memref<16384xi32, #tpu.memory_space<vmem>>
        %dma_start3A_1835 = tpu.memref_slice %arg3[%add3A_1821] : memref<16777216xi32, #tpu.memory_space<hbm>> -> memref<16384xi32, #tpu.memory_space<hbm>>
        %dma_start3A_1836 = arith.constant 0 : i32
        %dma_start3A_1837 = tpu.memref_slice %arg7[%dma_start3A_1831, %dma_start3A_1836] : memref<2x16384xi32, #tpu.memory_space<vmem>> -> memref<1x16384xi32, #tpu.memory_space<vmem>>
        %dma_start3A_1838 = tpu.memref_squeeze %dma_start3A_1837 : memref<1x16384xi32, #tpu.memory_space<vmem>> -> memref<16384xi32, #tpu.memory_space<vmem>>
        %dma_start3A_1839 = tpu.memref_slice %arg3[%add3A_1821] : memref<16777216xi32, #tpu.memory_space<hbm>> -> memref<16384xi32, #tpu.memory_space<hbm>>
        tpu.enqueue_dma source(%dma_start3A_1839 : memref<16384xi32, #tpu.memory_space<hbm>>) target(%dma_start3A_1838 : memref<16384xi32, #tpu.memory_space<vmem>>) target_semaphore(%arg20 : memref<!tpu.dma_semaphore, #tpu.memory_space<semaphore_mem>>)
        %dma_start3A_1840 = arith.constant 0 : i32
        %dma_start3A_1841 = arith.constant 0 : i32
        %dma_start3A_1842 = tpu.memref_slice %arg8[%dma_start3A_1840, %dma_start3A_1841] : memref<2x16384xi32, #tpu.memory_space<vmem>> -> memref<1x16384xi32, #tpu.memory_space<vmem>>
        %dma_start3A_1843 = tpu.memref_squeeze %dma_start3A_1842 : memref<1x16384xi32, #tpu.memory_space<vmem>> -> memref<16384xi32, #tpu.memory_space<vmem>>
        %dma_start3A_1844 = tpu.memref_slice %arg4[%add3A_1821] : memref<16777216xi32, #tpu.memory_space<hbm>> -> memref<16384xi32, #tpu.memory_space<hbm>>
        %dma_start3A_1845 = arith.constant 0 : i32
        %dma_start3A_1846 = tpu.memref_slice %arg8[%dma_start3A_1840, %dma_start3A_1845] : memref<2x16384xi32, #tpu.memory_space<vmem>> -> memref<1x16384xi32, #tpu.memory_space<vmem>>
        %dma_start3A_1847 = tpu.memref_squeeze %dma_start3A_1846 : memref<1x16384xi32, #tpu.memory_space<vmem>> -> memref<16384xi32, #tpu.memory_space<vmem>>
        %dma_start3A_1848 = tpu.memref_slice %arg4[%add3A_1821] : memref<16777216xi32, #tpu.memory_space<hbm>> -> memref<16384xi32, #tpu.memory_space<hbm>>
        tpu.enqueue_dma source(%dma_start3A_1848 : memref<16384xi32, #tpu.memory_space<hbm>>) target(%dma_start3A_1847 : memref<16384xi32, #tpu.memory_space<vmem>>) target_semaphore(%arg22 : memref<!tpu.dma_semaphore, #tpu.memory_space<semaphore_mem>>)
      } else {
      }
      %parallel_loop3A_1812 = arith.constant 0 : i32
      %parallel_loop3A_1813 = arith.constant 1024 : i32
      %parallel_loop3A_1814 = arith.constant 4 : i32
      scf.for %parallel_loop3A_1815 = %parallel_loop3A_1812 to %parallel_loop3A_1813 step %parallel_loop3A_1814  : i32 {
        %parallel_loop3A_1816 = arith.constant 0 : i32
        %parallel_loop3A_1817 = arith.addi %parallel_loop3A_1815, %parallel_loop3A_1816 : i32
        %parallel_loop3A_1818 = arith.constant 16 : i32
        %parallel_loop3A_1819 = arith.muli %parallel_loop3A_1817, %parallel_loop3A_1818 : i32
        %parallel_loop3A_1820 = arith.constant 1 : i32
        %parallel_loop3A_1821 = arith.index_cast %parallel_loop3A_1820 : i32 to index
        %parallel_loop3A_1822 = arith.index_cast %parallel_loop3A_1819 : i32 to index
        %parallel_loop3A_1823 = tpu.vector_load %arg6[%parallel_loop3A_1821, %parallel_loop3A_1822] {strides = array<i32>} : memref<2x16384xf32, #tpu.memory_space<vmem>>, vector<16xf32>,
        %parallel_loop3A_1824 = arith.constant 1 : i32
        %parallel_loop3A_1825 = arith.index_cast %parallel_loop3A_1824 : i32 to index
        %parallel_loop3A_1826 = arith.index_cast %parallel_loop3A_1819 : i32 to index
        %parallel_loop3A_1827 = tpu.vector_load %arg7[%parallel_loop3A_1825, %parallel_loop3A_1826] {strides = array<i32>} : memref<2x16384xi32, #tpu.memory_space<vmem>>, vector<16xi32>,
        %parallel_loop3A_1828 = arith.constant 1 : i32
        %parallel_loop3A_1829 = arith.index_cast %parallel_loop3A_1828 : i32 to index
        %parallel_loop3A_1830 = arith.index_cast %parallel_loop3A_1819 : i32 to index
        %parallel_loop3A_1831 = tpu.vector_load %arg8[%parallel_loop3A_1829, %parallel_loop3A_1830] {strides = array<i32>} : memref<2x16384xi32, #tpu.memory_space<vmem>>, vector<16xi32>,
        %parallel_loop3A_1832 = arith.cmpi eq, %parallel_loop3A_1827, %parallel_loop3A_1831 : vector<16xi32>
        %parallel_loop3A_1833 = arith.constant 65537 : i32
        %parallel_loop3A_1834 = arith.constant 1 : i32
        %parallel_loop3A_1835 = vector.broadcast %parallel_loop3A_1833 : i32 to vector<16xi32>
        %parallel_loop3A_1836 = vector.broadcast %parallel_loop3A_1834 : i32 to vector<16xi32>
        %parallel_loop3A_1837 = arith.select %parallel_loop3A_1832, %parallel_loop3A_1835, %parallel_loop3A_1836 : vector<16xi1>, vector<16xi32>
        %parallel_loop3A_1838 = arith.constant 1.000000e+01 : f32
        %parallel_loop3A_1839 = vector.broadcast %parallel_loop3A_1838 : f32 to vector<16xf32>
        %parallel_loop3A_1840 = arith.mulf %parallel_loop3A_1823, %parallel_loop3A_1839 : vector<16xf32>
        %parallel_loop3A_1841 = arith.fptosi %parallel_loop3A_1840 : vector<16xf32> to vector<16xi32>
        tpu.vector_store_idx %arg9[%parallel_loop3A_1841, %iota3A], %parallel_loop3A_1837 {add = true} : memref<10x16xi32, #tpu.memory_space<vmem>>[vector<16xi32>, vector<16xi32>], vector<16xi32>,
        tpu.vector_store_idx %arg13[%parallel_loop3A_1841, %iota3A], %parallel_loop3A_1823 {add = true} : memref<10x16xf32, #tpu.memory_space<vmem>>[vector<16xi32>, vector<16xi32>], vector<16xf32>,
        %parallel_loop3A_1842 = arith.constant 1 : i32
        %parallel_loop3A_1843 = arith.addi %parallel_loop3A_1815, %parallel_loop3A_1842 : i32
        %parallel_loop3A_1844 = arith.constant 16 : i32
        %parallel_loop3A_1845 = arith.muli %parallel_loop3A_1843, %parallel_loop3A_1844 : i32
        %parallel_loop3A_1846 = arith.constant 1 : i32
        %parallel_loop3A_1847 = arith.index_cast %parallel_loop3A_1846 : i32 to index
        %parallel_loop3A_1848 = arith.index_cast %parallel_loop3A_1845 : i32 to index
        %parallel_loop3A_1849 = tpu.vector_load %arg6[%parallel_loop3A_1847, %parallel_loop3A_1848] {strides = array<i32>} : memref<2x16384xf32, #tpu.memory_space<vmem>>, vector<16xf32>,
        %parallel_loop3A_1850 = arith.constant 1 : i32
        %parallel_loop3A_1851 = arith.index_cast %parallel_loop3A_1850 : i32 to index
        %parallel_loop3A_1852 = arith.index_cast %parallel_loop3A_1845 : i32 to index
        %parallel_loop3A_1853 = tpu.vector_load %arg7[%parallel_loop3A_1851, %parallel_loop3A_1852] {strides = array<i32>} : memref<2x16384xi32, #tpu.memory_space<vmem>>, vector<16xi32>,
        %parallel_loop3A_1854 = arith.constant 1 : i32
        %parallel_loop3A_1855 = arith.index_cast %parallel_loop3A_1854 : i32 to index
        %parallel_loop3A_1856 = arith.index_cast %parallel_loop3A_1845 : i32 to index
        %parallel_loop3A_1857 = tpu.vector_load %arg8[%parallel_loop3A_1855, %parallel_loop3A_1856] {strides = array<i32>} : memref<2x16384xi32, #tpu.memory_space<vmem>>, vector<16xi32>,
        %parallel_loop3A_1858 = arith.cmpi eq, %parallel_loop3A_1853, %parallel_loop3A_1857 : vector<16xi32>
        %parallel_loop3A_1859 = arith.constant 65537 : i32
        %parallel_loop3A_1860 = arith.constant 1 : i32
        %parallel_loop3A_1861 = vector.broadcast %parallel_loop3A_1859 : i32 to vector<16xi32>
        %parallel_loop3A_1862 = vector.broadcast %parallel_loop3A_1860 : i32 to vector<16xi32>
        %parallel_loop3A_1863 = arith.select %parallel_loop3A_1858, %parallel_loop3A_1861, %parallel_loop3A_1862 : vector<16xi1>, vector<16xi32>
        %parallel_loop3A_1864 = arith.constant 1.000000e+01 : f32
        %parallel_loop3A_1865 = vector.broadcast %parallel_loop3A_1864 : f32 to vector<16xf32>
        %parallel_loop3A_1866 = arith.mulf %parallel_loop3A_1849, %parallel_loop3A_1865 : vector<16xf32>
        %parallel_loop3A_1867 = arith.fptosi %parallel_loop3A_1866 : vector<16xf32> to vector<16xi32>
        tpu.vector_store_idx %arg10[%parallel_loop3A_1867, %iota3A], %parallel_loop3A_1863 {add = true} : memref<10x16xi32, #tpu.memory_space<vmem>>[vector<16xi32>, vector<16xi32>], vector<16xi32>,
        tpu.vector_store_idx %arg14[%parallel_loop3A_1867, %iota3A], %parallel_loop3A_1849 {add = true} : memref<10x16xf32, #tpu.memory_space<vmem>>[vector<16xi32>, vector<16xi32>], vector<16xf32>,
        %parallel_loop3A_1868 = arith.constant 2 : i32
        %parallel_loop3A_1869 = arith.addi %parallel_loop3A_1815, %parallel_loop3A_1868 : i32
        %parallel_loop3A_1870 = arith.constant 16 : i32
        %parallel_loop3A_1871 = arith.muli %parallel_loop3A_1869, %parallel_loop3A_1870 : i32
        %parallel_loop3A_1872 = arith.constant 1 : i32
        %parallel_loop3A_1873 = arith.index_cast %parallel_loop3A_1872 : i32 to index
        %parallel_loop3A_1874 = arith.index_cast %parallel_loop3A_1871 : i32 to index
        %parallel_loop3A_1875 = tpu.vector_load %arg6[%parallel_loop3A_1873, %parallel_loop3A_1874] {strides = array<i32>} : memref<2x16384xf32, #tpu.memory_space<vmem>>, vector<16xf32>,
        %parallel_loop3A_1876 = arith.constant 1 : i32
        %parallel_loop3A_1877 = arith.index_cast %parallel_loop3A_1876 : i32 to index
        %parallel_loop3A_1878 = arith.index_cast %parallel_loop3A_1871 : i32 to index
        %parallel_loop3A_1879 = tpu.vector_load %arg7[%parallel_loop3A_1877, %parallel_loop3A_1878] {strides = array<i32>} : memref<2x16384xi32, #tpu.memory_space<vmem>>, vector<16xi32>,
        %parallel_loop3A_1880 = arith.constant 1 : i32
        %parallel_loop3A_1881 = arith.index_cast %parallel_loop3A_1880 : i32 to index
        %parallel_loop3A_1882 = arith.index_cast %parallel_loop3A_1871 : i32 to index
        %parallel_loop3A_1883 = tpu.vector_load %arg8[%parallel_loop3A_1881, %parallel_loop3A_1882] {strides = array<i32>} : memref<2x16384xi32, #tpu.memory_space<vmem>>, vector<16xi32>,
        %parallel_loop3A_1884 = arith.cmpi eq, %parallel_loop3A_1879, %parallel_loop3A_1883 : vector<16xi32>
        %parallel_loop3A_1885 = arith.constant 65537 : i32
        %parallel_loop3A_1886 = arith.constant 1 : i32
        %parallel_loop3A_1887 = vector.broadcast %parallel_loop3A_1885 : i32 to vector<16xi32>
        %parallel_loop3A_1888 = vector.broadcast %parallel_loop3A_1886 : i32 to vector<16xi32>
        %parallel_loop3A_1889 = arith.select %parallel_loop3A_1884, %parallel_loop3A_1887, %parallel_loop3A_1888 : vector<16xi1>, vector<16xi32>
        %parallel_loop3A_1890 = arith.constant 1.000000e+01 : f32
        %parallel_loop3A_1891 = vector.broadcast %parallel_loop3A_1890 : f32 to vector<16xf32>
        %parallel_loop3A_1892 = arith.mulf %parallel_loop3A_1875, %parallel_loop3A_1891 : vector<16xf32>
        %parallel_loop3A_1893 = arith.fptosi %parallel_loop3A_1892 : vector<16xf32> to vector<16xi32>
        tpu.vector_store_idx %arg11[%parallel_loop3A_1893, %iota3A], %parallel_loop3A_1889 {add = true} : memref<10x16xi32, #tpu.memory_space<vmem>>[vector<16xi32>, vector<16xi32>], vector<16xi32>,
        tpu.vector_store_idx %arg15[%parallel_loop3A_1893, %iota3A], %parallel_loop3A_1875 {add = true} : memref<10x16xf32, #tpu.memory_space<vmem>>[vector<16xi32>, vector<16xi32>], vector<16xf32>,
        %parallel_loop3A_1894 = arith.constant 3 : i32
        %parallel_loop3A_1895 = arith.addi %parallel_loop3A_1815, %parallel_loop3A_1894 : i32
        %parallel_loop3A_1896 = arith.constant 16 : i32
        %parallel_loop3A_1897 = arith.muli %parallel_loop3A_1895, %parallel_loop3A_1896 : i32
        %parallel_loop3A_1898 = arith.constant 1 : i32
        %parallel_loop3A_1899 = arith.index_cast %parallel_loop3A_1898 : i32 to index
        %parallel_loop3A_1900 = arith.index_cast %parallel_loop3A_1897 : i32 to index
        %parallel_loop3A_1901 = tpu.vector_load %arg6[%parallel_loop3A_1899, %parallel_loop3A_1900] {strides = array<i32>} : memref<2x16384xf32, #tpu.memory_space<vmem>>, vector<16xf32>,
        %parallel_loop3A_1902 = arith.constant 1 : i32
        %parallel_loop3A_1903 = arith.index_cast %parallel_loop3A_1902 : i32 to index
        %parallel_loop3A_1904 = arith.index_cast %parallel_loop3A_1897 : i32 to index
        %parallel_loop3A_1905 = tpu.vector_load %arg7[%parallel_loop3A_1903, %parallel_loop3A_1904] {strides = array<i32>} : memref<2x16384xi32, #tpu.memory_space<vmem>>, vector<16xi32>,
        %parallel_loop3A_1906 = arith.constant 1 : i32
        %parallel_loop3A_1907 = arith.index_cast %parallel_loop3A_1906 : i32 to index
        %parallel_loop3A_1908 = arith.index_cast %parallel_loop3A_1897 : i32 to index
        %parallel_loop3A_1909 = tpu.vector_load %arg8[%parallel_loop3A_1907, %parallel_loop3A_1908] {strides = array<i32>} : memref<2x16384xi32, #tpu.memory_space<vmem>>, vector<16xi32>,
        %parallel_loop3A_1910 = arith.cmpi eq, %parallel_loop3A_1905, %parallel_loop3A_1909 : vector<16xi32>
        %parallel_loop3A_1911 = arith.constant 65537 : i32
        %parallel_loop3A_1912 = arith.constant 1 : i32
        %parallel_loop3A_1913 = vector.broadcast %parallel_loop3A_1911 : i32 to vector<16xi32>
        %parallel_loop3A_1914 = vector.broadcast %parallel_loop3A_1912 : i32 to vector<16xi32>
        %parallel_loop3A_1915 = arith.select %parallel_loop3A_1910, %parallel_loop3A_1913, %parallel_loop3A_1914 : vector<16xi1>, vector<16xi32>
        %parallel_loop3A_1916 = arith.constant 1.000000e+01 : f32
        %parallel_loop3A_1917 = vector.broadcast %parallel_loop3A_1916 : f32 to vector<16xf32>
        %parallel_loop3A_1918 = arith.mulf %parallel_loop3A_1901, %parallel_loop3A_1917 : vector<16xf32>
        %parallel_loop3A_1919 = arith.fptosi %parallel_loop3A_1918 : vector<16xf32> to vector<16xi32>
        tpu.vector_store_idx %arg12[%parallel_loop3A_1919, %iota3A], %parallel_loop3A_1915 {add = true} : memref<10x16xi32, #tpu.memory_space<vmem>>[vector<16xi32>, vector<16xi32>], vector<16xi32>,
        tpu.vector_store_idx %arg16[%parallel_loop3A_1919, %iota3A], %parallel_loop3A_1901 {add = true} : memref<10x16xf32, #tpu.memory_space<vmem>>[vector<16xi32>, vector<16xi32>], vector<16xf32>,
      } {sc.loop_unroll_factor = 16 : i64, sc.parallel_access}
    }
    %scan3A_357 = arith.constant 16 : i32
    %get3A = arith.constant 0 : i32
    %get3A_358 = arith.index_cast %get3A : i32 to index
    %get3A_359 = arith.constant 0 : index
    %get3A_360 = tpu.vector_load %arg9[%get3A_358, %get3A_359] {strides = array<i32>} : memref<10x16xi32, #tpu.memory_space<vmem>>, vector<16xi32>,
    %and3A = arith.constant 65535 : i32
    %and3A_361 = vector.broadcast %and3A : i32 to vector<16xi32>
    %and3A_362 = arith.andi %get3A_360, %and3A_361 : vector<16xi32>
    %convert_element_type3A = arith.sitofp %and3A_362 : vector<16xi32> to vector<16xf32>
    %reduce_sum3A = arith.constant true
    %reduce_sum3A_363 = vector.broadcast %reduce_sum3A : i1 to vector<16xi1>
    %reduce_sum3A_364 = tpu.scan <sum>, %convert_element_type3A masked %reduce_sum3A_363 : vector<16xf32>, vector<16xi1> -> vector<16xf32>
    %reduce_sum3A_365 = vector.extract %reduce_sum3A_364[15] : f32 from vector<16xf32>
    %add3A_366 = arith.constant 0.000000e+00 : f32
    %add3A_367 = arith.addf %add3A_366, %reduce_sum3A_365 : f32
    %shift_right_logical3A = arith.constant 16 : i32
    %shift_right_logical3A_368 = vector.broadcast %shift_right_logical3A : i32 to vector<16xi32>
    %shift_right_logical3A_369 = arith.shrui %get3A_360, %shift_right_logical3A_368 : vector<16xi32>
    %convert_element_type3A_370 = arith.sitofp %shift_right_logical3A_369 : vector<16xi32> to vector<16xf32>
    %reduce_sum3A_371 = arith.constant true
    %reduce_sum3A_372 = vector.broadcast %reduce_sum3A_371 : i1 to vector<16xi1>
    %reduce_sum3A_373 = tpu.scan <sum>, %convert_element_type3A_370 masked %reduce_sum3A_372 : vector<16xf32>, vector<16xi1> -> vector<16xf32>
    %reduce_sum3A_374 = vector.extract %reduce_sum3A_373[15] : f32 from vector<16xf32>
    %add3A_375 = arith.constant 0.000000e+00 : f32
    %add3A_376 = arith.addf %add3A_375, %reduce_sum3A_374 : f32
    %get3A_377 = arith.constant 0 : i32
    %get3A_378 = arith.index_cast %get3A_377 : i32 to index
    %get3A_379 = arith.constant 0 : index
    %get3A_380 = tpu.vector_load %arg13[%get3A_378, %get3A_379] {strides = array<i32>} : memref<10x16xf32, #tpu.memory_space<vmem>>, vector<16xf32>,
    %reduce_sum3A_381 = arith.constant true
    %reduce_sum3A_382 = vector.broadcast %reduce_sum3A_381 : i1 to vector<16xi1>
    %reduce_sum3A_383 = tpu.scan <sum>, %get3A_380 masked %reduce_sum3A_382 : vector<16xf32>, vector<16xi1> -> vector<16xf32>
    %reduce_sum3A_384 = vector.extract %reduce_sum3A_383[15] : f32 from vector<16xf32>
    %add3A_385 = arith.constant 0.000000e+00 : f32
    %add3A_386 = arith.addf %add3A_385, %reduce_sum3A_384 : f32
    %get3A_387 = arith.constant 0 : i32
    %get3A_388 = arith.index_cast %get3A_387 : i32 to index
    %get3A_389 = arith.constant 0 : index
    %get3A_390 = tpu.vector_load %arg10[%get3A_388, %get3A_389] {strides = array<i32>} : memref<10x16xi32, #tpu.memory_space<vmem>>, vector<16xi32>,
    %and3A_391 = arith.constant 65535 : i32
    %and3A_392 = vector.broadcast %and3A_391 : i32 to vector<16xi32>
    %and3A_393 = arith.andi %get3A_390, %and3A_392 : vector<16xi32>
    %convert_element_type3A_394 = arith.sitofp %and3A_393 : vector<16xi32> to vector<16xf32>
    %reduce_sum3A_395 = arith.constant true
    %reduce_sum3A_396 = vector.broadcast %reduce_sum3A_395 : i1 to vector<16xi1>
    %reduce_sum3A_397 = tpu.scan <sum>, %convert_element_type3A_394 masked %reduce_sum3A_396 : vector<16xf32>, vector<16xi1> -> vector<16xf32>
    %reduce_sum3A_398 = vector.extract %reduce_sum3A_397[15] : f32 from vector<16xf32>
    %add3A_399 = arith.addf %add3A_367, %reduce_sum3A_398 : f32
    %shift_right_logical3A_400 = arith.constant 16 : i32
    %shift_right_logical3A_401 = vector.broadcast %shift_right_logical3A_400 : i32 to vector<16xi32>
    %shift_right_logical3A_402 = arith.shrui %get3A_390, %shift_right_logical3A_401 : vector<16xi32>
    %convert_element_type3A_403 = arith.sitofp %shift_right_logical3A_402 : vector<16xi32> to vector<16xf32>
    %reduce_sum3A_404 = arith.constant true
    %reduce_sum3A_405 = vector.broadcast %reduce_sum3A_404 : i1 to vector<16xi1>
    %reduce_sum3A_406 = tpu.scan <sum>, %convert_element_type3A_403 masked %reduce_sum3A_405 : vector<16xf32>, vector<16xi1> -> vector<16xf32>
    %reduce_sum3A_407 = vector.extract %reduce_sum3A_406[15] : f32 from vector<16xf32>
    %add3A_408 = arith.addf %add3A_376, %reduce_sum3A_407 : f32
    %get3A_409 = arith.constant 0 : i32
    %get3A_410 = arith.index_cast %get3A_409 : i32 to index
    %get3A_411 = arith.constant 0 : index
    %get3A_412 = tpu.vector_load %arg14[%get3A_410, %get3A_411] {strides = array<i32>} : memref<10x16xf32, #tpu.memory_space<vmem>>, vector<16xf32>,
    %reduce_sum3A_413 = arith.constant true
    %reduce_sum3A_414 = vector.broadcast %reduce_sum3A_413 : i1 to vector<16xi1>
    %reduce_sum3A_415 = tpu.scan <sum>, %get3A_412 masked %reduce_sum3A_414 : vector<16xf32>, vector<16xi1> -> vector<16xf32>
    %reduce_sum3A_416 = vector.extract %reduce_sum3A_415[15] : f32 from vector<16xf32>
    %add3A_417 = arith.addf %add3A_386, %reduce_sum3A_416 : f32
    %get3A_418 = arith.constant 0 : i32
    %get3A_419 = arith.index_cast %get3A_418 : i32 to index
    %get3A_420 = arith.constant 0 : index
    %get3A_421 = tpu.vector_load %arg11[%get3A_419, %get3A_420] {strides = array<i32>} : memref<10x16xi32, #tpu.memory_space<vmem>>, vector<16xi32>,
    %and3A_422 = arith.constant 65535 : i32
    %and3A_423 = vector.broadcast %and3A_422 : i32 to vector<16xi32>
    %and3A_424 = arith.andi %get3A_421, %and3A_423 : vector<16xi32>
    %convert_element_type3A_425 = arith.sitofp %and3A_424 : vector<16xi32> to vector<16xf32>
    %reduce_sum3A_426 = arith.constant true
    %reduce_sum3A_427 = vector.broadcast %reduce_sum3A_426 : i1 to vector<16xi1>
    %reduce_sum3A_428 = tpu.scan <sum>, %convert_element_type3A_425 masked %reduce_sum3A_427 : vector<16xf32>, vector<16xi1> -> vector<16xf32>
    %reduce_sum3A_429 = vector.extract %reduce_sum3A_428[15] : f32 from vector<16xf32>
    %add3A_430 = arith.addf %add3A_399, %reduce_sum3A_429 : f32
    %shift_right_logical3A_431 = arith.constant 16 : i32
    %shift_right_logical3A_432 = vector.broadcast %shift_right_logical3A_431 : i32 to vector<16xi32>
    %shift_right_logical3A_433 = arith.shrui %get3A_421, %shift_right_logical3A_432 : vector<16xi32>
    %convert_element_type3A_434 = arith.sitofp %shift_right_logical3A_433 : vector<16xi32> to vector<16xf32>
    %reduce_sum3A_435 = arith.constant true
    %reduce_sum3A_436 = vector.broadcast %reduce_sum3A_435 : i1 to vector<16xi1>
    %reduce_sum3A_437 = tpu.scan <sum>, %convert_element_type3A_434 masked %reduce_sum3A_436 : vector<16xf32>, vector<16xi1> -> vector<16xf32>
    %reduce_sum3A_438 = vector.extract %reduce_sum3A_437[15] : f32 from vector<16xf32>
    %add3A_439 = arith.addf %add3A_408, %reduce_sum3A_438 : f32
    %get3A_440 = arith.constant 0 : i32
    %get3A_441 = arith.index_cast %get3A_440 : i32 to index
    %get3A_442 = arith.constant 0 : index
    %get3A_443 = tpu.vector_load %arg15[%get3A_441, %get3A_442] {strides = array<i32>} : memref<10x16xf32, #tpu.memory_space<vmem>>, vector<16xf32>,
    %reduce_sum3A_444 = arith.constant true
    %reduce_sum3A_445 = vector.broadcast %reduce_sum3A_444 : i1 to vector<16xi1>
    %reduce_sum3A_446 = tpu.scan <sum>, %get3A_443 masked %reduce_sum3A_445 : vector<16xf32>, vector<16xi1> -> vector<16xf32>
    %reduce_sum3A_447 = vector.extract %reduce_sum3A_446[15] : f32 from vector<16xf32>
    %add3A_448 = arith.addf %add3A_417, %reduce_sum3A_447 : f32
    %get3A_449 = arith.constant 0 : i32
    %get3A_450 = arith.index_cast %get3A_449 : i32 to index
    %get3A_451 = arith.constant 0 : index
    %get3A_452 = tpu.vector_load %arg12[%get3A_450, %get3A_451] {strides = array<i32>} : memref<10x16xi32, #tpu.memory_space<vmem>>, vector<16xi32>,
    %and3A_453 = arith.constant 65535 : i32
    %and3A_454 = vector.broadcast %and3A_453 : i32 to vector<16xi32>
    %and3A_455 = arith.andi %get3A_452, %and3A_454 : vector<16xi32>
    %convert_element_type3A_456 = arith.sitofp %and3A_455 : vector<16xi32> to vector<16xf32>
    %reduce_sum3A_457 = arith.constant true
    %reduce_sum3A_458 = vector.broadcast %reduce_sum3A_457 : i1 to vector<16xi1>
    %reduce_sum3A_459 = tpu.scan <sum>, %convert_element_type3A_456 masked %reduce_sum3A_458 : vector<16xf32>, vector<16xi1> -> vector<16xf32>
    %reduce_sum3A_460 = vector.extract %reduce_sum3A_459[15] : f32 from vector<16xf32>
    %add3A_461 = arith.addf %add3A_430, %reduce_sum3A_460 : f32
    %shift_right_logical3A_462 = arith.constant 16 : i32
    %shift_right_logical3A_463 = vector.broadcast %shift_right_logical3A_462 : i32 to vector<16xi32>
    %shift_right_logical3A_464 = arith.shrui %get3A_452, %shift_right_logical3A_463 : vector<16xi32>
    %convert_element_type3A_465 = arith.sitofp %shift_right_logical3A_464 : vector<16xi32> to vector<16xf32>
    %reduce_sum3A_466 = arith.constant true
    %reduce_sum3A_467 = vector.broadcast %reduce_sum3A_466 : i1 to vector<16xi1>
    %reduce_sum3A_468 = tpu.scan <sum>, %convert_element_type3A_465 masked %reduce_sum3A_467 : vector<16xf32>, vector<16xi1> -> vector<16xf32>
    %reduce_sum3A_469 = vector.extract %reduce_sum3A_468[15] : f32 from vector<16xf32>
    %add3A_470 = arith.addf %add3A_439, %reduce_sum3A_469 : f32
    %get3A_471 = arith.constant 0 : i32
    %get3A_472 = arith.index_cast %get3A_471 : i32 to index
    %get3A_473 = arith.constant 0 : index
    %get3A_474 = tpu.vector_load %arg16[%get3A_472, %get3A_473] {strides = array<i32>} : memref<10x16xf32, #tpu.memory_space<vmem>>, vector<16xf32>,
    %reduce_sum3A_475 = arith.constant true
    %reduce_sum3A_476 = vector.broadcast %reduce_sum3A_475 : i1 to vector<16xi1>
    %reduce_sum3A_477 = tpu.scan <sum>, %get3A_474 masked %reduce_sum3A_476 : vector<16xf32>, vector<16xi1> -> vector<16xf32>
    %reduce_sum3A_478 = vector.extract %reduce_sum3A_477[15] : f32 from vector<16xf32>
    %add3A_479 = arith.addf %add3A_448, %reduce_sum3A_478 : f32
    %eq3A = arith.constant 0 : i32
    %eq3A_480 = vector.broadcast %eq3A : i32 to vector<16xi32>
    %eq3A_481 = arith.cmpi eq, %iota3A, %eq3A_480 : vector<16xi32>
    %broadcast_in_dim3A_482 = vector.broadcast %add3A_461 : f32 to vector<16xf32>
    %select_n3A = arith.select %eq3A_481, %broadcast_in_dim3A_482, %broadcast_in_dim3A_3 : vector<16xi1>, vector<16xf32>
    %broadcast_in_dim3A_483 = vector.broadcast %add3A_470 : f32 to vector<16xf32>
    %select_n3A_484 = arith.select %eq3A_481, %broadcast_in_dim3A_483, %broadcast_in_dim3A_3 : vector<16xi1>, vector<16xf32>
    %broadcast_in_dim3A_485 = vector.broadcast %add3A_479 : f32 to vector<16xf32>
    %select_n3A_486 = arith.select %eq3A_481, %broadcast_in_dim3A_485, %broadcast_in_dim3A_3 : vector<16xi1>, vector<16xf32>
    %get3A_487 = arith.constant 1 : i32
    %get3A_488 = arith.index_cast %get3A_487 : i32 to index
    %get3A_489 = arith.constant 0 : index
    %get3A_490 = tpu.vector_load %arg9[%get3A_488, %get3A_489] {strides = array<i32>} : memref<10x16xi32, #tpu.memory_space<vmem>>, vector<16xi32>,
    %and3A_491 = arith.constant 65535 : i32
    %and3A_492 = vector.broadcast %and3A_491 : i32 to vector<16xi32>
    %and3A_493 = arith.andi %get3A_490, %and3A_492 : vector<16xi32>
    %convert_element_type3A_494 = arith.sitofp %and3A_493 : vector<16xi32> to vector<16xf32>
    %reduce_sum3A_495 = arith.constant true
    %reduce_sum3A_496 = vector.broadcast %reduce_sum3A_495 : i1 to vector<16xi1>
    %reduce_sum3A_497 = tpu.scan <sum>, %convert_element_type3A_494 masked %reduce_sum3A_496 : vector<16xf32>, vector<16xi1> -> vector<16xf32>
    %reduce_sum3A_498 = vector.extract %reduce_sum3A_497[15] : f32 from vector<16xf32>
    %add3A_499 = arith.constant 0.000000e+00 : f32
    %add3A_500 = arith.addf %add3A_499, %reduce_sum3A_498 : f32
    %shift_right_logical3A_501 = arith.constant 16 : i32
    %shift_right_logical3A_502 = vector.broadcast %shift_right_logical3A_501 : i32 to vector<16xi32>
    %shift_right_logical3A_503 = arith.shrui %get3A_490, %shift_right_logical3A_502 : vector<16xi32>
    %convert_element_type3A_504 = arith.sitofp %shift_right_logical3A_503 : vector<16xi32> to vector<16xf32>
    %reduce_sum3A_505 = arith.constant true
    %reduce_sum3A_506 = vector.broadcast %reduce_sum3A_505 : i1 to vector<16xi1>
    %reduce_sum3A_507 = tpu.scan <sum>, %convert_element_type3A_504 masked %reduce_sum3A_506 : vector<16xf32>, vector<16xi1> -> vector<16xf32>
    %reduce_sum3A_508 = vector.extract %reduce_sum3A_507[15] : f32 from vector<16xf32>
    %add3A_509 = arith.constant 0.000000e+00 : f32
    %add3A_510 = arith.addf %add3A_509, %reduce_sum3A_508 : f32
    %get3A_511 = arith.constant 1 : i32
    %get3A_512 = arith.index_cast %get3A_511 : i32 to index
    %get3A_513 = arith.constant 0 : index
    %get3A_514 = tpu.vector_load %arg13[%get3A_512, %get3A_513] {strides = array<i32>} : memref<10x16xf32, #tpu.memory_space<vmem>>, vector<16xf32>,
    %reduce_sum3A_515 = arith.constant true
    %reduce_sum3A_516 = vector.broadcast %reduce_sum3A_515 : i1 to vector<16xi1>
    %reduce_sum3A_517 = tpu.scan <sum>, %get3A_514 masked %reduce_sum3A_516 : vector<16xf32>, vector<16xi1> -> vector<16xf32>
    %reduce_sum3A_518 = vector.extract %reduce_sum3A_517[15] : f32 from vector<16xf32>
    %add3A_519 = arith.constant 0.000000e+00 : f32
    %add3A_520 = arith.addf %add3A_519, %reduce_sum3A_518 : f32
    %get3A_521 = arith.constant 1 : i32
    %get3A_522 = arith.index_cast %get3A_521 : i32 to index
    %get3A_523 = arith.constant 0 : index
    %get3A_524 = tpu.vector_load %arg10[%get3A_522, %get3A_523] {strides = array<i32>} : memref<10x16xi32, #tpu.memory_space<vmem>>, vector<16xi32>,
    %and3A_525 = arith.constant 65535 : i32
    %and3A_526 = vector.broadcast %and3A_525 : i32 to vector<16xi32>
    %and3A_527 = arith.andi %get3A_524, %and3A_526 : vector<16xi32>
    %convert_element_type3A_528 = arith.sitofp %and3A_527 : vector<16xi32> to vector<16xf32>
    %reduce_sum3A_529 = arith.constant true
    %reduce_sum3A_530 = vector.broadcast %reduce_sum3A_529 : i1 to vector<16xi1>
    %reduce_sum3A_531 = tpu.scan <sum>, %convert_element_type3A_528 masked %reduce_sum3A_530 : vector<16xf32>, vector<16xi1> -> vector<16xf32>
    %reduce_sum3A_532 = vector.extract %reduce_sum3A_531[15] : f32 from vector<16xf32>
    %add3A_533 = arith.addf %add3A_500, %reduce_sum3A_532 : f32
    %shift_right_logical3A_534 = arith.constant 16 : i32
    %shift_right_logical3A_535 = vector.broadcast %shift_right_logical3A_534 : i32 to vector<16xi32>
    %shift_right_logical3A_536 = arith.shrui %get3A_524, %shift_right_logical3A_535 : vector<16xi32>
    %convert_element_type3A_537 = arith.sitofp %shift_right_logical3A_536 : vector<16xi32> to vector<16xf32>
    %reduce_sum3A_538 = arith.constant true
    %reduce_sum3A_539 = vector.broadcast %reduce_sum3A_538 : i1 to vector<16xi1>
    %reduce_sum3A_540 = tpu.scan <sum>, %convert_element_type3A_537 masked %reduce_sum3A_539 : vector<16xf32>, vector<16xi1> -> vector<16xf32>
    %reduce_sum3A_541 = vector.extract %reduce_sum3A_540[15] : f32 from vector<16xf32>
    %add3A_542 = arith.addf %add3A_510, %reduce_sum3A_541 : f32
    %get3A_543 = arith.constant 1 : i32
    %get3A_544 = arith.index_cast %get3A_543 : i32 to index
    %get3A_545 = arith.constant 0 : index
    %get3A_546 = tpu.vector_load %arg14[%get3A_544, %get3A_545] {strides = array<i32>} : memref<10x16xf32, #tpu.memory_space<vmem>>, vector<16xf32>,
    %reduce_sum3A_547 = arith.constant true
    %reduce_sum3A_548 = vector.broadcast %reduce_sum3A_547 : i1 to vector<16xi1>
    %reduce_sum3A_549 = tpu.scan <sum>, %get3A_546 masked %reduce_sum3A_548 : vector<16xf32>, vector<16xi1> -> vector<16xf32>
    %reduce_sum3A_550 = vector.extract %reduce_sum3A_549[15] : f32 from vector<16xf32>
    %add3A_551 = arith.addf %add3A_520, %reduce_sum3A_550 : f32
    %get3A_552 = arith.constant 1 : i32
    %get3A_553 = arith.index_cast %get3A_552 : i32 to index
    %get3A_554 = arith.constant 0 : index
    %get3A_555 = tpu.vector_load %arg11[%get3A_553, %get3A_554] {strides = array<i32>} : memref<10x16xi32, #tpu.memory_space<vmem>>, vector<16xi32>,
    %and3A_556 = arith.constant 65535 : i32
    %and3A_557 = vector.broadcast %and3A_556 : i32 to vector<16xi32>
    %and3A_558 = arith.andi %get3A_555, %and3A_557 : vector<16xi32>
    %convert_element_type3A_559 = arith.sitofp %and3A_558 : vector<16xi32> to vector<16xf32>
    %reduce_sum3A_560 = arith.constant true
    %reduce_sum3A_561 = vector.broadcast %reduce_sum3A_560 : i1 to vector<16xi1>
    %reduce_sum3A_562 = tpu.scan <sum>, %convert_element_type3A_559 masked %reduce_sum3A_561 : vector<16xf32>, vector<16xi1> -> vector<16xf32>
    %reduce_sum3A_563 = vector.extract %reduce_sum3A_562[15] : f32 from vector<16xf32>
    %add3A_564 = arith.addf %add3A_533, %reduce_sum3A_563 : f32
    %shift_right_logical3A_565 = arith.constant 16 : i32
    %shift_right_logical3A_566 = vector.broadcast %shift_right_logical3A_565 : i32 to vector<16xi32>
    %shift_right_logical3A_567 = arith.shrui %get3A_555, %shift_right_logical3A_566 : vector<16xi32>
    %convert_element_type3A_568 = arith.sitofp %shift_right_logical3A_567 : vector<16xi32> to vector<16xf32>
    %reduce_sum3A_569 = arith.constant true
    %reduce_sum3A_570 = vector.broadcast %reduce_sum3A_569 : i1 to vector<16xi1>
    %reduce_sum3A_571 = tpu.scan <sum>, %convert_element_type3A_568 masked %reduce_sum3A_570 : vector<16xf32>, vector<16xi1> -> vector<16xf32>
    %reduce_sum3A_572 = vector.extract %reduce_sum3A_571[15] : f32 from vector<16xf32>
    %add3A_573 = arith.addf %add3A_542, %reduce_sum3A_572 : f32
    %get3A_574 = arith.constant 1 : i32
    %get3A_575 = arith.index_cast %get3A_574 : i32 to index
    %get3A_576 = arith.constant 0 : index
    %get3A_577 = tpu.vector_load %arg15[%get3A_575, %get3A_576] {strides = array<i32>} : memref<10x16xf32, #tpu.memory_space<vmem>>, vector<16xf32>,
    %reduce_sum3A_578 = arith.constant true
    %reduce_sum3A_579 = vector.broadcast %reduce_sum3A_578 : i1 to vector<16xi1>
    %reduce_sum3A_580 = tpu.scan <sum>, %get3A_577 masked %reduce_sum3A_579 : vector<16xf32>, vector<16xi1> -> vector<16xf32>
    %reduce_sum3A_581 = vector.extract %reduce_sum3A_580[15] : f32 from vector<16xf32>
    %add3A_582 = arith.addf %add3A_551, %reduce_sum3A_581 : f32
    %get3A_583 = arith.constant 1 : i32
    %get3A_584 = arith.index_cast %get3A_583 : i32 to index
    %get3A_585 = arith.constant 0 : index
    %get3A_586 = tpu.vector_load %arg12[%get3A_584, %get3A_585] {strides = array<i32>} : memref<10x16xi32, #tpu.memory_space<vmem>>, vector<16xi32>,
    %and3A_587 = arith.constant 65535 : i32
    %and3A_588 = vector.broadcast %and3A_587 : i32 to vector<16xi32>
    %and3A_589 = arith.andi %get3A_586, %and3A_588 : vector<16xi32>
    %convert_element_type3A_590 = arith.sitofp %and3A_589 : vector<16xi32> to vector<16xf32>
    %reduce_sum3A_591 = arith.constant true
    %reduce_sum3A_592 = vector.broadcast %reduce_sum3A_591 : i1 to vector<16xi1>
    %reduce_sum3A_593 = tpu.scan <sum>, %convert_element_type3A_590 masked %reduce_sum3A_592 : vector<16xf32>, vector<16xi1> -> vector<16xf32>
    %reduce_sum3A_594 = vector.extract %reduce_sum3A_593[15] : f32 from vector<16xf32>
    %add3A_595 = arith.addf %add3A_564, %reduce_sum3A_594 : f32
    %shift_right_logical3A_596 = arith.constant 16 : i32
    %shift_right_logical3A_597 = vector.broadcast %shift_right_logical3A_596 : i32 to vector<16xi32>
    %shift_right_logical3A_598 = arith.shrui %get3A_586, %shift_right_logical3A_597 : vector<16xi32>
    %convert_element_type3A_599 = arith.sitofp %shift_right_logical3A_598 : vector<16xi32> to vector<16xf32>
    %reduce_sum3A_600 = arith.constant true
    %reduce_sum3A_601 = vector.broadcast %reduce_sum3A_600 : i1 to vector<16xi1>
    %reduce_sum3A_602 = tpu.scan <sum>, %convert_element_type3A_599 masked %reduce_sum3A_601 : vector<16xf32>, vector<16xi1> -> vector<16xf32>
    %reduce_sum3A_603 = vector.extract %reduce_sum3A_602[15] : f32 from vector<16xf32>
    %add3A_604 = arith.addf %add3A_573, %reduce_sum3A_603 : f32
    %get3A_605 = arith.constant 1 : i32
    %get3A_606 = arith.index_cast %get3A_605 : i32 to index
    %get3A_607 = arith.constant 0 : index
    %get3A_608 = tpu.vector_load %arg16[%get3A_606, %get3A_607] {strides = array<i32>} : memref<10x16xf32, #tpu.memory_space<vmem>>, vector<16xf32>,
    %reduce_sum3A_609 = arith.constant true
    %reduce_sum3A_610 = vector.broadcast %reduce_sum3A_609 : i1 to vector<16xi1>
    %reduce_sum3A_611 = tpu.scan <sum>, %get3A_608 masked %reduce_sum3A_610 : vector<16xf32>, vector<16xi1> -> vector<16xf32>
    %reduce_sum3A_612 = vector.extract %reduce_sum3A_611[15] : f32 from vector<16xf32>
    %add3A_613 = arith.addf %add3A_582, %reduce_sum3A_612 : f32
    %eq3A_614 = arith.constant 1 : i32
    %eq3A_615 = vector.broadcast %eq3A_614 : i32 to vector<16xi32>
    %eq3A_616 = arith.cmpi eq, %iota3A, %eq3A_615 : vector<16xi32>
    %broadcast_in_dim3A_617 = vector.broadcast %add3A_595 : f32 to vector<16xf32>
    %select_n3A_618 = arith.select %eq3A_616, %broadcast_in_dim3A_617, %select_n3A : vector<16xi1>, vector<16xf32>
    %broadcast_in_dim3A_619 = vector.broadcast %add3A_604 : f32 to vector<16xf32>
    %select_n3A_620 = arith.select %eq3A_616, %broadcast_in_dim3A_619, %select_n3A_484 : vector<16xi1>, vector<16xf32>
    %broadcast_in_dim3A_621 = vector.broadcast %add3A_613 : f32 to vector<16xf32>
    %select_n3A_622 = arith.select %eq3A_616, %broadcast_in_dim3A_621, %select_n3A_486 : vector<16xi1>, vector<16xf32>
    %get3A_623 = arith.constant 2 : i32
    %get3A_624 = arith.index_cast %get3A_623 : i32 to index
    %get3A_625 = arith.constant 0 : index
    %get3A_626 = tpu.vector_load %arg9[%get3A_624, %get3A_625] {strides = array<i32>} : memref<10x16xi32, #tpu.memory_space<vmem>>, vector<16xi32>,
    %and3A_627 = arith.constant 65535 : i32
    %and3A_628 = vector.broadcast %and3A_627 : i32 to vector<16xi32>
    %and3A_629 = arith.andi %get3A_626, %and3A_628 : vector<16xi32>
    %convert_element_type3A_630 = arith.sitofp %and3A_629 : vector<16xi32> to vector<16xf32>
    %reduce_sum3A_631 = arith.constant true
    %reduce_sum3A_632 = vector.broadcast %reduce_sum3A_631 : i1 to vector<16xi1>
    %reduce_sum3A_633 = tpu.scan <sum>, %convert_element_type3A_630 masked %reduce_sum3A_632 : vector<16xf32>, vector<16xi1> -> vector<16xf32>
    %reduce_sum3A_634 = vector.extract %reduce_sum3A_633[15] : f32 from vector<16xf32>
    %add3A_635 = arith.constant 0.000000e+00 : f32
    %add3A_636 = arith.addf %add3A_635, %reduce_sum3A_634 : f32
    %shift_right_logical3A_637 = arith.constant 16 : i32
    %shift_right_logical3A_638 = vector.broadcast %shift_right_logical3A_637 : i32 to vector<16xi32>
    %shift_right_logical3A_639 = arith.shrui %get3A_626, %shift_right_logical3A_638 : vector<16xi32>
    %convert_element_type3A_640 = arith.sitofp %shift_right_logical3A_639 : vector<16xi32> to vector<16xf32>
    %reduce_sum3A_641 = arith.constant true
    %reduce_sum3A_642 = vector.broadcast %reduce_sum3A_641 : i1 to vector<16xi1>
    %reduce_sum3A_643 = tpu.scan <sum>, %convert_element_type3A_640 masked %reduce_sum3A_642 : vector<16xf32>, vector<16xi1> -> vector<16xf32>
    %reduce_sum3A_644 = vector.extract %reduce_sum3A_643[15] : f32 from vector<16xf32>
    %add3A_645 = arith.constant 0.000000e+00 : f32
    %add3A_646 = arith.addf %add3A_645, %reduce_sum3A_644 : f32
    %get3A_647 = arith.constant 2 : i32
    %get3A_648 = arith.index_cast %get3A_647 : i32 to index
    %get3A_649 = arith.constant 0 : index
    %get3A_650 = tpu.vector_load %arg13[%get3A_648, %get3A_649] {strides = array<i32>} : memref<10x16xf32, #tpu.memory_space<vmem>>, vector<16xf32>,
    %reduce_sum3A_651 = arith.constant true
    %reduce_sum3A_652 = vector.broadcast %reduce_sum3A_651 : i1 to vector<16xi1>
    %reduce_sum3A_653 = tpu.scan <sum>, %get3A_650 masked %reduce_sum3A_652 : vector<16xf32>, vector<16xi1> -> vector<16xf32>
    %reduce_sum3A_654 = vector.extract %reduce_sum3A_653[15] : f32 from vector<16xf32>
    %add3A_655 = arith.constant 0.000000e+00 : f32
    %add3A_656 = arith.addf %add3A_655, %reduce_sum3A_654 : f32
    %get3A_657 = arith.constant 2 : i32
    %get3A_658 = arith.index_cast %get3A_657 : i32 to index
    %get3A_659 = arith.constant 0 : index
    %get3A_660 = tpu.vector_load %arg10[%get3A_658, %get3A_659] {strides = array<i32>} : memref<10x16xi32, #tpu.memory_space<vmem>>, vector<16xi32>,
    %and3A_661 = arith.constant 65535 : i32
    %and3A_662 = vector.broadcast %and3A_661 : i32 to vector<16xi32>
    %and3A_663 = arith.andi %get3A_660, %and3A_662 : vector<16xi32>
    %convert_element_type3A_664 = arith.sitofp %and3A_663 : vector<16xi32> to vector<16xf32>
    %reduce_sum3A_665 = arith.constant true
    %reduce_sum3A_666 = vector.broadcast %reduce_sum3A_665 : i1 to vector<16xi1>
    %reduce_sum3A_667 = tpu.scan <sum>, %convert_element_type3A_664 masked %reduce_sum3A_666 : vector<16xf32>, vector<16xi1> -> vector<16xf32>
    %reduce_sum3A_668 = vector.extract %reduce_sum3A_667[15] : f32 from vector<16xf32>
    %add3A_669 = arith.addf %add3A_636, %reduce_sum3A_668 : f32
    %shift_right_logical3A_670 = arith.constant 16 : i32
    %shift_right_logical3A_671 = vector.broadcast %shift_right_logical3A_670 : i32 to vector<16xi32>
    %shift_right_logical3A_672 = arith.shrui %get3A_660, %shift_right_logical3A_671 : vector<16xi32>
    %convert_element_type3A_673 = arith.sitofp %shift_right_logical3A_672 : vector<16xi32> to vector<16xf32>
    %reduce_sum3A_674 = arith.constant true
    %reduce_sum3A_675 = vector.broadcast %reduce_sum3A_674 : i1 to vector<16xi1>
    %reduce_sum3A_676 = tpu.scan <sum>, %convert_element_type3A_673 masked %reduce_sum3A_675 : vector<16xf32>, vector<16xi1> -> vector<16xf32>
    %reduce_sum3A_677 = vector.extract %reduce_sum3A_676[15] : f32 from vector<16xf32>
    %add3A_678 = arith.addf %add3A_646, %reduce_sum3A_677 : f32
    %get3A_679 = arith.constant 2 : i32
    %get3A_680 = arith.index_cast %get3A_679 : i32 to index
    %get3A_681 = arith.constant 0 : index
    %get3A_682 = tpu.vector_load %arg14[%get3A_680, %get3A_681] {strides = array<i32>} : memref<10x16xf32, #tpu.memory_space<vmem>>, vector<16xf32>,
    %reduce_sum3A_683 = arith.constant true
    %reduce_sum3A_684 = vector.broadcast %reduce_sum3A_683 : i1 to vector<16xi1>
    %reduce_sum3A_685 = tpu.scan <sum>, %get3A_682 masked %reduce_sum3A_684 : vector<16xf32>, vector<16xi1> -> vector<16xf32>
    %reduce_sum3A_686 = vector.extract %reduce_sum3A_685[15] : f32 from vector<16xf32>
    %add3A_687 = arith.addf %add3A_656, %reduce_sum3A_686 : f32
    %get3A_688 = arith.constant 2 : i32
    %get3A_689 = arith.index_cast %get3A_688 : i32 to index
    %get3A_690 = arith.constant 0 : index
    %get3A_691 = tpu.vector_load %arg11[%get3A_689, %get3A_690] {strides = array<i32>} : memref<10x16xi32, #tpu.memory_space<vmem>>, vector<16xi32>,
    %and3A_692 = arith.constant 65535 : i32
    %and3A_693 = vector.broadcast %and3A_692 : i32 to vector<16xi32>
    %and3A_694 = arith.andi %get3A_691, %and3A_693 : vector<16xi32>
    %convert_element_type3A_695 = arith.sitofp %and3A_694 : vector<16xi32> to vector<16xf32>
    %reduce_sum3A_696 = arith.constant true
    %reduce_sum3A_697 = vector.broadcast %reduce_sum3A_696 : i1 to vector<16xi1>
    %reduce_sum3A_698 = tpu.scan <sum>, %convert_element_type3A_695 masked %reduce_sum3A_697 : vector<16xf32>, vector<16xi1> -> vector<16xf32>
    %reduce_sum3A_699 = vector.extract %reduce_sum3A_698[15] : f32 from vector<16xf32>
    %add3A_700 = arith.addf %add3A_669, %reduce_sum3A_699 : f32
    %shift_right_logical3A_701 = arith.constant 16 : i32
    %shift_right_logical3A_702 = vector.broadcast %shift_right_logical3A_701 : i32 to vector<16xi32>
    %shift_right_logical3A_703 = arith.shrui %get3A_691, %shift_right_logical3A_702 : vector<16xi32>
    %convert_element_type3A_704 = arith.sitofp %shift_right_logical3A_703 : vector<16xi32> to vector<16xf32>
    %reduce_sum3A_705 = arith.constant true
    %reduce_sum3A_706 = vector.broadcast %reduce_sum3A_705 : i1 to vector<16xi1>
    %reduce_sum3A_707 = tpu.scan <sum>, %convert_element_type3A_704 masked %reduce_sum3A_706 : vector<16xf32>, vector<16xi1> -> vector<16xf32>
    %reduce_sum3A_708 = vector.extract %reduce_sum3A_707[15] : f32 from vector<16xf32>
    %add3A_709 = arith.addf %add3A_678, %reduce_sum3A_708 : f32
    %get3A_710 = arith.constant 2 : i32
    %get3A_711 = arith.index_cast %get3A_710 : i32 to index
    %get3A_712 = arith.constant 0 : index
    %get3A_713 = tpu.vector_load %arg15[%get3A_711, %get3A_712] {strides = array<i32>} : memref<10x16xf32, #tpu.memory_space<vmem>>, vector<16xf32>,
    %reduce_sum3A_714 = arith.constant true
    %reduce_sum3A_715 = vector.broadcast %reduce_sum3A_714 : i1 to vector<16xi1>
    %reduce_sum3A_716 = tpu.scan <sum>, %get3A_713 masked %reduce_sum3A_715 : vector<16xf32>, vector<16xi1> -> vector<16xf32>
    %reduce_sum3A_717 = vector.extract %reduce_sum3A_716[15] : f32 from vector<16xf32>
    %add3A_718 = arith.addf %add3A_687, %reduce_sum3A_717 : f32
    %get3A_719 = arith.constant 2 : i32
    %get3A_720 = arith.index_cast %get3A_719 : i32 to index
    %get3A_721 = arith.constant 0 : index
    %get3A_722 = tpu.vector_load %arg12[%get3A_720, %get3A_721] {strides = array<i32>} : memref<10x16xi32, #tpu.memory_space<vmem>>, vector<16xi32>,
    %and3A_723 = arith.constant 65535 : i32
    %and3A_724 = vector.broadcast %and3A_723 : i32 to vector<16xi32>
    %and3A_725 = arith.andi %get3A_722, %and3A_724 : vector<16xi32>
    %convert_element_type3A_726 = arith.sitofp %and3A_725 : vector<16xi32> to vector<16xf32>
    %reduce_sum3A_727 = arith.constant true
    %reduce_sum3A_728 = vector.broadcast %reduce_sum3A_727 : i1 to vector<16xi1>
    %reduce_sum3A_729 = tpu.scan <sum>, %convert_element_type3A_726 masked %reduce_sum3A_728 : vector<16xf32>, vector<16xi1> -> vector<16xf32>
    %reduce_sum3A_730 = vector.extract %reduce_sum3A_729[15] : f32 from vector<16xf32>
    %add3A_731 = arith.addf %add3A_700, %reduce_sum3A_730 : f32
    %shift_right_logical3A_732 = arith.constant 16 : i32
    %shift_right_logical3A_733 = vector.broadcast %shift_right_logical3A_732 : i32 to vector<16xi32>
    %shift_right_logical3A_734 = arith.shrui %get3A_722, %shift_right_logical3A_733 : vector<16xi32>
    %convert_element_type3A_735 = arith.sitofp %shift_right_logical3A_734 : vector<16xi32> to vector<16xf32>
    %reduce_sum3A_736 = arith.constant true
    %reduce_sum3A_737 = vector.broadcast %reduce_sum3A_736 : i1 to vector<16xi1>
    %reduce_sum3A_738 = tpu.scan <sum>, %convert_element_type3A_735 masked %reduce_sum3A_737 : vector<16xf32>, vector<16xi1> -> vector<16xf32>
    %reduce_sum3A_739 = vector.extract %reduce_sum3A_738[15] : f32 from vector<16xf32>
    %add3A_740 = arith.addf %add3A_709, %reduce_sum3A_739 : f32
    %get3A_741 = arith.constant 2 : i32
    %get3A_742 = arith.index_cast %get3A_741 : i32 to index
    %get3A_743 = arith.constant 0 : index
    %get3A_744 = tpu.vector_load %arg16[%get3A_742, %get3A_743] {strides = array<i32>} : memref<10x16xf32, #tpu.memory_space<vmem>>, vector<16xf32>,
    %reduce_sum3A_745 = arith.constant true
    %reduce_sum3A_746 = vector.broadcast %reduce_sum3A_745 : i1 to vector<16xi1>
    %reduce_sum3A_747 = tpu.scan <sum>, %get3A_744 masked %reduce_sum3A_746 : vector<16xf32>, vector<16xi1> -> vector<16xf32>
    %reduce_sum3A_748 = vector.extract %reduce_sum3A_747[15] : f32 from vector<16xf32>
    %add3A_749 = arith.addf %add3A_718, %reduce_sum3A_748 : f32
    %eq3A_750 = arith.constant 2 : i32
    %eq3A_751 = vector.broadcast %eq3A_750 : i32 to vector<16xi32>
    %eq3A_752 = arith.cmpi eq, %iota3A, %eq3A_751 : vector<16xi32>
    %broadcast_in_dim3A_753 = vector.broadcast %add3A_731 : f32 to vector<16xf32>
    %select_n3A_754 = arith.select %eq3A_752, %broadcast_in_dim3A_753, %select_n3A_618 : vector<16xi1>, vector<16xf32>
    %broadcast_in_dim3A_755 = vector.broadcast %add3A_740 : f32 to vector<16xf32>
    %select_n3A_756 = arith.select %eq3A_752, %broadcast_in_dim3A_755, %select_n3A_620 : vector<16xi1>, vector<16xf32>
    %broadcast_in_dim3A_757 = vector.broadcast %add3A_749 : f32 to vector<16xf32>
    %select_n3A_758 = arith.select %eq3A_752, %broadcast_in_dim3A_757, %select_n3A_622 : vector<16xi1>, vector<16xf32>
    %get3A_759 = arith.constant 3 : i32
    %get3A_760 = arith.index_cast %get3A_759 : i32 to index
    %get3A_761 = arith.constant 0 : index
    %get3A_762 = tpu.vector_load %arg9[%get3A_760, %get3A_761] {strides = array<i32>} : memref<10x16xi32, #tpu.memory_space<vmem>>, vector<16xi32>,
    %and3A_763 = arith.constant 65535 : i32
    %and3A_764 = vector.broadcast %and3A_763 : i32 to vector<16xi32>
    %and3A_765 = arith.andi %get3A_762, %and3A_764 : vector<16xi32>
    %convert_element_type3A_766 = arith.sitofp %and3A_765 : vector<16xi32> to vector<16xf32>
    %reduce_sum3A_767 = arith.constant true
    %reduce_sum3A_768 = vector.broadcast %reduce_sum3A_767 : i1 to vector<16xi1>
    %reduce_sum3A_769 = tpu.scan <sum>, %convert_element_type3A_766 masked %reduce_sum3A_768 : vector<16xf32>, vector<16xi1> -> vector<16xf32>
    %reduce_sum3A_770 = vector.extract %reduce_sum3A_769[15] : f32 from vector<16xf32>
    %add3A_771 = arith.constant 0.000000e+00 : f32
    %add3A_772 = arith.addf %add3A_771, %reduce_sum3A_770 : f32
    %shift_right_logical3A_773 = arith.constant 16 : i32
    %shift_right_logical3A_774 = vector.broadcast %shift_right_logical3A_773 : i32 to vector<16xi32>
    %shift_right_logical3A_775 = arith.shrui %get3A_762, %shift_right_logical3A_774 : vector<16xi32>
    %convert_element_type3A_776 = arith.sitofp %shift_right_logical3A_775 : vector<16xi32> to vector<16xf32>
    %reduce_sum3A_777 = arith.constant true
    %reduce_sum3A_778 = vector.broadcast %reduce_sum3A_777 : i1 to vector<16xi1>
    %reduce_sum3A_779 = tpu.scan <sum>, %convert_element_type3A_776 masked %reduce_sum3A_778 : vector<16xf32>, vector<16xi1> -> vector<16xf32>
    %reduce_sum3A_780 = vector.extract %reduce_sum3A_779[15] : f32 from vector<16xf32>
    %add3A_781 = arith.constant 0.000000e+00 : f32
    %add3A_782 = arith.addf %add3A_781, %reduce_sum3A_780 : f32
    %get3A_783 = arith.constant 3 : i32
    %get3A_784 = arith.index_cast %get3A_783 : i32 to index
    %get3A_785 = arith.constant 0 : index
    %get3A_786 = tpu.vector_load %arg13[%get3A_784, %get3A_785] {strides = array<i32>} : memref<10x16xf32, #tpu.memory_space<vmem>>, vector<16xf32>,
    %reduce_sum3A_787 = arith.constant true
    %reduce_sum3A_788 = vector.broadcast %reduce_sum3A_787 : i1 to vector<16xi1>
    %reduce_sum3A_789 = tpu.scan <sum>, %get3A_786 masked %reduce_sum3A_788 : vector<16xf32>, vector<16xi1> -> vector<16xf32>
    %reduce_sum3A_790 = vector.extract %reduce_sum3A_789[15] : f32 from vector<16xf32>
    %add3A_791 = arith.constant 0.000000e+00 : f32
    %add3A_792 = arith.addf %add3A_791, %reduce_sum3A_790 : f32
    %get3A_793 = arith.constant 3 : i32
    %get3A_794 = arith.index_cast %get3A_793 : i32 to index
    %get3A_795 = arith.constant 0 : index
    %get3A_796 = tpu.vector_load %arg10[%get3A_794, %get3A_795] {strides = array<i32>} : memref<10x16xi32, #tpu.memory_space<vmem>>, vector<16xi32>,
    %and3A_797 = arith.constant 65535 : i32
    %and3A_798 = vector.broadcast %and3A_797 : i32 to vector<16xi32>
    %and3A_799 = arith.andi %get3A_796, %and3A_798 : vector<16xi32>
    %convert_element_type3A_800 = arith.sitofp %and3A_799 : vector<16xi32> to vector<16xf32>
    %reduce_sum3A_801 = arith.constant true
    %reduce_sum3A_802 = vector.broadcast %reduce_sum3A_801 : i1 to vector<16xi1>
    %reduce_sum3A_803 = tpu.scan <sum>, %convert_element_type3A_800 masked %reduce_sum3A_802 : vector<16xf32>, vector<16xi1> -> vector<16xf32>
    %reduce_sum3A_804 = vector.extract %reduce_sum3A_803[15] : f32 from vector<16xf32>
    %add3A_805 = arith.addf %add3A_772, %reduce_sum3A_804 : f32
    %shift_right_logical3A_806 = arith.constant 16 : i32
    %shift_right_logical3A_807 = vector.broadcast %shift_right_logical3A_806 : i32 to vector<16xi32>
    %shift_right_logical3A_808 = arith.shrui %get3A_796, %shift_right_logical3A_807 : vector<16xi32>
    %convert_element_type3A_809 = arith.sitofp %shift_right_logical3A_808 : vector<16xi32> to vector<16xf32>
    %reduce_sum3A_810 = arith.constant true
    %reduce_sum3A_811 = vector.broadcast %reduce_sum3A_810 : i1 to vector<16xi1>
    %reduce_sum3A_812 = tpu.scan <sum>, %convert_element_type3A_809 masked %reduce_sum3A_811 : vector<16xf32>, vector<16xi1> -> vector<16xf32>
    %reduce_sum3A_813 = vector.extract %reduce_sum3A_812[15] : f32 from vector<16xf32>
    %add3A_814 = arith.addf %add3A_782, %reduce_sum3A_813 : f32
    %get3A_815 = arith.constant 3 : i32
    %get3A_816 = arith.index_cast %get3A_815 : i32 to index
    %get3A_817 = arith.constant 0 : index
    %get3A_818 = tpu.vector_load %arg14[%get3A_816, %get3A_817] {strides = array<i32>} : memref<10x16xf32, #tpu.memory_space<vmem>>, vector<16xf32>,
    %reduce_sum3A_819 = arith.constant true
    %reduce_sum3A_820 = vector.broadcast %reduce_sum3A_819 : i1 to vector<16xi1>
    %reduce_sum3A_821 = tpu.scan <sum>, %get3A_818 masked %reduce_sum3A_820 : vector<16xf32>, vector<16xi1> -> vector<16xf32>
    %reduce_sum3A_822 = vector.extract %reduce_sum3A_821[15] : f32 from vector<16xf32>
    %add3A_823 = arith.addf %add3A_792, %reduce_sum3A_822 : f32
    %get3A_824 = arith.constant 3 : i32
    %get3A_825 = arith.index_cast %get3A_824 : i32 to index
    %get3A_826 = arith.constant 0 : index
    %get3A_827 = tpu.vector_load %arg11[%get3A_825, %get3A_826] {strides = array<i32>} : memref<10x16xi32, #tpu.memory_space<vmem>>, vector<16xi32>,
    %and3A_828 = arith.constant 65535 : i32
    %and3A_829 = vector.broadcast %and3A_828 : i32 to vector<16xi32>
    %and3A_830 = arith.andi %get3A_827, %and3A_829 : vector<16xi32>
    %convert_element_type3A_831 = arith.sitofp %and3A_830 : vector<16xi32> to vector<16xf32>
    %reduce_sum3A_832 = arith.constant true
    %reduce_sum3A_833 = vector.broadcast %reduce_sum3A_832 : i1 to vector<16xi1>
    %reduce_sum3A_834 = tpu.scan <sum>, %convert_element_type3A_831 masked %reduce_sum3A_833 : vector<16xf32>, vector<16xi1> -> vector<16xf32>
    %reduce_sum3A_835 = vector.extract %reduce_sum3A_834[15] : f32 from vector<16xf32>
    %add3A_836 = arith.addf %add3A_805, %reduce_sum3A_835 : f32
    %shift_right_logical3A_837 = arith.constant 16 : i32
    %shift_right_logical3A_838 = vector.broadcast %shift_right_logical3A_837 : i32 to vector<16xi32>
    %shift_right_logical3A_839 = arith.shrui %get3A_827, %shift_right_logical3A_838 : vector<16xi32>
    %convert_element_type3A_840 = arith.sitofp %shift_right_logical3A_839 : vector<16xi32> to vector<16xf32>
    %reduce_sum3A_841 = arith.constant true
    %reduce_sum3A_842 = vector.broadcast %reduce_sum3A_841 : i1 to vector<16xi1>
    %reduce_sum3A_843 = tpu.scan <sum>, %convert_element_type3A_840 masked %reduce_sum3A_842 : vector<16xf32>, vector<16xi1> -> vector<16xf32>
    %reduce_sum3A_844 = vector.extract %reduce_sum3A_843[15] : f32 from vector<16xf32>
    %add3A_845 = arith.addf %add3A_814, %reduce_sum3A_844 : f32
    %get3A_846 = arith.constant 3 : i32
    %get3A_847 = arith.index_cast %get3A_846 : i32 to index
    %get3A_848 = arith.constant 0 : index
    %get3A_849 = tpu.vector_load %arg15[%get3A_847, %get3A_848] {strides = array<i32>} : memref<10x16xf32, #tpu.memory_space<vmem>>, vector<16xf32>,
    %reduce_sum3A_850 = arith.constant true
    %reduce_sum3A_851 = vector.broadcast %reduce_sum3A_850 : i1 to vector<16xi1>
    %reduce_sum3A_852 = tpu.scan <sum>, %get3A_849 masked %reduce_sum3A_851 : vector<16xf32>, vector<16xi1> -> vector<16xf32>
    %reduce_sum3A_853 = vector.extract %reduce_sum3A_852[15] : f32 from vector<16xf32>
    %add3A_854 = arith.addf %add3A_823, %reduce_sum3A_853 : f32
    %get3A_855 = arith.constant 3 : i32
    %get3A_856 = arith.index_cast %get3A_855 : i32 to index
    %get3A_857 = arith.constant 0 : index
    %get3A_858 = tpu.vector_load %arg12[%get3A_856, %get3A_857] {strides = array<i32>} : memref<10x16xi32, #tpu.memory_space<vmem>>, vector<16xi32>,
    %and3A_859 = arith.constant 65535 : i32
    %and3A_860 = vector.broadcast %and3A_859 : i32 to vector<16xi32>
    %and3A_861 = arith.andi %get3A_858, %and3A_860 : vector<16xi32>
    %convert_element_type3A_862 = arith.sitofp %and3A_861 : vector<16xi32> to vector<16xf32>
    %reduce_sum3A_863 = arith.constant true
    %reduce_sum3A_864 = vector.broadcast %reduce_sum3A_863 : i1 to vector<16xi1>
    %reduce_sum3A_865 = tpu.scan <sum>, %convert_element_type3A_862 masked %reduce_sum3A_864 : vector<16xf32>, vector<16xi1> -> vector<16xf32>
    %reduce_sum3A_866 = vector.extract %reduce_sum3A_865[15] : f32 from vector<16xf32>
    %add3A_867 = arith.addf %add3A_836, %reduce_sum3A_866 : f32
    %shift_right_logical3A_868 = arith.constant 16 : i32
    %shift_right_logical3A_869 = vector.broadcast %shift_right_logical3A_868 : i32 to vector<16xi32>
    %shift_right_logical3A_870 = arith.shrui %get3A_858, %shift_right_logical3A_869 : vector<16xi32>
    %convert_element_type3A_871 = arith.sitofp %shift_right_logical3A_870 : vector<16xi32> to vector<16xf32>
    %reduce_sum3A_872 = arith.constant true
    %reduce_sum3A_873 = vector.broadcast %reduce_sum3A_872 : i1 to vector<16xi1>
    %reduce_sum3A_874 = tpu.scan <sum>, %convert_element_type3A_871 masked %reduce_sum3A_873 : vector<16xf32>, vector<16xi1> -> vector<16xf32>
    %reduce_sum3A_875 = vector.extract %reduce_sum3A_874[15] : f32 from vector<16xf32>
    %add3A_876 = arith.addf %add3A_845, %reduce_sum3A_875 : f32
    %get3A_877 = arith.constant 3 : i32
    %get3A_878 = arith.index_cast %get3A_877 : i32 to index
    %get3A_879 = arith.constant 0 : index
    %get3A_880 = tpu.vector_load %arg16[%get3A_878, %get3A_879] {strides = array<i32>} : memref<10x16xf32, #tpu.memory_space<vmem>>, vector<16xf32>,
    %reduce_sum3A_881 = arith.constant true
    %reduce_sum3A_882 = vector.broadcast %reduce_sum3A_881 : i1 to vector<16xi1>
    %reduce_sum3A_883 = tpu.scan <sum>, %get3A_880 masked %reduce_sum3A_882 : vector<16xf32>, vector<16xi1> -> vector<16xf32>
    %reduce_sum3A_884 = vector.extract %reduce_sum3A_883[15] : f32 from vector<16xf32>
    %add3A_885 = arith.addf %add3A_854, %reduce_sum3A_884 : f32
    %eq3A_886 = arith.constant 3 : i32
    %eq3A_887 = vector.broadcast %eq3A_886 : i32 to vector<16xi32>
    %eq3A_888 = arith.cmpi eq, %iota3A, %eq3A_887 : vector<16xi32>
    %broadcast_in_dim3A_889 = vector.broadcast %add3A_867 : f32 to vector<16xf32>
    %select_n3A_890 = arith.select %eq3A_888, %broadcast_in_dim3A_889, %select_n3A_754 : vector<16xi1>, vector<16xf32>
    %broadcast_in_dim3A_891 = vector.broadcast %add3A_876 : f32 to vector<16xf32>
    %select_n3A_892 = arith.select %eq3A_888, %broadcast_in_dim3A_891, %select_n3A_756 : vector<16xi1>, vector<16xf32>
    %broadcast_in_dim3A_893 = vector.broadcast %add3A_885 : f32 to vector<16xf32>
    %select_n3A_894 = arith.select %eq3A_888, %broadcast_in_dim3A_893, %select_n3A_758 : vector<16xi1>, vector<16xf32>
    %get3A_895 = arith.constant 4 : i32
    %get3A_896 = arith.index_cast %get3A_895 : i32 to index
    %get3A_897 = arith.constant 0 : index
    %get3A_898 = tpu.vector_load %arg9[%get3A_896, %get3A_897] {strides = array<i32>} : memref<10x16xi32, #tpu.memory_space<vmem>>, vector<16xi32>,
    %and3A_899 = arith.constant 65535 : i32
    %and3A_900 = vector.broadcast %and3A_899 : i32 to vector<16xi32>
    %and3A_901 = arith.andi %get3A_898, %and3A_900 : vector<16xi32>
    %convert_element_type3A_902 = arith.sitofp %and3A_901 : vector<16xi32> to vector<16xf32>
    %reduce_sum3A_903 = arith.constant true
    %reduce_sum3A_904 = vector.broadcast %reduce_sum3A_903 : i1 to vector<16xi1>
    %reduce_sum3A_905 = tpu.scan <sum>, %convert_element_type3A_902 masked %reduce_sum3A_904 : vector<16xf32>, vector<16xi1> -> vector<16xf32>
    %reduce_sum3A_906 = vector.extract %reduce_sum3A_905[15] : f32 from vector<16xf32>
    %add3A_907 = arith.constant 0.000000e+00 : f32
    %add3A_908 = arith.addf %add3A_907, %reduce_sum3A_906 : f32
    %shift_right_logical3A_909 = arith.constant 16 : i32
    %shift_right_logical3A_910 = vector.broadcast %shift_right_logical3A_909 : i32 to vector<16xi32>
    %shift_right_logical3A_911 = arith.shrui %get3A_898, %shift_right_logical3A_910 : vector<16xi32>
    %convert_element_type3A_912 = arith.sitofp %shift_right_logical3A_911 : vector<16xi32> to vector<16xf32>
    %reduce_sum3A_913 = arith.constant true
    %reduce_sum3A_914 = vector.broadcast %reduce_sum3A_913 : i1 to vector<16xi1>
    %reduce_sum3A_915 = tpu.scan <sum>, %convert_element_type3A_912 masked %reduce_sum3A_914 : vector<16xf32>, vector<16xi1> -> vector<16xf32>
    %reduce_sum3A_916 = vector.extract %reduce_sum3A_915[15] : f32 from vector<16xf32>
    %add3A_917 = arith.constant 0.000000e+00 : f32
    %add3A_918 = arith.addf %add3A_917, %reduce_sum3A_916 : f32
    %get3A_919 = arith.constant 4 : i32
    %get3A_920 = arith.index_cast %get3A_919 : i32 to index
    %get3A_921 = arith.constant 0 : index
    %get3A_922 = tpu.vector_load %arg13[%get3A_920, %get3A_921] {strides = array<i32>} : memref<10x16xf32, #tpu.memory_space<vmem>>, vector<16xf32>,
    %reduce_sum3A_923 = arith.constant true
    %reduce_sum3A_924 = vector.broadcast %reduce_sum3A_923 : i1 to vector<16xi1>
    %reduce_sum3A_925 = tpu.scan <sum>, %get3A_922 masked %reduce_sum3A_924 : vector<16xf32>, vector<16xi1> -> vector<16xf32>
    %reduce_sum3A_926 = vector.extract %reduce_sum3A_925[15] : f32 from vector<16xf32>
    %add3A_927 = arith.constant 0.000000e+00 : f32
    %add3A_928 = arith.addf %add3A_927, %reduce_sum3A_926 : f32
    %get3A_929 = arith.constant 4 : i32
    %get3A_930 = arith.index_cast %get3A_929 : i32 to index
    %get3A_931 = arith.constant 0 : index
    %get3A_932 = tpu.vector_load %arg10[%get3A_930, %get3A_931] {strides = array<i32>} : memref<10x16xi32, #tpu.memory_space<vmem>>, vector<16xi32>,
    %and3A_933 = arith.constant 65535 : i32
    %and3A_934 = vector.broadcast %and3A_933 : i32 to vector<16xi32>
    %and3A_935 = arith.andi %get3A_932, %and3A_934 : vector<16xi32>
    %convert_element_type3A_936 = arith.sitofp %and3A_935 : vector<16xi32> to vector<16xf32>
    %reduce_sum3A_937 = arith.constant true
    %reduce_sum3A_938 = vector.broadcast %reduce_sum3A_937 : i1 to vector<16xi1>
    %reduce_sum3A_939 = tpu.scan <sum>, %convert_element_type3A_936 masked %reduce_sum3A_938 : vector<16xf32>, vector<16xi1> -> vector<16xf32>
    %reduce_sum3A_940 = vector.extract %reduce_sum3A_939[15] : f32 from vector<16xf32>
    %add3A_941 = arith.addf %add3A_908, %reduce_sum3A_940 : f32
    %shift_right_logical3A_942 = arith.constant 16 : i32
    %shift_right_logical3A_943 = vector.broadcast %shift_right_logical3A_942 : i32 to vector<16xi32>
    %shift_right_logical3A_944 = arith.shrui %get3A_932, %shift_right_logical3A_943 : vector<16xi32>
    %convert_element_type3A_945 = arith.sitofp %shift_right_logical3A_944 : vector<16xi32> to vector<16xf32>
    %reduce_sum3A_946 = arith.constant true
    %reduce_sum3A_947 = vector.broadcast %reduce_sum3A_946 : i1 to vector<16xi1>
    %reduce_sum3A_948 = tpu.scan <sum>, %convert_element_type3A_945 masked %reduce_sum3A_947 : vector<16xf32>, vector<16xi1> -> vector<16xf32>
    %reduce_sum3A_949 = vector.extract %reduce_sum3A_948[15] : f32 from vector<16xf32>
    %add3A_950 = arith.addf %add3A_918, %reduce_sum3A_949 : f32
    %get3A_951 = arith.constant 4 : i32
    %get3A_952 = arith.index_cast %get3A_951 : i32 to index
    %get3A_953 = arith.constant 0 : index
    %get3A_954 = tpu.vector_load %arg14[%get3A_952, %get3A_953] {strides = array<i32>} : memref<10x16xf32, #tpu.memory_space<vmem>>, vector<16xf32>,
    %reduce_sum3A_955 = arith.constant true
    %reduce_sum3A_956 = vector.broadcast %reduce_sum3A_955 : i1 to vector<16xi1>
    %reduce_sum3A_957 = tpu.scan <sum>, %get3A_954 masked %reduce_sum3A_956 : vector<16xf32>, vector<16xi1> -> vector<16xf32>
    %reduce_sum3A_958 = vector.extract %reduce_sum3A_957[15] : f32 from vector<16xf32>
    %add3A_959 = arith.addf %add3A_928, %reduce_sum3A_958 : f32
    %get3A_960 = arith.constant 4 : i32
    %get3A_961 = arith.index_cast %get3A_960 : i32 to index
    %get3A_962 = arith.constant 0 : index
    %get3A_963 = tpu.vector_load %arg11[%get3A_961, %get3A_962] {strides = array<i32>} : memref<10x16xi32, #tpu.memory_space<vmem>>, vector<16xi32>,
    %and3A_964 = arith.constant 65535 : i32
    %and3A_965 = vector.broadcast %and3A_964 : i32 to vector<16xi32>
    %and3A_966 = arith.andi %get3A_963, %and3A_965 : vector<16xi32>
    %convert_element_type3A_967 = arith.sitofp %and3A_966 : vector<16xi32> to vector<16xf32>
    %reduce_sum3A_968 = arith.constant true
    %reduce_sum3A_969 = vector.broadcast %reduce_sum3A_968 : i1 to vector<16xi1>
    %reduce_sum3A_970 = tpu.scan <sum>, %convert_element_type3A_967 masked %reduce_sum3A_969 : vector<16xf32>, vector<16xi1> -> vector<16xf32>
    %reduce_sum3A_971 = vector.extract %reduce_sum3A_970[15] : f32 from vector<16xf32>
    %add3A_972 = arith.addf %add3A_941, %reduce_sum3A_971 : f32
    %shift_right_logical3A_973 = arith.constant 16 : i32
    %shift_right_logical3A_974 = vector.broadcast %shift_right_logical3A_973 : i32 to vector<16xi32>
    %shift_right_logical3A_975 = arith.shrui %get3A_963, %shift_right_logical3A_974 : vector<16xi32>
    %convert_element_type3A_976 = arith.sitofp %shift_right_logical3A_975 : vector<16xi32> to vector<16xf32>
    %reduce_sum3A_977 = arith.constant true
    %reduce_sum3A_978 = vector.broadcast %reduce_sum3A_977 : i1 to vector<16xi1>
    %reduce_sum3A_979 = tpu.scan <sum>, %convert_element_type3A_976 masked %reduce_sum3A_978 : vector<16xf32>, vector<16xi1> -> vector<16xf32>
    %reduce_sum3A_980 = vector.extract %reduce_sum3A_979[15] : f32 from vector<16xf32>
    %add3A_981 = arith.addf %add3A_950, %reduce_sum3A_980 : f32
    %get3A_982 = arith.constant 4 : i32
    %get3A_983 = arith.index_cast %get3A_982 : i32 to index
    %get3A_984 = arith.constant 0 : index
    %get3A_985 = tpu.vector_load %arg15[%get3A_983, %get3A_984] {strides = array<i32>} : memref<10x16xf32, #tpu.memory_space<vmem>>, vector<16xf32>,
    %reduce_sum3A_986 = arith.constant true
    %reduce_sum3A_987 = vector.broadcast %reduce_sum3A_986 : i1 to vector<16xi1>
    %reduce_sum3A_988 = tpu.scan <sum>, %get3A_985 masked %reduce_sum3A_987 : vector<16xf32>, vector<16xi1> -> vector<16xf32>
    %reduce_sum3A_989 = vector.extract %reduce_sum3A_988[15] : f32 from vector<16xf32>
    %add3A_990 = arith.addf %add3A_959, %reduce_sum3A_989 : f32
    %get3A_991 = arith.constant 4 : i32
    %get3A_992 = arith.index_cast %get3A_991 : i32 to index
    %get3A_993 = arith.constant 0 : index
    %get3A_994 = tpu.vector_load %arg12[%get3A_992, %get3A_993] {strides = array<i32>} : memref<10x16xi32, #tpu.memory_space<vmem>>, vector<16xi32>,
    %and3A_995 = arith.constant 65535 : i32
    %and3A_996 = vector.broadcast %and3A_995 : i32 to vector<16xi32>
    %and3A_997 = arith.andi %get3A_994, %and3A_996 : vector<16xi32>
    %convert_element_type3A_998 = arith.sitofp %and3A_997 : vector<16xi32> to vector<16xf32>
    %reduce_sum3A_999 = arith.constant true
    %reduce_sum3A_1000 = vector.broadcast %reduce_sum3A_999 : i1 to vector<16xi1>
    %reduce_sum3A_1001 = tpu.scan <sum>, %convert_element_type3A_998 masked %reduce_sum3A_1000 : vector<16xf32>, vector<16xi1> -> vector<16xf32>
    %reduce_sum3A_1002 = vector.extract %reduce_sum3A_1001[15] : f32 from vector<16xf32>
    %add3A_1003 = arith.addf %add3A_972, %reduce_sum3A_1002 : f32
    %shift_right_logical3A_1004 = arith.constant 16 : i32
    %shift_right_logical3A_1005 = vector.broadcast %shift_right_logical3A_1004 : i32 to vector<16xi32>
    %shift_right_logical3A_1006 = arith.shrui %get3A_994, %shift_right_logical3A_1005 : vector<16xi32>
    %convert_element_type3A_1007 = arith.sitofp %shift_right_logical3A_1006 : vector<16xi32> to vector<16xf32>
    %reduce_sum3A_1008 = arith.constant true
    %reduce_sum3A_1009 = vector.broadcast %reduce_sum3A_1008 : i1 to vector<16xi1>
    %reduce_sum3A_1010 = tpu.scan <sum>, %convert_element_type3A_1007 masked %reduce_sum3A_1009 : vector<16xf32>, vector<16xi1> -> vector<16xf32>
    %reduce_sum3A_1011 = vector.extract %reduce_sum3A_1010[15] : f32 from vector<16xf32>
    %add3A_1012 = arith.addf %add3A_981, %reduce_sum3A_1011 : f32
    %get3A_1013 = arith.constant 4 : i32
    %get3A_1014 = arith.index_cast %get3A_1013 : i32 to index
    %get3A_1015 = arith.constant 0 : index
    %get3A_1016 = tpu.vector_load %arg16[%get3A_1014, %get3A_1015] {strides = array<i32>} : memref<10x16xf32, #tpu.memory_space<vmem>>, vector<16xf32>,
    %reduce_sum3A_1017 = arith.constant true
    %reduce_sum3A_1018 = vector.broadcast %reduce_sum3A_1017 : i1 to vector<16xi1>
    %reduce_sum3A_1019 = tpu.scan <sum>, %get3A_1016 masked %reduce_sum3A_1018 : vector<16xf32>, vector<16xi1> -> vector<16xf32>
    %reduce_sum3A_1020 = vector.extract %reduce_sum3A_1019[15] : f32 from vector<16xf32>
    %add3A_1021 = arith.addf %add3A_990, %reduce_sum3A_1020 : f32
    %eq3A_1022 = arith.constant 4 : i32
    %eq3A_1023 = vector.broadcast %eq3A_1022 : i32 to vector<16xi32>
    %eq3A_1024 = arith.cmpi eq, %iota3A, %eq3A_1023 : vector<16xi32>
    %broadcast_in_dim3A_1025 = vector.broadcast %add3A_1003 : f32 to vector<16xf32>
    %select_n3A_1026 = arith.select %eq3A_1024, %broadcast_in_dim3A_1025, %select_n3A_890 : vector<16xi1>, vector<16xf32>
    %broadcast_in_dim3A_1027 = vector.broadcast %add3A_1012 : f32 to vector<16xf32>
    %select_n3A_1028 = arith.select %eq3A_1024, %broadcast_in_dim3A_1027, %select_n3A_892 : vector<16xi1>, vector<16xf32>
    %broadcast_in_dim3A_1029 = vector.broadcast %add3A_1021 : f32 to vector<16xf32>
    %select_n3A_1030 = arith.select %eq3A_1024, %broadcast_in_dim3A_1029, %select_n3A_894 : vector<16xi1>, vector<16xf32>
    %get3A_1031 = arith.constant 5 : i32
    %get3A_1032 = arith.index_cast %get3A_1031 : i32 to index
    %get3A_1033 = arith.constant 0 : index
    %get3A_1034 = tpu.vector_load %arg9[%get3A_1032, %get3A_1033] {strides = array<i32>} : memref<10x16xi32, #tpu.memory_space<vmem>>, vector<16xi32>,
    %and3A_1035 = arith.constant 65535 : i32
    %and3A_1036 = vector.broadcast %and3A_1035 : i32 to vector<16xi32>
    %and3A_1037 = arith.andi %get3A_1034, %and3A_1036 : vector<16xi32>
    %convert_element_type3A_1038 = arith.sitofp %and3A_1037 : vector<16xi32> to vector<16xf32>
    %reduce_sum3A_1039 = arith.constant true
    %reduce_sum3A_1040 = vector.broadcast %reduce_sum3A_1039 : i1 to vector<16xi1>
    %reduce_sum3A_1041 = tpu.scan <sum>, %convert_element_type3A_1038 masked %reduce_sum3A_1040 : vector<16xf32>, vector<16xi1> -> vector<16xf32>
    %reduce_sum3A_1042 = vector.extract %reduce_sum3A_1041[15] : f32 from vector<16xf32>
    %add3A_1043 = arith.constant 0.000000e+00 : f32
    %add3A_1044 = arith.addf %add3A_1043, %reduce_sum3A_1042 : f32
    %shift_right_logical3A_1045 = arith.constant 16 : i32
    %shift_right_logical3A_1046 = vector.broadcast %shift_right_logical3A_1045 : i32 to vector<16xi32>
    %shift_right_logical3A_1047 = arith.shrui %get3A_1034, %shift_right_logical3A_1046 : vector<16xi32>
    %convert_element_type3A_1048 = arith.sitofp %shift_right_logical3A_1047 : vector<16xi32> to vector<16xf32>
    %reduce_sum3A_1049 = arith.constant true
    %reduce_sum3A_1050 = vector.broadcast %reduce_sum3A_1049 : i1 to vector<16xi1>
    %reduce_sum3A_1051 = tpu.scan <sum>, %convert_element_type3A_1048 masked %reduce_sum3A_1050 : vector<16xf32>, vector<16xi1> -> vector<16xf32>
    %reduce_sum3A_1052 = vector.extract %reduce_sum3A_1051[15] : f32 from vector<16xf32>
    %add3A_1053 = arith.constant 0.000000e+00 : f32
    %add3A_1054 = arith.addf %add3A_1053, %reduce_sum3A_1052 : f32
    %get3A_1055 = arith.constant 5 : i32
    %get3A_1056 = arith.index_cast %get3A_1055 : i32 to index
    %get3A_1057 = arith.constant 0 : index
    %get3A_1058 = tpu.vector_load %arg13[%get3A_1056, %get3A_1057] {strides = array<i32>} : memref<10x16xf32, #tpu.memory_space<vmem>>, vector<16xf32>,
    %reduce_sum3A_1059 = arith.constant true
    %reduce_sum3A_1060 = vector.broadcast %reduce_sum3A_1059 : i1 to vector<16xi1>
    %reduce_sum3A_1061 = tpu.scan <sum>, %get3A_1058 masked %reduce_sum3A_1060 : vector<16xf32>, vector<16xi1> -> vector<16xf32>
    %reduce_sum3A_1062 = vector.extract %reduce_sum3A_1061[15] : f32 from vector<16xf32>
    %add3A_1063 = arith.constant 0.000000e+00 : f32
    %add3A_1064 = arith.addf %add3A_1063, %reduce_sum3A_1062 : f32
    %get3A_1065 = arith.constant 5 : i32
    %get3A_1066 = arith.index_cast %get3A_1065 : i32 to index
    %get3A_1067 = arith.constant 0 : index
    %get3A_1068 = tpu.vector_load %arg10[%get3A_1066, %get3A_1067] {strides = array<i32>} : memref<10x16xi32, #tpu.memory_space<vmem>>, vector<16xi32>,
    %and3A_1069 = arith.constant 65535 : i32
    %and3A_1070 = vector.broadcast %and3A_1069 : i32 to vector<16xi32>
    %and3A_1071 = arith.andi %get3A_1068, %and3A_1070 : vector<16xi32>
    %convert_element_type3A_1072 = arith.sitofp %and3A_1071 : vector<16xi32> to vector<16xf32>
    %reduce_sum3A_1073 = arith.constant true
    %reduce_sum3A_1074 = vector.broadcast %reduce_sum3A_1073 : i1 to vector<16xi1>
    %reduce_sum3A_1075 = tpu.scan <sum>, %convert_element_type3A_1072 masked %reduce_sum3A_1074 : vector<16xf32>, vector<16xi1> -> vector<16xf32>
    %reduce_sum3A_1076 = vector.extract %reduce_sum3A_1075[15] : f32 from vector<16xf32>
    %add3A_1077 = arith.addf %add3A_1044, %reduce_sum3A_1076 : f32
    %shift_right_logical3A_1078 = arith.constant 16 : i32
    %shift_right_logical3A_1079 = vector.broadcast %shift_right_logical3A_1078 : i32 to vector<16xi32>
    %shift_right_logical3A_1080 = arith.shrui %get3A_1068, %shift_right_logical3A_1079 : vector<16xi32>
    %convert_element_type3A_1081 = arith.sitofp %shift_right_logical3A_1080 : vector<16xi32> to vector<16xf32>
    %reduce_sum3A_1082 = arith.constant true
    %reduce_sum3A_1083 = vector.broadcast %reduce_sum3A_1082 : i1 to vector<16xi1>
    %reduce_sum3A_1084 = tpu.scan <sum>, %convert_element_type3A_1081 masked %reduce_sum3A_1083 : vector<16xf32>, vector<16xi1> -> vector<16xf32>
    %reduce_sum3A_1085 = vector.extract %reduce_sum3A_1084[15] : f32 from vector<16xf32>
    %add3A_1086 = arith.addf %add3A_1054, %reduce_sum3A_1085 : f32
    %get3A_1087 = arith.constant 5 : i32
    %get3A_1088 = arith.index_cast %get3A_1087 : i32 to index
    %get3A_1089 = arith.constant 0 : index
    %get3A_1090 = tpu.vector_load %arg14[%get3A_1088, %get3A_1089] {strides = array<i32>} : memref<10x16xf32, #tpu.memory_space<vmem>>, vector<16xf32>,
    %reduce_sum3A_1091 = arith.constant true
    %reduce_sum3A_1092 = vector.broadcast %reduce_sum3A_1091 : i1 to vector<16xi1>
    %reduce_sum3A_1093 = tpu.scan <sum>, %get3A_1090 masked %reduce_sum3A_1092 : vector<16xf32>, vector<16xi1> -> vector<16xf32>
    %reduce_sum3A_1094 = vector.extract %reduce_sum3A_1093[15] : f32 from vector<16xf32>
    %add3A_1095 = arith.addf %add3A_1064, %reduce_sum3A_1094 : f32
    %get3A_1096 = arith.constant 5 : i32
    %get3A_1097 = arith.index_cast %get3A_1096 : i32 to index
    %get3A_1098 = arith.constant 0 : index
    %get3A_1099 = tpu.vector_load %arg11[%get3A_1097, %get3A_1098] {strides = array<i32>} : memref<10x16xi32, #tpu.memory_space<vmem>>, vector<16xi32>,
    %and3A_1100 = arith.constant 65535 : i32
    %and3A_1101 = vector.broadcast %and3A_1100 : i32 to vector<16xi32>
    %and3A_1102 = arith.andi %get3A_1099, %and3A_1101 : vector<16xi32>
    %convert_element_type3A_1103 = arith.sitofp %and3A_1102 : vector<16xi32> to vector<16xf32>
    %reduce_sum3A_1104 = arith.constant true
    %reduce_sum3A_1105 = vector.broadcast %reduce_sum3A_1104 : i1 to vector<16xi1>
    %reduce_sum3A_1106 = tpu.scan <sum>, %convert_element_type3A_1103 masked %reduce_sum3A_1105 : vector<16xf32>, vector<16xi1> -> vector<16xf32>
    %reduce_sum3A_1107 = vector.extract %reduce_sum3A_1106[15] : f32 from vector<16xf32>
    %add3A_1108 = arith.addf %add3A_1077, %reduce_sum3A_1107 : f32
    %shift_right_logical3A_1109 = arith.constant 16 : i32
    %shift_right_logical3A_1110 = vector.broadcast %shift_right_logical3A_1109 : i32 to vector<16xi32>
    %shift_right_logical3A_1111 = arith.shrui %get3A_1099, %shift_right_logical3A_1110 : vector<16xi32>
    %convert_element_type3A_1112 = arith.sitofp %shift_right_logical3A_1111 : vector<16xi32> to vector<16xf32>
    %reduce_sum3A_1113 = arith.constant true
    %reduce_sum3A_1114 = vector.broadcast %reduce_sum3A_1113 : i1 to vector<16xi1>
    %reduce_sum3A_1115 = tpu.scan <sum>, %convert_element_type3A_1112 masked %reduce_sum3A_1114 : vector<16xf32>, vector<16xi1> -> vector<16xf32>
    %reduce_sum3A_1116 = vector.extract %reduce_sum3A_1115[15] : f32 from vector<16xf32>
    %add3A_1117 = arith.addf %add3A_1086, %reduce_sum3A_1116 : f32
    %get3A_1118 = arith.constant 5 : i32
    %get3A_1119 = arith.index_cast %get3A_1118 : i32 to index
    %get3A_1120 = arith.constant 0 : index
    %get3A_1121 = tpu.vector_load %arg15[%get3A_1119, %get3A_1120] {strides = array<i32>} : memref<10x16xf32, #tpu.memory_space<vmem>>, vector<16xf32>,
    %reduce_sum3A_1122 = arith.constant true
    %reduce_sum3A_1123 = vector.broadcast %reduce_sum3A_1122 : i1 to vector<16xi1>
    %reduce_sum3A_1124 = tpu.scan <sum>, %get3A_1121 masked %reduce_sum3A_1123 : vector<16xf32>, vector<16xi1> -> vector<16xf32>
    %reduce_sum3A_1125 = vector.extract %reduce_sum3A_1124[15] : f32 from vector<16xf32>
    %add3A_1126 = arith.addf %add3A_1095, %reduce_sum3A_1125 : f32
    %get3A_1127 = arith.constant 5 : i32
    %get3A_1128 = arith.index_cast %get3A_1127 : i32 to index
    %get3A_1129 = arith.constant 0 : index
    %get3A_1130 = tpu.vector_load %arg12[%get3A_1128, %get3A_1129] {strides = array<i32>} : memref<10x16xi32, #tpu.memory_space<vmem>>, vector<16xi32>,
    %and3A_1131 = arith.constant 65535 : i32
    %and3A_1132 = vector.broadcast %and3A_1131 : i32 to vector<16xi32>
    %and3A_1133 = arith.andi %get3A_1130, %and3A_1132 : vector<16xi32>
    %convert_element_type3A_1134 = arith.sitofp %and3A_1133 : vector<16xi32> to vector<16xf32>
    %reduce_sum3A_1135 = arith.constant true
    %reduce_sum3A_1136 = vector.broadcast %reduce_sum3A_1135 : i1 to vector<16xi1>
    %reduce_sum3A_1137 = tpu.scan <sum>, %convert_element_type3A_1134 masked %reduce_sum3A_1136 : vector<16xf32>, vector<16xi1> -> vector<16xf32>
    %reduce_sum3A_1138 = vector.extract %reduce_sum3A_1137[15] : f32 from vector<16xf32>
    %add3A_1139 = arith.addf %add3A_1108, %reduce_sum3A_1138 : f32
    %shift_right_logical3A_1140 = arith.constant 16 : i32
    %shift_right_logical3A_1141 = vector.broadcast %shift_right_logical3A_1140 : i32 to vector<16xi32>
    %shift_right_logical3A_1142 = arith.shrui %get3A_1130, %shift_right_logical3A_1141 : vector<16xi32>
    %convert_element_type3A_1143 = arith.sitofp %shift_right_logical3A_1142 : vector<16xi32> to vector<16xf32>
    %reduce_sum3A_1144 = arith.constant true
    %reduce_sum3A_1145 = vector.broadcast %reduce_sum3A_1144 : i1 to vector<16xi1>
    %reduce_sum3A_1146 = tpu.scan <sum>, %convert_element_type3A_1143 masked %reduce_sum3A_1145 : vector<16xf32>, vector<16xi1> -> vector<16xf32>
    %reduce_sum3A_1147 = vector.extract %reduce_sum3A_1146[15] : f32 from vector<16xf32>
    %add3A_1148 = arith.addf %add3A_1117, %reduce_sum3A_1147 : f32
    %get3A_1149 = arith.constant 5 : i32
    %get3A_1150 = arith.index_cast %get3A_1149 : i32 to index
    %get3A_1151 = arith.constant 0 : index
    %get3A_1152 = tpu.vector_load %arg16[%get3A_1150, %get3A_1151] {strides = array<i32>} : memref<10x16xf32, #tpu.memory_space<vmem>>, vector<16xf32>,
    %reduce_sum3A_1153 = arith.constant true
    %reduce_sum3A_1154 = vector.broadcast %reduce_sum3A_1153 : i1 to vector<16xi1>
    %reduce_sum3A_1155 = tpu.scan <sum>, %get3A_1152 masked %reduce_sum3A_1154 : vector<16xf32>, vector<16xi1> -> vector<16xf32>
    %reduce_sum3A_1156 = vector.extract %reduce_sum3A_1155[15] : f32 from vector<16xf32>
    %add3A_1157 = arith.addf %add3A_1126, %reduce_sum3A_1156 : f32
    %eq3A_1158 = arith.constant 5 : i32
    %eq3A_1159 = vector.broadcast %eq3A_1158 : i32 to vector<16xi32>
    %eq3A_1160 = arith.cmpi eq, %iota3A, %eq3A_1159 : vector<16xi32>
    %broadcast_in_dim3A_1161 = vector.broadcast %add3A_1139 : f32 to vector<16xf32>
    %select_n3A_1162 = arith.select %eq3A_1160, %broadcast_in_dim3A_1161, %select_n3A_1026 : vector<16xi1>, vector<16xf32>
    %broadcast_in_dim3A_1163 = vector.broadcast %add3A_1148 : f32 to vector<16xf32>
    %select_n3A_1164 = arith.select %eq3A_1160, %broadcast_in_dim3A_1163, %select_n3A_1028 : vector<16xi1>, vector<16xf32>
    %broadcast_in_dim3A_1165 = vector.broadcast %add3A_1157 : f32 to vector<16xf32>
    %select_n3A_1166 = arith.select %eq3A_1160, %broadcast_in_dim3A_1165, %select_n3A_1030 : vector<16xi1>, vector<16xf32>
    %get3A_1167 = arith.constant 6 : i32
    %get3A_1168 = arith.index_cast %get3A_1167 : i32 to index
    %get3A_1169 = arith.constant 0 : index
    %get3A_1170 = tpu.vector_load %arg9[%get3A_1168, %get3A_1169] {strides = array<i32>} : memref<10x16xi32, #tpu.memory_space<vmem>>, vector<16xi32>,
    %and3A_1171 = arith.constant 65535 : i32
    %and3A_1172 = vector.broadcast %and3A_1171 : i32 to vector<16xi32>
    %and3A_1173 = arith.andi %get3A_1170, %and3A_1172 : vector<16xi32>
    %convert_element_type3A_1174 = arith.sitofp %and3A_1173 : vector<16xi32> to vector<16xf32>
    %reduce_sum3A_1175 = arith.constant true
    %reduce_sum3A_1176 = vector.broadcast %reduce_sum3A_1175 : i1 to vector<16xi1>
    %reduce_sum3A_1177 = tpu.scan <sum>, %convert_element_type3A_1174 masked %reduce_sum3A_1176 : vector<16xf32>, vector<16xi1> -> vector<16xf32>
    %reduce_sum3A_1178 = vector.extract %reduce_sum3A_1177[15] : f32 from vector<16xf32>
    %add3A_1179 = arith.constant 0.000000e+00 : f32
    %add3A_1180 = arith.addf %add3A_1179, %reduce_sum3A_1178 : f32
    %shift_right_logical3A_1181 = arith.constant 16 : i32
    %shift_right_logical3A_1182 = vector.broadcast %shift_right_logical3A_1181 : i32 to vector<16xi32>
    %shift_right_logical3A_1183 = arith.shrui %get3A_1170, %shift_right_logical3A_1182 : vector<16xi32>
    %convert_element_type3A_1184 = arith.sitofp %shift_right_logical3A_1183 : vector<16xi32> to vector<16xf32>
    %reduce_sum3A_1185 = arith.constant true
    %reduce_sum3A_1186 = vector.broadcast %reduce_sum3A_1185 : i1 to vector<16xi1>
    %reduce_sum3A_1187 = tpu.scan <sum>, %convert_element_type3A_1184 masked %reduce_sum3A_1186 : vector<16xf32>, vector<16xi1> -> vector<16xf32>
    %reduce_sum3A_1188 = vector.extract %reduce_sum3A_1187[15] : f32 from vector<16xf32>
    %add3A_1189 = arith.constant 0.000000e+00 : f32
    %add3A_1190 = arith.addf %add3A_1189, %reduce_sum3A_1188 : f32
    %get3A_1191 = arith.constant 6 : i32
    %get3A_1192 = arith.index_cast %get3A_1191 : i32 to index
    %get3A_1193 = arith.constant 0 : index
    %get3A_1194 = tpu.vector_load %arg13[%get3A_1192, %get3A_1193] {strides = array<i32>} : memref<10x16xf32, #tpu.memory_space<vmem>>, vector<16xf32>,
    %reduce_sum3A_1195 = arith.constant true
    %reduce_sum3A_1196 = vector.broadcast %reduce_sum3A_1195 : i1 to vector<16xi1>
    %reduce_sum3A_1197 = tpu.scan <sum>, %get3A_1194 masked %reduce_sum3A_1196 : vector<16xf32>, vector<16xi1> -> vector<16xf32>
    %reduce_sum3A_1198 = vector.extract %reduce_sum3A_1197[15] : f32 from vector<16xf32>
    %add3A_1199 = arith.constant 0.000000e+00 : f32
    %add3A_1200 = arith.addf %add3A_1199, %reduce_sum3A_1198 : f32
    %get3A_1201 = arith.constant 6 : i32
    %get3A_1202 = arith.index_cast %get3A_1201 : i32 to index
    %get3A_1203 = arith.constant 0 : index
    %get3A_1204 = tpu.vector_load %arg10[%get3A_1202, %get3A_1203] {strides = array<i32>} : memref<10x16xi32, #tpu.memory_space<vmem>>, vector<16xi32>,
    %and3A_1205 = arith.constant 65535 : i32
    %and3A_1206 = vector.broadcast %and3A_1205 : i32 to vector<16xi32>
    %and3A_1207 = arith.andi %get3A_1204, %and3A_1206 : vector<16xi32>
    %convert_element_type3A_1208 = arith.sitofp %and3A_1207 : vector<16xi32> to vector<16xf32>
    %reduce_sum3A_1209 = arith.constant true
    %reduce_sum3A_1210 = vector.broadcast %reduce_sum3A_1209 : i1 to vector<16xi1>
    %reduce_sum3A_1211 = tpu.scan <sum>, %convert_element_type3A_1208 masked %reduce_sum3A_1210 : vector<16xf32>, vector<16xi1> -> vector<16xf32>
    %reduce_sum3A_1212 = vector.extract %reduce_sum3A_1211[15] : f32 from vector<16xf32>
    %add3A_1213 = arith.addf %add3A_1180, %reduce_sum3A_1212 : f32
    %shift_right_logical3A_1214 = arith.constant 16 : i32
    %shift_right_logical3A_1215 = vector.broadcast %shift_right_logical3A_1214 : i32 to vector<16xi32>
    %shift_right_logical3A_1216 = arith.shrui %get3A_1204, %shift_right_logical3A_1215 : vector<16xi32>
    %convert_element_type3A_1217 = arith.sitofp %shift_right_logical3A_1216 : vector<16xi32> to vector<16xf32>
    %reduce_sum3A_1218 = arith.constant true
    %reduce_sum3A_1219 = vector.broadcast %reduce_sum3A_1218 : i1 to vector<16xi1>
    %reduce_sum3A_1220 = tpu.scan <sum>, %convert_element_type3A_1217 masked %reduce_sum3A_1219 : vector<16xf32>, vector<16xi1> -> vector<16xf32>
    %reduce_sum3A_1221 = vector.extract %reduce_sum3A_1220[15] : f32 from vector<16xf32>
    %add3A_1222 = arith.addf %add3A_1190, %reduce_sum3A_1221 : f32
    %get3A_1223 = arith.constant 6 : i32
    %get3A_1224 = arith.index_cast %get3A_1223 : i32 to index
    %get3A_1225 = arith.constant 0 : index
    %get3A_1226 = tpu.vector_load %arg14[%get3A_1224, %get3A_1225] {strides = array<i32>} : memref<10x16xf32, #tpu.memory_space<vmem>>, vector<16xf32>,
    %reduce_sum3A_1227 = arith.constant true
    %reduce_sum3A_1228 = vector.broadcast %reduce_sum3A_1227 : i1 to vector<16xi1>
    %reduce_sum3A_1229 = tpu.scan <sum>, %get3A_1226 masked %reduce_sum3A_1228 : vector<16xf32>, vector<16xi1> -> vector<16xf32>
    %reduce_sum3A_1230 = vector.extract %reduce_sum3A_1229[15] : f32 from vector<16xf32>
    %add3A_1231 = arith.addf %add3A_1200, %reduce_sum3A_1230 : f32
    %get3A_1232 = arith.constant 6 : i32
    %get3A_1233 = arith.index_cast %get3A_1232 : i32 to index
    %get3A_1234 = arith.constant 0 : index
    %get3A_1235 = tpu.vector_load %arg11[%get3A_1233, %get3A_1234] {strides = array<i32>} : memref<10x16xi32, #tpu.memory_space<vmem>>, vector<16xi32>,
    %and3A_1236 = arith.constant 65535 : i32
    %and3A_1237 = vector.broadcast %and3A_1236 : i32 to vector<16xi32>
    %and3A_1238 = arith.andi %get3A_1235, %and3A_1237 : vector<16xi32>
    %convert_element_type3A_1239 = arith.sitofp %and3A_1238 : vector<16xi32> to vector<16xf32>
    %reduce_sum3A_1240 = arith.constant true
    %reduce_sum3A_1241 = vector.broadcast %reduce_sum3A_1240 : i1 to vector<16xi1>
    %reduce_sum3A_1242 = tpu.scan <sum>, %convert_element_type3A_1239 masked %reduce_sum3A_1241 : vector<16xf32>, vector<16xi1> -> vector<16xf32>
    %reduce_sum3A_1243 = vector.extract %reduce_sum3A_1242[15] : f32 from vector<16xf32>
    %add3A_1244 = arith.addf %add3A_1213, %reduce_sum3A_1243 : f32
    %shift_right_logical3A_1245 = arith.constant 16 : i32
    %shift_right_logical3A_1246 = vector.broadcast %shift_right_logical3A_1245 : i32 to vector<16xi32>
    %shift_right_logical3A_1247 = arith.shrui %get3A_1235, %shift_right_logical3A_1246 : vector<16xi32>
    %convert_element_type3A_1248 = arith.sitofp %shift_right_logical3A_1247 : vector<16xi32> to vector<16xf32>
    %reduce_sum3A_1249 = arith.constant true
    %reduce_sum3A_1250 = vector.broadcast %reduce_sum3A_1249 : i1 to vector<16xi1>
    %reduce_sum3A_1251 = tpu.scan <sum>, %convert_element_type3A_1248 masked %reduce_sum3A_1250 : vector<16xf32>, vector<16xi1> -> vector<16xf32>
    %reduce_sum3A_1252 = vector.extract %reduce_sum3A_1251[15] : f32 from vector<16xf32>
    %add3A_1253 = arith.addf %add3A_1222, %reduce_sum3A_1252 : f32
    %get3A_1254 = arith.constant 6 : i32
    %get3A_1255 = arith.index_cast %get3A_1254 : i32 to index
    %get3A_1256 = arith.constant 0 : index
    %get3A_1257 = tpu.vector_load %arg15[%get3A_1255, %get3A_1256] {strides = array<i32>} : memref<10x16xf32, #tpu.memory_space<vmem>>, vector<16xf32>,
    %reduce_sum3A_1258 = arith.constant true
    %reduce_sum3A_1259 = vector.broadcast %reduce_sum3A_1258 : i1 to vector<16xi1>
    %reduce_sum3A_1260 = tpu.scan <sum>, %get3A_1257 masked %reduce_sum3A_1259 : vector<16xf32>, vector<16xi1> -> vector<16xf32>
    %reduce_sum3A_1261 = vector.extract %reduce_sum3A_1260[15] : f32 from vector<16xf32>
    %add3A_1262 = arith.addf %add3A_1231, %reduce_sum3A_1261 : f32
    %get3A_1263 = arith.constant 6 : i32
    %get3A_1264 = arith.index_cast %get3A_1263 : i32 to index
    %get3A_1265 = arith.constant 0 : index
    %get3A_1266 = tpu.vector_load %arg12[%get3A_1264, %get3A_1265] {strides = array<i32>} : memref<10x16xi32, #tpu.memory_space<vmem>>, vector<16xi32>,
    %and3A_1267 = arith.constant 65535 : i32
    %and3A_1268 = vector.broadcast %and3A_1267 : i32 to vector<16xi32>
    %and3A_1269 = arith.andi %get3A_1266, %and3A_1268 : vector<16xi32>
    %convert_element_type3A_1270 = arith.sitofp %and3A_1269 : vector<16xi32> to vector<16xf32>
    %reduce_sum3A_1271 = arith.constant true
    %reduce_sum3A_1272 = vector.broadcast %reduce_sum3A_1271 : i1 to vector<16xi1>
    %reduce_sum3A_1273 = tpu.scan <sum>, %convert_element_type3A_1270 masked %reduce_sum3A_1272 : vector<16xf32>, vector<16xi1> -> vector<16xf32>
    %reduce_sum3A_1274 = vector.extract %reduce_sum3A_1273[15] : f32 from vector<16xf32>
    %add3A_1275 = arith.addf %add3A_1244, %reduce_sum3A_1274 : f32
    %shift_right_logical3A_1276 = arith.constant 16 : i32
    %shift_right_logical3A_1277 = vector.broadcast %shift_right_logical3A_1276 : i32 to vector<16xi32>
    %shift_right_logical3A_1278 = arith.shrui %get3A_1266, %shift_right_logical3A_1277 : vector<16xi32>
    %convert_element_type3A_1279 = arith.sitofp %shift_right_logical3A_1278 : vector<16xi32> to vector<16xf32>
    %reduce_sum3A_1280 = arith.constant true
    %reduce_sum3A_1281 = vector.broadcast %reduce_sum3A_1280 : i1 to vector<16xi1>
    %reduce_sum3A_1282 = tpu.scan <sum>, %convert_element_type3A_1279 masked %reduce_sum3A_1281 : vector<16xf32>, vector<16xi1> -> vector<16xf32>
    %reduce_sum3A_1283 = vector.extract %reduce_sum3A_1282[15] : f32 from vector<16xf32>
    %add3A_1284 = arith.addf %add3A_1253, %reduce_sum3A_1283 : f32
    %get3A_1285 = arith.constant 6 : i32
    %get3A_1286 = arith.index_cast %get3A_1285 : i32 to index
    %get3A_1287 = arith.constant 0 : index
    %get3A_1288 = tpu.vector_load %arg16[%get3A_1286, %get3A_1287] {strides = array<i32>} : memref<10x16xf32, #tpu.memory_space<vmem>>, vector<16xf32>,
    %reduce_sum3A_1289 = arith.constant true
    %reduce_sum3A_1290 = vector.broadcast %reduce_sum3A_1289 : i1 to vector<16xi1>
    %reduce_sum3A_1291 = tpu.scan <sum>, %get3A_1288 masked %reduce_sum3A_1290 : vector<16xf32>, vector<16xi1> -> vector<16xf32>
    %reduce_sum3A_1292 = vector.extract %reduce_sum3A_1291[15] : f32 from vector<16xf32>
    %add3A_1293 = arith.addf %add3A_1262, %reduce_sum3A_1292 : f32
    %eq3A_1294 = arith.constant 6 : i32
    %eq3A_1295 = vector.broadcast %eq3A_1294 : i32 to vector<16xi32>
    %eq3A_1296 = arith.cmpi eq, %iota3A, %eq3A_1295 : vector<16xi32>
    %broadcast_in_dim3A_1297 = vector.broadcast %add3A_1275 : f32 to vector<16xf32>
    %select_n3A_1298 = arith.select %eq3A_1296, %broadcast_in_dim3A_1297, %select_n3A_1162 : vector<16xi1>, vector<16xf32>
    %broadcast_in_dim3A_1299 = vector.broadcast %add3A_1284 : f32 to vector<16xf32>
    %select_n3A_1300 = arith.select %eq3A_1296, %broadcast_in_dim3A_1299, %select_n3A_1164 : vector<16xi1>, vector<16xf32>
    %broadcast_in_dim3A_1301 = vector.broadcast %add3A_1293 : f32 to vector<16xf32>
    %select_n3A_1302 = arith.select %eq3A_1296, %broadcast_in_dim3A_1301, %select_n3A_1166 : vector<16xi1>, vector<16xf32>
    %get3A_1303 = arith.constant 7 : i32
    %get3A_1304 = arith.index_cast %get3A_1303 : i32 to index
    %get3A_1305 = arith.constant 0 : index
    %get3A_1306 = tpu.vector_load %arg9[%get3A_1304, %get3A_1305] {strides = array<i32>} : memref<10x16xi32, #tpu.memory_space<vmem>>, vector<16xi32>,
    %and3A_1307 = arith.constant 65535 : i32
    %and3A_1308 = vector.broadcast %and3A_1307 : i32 to vector<16xi32>
    %and3A_1309 = arith.andi %get3A_1306, %and3A_1308 : vector<16xi32>
    %convert_element_type3A_1310 = arith.sitofp %and3A_1309 : vector<16xi32> to vector<16xf32>
    %reduce_sum3A_1311 = arith.constant true
    %reduce_sum3A_1312 = vector.broadcast %reduce_sum3A_1311 : i1 to vector<16xi1>
    %reduce_sum3A_1313 = tpu.scan <sum>, %convert_element_type3A_1310 masked %reduce_sum3A_1312 : vector<16xf32>, vector<16xi1> -> vector<16xf32>
    %reduce_sum3A_1314 = vector.extract %reduce_sum3A_1313[15] : f32 from vector<16xf32>
    %add3A_1315 = arith.constant 0.000000e+00 : f32
    %add3A_1316 = arith.addf %add3A_1315, %reduce_sum3A_1314 : f32
    %shift_right_logical3A_1317 = arith.constant 16 : i32
    %shift_right_logical3A_1318 = vector.broadcast %shift_right_logical3A_1317 : i32 to vector<16xi32>
    %shift_right_logical3A_1319 = arith.shrui %get3A_1306, %shift_right_logical3A_1318 : vector<16xi32>
    %convert_element_type3A_1320 = arith.sitofp %shift_right_logical3A_1319 : vector<16xi32> to vector<16xf32>
    %reduce_sum3A_1321 = arith.constant true
    %reduce_sum3A_1322 = vector.broadcast %reduce_sum3A_1321 : i1 to vector<16xi1>
    %reduce_sum3A_1323 = tpu.scan <sum>, %convert_element_type3A_1320 masked %reduce_sum3A_1322 : vector<16xf32>, vector<16xi1> -> vector<16xf32>
    %reduce_sum3A_1324 = vector.extract %reduce_sum3A_1323[15] : f32 from vector<16xf32>
    %add3A_1325 = arith.constant 0.000000e+00 : f32
    %add3A_1326 = arith.addf %add3A_1325, %reduce_sum3A_1324 : f32
    %get3A_1327 = arith.constant 7 : i32
    %get3A_1328 = arith.index_cast %get3A_1327 : i32 to index
    %get3A_1329 = arith.constant 0 : index
    %get3A_1330 = tpu.vector_load %arg13[%get3A_1328, %get3A_1329] {strides = array<i32>} : memref<10x16xf32, #tpu.memory_space<vmem>>, vector<16xf32>,
    %reduce_sum3A_1331 = arith.constant true
    %reduce_sum3A_1332 = vector.broadcast %reduce_sum3A_1331 : i1 to vector<16xi1>
    %reduce_sum3A_1333 = tpu.scan <sum>, %get3A_1330 masked %reduce_sum3A_1332 : vector<16xf32>, vector<16xi1> -> vector<16xf32>
    %reduce_sum3A_1334 = vector.extract %reduce_sum3A_1333[15] : f32 from vector<16xf32>
    %add3A_1335 = arith.constant 0.000000e+00 : f32
    %add3A_1336 = arith.addf %add3A_1335, %reduce_sum3A_1334 : f32
    %get3A_1337 = arith.constant 7 : i32
    %get3A_1338 = arith.index_cast %get3A_1337 : i32 to index
    %get3A_1339 = arith.constant 0 : index
    %get3A_1340 = tpu.vector_load %arg10[%get3A_1338, %get3A_1339] {strides = array<i32>} : memref<10x16xi32, #tpu.memory_space<vmem>>, vector<16xi32>,
    %and3A_1341 = arith.constant 65535 : i32
    %and3A_1342 = vector.broadcast %and3A_1341 : i32 to vector<16xi32>
    %and3A_1343 = arith.andi %get3A_1340, %and3A_1342 : vector<16xi32>
    %convert_element_type3A_1344 = arith.sitofp %and3A_1343 : vector<16xi32> to vector<16xf32>
    %reduce_sum3A_1345 = arith.constant true
    %reduce_sum3A_1346 = vector.broadcast %reduce_sum3A_1345 : i1 to vector<16xi1>
    %reduce_sum3A_1347 = tpu.scan <sum>, %convert_element_type3A_1344 masked %reduce_sum3A_1346 : vector<16xf32>, vector<16xi1> -> vector<16xf32>
    %reduce_sum3A_1348 = vector.extract %reduce_sum3A_1347[15] : f32 from vector<16xf32>
    %add3A_1349 = arith.addf %add3A_1316, %reduce_sum3A_1348 : f32
    %shift_right_logical3A_1350 = arith.constant 16 : i32
    %shift_right_logical3A_1351 = vector.broadcast %shift_right_logical3A_1350 : i32 to vector<16xi32>
    %shift_right_logical3A_1352 = arith.shrui %get3A_1340, %shift_right_logical3A_1351 : vector<16xi32>
    %convert_element_type3A_1353 = arith.sitofp %shift_right_logical3A_1352 : vector<16xi32> to vector<16xf32>
    %reduce_sum3A_1354 = arith.constant true
    %reduce_sum3A_1355 = vector.broadcast %reduce_sum3A_1354 : i1 to vector<16xi1>
    %reduce_sum3A_1356 = tpu.scan <sum>, %convert_element_type3A_1353 masked %reduce_sum3A_1355 : vector<16xf32>, vector<16xi1> -> vector<16xf32>
    %reduce_sum3A_1357 = vector.extract %reduce_sum3A_1356[15] : f32 from vector<16xf32>
    %add3A_1358 = arith.addf %add3A_1326, %reduce_sum3A_1357 : f32
    %get3A_1359 = arith.constant 7 : i32
    %get3A_1360 = arith.index_cast %get3A_1359 : i32 to index
    %get3A_1361 = arith.constant 0 : index
    %get3A_1362 = tpu.vector_load %arg14[%get3A_1360, %get3A_1361] {strides = array<i32>} : memref<10x16xf32, #tpu.memory_space<vmem>>, vector<16xf32>,
    %reduce_sum3A_1363 = arith.constant true
    %reduce_sum3A_1364 = vector.broadcast %reduce_sum3A_1363 : i1 to vector<16xi1>
    %reduce_sum3A_1365 = tpu.scan <sum>, %get3A_1362 masked %reduce_sum3A_1364 : vector<16xf32>, vector<16xi1> -> vector<16xf32>
    %reduce_sum3A_1366 = vector.extract %reduce_sum3A_1365[15] : f32 from vector<16xf32>
    %add3A_1367 = arith.addf %add3A_1336, %reduce_sum3A_1366 : f32
    %get3A_1368 = arith.constant 7 : i32
    %get3A_1369 = arith.index_cast %get3A_1368 : i32 to index
    %get3A_1370 = arith.constant 0 : index
    %get3A_1371 = tpu.vector_load %arg11[%get3A_1369, %get3A_1370] {strides = array<i32>} : memref<10x16xi32, #tpu.memory_space<vmem>>, vector<16xi32>,
    %and3A_1372 = arith.constant 65535 : i32
    %and3A_1373 = vector.broadcast %and3A_1372 : i32 to vector<16xi32>
    %and3A_1374 = arith.andi %get3A_1371, %and3A_1373 : vector<16xi32>
    %convert_element_type3A_1375 = arith.sitofp %and3A_1374 : vector<16xi32> to vector<16xf32>
    %reduce_sum3A_1376 = arith.constant true
    %reduce_sum3A_1377 = vector.broadcast %reduce_sum3A_1376 : i1 to vector<16xi1>
    %reduce_sum3A_1378 = tpu.scan <sum>, %convert_element_type3A_1375 masked %reduce_sum3A_1377 : vector<16xf32>, vector<16xi1> -> vector<16xf32>
    %reduce_sum3A_1379 = vector.extract %reduce_sum3A_1378[15] : f32 from vector<16xf32>
    %add3A_1380 = arith.addf %add3A_1349, %reduce_sum3A_1379 : f32
    %shift_right_logical3A_1381 = arith.constant 16 : i32
    %shift_right_logical3A_1382 = vector.broadcast %shift_right_logical3A_1381 : i32 to vector<16xi32>
    %shift_right_logical3A_1383 = arith.shrui %get3A_1371, %shift_right_logical3A_1382 : vector<16xi32>
    %convert_element_type3A_1384 = arith.sitofp %shift_right_logical3A_1383 : vector<16xi32> to vector<16xf32>
    %reduce_sum3A_1385 = arith.constant true
    %reduce_sum3A_1386 = vector.broadcast %reduce_sum3A_1385 : i1 to vector<16xi1>
    %reduce_sum3A_1387 = tpu.scan <sum>, %convert_element_type3A_1384 masked %reduce_sum3A_1386 : vector<16xf32>, vector<16xi1> -> vector<16xf32>
    %reduce_sum3A_1388 = vector.extract %reduce_sum3A_1387[15] : f32 from vector<16xf32>
    %add3A_1389 = arith.addf %add3A_1358, %reduce_sum3A_1388 : f32
    %get3A_1390 = arith.constant 7 : i32
    %get3A_1391 = arith.index_cast %get3A_1390 : i32 to index
    %get3A_1392 = arith.constant 0 : index
    %get3A_1393 = tpu.vector_load %arg15[%get3A_1391, %get3A_1392] {strides = array<i32>} : memref<10x16xf32, #tpu.memory_space<vmem>>, vector<16xf32>,
    %reduce_sum3A_1394 = arith.constant true
    %reduce_sum3A_1395 = vector.broadcast %reduce_sum3A_1394 : i1 to vector<16xi1>
    %reduce_sum3A_1396 = tpu.scan <sum>, %get3A_1393 masked %reduce_sum3A_1395 : vector<16xf32>, vector<16xi1> -> vector<16xf32>
    %reduce_sum3A_1397 = vector.extract %reduce_sum3A_1396[15] : f32 from vector<16xf32>
    %add3A_1398 = arith.addf %add3A_1367, %reduce_sum3A_1397 : f32
    %get3A_1399 = arith.constant 7 : i32
    %get3A_1400 = arith.index_cast %get3A_1399 : i32 to index
    %get3A_1401 = arith.constant 0 : index
    %get3A_1402 = tpu.vector_load %arg12[%get3A_1400, %get3A_1401] {strides = array<i32>} : memref<10x16xi32, #tpu.memory_space<vmem>>, vector<16xi32>,
    %and3A_1403 = arith.constant 65535 : i32
    %and3A_1404 = vector.broadcast %and3A_1403 : i32 to vector<16xi32>
    %and3A_1405 = arith.andi %get3A_1402, %and3A_1404 : vector<16xi32>
    %convert_element_type3A_1406 = arith.sitofp %and3A_1405 : vector<16xi32> to vector<16xf32>
    %reduce_sum3A_1407 = arith.constant true
    %reduce_sum3A_1408 = vector.broadcast %reduce_sum3A_1407 : i1 to vector<16xi1>
    %reduce_sum3A_1409 = tpu.scan <sum>, %convert_element_type3A_1406 masked %reduce_sum3A_1408 : vector<16xf32>, vector<16xi1> -> vector<16xf32>
    %reduce_sum3A_1410 = vector.extract %reduce_sum3A_1409[15] : f32 from vector<16xf32>
    %add3A_1411 = arith.addf %add3A_1380, %reduce_sum3A_1410 : f32
    %shift_right_logical3A_1412 = arith.constant 16 : i32
    %shift_right_logical3A_1413 = vector.broadcast %shift_right_logical3A_1412 : i32 to vector<16xi32>
    %shift_right_logical3A_1414 = arith.shrui %get3A_1402, %shift_right_logical3A_1413 : vector<16xi32>
    %convert_element_type3A_1415 = arith.sitofp %shift_right_logical3A_1414 : vector<16xi32> to vector<16xf32>
    %reduce_sum3A_1416 = arith.constant true
    %reduce_sum3A_1417 = vector.broadcast %reduce_sum3A_1416 : i1 to vector<16xi1>
    %reduce_sum3A_1418 = tpu.scan <sum>, %convert_element_type3A_1415 masked %reduce_sum3A_1417 : vector<16xf32>, vector<16xi1> -> vector<16xf32>
    %reduce_sum3A_1419 = vector.extract %reduce_sum3A_1418[15] : f32 from vector<16xf32>
    %add3A_1420 = arith.addf %add3A_1389, %reduce_sum3A_1419 : f32
    %get3A_1421 = arith.constant 7 : i32
    %get3A_1422 = arith.index_cast %get3A_1421 : i32 to index
    %get3A_1423 = arith.constant 0 : index
    %get3A_1424 = tpu.vector_load %arg16[%get3A_1422, %get3A_1423] {strides = array<i32>} : memref<10x16xf32, #tpu.memory_space<vmem>>, vector<16xf32>,
    %reduce_sum3A_1425 = arith.constant true
    %reduce_sum3A_1426 = vector.broadcast %reduce_sum3A_1425 : i1 to vector<16xi1>
    %reduce_sum3A_1427 = tpu.scan <sum>, %get3A_1424 masked %reduce_sum3A_1426 : vector<16xf32>, vector<16xi1> -> vector<16xf32>
    %reduce_sum3A_1428 = vector.extract %reduce_sum3A_1427[15] : f32 from vector<16xf32>
    %add3A_1429 = arith.addf %add3A_1398, %reduce_sum3A_1428 : f32
    %eq3A_1430 = arith.constant 7 : i32
    %eq3A_1431 = vector.broadcast %eq3A_1430 : i32 to vector<16xi32>
    %eq3A_1432 = arith.cmpi eq, %iota3A, %eq3A_1431 : vector<16xi32>
    %broadcast_in_dim3A_1433 = vector.broadcast %add3A_1411 : f32 to vector<16xf32>
    %select_n3A_1434 = arith.select %eq3A_1432, %broadcast_in_dim3A_1433, %select_n3A_1298 : vector<16xi1>, vector<16xf32>
    %broadcast_in_dim3A_1435 = vector.broadcast %add3A_1420 : f32 to vector<16xf32>
    %select_n3A_1436 = arith.select %eq3A_1432, %broadcast_in_dim3A_1435, %select_n3A_1300 : vector<16xi1>, vector<16xf32>
    %broadcast_in_dim3A_1437 = vector.broadcast %add3A_1429 : f32 to vector<16xf32>
    %select_n3A_1438 = arith.select %eq3A_1432, %broadcast_in_dim3A_1437, %select_n3A_1302 : vector<16xi1>, vector<16xf32>
    %get3A_1439 = arith.constant 8 : i32
    %get3A_1440 = arith.index_cast %get3A_1439 : i32 to index
    %get3A_1441 = arith.constant 0 : index
    %get3A_1442 = tpu.vector_load %arg9[%get3A_1440, %get3A_1441] {strides = array<i32>} : memref<10x16xi32, #tpu.memory_space<vmem>>, vector<16xi32>,
    %and3A_1443 = arith.constant 65535 : i32
    %and3A_1444 = vector.broadcast %and3A_1443 : i32 to vector<16xi32>
    %and3A_1445 = arith.andi %get3A_1442, %and3A_1444 : vector<16xi32>
    %convert_element_type3A_1446 = arith.sitofp %and3A_1445 : vector<16xi32> to vector<16xf32>
    %reduce_sum3A_1447 = arith.constant true
    %reduce_sum3A_1448 = vector.broadcast %reduce_sum3A_1447 : i1 to vector<16xi1>
    %reduce_sum3A_1449 = tpu.scan <sum>, %convert_element_type3A_1446 masked %reduce_sum3A_1448 : vector<16xf32>, vector<16xi1> -> vector<16xf32>
    %reduce_sum3A_1450 = vector.extract %reduce_sum3A_1449[15] : f32 from vector<16xf32>
    %add3A_1451 = arith.constant 0.000000e+00 : f32
    %add3A_1452 = arith.addf %add3A_1451, %reduce_sum3A_1450 : f32
    %shift_right_logical3A_1453 = arith.constant 16 : i32
    %shift_right_logical3A_1454 = vector.broadcast %shift_right_logical3A_1453 : i32 to vector<16xi32>
    %shift_right_logical3A_1455 = arith.shrui %get3A_1442, %shift_right_logical3A_1454 : vector<16xi32>
    %convert_element_type3A_1456 = arith.sitofp %shift_right_logical3A_1455 : vector<16xi32> to vector<16xf32>
    %reduce_sum3A_1457 = arith.constant true
    %reduce_sum3A_1458 = vector.broadcast %reduce_sum3A_1457 : i1 to vector<16xi1>
    %reduce_sum3A_1459 = tpu.scan <sum>, %convert_element_type3A_1456 masked %reduce_sum3A_1458 : vector<16xf32>, vector<16xi1> -> vector<16xf32>
    %reduce_sum3A_1460 = vector.extract %reduce_sum3A_1459[15] : f32 from vector<16xf32>
    %add3A_1461 = arith.constant 0.000000e+00 : f32
    %add3A_1462 = arith.addf %add3A_1461, %reduce_sum3A_1460 : f32
    %get3A_1463 = arith.constant 8 : i32
    %get3A_1464 = arith.index_cast %get3A_1463 : i32 to index
    %get3A_1465 = arith.constant 0 : index
    %get3A_1466 = tpu.vector_load %arg13[%get3A_1464, %get3A_1465] {strides = array<i32>} : memref<10x16xf32, #tpu.memory_space<vmem>>, vector<16xf32>,
    %reduce_sum3A_1467 = arith.constant true
    %reduce_sum3A_1468 = vector.broadcast %reduce_sum3A_1467 : i1 to vector<16xi1>
    %reduce_sum3A_1469 = tpu.scan <sum>, %get3A_1466 masked %reduce_sum3A_1468 : vector<16xf32>, vector<16xi1> -> vector<16xf32>
    %reduce_sum3A_1470 = vector.extract %reduce_sum3A_1469[15] : f32 from vector<16xf32>
    %add3A_1471 = arith.constant 0.000000e+00 : f32
    %add3A_1472 = arith.addf %add3A_1471, %reduce_sum3A_1470 : f32
    %get3A_1473 = arith.constant 8 : i32
    %get3A_1474 = arith.index_cast %get3A_1473 : i32 to index
    %get3A_1475 = arith.constant 0 : index
    %get3A_1476 = tpu.vector_load %arg10[%get3A_1474, %get3A_1475] {strides = array<i32>} : memref<10x16xi32, #tpu.memory_space<vmem>>, vector<16xi32>,
    %and3A_1477 = arith.constant 65535 : i32
    %and3A_1478 = vector.broadcast %and3A_1477 : i32 to vector<16xi32>
    %and3A_1479 = arith.andi %get3A_1476, %and3A_1478 : vector<16xi32>
    %convert_element_type3A_1480 = arith.sitofp %and3A_1479 : vector<16xi32> to vector<16xf32>
    %reduce_sum3A_1481 = arith.constant true
    %reduce_sum3A_1482 = vector.broadcast %reduce_sum3A_1481 : i1 to vector<16xi1>
    %reduce_sum3A_1483 = tpu.scan <sum>, %convert_element_type3A_1480 masked %reduce_sum3A_1482 : vector<16xf32>, vector<16xi1> -> vector<16xf32>
    %reduce_sum3A_1484 = vector.extract %reduce_sum3A_1483[15] : f32 from vector<16xf32>
    %add3A_1485 = arith.addf %add3A_1452, %reduce_sum3A_1484 : f32
    %shift_right_logical3A_1486 = arith.constant 16 : i32
    %shift_right_logical3A_1487 = vector.broadcast %shift_right_logical3A_1486 : i32 to vector<16xi32>
    %shift_right_logical3A_1488 = arith.shrui %get3A_1476, %shift_right_logical3A_1487 : vector<16xi32>
    %convert_element_type3A_1489 = arith.sitofp %shift_right_logical3A_1488 : vector<16xi32> to vector<16xf32>
    %reduce_sum3A_1490 = arith.constant true
    %reduce_sum3A_1491 = vector.broadcast %reduce_sum3A_1490 : i1 to vector<16xi1>
    %reduce_sum3A_1492 = tpu.scan <sum>, %convert_element_type3A_1489 masked %reduce_sum3A_1491 : vector<16xf32>, vector<16xi1> -> vector<16xf32>
    %reduce_sum3A_1493 = vector.extract %reduce_sum3A_1492[15] : f32 from vector<16xf32>
    %add3A_1494 = arith.addf %add3A_1462, %reduce_sum3A_1493 : f32
    %get3A_1495 = arith.constant 8 : i32
    %get3A_1496 = arith.index_cast %get3A_1495 : i32 to index
    %get3A_1497 = arith.constant 0 : index
    %get3A_1498 = tpu.vector_load %arg14[%get3A_1496, %get3A_1497] {strides = array<i32>} : memref<10x16xf32, #tpu.memory_space<vmem>>, vector<16xf32>,
    %reduce_sum3A_1499 = arith.constant true
    %reduce_sum3A_1500 = vector.broadcast %reduce_sum3A_1499 : i1 to vector<16xi1>
    %reduce_sum3A_1501 = tpu.scan <sum>, %get3A_1498 masked %reduce_sum3A_1500 : vector<16xf32>, vector<16xi1> -> vector<16xf32>
    %reduce_sum3A_1502 = vector.extract %reduce_sum3A_1501[15] : f32 from vector<16xf32>
    %add3A_1503 = arith.addf %add3A_1472, %reduce_sum3A_1502 : f32
    %get3A_1504 = arith.constant 8 : i32
    %get3A_1505 = arith.index_cast %get3A_1504 : i32 to index
    %get3A_1506 = arith.constant 0 : index
    %get3A_1507 = tpu.vector_load %arg11[%get3A_1505, %get3A_1506] {strides = array<i32>} : memref<10x16xi32, #tpu.memory_space<vmem>>, vector<16xi32>,
    %and3A_1508 = arith.constant 65535 : i32
    %and3A_1509 = vector.broadcast %and3A_1508 : i32 to vector<16xi32>
    %and3A_1510 = arith.andi %get3A_1507, %and3A_1509 : vector<16xi32>
    %convert_element_type3A_1511 = arith.sitofp %and3A_1510 : vector<16xi32> to vector<16xf32>
    %reduce_sum3A_1512 = arith.constant true
    %reduce_sum3A_1513 = vector.broadcast %reduce_sum3A_1512 : i1 to vector<16xi1>
    %reduce_sum3A_1514 = tpu.scan <sum>, %convert_element_type3A_1511 masked %reduce_sum3A_1513 : vector<16xf32>, vector<16xi1> -> vector<16xf32>
    %reduce_sum3A_1515 = vector.extract %reduce_sum3A_1514[15] : f32 from vector<16xf32>
    %add3A_1516 = arith.addf %add3A_1485, %reduce_sum3A_1515 : f32
    %shift_right_logical3A_1517 = arith.constant 16 : i32
    %shift_right_logical3A_1518 = vector.broadcast %shift_right_logical3A_1517 : i32 to vector<16xi32>
    %shift_right_logical3A_1519 = arith.shrui %get3A_1507, %shift_right_logical3A_1518 : vector<16xi32>
    %convert_element_type3A_1520 = arith.sitofp %shift_right_logical3A_1519 : vector<16xi32> to vector<16xf32>
    %reduce_sum3A_1521 = arith.constant true
    %reduce_sum3A_1522 = vector.broadcast %reduce_sum3A_1521 : i1 to vector<16xi1>
    %reduce_sum3A_1523 = tpu.scan <sum>, %convert_element_type3A_1520 masked %reduce_sum3A_1522 : vector<16xf32>, vector<16xi1> -> vector<16xf32>
    %reduce_sum3A_1524 = vector.extract %reduce_sum3A_1523[15] : f32 from vector<16xf32>
    %add3A_1525 = arith.addf %add3A_1494, %reduce_sum3A_1524 : f32
    %get3A_1526 = arith.constant 8 : i32
    %get3A_1527 = arith.index_cast %get3A_1526 : i32 to index
    %get3A_1528 = arith.constant 0 : index
    %get3A_1529 = tpu.vector_load %arg15[%get3A_1527, %get3A_1528] {strides = array<i32>} : memref<10x16xf32, #tpu.memory_space<vmem>>, vector<16xf32>,
    %reduce_sum3A_1530 = arith.constant true
    %reduce_sum3A_1531 = vector.broadcast %reduce_sum3A_1530 : i1 to vector<16xi1>
    %reduce_sum3A_1532 = tpu.scan <sum>, %get3A_1529 masked %reduce_sum3A_1531 : vector<16xf32>, vector<16xi1> -> vector<16xf32>
    %reduce_sum3A_1533 = vector.extract %reduce_sum3A_1532[15] : f32 from vector<16xf32>
    %add3A_1534 = arith.addf %add3A_1503, %reduce_sum3A_1533 : f32
    %get3A_1535 = arith.constant 8 : i32
    %get3A_1536 = arith.index_cast %get3A_1535 : i32 to index
    %get3A_1537 = arith.constant 0 : index
    %get3A_1538 = tpu.vector_load %arg12[%get3A_1536, %get3A_1537] {strides = array<i32>} : memref<10x16xi32, #tpu.memory_space<vmem>>, vector<16xi32>,
    %and3A_1539 = arith.constant 65535 : i32
    %and3A_1540 = vector.broadcast %and3A_1539 : i32 to vector<16xi32>
    %and3A_1541 = arith.andi %get3A_1538, %and3A_1540 : vector<16xi32>
    %convert_element_type3A_1542 = arith.sitofp %and3A_1541 : vector<16xi32> to vector<16xf32>
    %reduce_sum3A_1543 = arith.constant true
    %reduce_sum3A_1544 = vector.broadcast %reduce_sum3A_1543 : i1 to vector<16xi1>
    %reduce_sum3A_1545 = tpu.scan <sum>, %convert_element_type3A_1542 masked %reduce_sum3A_1544 : vector<16xf32>, vector<16xi1> -> vector<16xf32>
    %reduce_sum3A_1546 = vector.extract %reduce_sum3A_1545[15] : f32 from vector<16xf32>
    %add3A_1547 = arith.addf %add3A_1516, %reduce_sum3A_1546 : f32
    %shift_right_logical3A_1548 = arith.constant 16 : i32
    %shift_right_logical3A_1549 = vector.broadcast %shift_right_logical3A_1548 : i32 to vector<16xi32>
    %shift_right_logical3A_1550 = arith.shrui %get3A_1538, %shift_right_logical3A_1549 : vector<16xi32>
    %convert_element_type3A_1551 = arith.sitofp %shift_right_logical3A_1550 : vector<16xi32> to vector<16xf32>
    %reduce_sum3A_1552 = arith.constant true
    %reduce_sum3A_1553 = vector.broadcast %reduce_sum3A_1552 : i1 to vector<16xi1>
    %reduce_sum3A_1554 = tpu.scan <sum>, %convert_element_type3A_1551 masked %reduce_sum3A_1553 : vector<16xf32>, vector<16xi1> -> vector<16xf32>
    %reduce_sum3A_1555 = vector.extract %reduce_sum3A_1554[15] : f32 from vector<16xf32>
    %add3A_1556 = arith.addf %add3A_1525, %reduce_sum3A_1555 : f32
    %get3A_1557 = arith.constant 8 : i32
    %get3A_1558 = arith.index_cast %get3A_1557 : i32 to index
    %get3A_1559 = arith.constant 0 : index
    %get3A_1560 = tpu.vector_load %arg16[%get3A_1558, %get3A_1559] {strides = array<i32>} : memref<10x16xf32, #tpu.memory_space<vmem>>, vector<16xf32>,
    %reduce_sum3A_1561 = arith.constant true
    %reduce_sum3A_1562 = vector.broadcast %reduce_sum3A_1561 : i1 to vector<16xi1>
    %reduce_sum3A_1563 = tpu.scan <sum>, %get3A_1560 masked %reduce_sum3A_1562 : vector<16xf32>, vector<16xi1> -> vector<16xf32>
    %reduce_sum3A_1564 = vector.extract %reduce_sum3A_1563[15] : f32 from vector<16xf32>
    %add3A_1565 = arith.addf %add3A_1534, %reduce_sum3A_1564 : f32
    %eq3A_1566 = arith.constant 8 : i32
    %eq3A_1567 = vector.broadcast %eq3A_1566 : i32 to vector<16xi32>
    %eq3A_1568 = arith.cmpi eq, %iota3A, %eq3A_1567 : vector<16xi32>
    %broadcast_in_dim3A_1569 = vector.broadcast %add3A_1547 : f32 to vector<16xf32>
    %select_n3A_1570 = arith.select %eq3A_1568, %broadcast_in_dim3A_1569, %select_n3A_1434 : vector<16xi1>, vector<16xf32>
    %broadcast_in_dim3A_1571 = vector.broadcast %add3A_1556 : f32 to vector<16xf32>
    %select_n3A_1572 = arith.select %eq3A_1568, %broadcast_in_dim3A_1571, %select_n3A_1436 : vector<16xi1>, vector<16xf32>
    %broadcast_in_dim3A_1573 = vector.broadcast %add3A_1565 : f32 to vector<16xf32>
    %select_n3A_1574 = arith.select %eq3A_1568, %broadcast_in_dim3A_1573, %select_n3A_1438 : vector<16xi1>, vector<16xf32>
    %get3A_1575 = arith.constant 9 : i32
    %get3A_1576 = arith.index_cast %get3A_1575 : i32 to index
    %get3A_1577 = arith.constant 0 : index
    %get3A_1578 = tpu.vector_load %arg9[%get3A_1576, %get3A_1577] {strides = array<i32>} : memref<10x16xi32, #tpu.memory_space<vmem>>, vector<16xi32>,
    %and3A_1579 = arith.constant 65535 : i32
    %and3A_1580 = vector.broadcast %and3A_1579 : i32 to vector<16xi32>
    %and3A_1581 = arith.andi %get3A_1578, %and3A_1580 : vector<16xi32>
    %convert_element_type3A_1582 = arith.sitofp %and3A_1581 : vector<16xi32> to vector<16xf32>
    %reduce_sum3A_1583 = arith.constant true
    %reduce_sum3A_1584 = vector.broadcast %reduce_sum3A_1583 : i1 to vector<16xi1>
    %reduce_sum3A_1585 = tpu.scan <sum>, %convert_element_type3A_1582 masked %reduce_sum3A_1584 : vector<16xf32>, vector<16xi1> -> vector<16xf32>
    %reduce_sum3A_1586 = vector.extract %reduce_sum3A_1585[15] : f32 from vector<16xf32>
    %add3A_1587 = arith.constant 0.000000e+00 : f32
    %add3A_1588 = arith.addf %add3A_1587, %reduce_sum3A_1586 : f32
    %shift_right_logical3A_1589 = arith.constant 16 : i32
    %shift_right_logical3A_1590 = vector.broadcast %shift_right_logical3A_1589 : i32 to vector<16xi32>
    %shift_right_logical3A_1591 = arith.shrui %get3A_1578, %shift_right_logical3A_1590 : vector<16xi32>
    %convert_element_type3A_1592 = arith.sitofp %shift_right_logical3A_1591 : vector<16xi32> to vector<16xf32>
    %reduce_sum3A_1593 = arith.constant true
    %reduce_sum3A_1594 = vector.broadcast %reduce_sum3A_1593 : i1 to vector<16xi1>
    %reduce_sum3A_1595 = tpu.scan <sum>, %convert_element_type3A_1592 masked %reduce_sum3A_1594 : vector<16xf32>, vector<16xi1> -> vector<16xf32>
    %reduce_sum3A_1596 = vector.extract %reduce_sum3A_1595[15] : f32 from vector<16xf32>
    %add3A_1597 = arith.constant 0.000000e+00 : f32
    %add3A_1598 = arith.addf %add3A_1597, %reduce_sum3A_1596 : f32
    %get3A_1599 = arith.constant 9 : i32
    %get3A_1600 = arith.index_cast %get3A_1599 : i32 to index
    %get3A_1601 = arith.constant 0 : index
    %get3A_1602 = tpu.vector_load %arg13[%get3A_1600, %get3A_1601] {strides = array<i32>} : memref<10x16xf32, #tpu.memory_space<vmem>>, vector<16xf32>,
    %reduce_sum3A_1603 = arith.constant true
    %reduce_sum3A_1604 = vector.broadcast %reduce_sum3A_1603 : i1 to vector<16xi1>
    %reduce_sum3A_1605 = tpu.scan <sum>, %get3A_1602 masked %reduce_sum3A_1604 : vector<16xf32>, vector<16xi1> -> vector<16xf32>
    %reduce_sum3A_1606 = vector.extract %reduce_sum3A_1605[15] : f32 from vector<16xf32>
    %add3A_1607 = arith.constant 0.000000e+00 : f32
    %add3A_1608 = arith.addf %add3A_1607, %reduce_sum3A_1606 : f32
    %get3A_1609 = arith.constant 9 : i32
    %get3A_1610 = arith.index_cast %get3A_1609 : i32 to index
    %get3A_1611 = arith.constant 0 : index
    %get3A_1612 = tpu.vector_load %arg10[%get3A_1610, %get3A_1611] {strides = array<i32>} : memref<10x16xi32, #tpu.memory_space<vmem>>, vector<16xi32>,
    %and3A_1613 = arith.constant 65535 : i32
    %and3A_1614 = vector.broadcast %and3A_1613 : i32 to vector<16xi32>
    %and3A_1615 = arith.andi %get3A_1612, %and3A_1614 : vector<16xi32>
    %convert_element_type3A_1616 = arith.sitofp %and3A_1615 : vector<16xi32> to vector<16xf32>
    %reduce_sum3A_1617 = arith.constant true
    %reduce_sum3A_1618 = vector.broadcast %reduce_sum3A_1617 : i1 to vector<16xi1>
    %reduce_sum3A_1619 = tpu.scan <sum>, %convert_element_type3A_1616 masked %reduce_sum3A_1618 : vector<16xf32>, vector<16xi1> -> vector<16xf32>
    %reduce_sum3A_1620 = vector.extract %reduce_sum3A_1619[15] : f32 from vector<16xf32>
    %add3A_1621 = arith.addf %add3A_1588, %reduce_sum3A_1620 : f32
    %shift_right_logical3A_1622 = arith.constant 16 : i32
    %shift_right_logical3A_1623 = vector.broadcast %shift_right_logical3A_1622 : i32 to vector<16xi32>
    %shift_right_logical3A_1624 = arith.shrui %get3A_1612, %shift_right_logical3A_1623 : vector<16xi32>
    %convert_element_type3A_1625 = arith.sitofp %shift_right_logical3A_1624 : vector<16xi32> to vector<16xf32>
    %reduce_sum3A_1626 = arith.constant true
    %reduce_sum3A_1627 = vector.broadcast %reduce_sum3A_1626 : i1 to vector<16xi1>
    %reduce_sum3A_1628 = tpu.scan <sum>, %convert_element_type3A_1625 masked %reduce_sum3A_1627 : vector<16xf32>, vector<16xi1> -> vector<16xf32>
    %reduce_sum3A_1629 = vector.extract %reduce_sum3A_1628[15] : f32 from vector<16xf32>
    %add3A_1630 = arith.addf %add3A_1598, %reduce_sum3A_1629 : f32
    %get3A_1631 = arith.constant 9 : i32
    %get3A_1632 = arith.index_cast %get3A_1631 : i32 to index
    %get3A_1633 = arith.constant 0 : index
    %get3A_1634 = tpu.vector_load %arg14[%get3A_1632, %get3A_1633] {strides = array<i32>} : memref<10x16xf32, #tpu.memory_space<vmem>>, vector<16xf32>,
    %reduce_sum3A_1635 = arith.constant true
    %reduce_sum3A_1636 = vector.broadcast %reduce_sum3A_1635 : i1 to vector<16xi1>
    %reduce_sum3A_1637 = tpu.scan <sum>, %get3A_1634 masked %reduce_sum3A_1636 : vector<16xf32>, vector<16xi1> -> vector<16xf32>
    %reduce_sum3A_1638 = vector.extract %reduce_sum3A_1637[15] : f32 from vector<16xf32>
    %add3A_1639 = arith.addf %add3A_1608, %reduce_sum3A_1638 : f32
    %get3A_1640 = arith.constant 9 : i32
    %get3A_1641 = arith.index_cast %get3A_1640 : i32 to index
    %get3A_1642 = arith.constant 0 : index
    %get3A_1643 = tpu.vector_load %arg11[%get3A_1641, %get3A_1642] {strides = array<i32>} : memref<10x16xi32, #tpu.memory_space<vmem>>, vector<16xi32>,
    %and3A_1644 = arith.constant 65535 : i32
    %and3A_1645 = vector.broadcast %and3A_1644 : i32 to vector<16xi32>
    %and3A_1646 = arith.andi %get3A_1643, %and3A_1645 : vector<16xi32>
    %convert_element_type3A_1647 = arith.sitofp %and3A_1646 : vector<16xi32> to vector<16xf32>
    %reduce_sum3A_1648 = arith.constant true
    %reduce_sum3A_1649 = vector.broadcast %reduce_sum3A_1648 : i1 to vector<16xi1>
    %reduce_sum3A_1650 = tpu.scan <sum>, %convert_element_type3A_1647 masked %reduce_sum3A_1649 : vector<16xf32>, vector<16xi1> -> vector<16xf32>
    %reduce_sum3A_1651 = vector.extract %reduce_sum3A_1650[15] : f32 from vector<16xf32>
    %add3A_1652 = arith.addf %add3A_1621, %reduce_sum3A_1651 : f32
    %shift_right_logical3A_1653 = arith.constant 16 : i32
    %shift_right_logical3A_1654 = vector.broadcast %shift_right_logical3A_1653 : i32 to vector<16xi32>
    %shift_right_logical3A_1655 = arith.shrui %get3A_1643, %shift_right_logical3A_1654 : vector<16xi32>
    %convert_element_type3A_1656 = arith.sitofp %shift_right_logical3A_1655 : vector<16xi32> to vector<16xf32>
    %reduce_sum3A_1657 = arith.constant true
    %reduce_sum3A_1658 = vector.broadcast %reduce_sum3A_1657 : i1 to vector<16xi1>
    %reduce_sum3A_1659 = tpu.scan <sum>, %convert_element_type3A_1656 masked %reduce_sum3A_1658 : vector<16xf32>, vector<16xi1> -> vector<16xf32>
    %reduce_sum3A_1660 = vector.extract %reduce_sum3A_1659[15] : f32 from vector<16xf32>
    %add3A_1661 = arith.addf %add3A_1630, %reduce_sum3A_1660 : f32
    %get3A_1662 = arith.constant 9 : i32
    %get3A_1663 = arith.index_cast %get3A_1662 : i32 to index
    %get3A_1664 = arith.constant 0 : index
    %get3A_1665 = tpu.vector_load %arg15[%get3A_1663, %get3A_1664] {strides = array<i32>} : memref<10x16xf32, #tpu.memory_space<vmem>>, vector<16xf32>,
    %reduce_sum3A_1666 = arith.constant true
    %reduce_sum3A_1667 = vector.broadcast %reduce_sum3A_1666 : i1 to vector<16xi1>
    %reduce_sum3A_1668 = tpu.scan <sum>, %get3A_1665 masked %reduce_sum3A_1667 : vector<16xf32>, vector<16xi1> -> vector<16xf32>
    %reduce_sum3A_1669 = vector.extract %reduce_sum3A_1668[15] : f32 from vector<16xf32>
    %add3A_1670 = arith.addf %add3A_1639, %reduce_sum3A_1669 : f32
    %get3A_1671 = arith.constant 9 : i32
    %get3A_1672 = arith.index_cast %get3A_1671 : i32 to index
    %get3A_1673 = arith.constant 0 : index
    %get3A_1674 = tpu.vector_load %arg12[%get3A_1672, %get3A_1673] {strides = array<i32>} : memref<10x16xi32, #tpu.memory_space<vmem>>, vector<16xi32>,
    %and3A_1675 = arith.constant 65535 : i32
    %and3A_1676 = vector.broadcast %and3A_1675 : i32 to vector<16xi32>
    %and3A_1677 = arith.andi %get3A_1674, %and3A_1676 : vector<16xi32>
    %convert_element_type3A_1678 = arith.sitofp %and3A_1677 : vector<16xi32> to vector<16xf32>
    %reduce_sum3A_1679 = arith.constant true
    %reduce_sum3A_1680 = vector.broadcast %reduce_sum3A_1679 : i1 to vector<16xi1>
    %reduce_sum3A_1681 = tpu.scan <sum>, %convert_element_type3A_1678 masked %reduce_sum3A_1680 : vector<16xf32>, vector<16xi1> -> vector<16xf32>
    %reduce_sum3A_1682 = vector.extract %reduce_sum3A_1681[15] : f32 from vector<16xf32>
    %add3A_1683 = arith.addf %add3A_1652, %reduce_sum3A_1682 : f32
    %shift_right_logical3A_1684 = arith.constant 16 : i32
    %shift_right_logical3A_1685 = vector.broadcast %shift_right_logical3A_1684 : i32 to vector<16xi32>
    %shift_right_logical3A_1686 = arith.shrui %get3A_1674, %shift_right_logical3A_1685 : vector<16xi32>
    %convert_element_type3A_1687 = arith.sitofp %shift_right_logical3A_1686 : vector<16xi32> to vector<16xf32>
    %reduce_sum3A_1688 = arith.constant true
    %reduce_sum3A_1689 = vector.broadcast %reduce_sum3A_1688 : i1 to vector<16xi1>
    %reduce_sum3A_1690 = tpu.scan <sum>, %convert_element_type3A_1687 masked %reduce_sum3A_1689 : vector<16xf32>, vector<16xi1> -> vector<16xf32>
    %reduce_sum3A_1691 = vector.extract %reduce_sum3A_1690[15] : f32 from vector<16xf32>
    %add3A_1692 = arith.addf %add3A_1661, %reduce_sum3A_1691 : f32
    %get3A_1693 = arith.constant 9 : i32
    %get3A_1694 = arith.index_cast %get3A_1693 : i32 to index
    %get3A_1695 = arith.constant 0 : index
    %get3A_1696 = tpu.vector_load %arg16[%get3A_1694, %get3A_1695] {strides = array<i32>} : memref<10x16xf32, #tpu.memory_space<vmem>>, vector<16xf32>,
    %reduce_sum3A_1697 = arith.constant true
    %reduce_sum3A_1698 = vector.broadcast %reduce_sum3A_1697 : i1 to vector<16xi1>
    %reduce_sum3A_1699 = tpu.scan <sum>, %get3A_1696 masked %reduce_sum3A_1698 : vector<16xf32>, vector<16xi1> -> vector<16xf32>
    %reduce_sum3A_1700 = vector.extract %reduce_sum3A_1699[15] : f32 from vector<16xf32>
    %add3A_1701 = arith.addf %add3A_1670, %reduce_sum3A_1700 : f32
    %eq3A_1702 = arith.constant 9 : i32
    %eq3A_1703 = vector.broadcast %eq3A_1702 : i32 to vector<16xi32>
    %eq3A_1704 = arith.cmpi eq, %iota3A, %eq3A_1703 : vector<16xi32>
    %broadcast_in_dim3A_1705 = vector.broadcast %add3A_1683 : f32 to vector<16xf32>
    %select_n3A_1706 = arith.select %eq3A_1704, %broadcast_in_dim3A_1705, %select_n3A_1570 : vector<16xi1>, vector<16xf32>
    %broadcast_in_dim3A_1707 = vector.broadcast %add3A_1692 : f32 to vector<16xf32>
    %select_n3A_1708 = arith.select %eq3A_1704, %broadcast_in_dim3A_1707, %select_n3A_1572 : vector<16xi1>, vector<16xf32>
    %broadcast_in_dim3A_1709 = vector.broadcast %add3A_1701 : f32 to vector<16xf32>
    %select_n3A_1710 = arith.select %eq3A_1704, %broadcast_in_dim3A_1709, %select_n3A_1574 : vector<16xi1>, vector<16xf32>
    %swap3A_1711 = arith.constant 0 : index
    %swap3A_1712 = tpu.vector_load %arg17[%swap3A_1711] {strides = array<i32>} : memref<16xf32, #tpu.memory_space<vmem>>, vector<16xf32>,
    tpu.vector_store %arg17[%swap3A_1711], %select_n3A_1706 {strides = array<i32>} : memref<16xf32, #tpu.memory_space<vmem>>, vector<16xf32>,
    "tpu.region"() ({
      %run_scoped3A = tpu.sem_alloc : memref<!tpu.dma_semaphore, #tpu.memory_space<semaphore_mem>>
      %dma_start3A_1721 = arith.constant 0 : i32
      %dma_start3A_1722 = tpu.memref_slice %arg5[%add3A, %dma_start3A_1721] : memref<96x16xf32, #tpu.memory_space<hbm>> -> memref<1x16xf32, #tpu.memory_space<hbm>>
      %dma_start3A_1723 = tpu.memref_squeeze %dma_start3A_1722 : memref<1x16xf32, #tpu.memory_space<hbm>> -> memref<16xf32, #tpu.memory_space<hbm>>
      %dma_start3A_1724 = arith.constant 0 : i32
      %dma_start3A_1725 = tpu.memref_slice %arg5[%add3A, %dma_start3A_1724] : memref<96x16xf32, #tpu.memory_space<hbm>> -> memref<1x16xf32, #tpu.memory_space<hbm>>
      %dma_start3A_1726 = tpu.memref_squeeze %dma_start3A_1725 : memref<1x16xf32, #tpu.memory_space<hbm>> -> memref<16xf32, #tpu.memory_space<hbm>>
      tpu.enqueue_dma source(%arg17 : memref<16xf32, #tpu.memory_space<vmem>>) target(%dma_start3A_1726 : memref<16xf32, #tpu.memory_space<hbm>>) target_semaphore(%run_scoped3A : memref<!tpu.dma_semaphore, #tpu.memory_space<semaphore_mem>>)
      %dma_wait3A = arith.constant 0 : i32
      %dma_wait3A_1727 = tpu.memref_slice %arg5[%add3A, %dma_wait3A] : memref<96x16xf32, #tpu.memory_space<hbm>> -> memref<1x16xf32, #tpu.memory_space<hbm>>
      %dma_wait3A_1728 = tpu.memref_squeeze %dma_wait3A_1727 : memref<1x16xf32, #tpu.memory_space<hbm>> -> memref<16xf32, #tpu.memory_space<hbm>>
      %dma_wait3A_1729 = arith.constant 0 : i32
      %dma_wait3A_1730 = tpu.memref_slice %arg5[%add3A, %dma_wait3A_1729] : memref<96x16xf32, #tpu.memory_space<hbm>> -> memref<1x16xf32, #tpu.memory_space<hbm>>
      %dma_wait3A_1731 = tpu.memref_squeeze %dma_wait3A_1730 : memref<1x16xf32, #tpu.memory_space<hbm>> -> memref<16xf32, #tpu.memory_space<hbm>>
      tpu.wait_dma2 semaphore(%run_scoped3A : memref<!tpu.dma_semaphore, #tpu.memory_space<semaphore_mem>>) src(%arg17 : memref<16xf32, #tpu.memory_space<vmem>>) dst(%dma_wait3A_1731 : memref<16xf32, #tpu.memory_space<hbm>>)
      tpu.yield
    }) : () -> ()
    %swap3A_1713 = arith.constant 0 : index
    %swap3A_1714 = tpu.vector_load %arg17[%swap3A_1713] {strides = array<i32>} : memref<16xf32, #tpu.memory_space<vmem>>, vector<16xf32>,
    tpu.vector_store %arg17[%swap3A_1713], %select_n3A_1708 {strides = array<i32>} : memref<16xf32, #tpu.memory_space<vmem>>, vector<16xf32>,
    %add3A_1715 = arith.constant 32 : i32
    %add3A_1716 = arith.addi %add3A_1715, %add3A : i32
    "tpu.region"() ({
      %run_scoped3A = tpu.sem_alloc : memref<!tpu.dma_semaphore, #tpu.memory_space<semaphore_mem>>
      %dma_start3A_1721 = arith.constant 0 : i32
      %dma_start3A_1722 = tpu.memref_slice %arg5[%add3A_1716, %dma_start3A_1721] : memref<96x16xf32, #tpu.memory_space<hbm>> -> memref<1x16xf32, #tpu.memory_space<hbm>>
      %dma_start3A_1723 = tpu.memref_squeeze %dma_start3A_1722 : memref<1x16xf32, #tpu.memory_space<hbm>> -> memref<16xf32, #tpu.memory_space<hbm>>
      %dma_start3A_1724 = arith.constant 0 : i32
      %dma_start3A_1725 = tpu.memref_slice %arg5[%add3A_1716, %dma_start3A_1724] : memref<96x16xf32, #tpu.memory_space<hbm>> -> memref<1x16xf32, #tpu.memory_space<hbm>>
      %dma_start3A_1726 = tpu.memref_squeeze %dma_start3A_1725 : memref<1x16xf32, #tpu.memory_space<hbm>> -> memref<16xf32, #tpu.memory_space<hbm>>
      tpu.enqueue_dma source(%arg17 : memref<16xf32, #tpu.memory_space<vmem>>) target(%dma_start3A_1726 : memref<16xf32, #tpu.memory_space<hbm>>) target_semaphore(%run_scoped3A : memref<!tpu.dma_semaphore, #tpu.memory_space<semaphore_mem>>)
      %dma_wait3A = arith.constant 0 : i32
      %dma_wait3A_1727 = tpu.memref_slice %arg5[%add3A_1716, %dma_wait3A] : memref<96x16xf32, #tpu.memory_space<hbm>> -> memref<1x16xf32, #tpu.memory_space<hbm>>
      %dma_wait3A_1728 = tpu.memref_squeeze %dma_wait3A_1727 : memref<1x16xf32, #tpu.memory_space<hbm>> -> memref<16xf32, #tpu.memory_space<hbm>>
      %dma_wait3A_1729 = arith.constant 0 : i32
      %dma_wait3A_1730 = tpu.memref_slice %arg5[%add3A_1716, %dma_wait3A_1729] : memref<96x16xf32, #tpu.memory_space<hbm>> -> memref<1x16xf32, #tpu.memory_space<hbm>>
      %dma_wait3A_1731 = tpu.memref_squeeze %dma_wait3A_1730 : memref<1x16xf32, #tpu.memory_space<hbm>> -> memref<16xf32, #tpu.memory_space<hbm>>
      tpu.wait_dma2 semaphore(%run_scoped3A : memref<!tpu.dma_semaphore, #tpu.memory_space<semaphore_mem>>) src(%arg17 : memref<16xf32, #tpu.memory_space<vmem>>) dst(%dma_wait3A_1731 : memref<16xf32, #tpu.memory_space<hbm>>)
      tpu.yield
    }) : () -> ()
    %swap3A_1717 = arith.constant 0 : index
    %swap3A_1718 = tpu.vector_load %arg17[%swap3A_1717] {strides = array<i32>} : memref<16xf32, #tpu.memory_space<vmem>>, vector<16xf32>,
    tpu.vector_store %arg17[%swap3A_1717], %select_n3A_1710 {strides = array<i32>} : memref<16xf32, #tpu.memory_space<vmem>>, vector<16xf32>,
    %add3A_1719 = arith.constant 64 : i32
    %add3A_1720 = arith.addi %add3A_1719, %add3A : i32
    "tpu.region"() ({
      %run_scoped3A = tpu.sem_alloc : memref<!tpu.dma_semaphore, #tpu.memory_space<semaphore_mem>>
      %dma_start3A_1721 = arith.constant 0 : i32
      %dma_start3A_1722 = tpu.memref_slice %arg5[%add3A_1720, %dma_start3A_1721] : memref<96x16xf32, #tpu.memory_space<hbm>> -> memref<1x16xf32, #tpu.memory_space<hbm>>
      %dma_start3A_1723 = tpu.memref_squeeze %dma_start3A_1722 : memref<1x16xf32, #tpu.memory_space<hbm>> -> memref<16xf32, #tpu.memory_space<hbm>>
      %dma_start3A_1724 = arith.constant 0 : i32
      %dma_start3A_1725 = tpu.memref_slice %arg5[%add3A_1720, %dma_start3A_1724] : memref<96x16xf32, #tpu.memory_space<hbm>> -> memref<1x16xf32, #tpu.memory_space<hbm>>
      %dma_start3A_1726 = tpu.memref_squeeze %dma_start3A_1725 : memref<1x16xf32, #tpu.memory_space<hbm>> -> memref<16xf32, #tpu.memory_space<hbm>>
      tpu.enqueue_dma source(%arg17 : memref<16xf32, #tpu.memory_space<vmem>>) target(%dma_start3A_1726 : memref<16xf32, #tpu.memory_space<hbm>>) target_semaphore(%run_scoped3A : memref<!tpu.dma_semaphore, #tpu.memory_space<semaphore_mem>>)
      %dma_wait3A = arith.constant 0 : i32
      %dma_wait3A_1727 = tpu.memref_slice %arg5[%add3A_1720, %dma_wait3A] : memref<96x16xf32, #tpu.memory_space<hbm>> -> memref<1x16xf32, #tpu.memory_space<hbm>>
      %dma_wait3A_1728 = tpu.memref_squeeze %dma_wait3A_1727 : memref<1x16xf32, #tpu.memory_space<hbm>> -> memref<16xf32, #tpu.memory_space<hbm>>
      %dma_wait3A_1729 = arith.constant 0 : i32
      %dma_wait3A_1730 = tpu.memref_slice %arg5[%add3A_1720, %dma_wait3A_1729] : memref<96x16xf32, #tpu.memory_space<hbm>> -> memref<1x16xf32, #tpu.memory_space<hbm>>
      %dma_wait3A_1731 = tpu.memref_squeeze %dma_wait3A_1730 : memref<1x16xf32, #tpu.memory_space<hbm>> -> memref<16xf32, #tpu.memory_space<hbm>>
      tpu.wait_dma2 semaphore(%run_scoped3A : memref<!tpu.dma_semaphore, #tpu.memory_space<semaphore_mem>>) src(%arg17 : memref<16xf32, #tpu.memory_space<vmem>>) dst(%dma_wait3A_1731 : memref<16xf32, #tpu.memory_space<hbm>>)
      tpu.yield
    }) : () -> ()
    return
  }
}

module attributes {stable_mosaic.version = 14 : i64} {
  func.func @_finalize_body(%arg0: memref<96x16xf32, #tpu.memory_space<vmem>>, %arg1: memref<1x1xf32, #tpu.memory_space<smem>>) attributes {dimension_semantics = [], scalar_prefetch = 0 : i64, scratch_operands = 0 : i64, tpu.core_type = #tpu.core_type<tc>} {
    %get3A = arith.constant 0 : index
    %get3A_0 = arith.constant 0 : index
    %get3A_1 = vector.load %arg0[%get3A, %get3A_0] : memref<96x16xf32, #tpu.memory_space<vmem>>, vector<96x16xf32>
    %slice3A = vector.extract_strided_slice %get3A_1 {offsets = [0, 0], sizes = [32, 16], strides = [1, 1]} : vector<96x16xf32> to vector<32x16xf32>
    %reduce_sum3A = arith.constant dense<0.000000e+00> : vector<16xf32>
    %reduce_sum3A_2 = vector.multi_reduction <add>, %slice3A, %reduce_sum3A [0] : vector<32x16xf32> to vector<16xf32>
    %broadcast_in_dim3A = vector.shape_cast %reduce_sum3A_2 : vector<16xf32> to vector<1x16xf32>
    %slice3A_3 = vector.extract_strided_slice %get3A_1 {offsets = [32, 0], sizes = [32, 16], strides = [1, 1]} : vector<96x16xf32> to vector<32x16xf32>
    %reduce_sum3A_4 = arith.constant dense<0.000000e+00> : vector<16xf32>
    %reduce_sum3A_5 = vector.multi_reduction <add>, %slice3A_3, %reduce_sum3A_4 [0] : vector<32x16xf32> to vector<16xf32>
    %broadcast_in_dim3A_6 = vector.shape_cast %reduce_sum3A_5 : vector<16xf32> to vector<1x16xf32>
    %slice3A_7 = vector.extract_strided_slice %get3A_1 {offsets = [64, 0], sizes = [32, 16], strides = [1, 1]} : vector<96x16xf32> to vector<32x16xf32>
    %reduce_sum3A_8 = arith.constant dense<0.000000e+00> : vector<16xf32>
    %reduce_sum3A_9 = vector.multi_reduction <add>, %slice3A_7, %reduce_sum3A_8 [0] : vector<32x16xf32> to vector<16xf32>
    %broadcast_in_dim3A_10 = vector.shape_cast %reduce_sum3A_9 : vector<16xf32> to vector<1x16xf32>
    %max3A = arith.constant 1.000000e+00 : f32
    %max3A_11 = vector.broadcast %max3A : f32 to vector<1x16xf32>
    %max3A_12 = arith.maximumf %broadcast_in_dim3A, %max3A_11 : vector<1x16xf32>
    %sub3A = arith.subf %broadcast_in_dim3A_10, %broadcast_in_dim3A_6 : vector<1x16xf32>
    %abs3A = math.absf %sub3A : vector<1x16xf32>
    %div3A = arith.divf %abs3A, %max3A_12 : vector<1x16xf32>
    %mul3A = arith.constant 5.96046448E-8 : f32
    %mul3A_13 = vector.broadcast %mul3A : f32 to vector<1x16xf32>
    %mul3A_14 = arith.mulf %broadcast_in_dim3A, %mul3A_13 : vector<1x16xf32>
    %mul3A_15 = arith.mulf %div3A, %mul3A_14 : vector<1x16xf32>
    %gt3A = arith.constant 0.000000e+00 : f32
    %gt3A_16 = vector.broadcast %gt3A : f32 to vector<1x16xf32>
    %gt3A_17 = arith.cmpf ogt, %broadcast_in_dim3A, %gt3A_16 : vector<1x16xf32>
    %jit3A = arith.constant 0.000000e+00 : f32
    %broadcast_in_dim3A_18 = vector.broadcast %jit3A : f32 to vector<1x16xf32>
    %select_n3A = arith.select %gt3A_17, %mul3A_15, %broadcast_in_dim3A_18 : vector<1x16xi1>, vector<1x16xf32>
    %reduce_sum3A_19 = vector.shape_cast %select_n3A : vector<1x16xf32> to vector<1x1x16xf32>
    %reduce_sum3A_20 = arith.constant dense<0.000000e+00> : vector<1xf32>
    %reduce_sum3A_21 = vector.multi_reduction <add>, %reduce_sum3A_19, %reduce_sum3A_20 [1, 2] : vector<1x1x16xf32> to vector<1xf32>
    %reduce_sum3A_22 = vector.shape_cast %reduce_sum3A_21 : vector<1xf32> to vector<1x1x1xf32>
    %reduce_sum3A_23 = vector.extract %reduce_sum3A_22[0, 0, 0] : f32 from vector<1x1x1xf32>
    %swap3A = arith.constant 0 : index
    %swap3A_24 = arith.constant 0 : index
    %swap3A_25 = memref.load %arg1[%swap3A, %swap3A_24] : memref<1x1xf32, #tpu.memory_space<smem>>
    memref.store %reduce_sum3A_23, %arg1[%swap3A, %swap3A_24] : memref<1x1xf32, #tpu.memory_space<smem>>
    return
  }
}

</mosaic_0001>

<sc_bundles>
// kernel: kernel.4.cloned.1.call-start
scs
__scs_entry_jumppad:
0x0: {  	(pc) =	sbr.rel $0x88, $3  }
0x1: {  	(tag) =	ssettag $0x0;
	lr =	simm.s32 $0x1  }
0x2: {  	[smem:$0x3F9E] =	sst lr;
	_ =	strace $0xD0000000  }
0x3: {  	_ = 	snop  }
0x4: {  	_ = 	snop  }
0x5: {  	_ = 	snop  }
0x6: {  	_ = 	snop  }
0x7: {  	_ = 	snop  }
__scs_overlays_trampoline_lowered:
0x8: {  	[smem:$0x3FAD] =	sst s0  }
0x9: {  	[smem:$0x3FAE] =	sst s1  }
0xa: {  	[smem:$0x3FAF] =	sst s2  }
0xb: {  	[smem:$0x3FB0] =	sst s3  }
0xc: {  	[smem:$0x3FB1] =	sst s4  }
0xd: {  	[smem:$0x3FB2] =	sst s5  }
0xe: {  	[smem:$0x3FB3] =	sst s6  }
0xf: {  	[smem:$0x3FB4] =	sst s7  }
0x10: {  	[smem:$0x3FB5] =	sst s8  }
0x11: {  	[smem:$0x3FB6] =	sst s9;
	s0 =	simm.s32 @!p0 $0x0  }
0x12: {  	s1 =	sld [smem:$0x3F9C];
	s0 =	simm.s32 @p0 $0x1  }
0x13: {  	[smem:$0x3FB7] =	sst s0;
	s0 =	simm.s32 @!p1 $0x0  }
0x14: {  	s2 =	sld [smem:$0x3F9B];
	s0 =	simm.s32 @p1 $0x1  }
0x15: {  	[smem:$0x3FB8] =	sst s0;
	s0 =	simm.s32 @!p2 $0x0  }
0x16: {  	s3 =	sld [smem:$0x3FDB];
	s0 =	simm.s32 @p2 $0x1  }
0x17: {  	s4 =	simm.s32 $0x1BF5;
	[smem:$0x3FBA] =	sst s0  }
0x18: {  	s0 =	sld [smem:$0x3F9D];
	_ =	swait.ge [sflag:s4], $0x0  }
0x19: {  	s7 =	sld [smem:$0x3F9E]  }
0x1a: {  	s8 =	sadd.s32 $0xFFFFE003, lr  }
0x1b: {  	s9 =	sadd.s32 $0xFFFFFEF7, lr;
	s5 =	simm.s32 $0xFFFFFFFF;
	p2 =	slt.u32 s8, $0xFFFFF086  }
0x1c: {  	p1 =	slt.u32 s9, $0xF7A;
	s5 =	simm.s32 @!p2 $0x0  }
0x1d: {  	s5 =	simm.s32 @p1 $0x1;
	p0 =	seq.s32 s7, s2  }
0x1e: {  	s7 =	smul.u32 @!p0 $0xF7A, s2;
	p2 =	seq.s32 @!p0 s5, $0x0  }
0x1f: {  	s9 =	smul.u32 $0xF7A, s1;
	s8 =	simm.s32 @!p0 $0x1BF5;
	p2 =	por !p2, p0  }
0x20: {  	[sflag:s8] =	ssyncset.s32 @!p0 $0xFFFFF086;
	s6 =	sadd.s32 @!p0 s3, s7;
	s7 =	simm.s32 @!p0 $0x108  }
0x21: {  	s3 =	sadd.s32 s3, s9;
	s6 =	sadd.s32 @!p0 $0x88, s6;
	s7 =	simm.s32 @p2 $0x1082  }
0x22: {  	[simem:s7], [sflag:s8] =	dma.local @!p0 [hbm:s6], $0xF7A  }
0x23: {  	s9 =	sor.u32 $0xD0000000, s2;
	s6 =	simm.s32 $0x108;
	_ =	swait.ge @!p0 [sflag:s8], $0x0  }
0x24: {  	s3 =	sadd.s32 $0x88, s3;
	s6 =	simm.s32 @!p1 $0x1082;
	[sflag:s4] =	ssyncset.s32 $0xFFFFF086  }
0x25: {  	[simem:s6], [sflag:s4] =	dma.local [hbm:s3], $0xF7A  }
0x26: {  	[smem:$0x3F9E] =	sst s1;
	(tag) =	ssettag s2;
	_ =	strace s9  }
0x27: {  	s1 =	sld [smem:$0x3FAE]  }
0x28: {  	s2 =	sld [smem:$0x3FAF]  }
0x29: {  	s4 =	sld [smem:$0x3FB1]  }
0x2a: {  	p0 =	seq.s32 s5, $0x0;
	s5 =	sld [smem:$0x3FB2]  }
0x2b: {  	s6 =	sld [smem:$0x3FB3]  }
0x2c: {  	s7 =	sld [smem:$0x3FB4]  }
0x2d: {  	s3 =	simm.s32 $0x108;
	s8 =	sld [smem:$0x3FB5]  }
0x2e: {  	s3 =	simm.s32 @!p0 $0x1082;
	s9 =	sld [smem:$0x3FB6]  }
0x2f: {  	lr =	sadd.s32 s0, s3;
	s0 =	sld [smem:$0x3FAD]  }
0x30: {  	s3 =	sld [smem:$0x3FB0]  }
0x31: {  	[smem:$0x3FB9] =	sst s10  }
0x32: {  	s10 =	sld [smem:$0x3FB7];
	_ =	sdelay $0x3  }
0x33: {  	p0 =	seq.s32 s10, $0x1;
	s10 =	sld [smem:$0x3FB9];
	_ =	sdelay $0x3  }
0x34: {  	[smem:$0x3FB9] =	sst s10  }
0x35: {  	s10 =	sld [smem:$0x3FB8];
	_ =	sdelay $0x3  }
0x36: {  	p1 =	seq.s32 s10, $0x1;
	s10 =	sld [smem:$0x3FB9];
	_ =	sdelay $0x3  }
0x37: {  	[smem:$0x3FB9] =	sst s10  }
0x38: {  	s10 =	sld [smem:$0x3FBA]  }
0x39: {  	_ = 	snop;
	(pc) =	sbr.ind lr, $3  }
0x3a: {  	_ = 	snop  }
0x3b: {  	_ = 	snop  }
0x3c: {  	p2 =	seq.s32 s10, $0x1;
	s10 =	sld [smem:$0x3FB9]  }
0x3d: {  	_ =	shalt  }
0x3e: {  	_ =	shalt  }
0x3f: {  	_ =	shalt  }
0x40: {  	_ =	shalt  }
0x41: {  	_ =	shalt  }
0x42: {  	_ =	shalt  }
0x43: {  	_ =	shalt  }
0x44: {  	_ =	shalt  }
0x45: {  	_ =	shalt  }
0x46: {  	_ =	shalt  }
0x47: {  	_ =	shalt  }
0x48: {  	_ =	shalt  }
0x49: {  	_ =	shalt  }
0x4a: {  	_ =	shalt  }
0x4b: {  	_ =	shalt  }
0x4c: {  	_ =	shalt  }
0x4d: {  	_ =	shalt  }
0x4e: {  	_ =	shalt  }
0x4f: {  	_ =	shalt  }
0x50: {  	_ =	shalt  }
0x51: {  	_ =	shalt  }
0x52: {  	_ =	shalt  }
0x53: {  	_ =	shalt  }
0x54: {  	_ =	shalt  }
0x55: {  	_ =	shalt  }
0x56: {  	_ =	shalt  }
0x57: {  	_ =	shalt  }
0x58: {  	_ =	shalt  }
0x59: {  	_ =	shalt  }
0x5a: {  	_ =	shalt  }
0x5b: {  	_ =	shalt  }
0x5c: {  	_ =	shalt  }
0x5d: {  	_ =	shalt  }
0x5e: {  	_ =	shalt  }
0x5f: {  	_ =	shalt  }
0x60: {  	_ =	shalt  }
0x61: {  	_ =	shalt  }
0x62: {  	_ =	shalt  }
0x63: {  	_ =	shalt  }
0x64: {  	_ =	shalt  }
0x65: {  	_ =	shalt  }
0x66: {  	_ =	shalt  }
0x67: {  	_ =	shalt  }
0x68: {  	_ =	shalt  }
0x69: {  	_ =	shalt  }
0x6a: {  	_ =	shalt  }
0x6b: {  	_ =	shalt  }
0x6c: {  	_ =	shalt  }
0x6d: {  	_ =	shalt  }
0x6e: {  	_ =	shalt  }
0x6f: {  	_ =	shalt  }
0x70: {  	_ =	shalt  }
0x71: {  	_ =	shalt  }
0x72: {  	_ =	shalt  }
0x73: {  	_ =	shalt  }
0x74: {  	_ =	shalt  }
0x75: {  	_ =	shalt  }
0x76: {  	_ =	shalt  }
0x77: {  	_ =	shalt  }
0x78: {  	_ =	shalt  }
0x79: {  	_ =	shalt  }
0x7a: {  	_ =	shalt  }
0x7b: {  	_ =	shalt  }
0x7c: {  	_ =	shalt  }
0x7d: {  	_ =	shalt  }
0x7e: {  	_ =	shalt  }
0x7f: {  	_ =	shalt  }
0x80: {  	_ =	shalt  }
0x81: {  	_ =	shalt  }
0x82: {  	_ =	shalt  }
0x83: {  	_ =	shalt  }
0x84: {  	_ =	shalt  }
0x85: {  	_ =	shalt  }
0x86: {  	_ =	shalt  }
0x87: {  	_ =	shalt  }
.Lfunc_end0:
.L_simem_size_0:
called_computation_lowered:
.L_overlay_start_0:
0x88: {  	s2 =	sld [smem:$0x3FD9]  }
0x89: {  	s3 =	sld [smem:$0x3FFE];
	_ =	sdelay $0x1  }
0x8a: {  	s1 =	srdreg.scid  }
0x8b: {  	s0 =	sand.u32 $0x1, s1  }
0x8c: {  	s17 =	sshll.u32 s0, $0xA;
	s2 =	sadd.s32 s3, s2  }
0x8d: {  	s2 =	sadd.s32 s2, s17  }
0x8e: {  	[smem:$0x3FC5] =	sst s2  }
0x8f: {  	_ = 	snop  }
0x90: {  	s2 =	sld [smem:$0x3FC9]  }
0x91: {  	s18 =	sld [smem:$0x3FC8]  }
0x92: {  	s4 =	sld [smem:$0x3FC7];
	(tm) =	ssettm $0x1  }
0x93: {  	s5 =	sld [smem:$0x3FFB];
	_ =	sdelay $0x3  }
0x94: {  	_ =	strace s5  }
0x95: {  	s5 =	sld [smem:$0x3FFC];
	_ =	sdelay $0x3  }
0x96: {  	_ =	strace s5  }
0x97: {  	s5 =	sld [smem:$0x3FFD];
	_ =	sdelay $0x3  }
0x98: {  	_ =	strace s5  }
0x99: {  	_ =	strace $0x8FFFFFFF  }
0x9a: {  	s19 =	sld [smem:$0x3FDB];
	_ =	sdelay $0x1  }
0x9b: {  	s6 =	simm.s32 $_scs_section_size  }
0x9c: {  	s7 =	simm.s32 $_size__tile_overlayer_lowered;
	s8 =	simm.s32 $_tile_overlayer_lowered  }
0x9d: {  	s22 =	simm.s32 $0x1BFF;
	s21 =	sshll.u32 s8, $0x1;
	s5 =	sadd.s32 s6, s19  }
0x9e: {  	s9 =	simm.s32 $0x0;
	s20 =	sshll.u32 s7, $0x1;
	s7 =	sadd.s32 s21, s5  }
0x9f: {  	[timem:s9], [sflag:s22] =	dma.local [hbm:s7], s20  }
0xa0: {  	_ =	swait.ge [sflag:s22], s20  }
0xa1: {  	s6 =	ssub.s32 $0x0, s20;
	[sflag:s22] =	ssyncset.done $0x0  }
0xa2: {  	[sflag:s22] =	ssyncadd.s32 s6;
	_ =	sdelay $0x1  }
0xa3: {  	s23 =	simm.s32 $0x1B8B  }
0xa4: {  	_ =	swait.ge [sflag:s23], $0x1  }
0xa5: {  	[sflag:s23] =	ssyncset.done $0x0  }
0xa6: {  	s25 =	simm.s32 $0x1B8E;
	s24 =	sld [smem:$0x3FFE];
	[sflag:s23] =	ssyncadd.s32 $0xFFFFFFFF  }
0xa7: {  	s26 =	simm.s32 $execute0_lowered;
	[smem:$0x3FD2] =	sst s25  }
0xa8: {  	s7 =	sshll.u32 s26, $0x1;
	_ =	strace $0x80000046;
	[dreg:$0x1] =	wrdreg $0xFFFFFFFF  }
0xa9: {  	s28 =	simm.s32 $_size_execute0_lowered;
	s5 =	sadd.s32 s5, s7;
	[dreg:$0x0] =	wrdreg $0x0  }
0xaa: {  	s7 =	sshll.u32 s28, $0x1;
	[dreg:$0x2] =	wrdreg s5  }
0xab: {  	[dreg:$0x3] =	wrdreg s7  }
0xac: {  	[dreg:$0x4] =	wrdreg $0xC0  }
0xad: {  	_ =	task [dreg:s9], $0x5FFFF  }
0xae: {  	[dreg:$0x1] =	wrdreg $0xFFFFFFFF  }
0xaf: {  	[dreg:$0x0] =	wrdreg $0x60  }
0xb0: {  	[dreg:$0x2] =	wrdreg s2  }
0xb1: {  	[dreg:$0x3] =	wrdreg s18  }
0xb2: {  	[dreg:$0x4] =	wrdreg s4  }
0xb3: {  	[dreg:$0x5] =	wrdreg s24  }
0xb4: {  	[dreg:$0x6] =	wrdreg $0x9  }
0xb5: {  	_ =	task.clear_ibuf [dreg:s9], $0x7FFFF;
	_ =	strace $0x90000046  }
0xb6: {  	s29 =	simm.s32 $0x9;
	_ =	strace $0x80000048  }
0xb7: {  	_ =	swait.ge [sflag:s29], $0x1  }
0xb8: {  	[sflag:s29] =	ssyncadd.s32 $0xFFFFFFFF  }
0xb9: {  	_ =	strace $0x90000048  }
0xba: {  	_ =	sfence  }
0xbb: {  	s30 =	sld [smem:$0x0];
	_ =	sdelay $0x2  }
0xbc: {  	s31 =	sshll.u32 s1, $0xD;
	s1 =	sshrl.u32 s1, $0x2  }
0xbd: {  	s3 =	sand.u32 $0x4000, s31;
	s1 =	sadd.s32 s1, s30  }
0xbe: {  	s0 =	sor.u32 s3, s0;
	s1 =	sshll.u32 s1, $0x11  }
0xbf: {  	s0 =	sor.u32 s1, s0  }
0xc0: {  	s0 =	sadd.s32 $0x8F2B, s0  }
0xc1: {  	[sflag:s0] =	ssyncadd.remote.s32 $0x1  }
0xc2: {  	_ =	sfence.sel $0xFFFF  }
0xc3: {  	[dreg:$0x0] =	wrdreg $0xFFFFFFFF;
	(pc) =	sbr.abs _section_cstart, $3  }
0xc4: {  	[dreg:$0x1] =	wrdreg $0xFFFFFFFF  }
0xc5: {  	_ =	task.clear_ibuf [dreg:s9], $0x2FFFF;
	_ =	strace $0x9FFFFFFF  }
0xc6: {  	(tm) =	ssettm $0x7FFFFFFF  }
0xc7: {  	_ =	shalt  }
tec
execute0_lowered:
.L_overlay_start_1:
0x0: {  	(tag) =	ssettag $0x1  }
0x1: {  	s15 =	rddreg [dreg:$0x0]  }
0x2: {  	s16 =	rddreg [dreg:$0x1]  }
0x3: {  	s17 =	rddreg [dreg:$0x2]  }
0x4: {  	s0 =	rddreg [dreg:$0x3]  }
0x5: {  	s1 =	srdreg.scid;
	s2 =	stileid.u32;
	s5 =	simm.s32 $0x0  }
0x6: {  	s29 =	simm.s32 $0x1;
	s31 =	simm.s32 $0x3;
	s18 =	simm.s32 $0x18000  }
0x7: {  	s19 =	simm.s32 $0x1A000;
	s20 =	simm.s32 $0x18800;
	s21 =	simm.s32 $0x1A800  }
0x8: {  	s22 =	simm.s32 $0x19000;
	s1 =	sand.u32 $0x1, s1;
	s2 =	sshll.u32 s2, $0x1  }
0x9: {  	[smem:$0x7FF] =	sst s5;
	s2 =	sor.u32 s1, s2;
	s1 =	ssub.s32 $0x2, s1  }
0xa: {  	_ =	strace $0x80000047;
	s3 =	sshll.u32 s2, $0x4;
	s23 =	sshrl.u32 s1, $0x1  }
0xb: {  	s4 =	sshll.u32 s2, $0x10;
	s26 =	sshll.u32 s2, $0x13;
	s0 =	sadd.s32 s3, s0  }
0xc: {  	s1 =	ssub.s32 s1, s23;
	s7 =	sadd.s32 s15, s4;
	s8 =	sadd.s32 s16, s4  }
0xd: {  	s9 =	sadd.s32 s17, s4;
	[dreg:$0x5] =	wrdreg s26;
	s24 =	sadd.s32 $0x600, s0  }
0xe: {  	s28 =	sor.u32 $0x8000, s26;
	s25 =	sadd.s32 $0x800, s0;
	[dreg:$0x6] =	wrdreg s24  }
0xf: {  	s23 =	simm.s32 $0x1B000;
	s0 =	sadd.s32 $0xA00, s0;
	[dreg:$0x7] =	wrdreg s25  }
0x10: {  	v0 =	vimm.s32 $0x0;
	s30 =	smax.u32 s1, $0x1;
	s1 =	simm.s32 $0x0;
	[dreg:$0x8] =	wrdreg s0  }
0x11: {  	v1 =	vimm.f32 $0.0e+00;
	v2 =	vimm.s32 $0x1;
	v3 =	vlaneseq.u32;
	[dreg:$0x9] =	wrdreg s30;
	s24 =	simm.s32 $0x19800;
	s25 =	simm.s32 $0x1B800  }
.LBB2_1:
0x12: {  	[tilespmem:$0x18000] =	vst v0  }
0x13: {  	[tilespmem:$0x1A000] =	vst v1  }
0x14: {  	[tilespmem:$0x18800] =	vst v0  }
0x15: {  	[tilespmem:$0x1A800] =	vst v1  }
0x16: {  	[tilespmem:$0x19000] =	vst v0  }
0x17: {  	[tilespmem:$0x1B000] =	vst v1  }
0x18: {  	[tilespmem:$0x19800] =	vst v0  }
0x19: {  	[tilespmem:$0x1B800] =	vst v1  }
0x1a: {  	[tilespmem:$0x18080] =	vst v0  }
0x1b: {  	[tilespmem:$0x1A080] =	vst v1  }
0x1c: {  	[tilespmem:$0x18880] =	vst v0  }
0x1d: {  	[tilespmem:$0x1A880] =	vst v1  }
0x1e: {  	[tilespmem:$0x19080] =	vst v0  }
0x1f: {  	[tilespmem:$0x1B080] =	vst v1  }
0x20: {  	[tilespmem:$0x19880] =	vst v0  }
0x21: {  	[tilespmem:$0x1B880] =	vst v1  }
0x22: {  	[tilespmem:$0x18100] =	vst v0  }
0x23: {  	[tilespmem:$0x1A100] =	vst v1  }
0x24: {  	[tilespmem:$0x18900] =	vst v0  }
0x25: {  	[tilespmem:$0x1A900] =	vst v1  }
0x26: {  	[tilespmem:$0x19100] =	vst v0  }
0x27: {  	[tilespmem:$0x1B100] =	vst v1  }
0x28: {  	[tilespmem:$0x19900] =	vst v0  }
0x29: {  	[tilespmem:$0x1B900] =	vst v1  }
0x2a: {  	[tilespmem:$0x18180] =	vst v0  }
0x2b: {  	[tilespmem:$0x1A180] =	vst v1  }
0x2c: {  	[tilespmem:$0x18980] =	vst v0  }
0x2d: {  	[tilespmem:$0x1A980] =	vst v1  }
0x2e: {  	[tilespmem:$0x19180] =	vst v0  }
0x2f: {  	[tilespmem:$0x1B180] =	vst v1  }
0x30: {  	[tilespmem:$0x19980] =	vst v0  }
0x31: {  	[tilespmem:$0x1B980] =	vst v1  }
0x32: {  	[tilespmem:$0x18200] =	vst v0  }
0x33: {  	[tilespmem:$0x1A200] =	vst v1  }
0x34: {  	[tilespmem:$0x18A00] =	vst v0  }
0x35: {  	[tilespmem:$0x1AA00] =	vst v1  }
0x36: {  	[tilespmem:$0x19200] =	vst v0  }
0x37: {  	[tilespmem:$0x1B200] =	vst v1  }
0x38: {  	[tilespmem:$0x19A00] =	vst v0  }
0x39: {  	[tilespmem:$0x1BA00] =	vst v1  }
0x3a: {  	[tilespmem:$0x18280] =	vst v0  }
0x3b: {  	[tilespmem:$0x1A280] =	vst v1  }
0x3c: {  	[tilespmem:$0x18A80] =	vst v0  }
0x3d: {  	[tilespmem:$0x1AA80] =	vst v1  }
0x3e: {  	[tilespmem:$0x19280] =	vst v0  }
0x3f: {  	[tilespmem:$0x1B280] =	vst v1  }
0x40: {  	[tilespmem:$0x19A80] =	vst v0  }
0x41: {  	[tilespmem:$0x1BA80] =	vst v1  }
0x42: {  	[tilespmem:$0x18300] =	vst v0  }
0x43: {  	[tilespmem:$0x1A300] =	vst v1  }
0x44: {  	[tilespmem:$0x18B00] =	vst v0  }
0x45: {  	[tilespmem:$0x1AB00] =	vst v1  }
0x46: {  	[tilespmem:$0x19300] =	vst v0  }
0x47: {  	[tilespmem:$0x1B300] =	vst v1  }
0x48: {  	[tilespmem:$0x19B00] =	vst v0  }
0x49: {  	[tilespmem:$0x1BB00] =	vst v1  }
0x4a: {  	[tilespmem:$0x18380] =	vst v0  }
0x4b: {  	[tilespmem:$0x1A380] =	vst v1  }
0x4c: {  	[tilespmem:$0x18B80] =	vst v0  }
0x4d: {  	[tilespmem:$0x1AB80] =	vst v1  }
0x4e: {  	[tilespmem:$0x19380] =	vst v0  }
0x4f: {  	[tilespmem:$0x1B380] =	vst v1  }
0x50: {  	[tilespmem:$0x19B80] =	vst v0  }
0x51: {  	[tilespmem:$0x1BB80] =	vst v1  }
0x52: {  	[tilespmem:$0x18400] =	vst v0  }
0x53: {  	[tilespmem:$0x1A400] =	vst v1  }
0x54: {  	[tilespmem:$0x18C00] =	vst v0  }
0x55: {  	[tilespmem:$0x1AC00] =	vst v1  }
0x56: {  	[tilespmem:$0x19400] =	vst v0  }
0x57: {  	[tilespmem:$0x1B400] =	vst v1  }
0x58: {  	[tilespmem:$0x19C00] =	vst v0  }
0x59: {  	[tilespmem:$0x1BC00] =	vst v1  }
0x5a: {  	[tilespmem:$0x18480] =	vst v0  }
0x5b: {  	[tilespmem:$0x1A480] =	vst v1  }
0x5c: {  	[tilespmem:$0x18C80] =	vst v0  }
0x5d: {  	[tilespmem:$0x1AC80] =	vst v1  }
0x5e: {  	[tilespmem:$0x19480] =	vst v0  }
0x5f: {  	[tilespmem:$0x1B480] =	vst v1  }
0x60: {  	[dreg:$0xa] =	wrdreg s1;
	[tilespmem:$0x19C80] =	vst v0;
	s0 =	simm.s32 $0x10  }
0x61: {  	[tilespmem:$0x1BC80] =	vst v1;
	s3 =	sadd.s32 $0x0, s7;
	s1 =	simm.s32 $0x100;
	s2 =	simm.s32 $0x0  }
.LBB2_2:
0x62: {  	[tilespmem:s2], [sflag:$0x1] =	stream.linear.gather [hbm4b:s3+s5], $0x80, $0x38;
	[tilespmem:$0x1C080] =	vst v63  }
0x63: {  	s3 =	smov.u32 s0;
	s2 =	smov.u32 s1;
	p0 =	sne.s32 s0, $0x7F0  }
.Ltmp0:
0x64: {  	s0 =	sadd.s32 $0x10, s0;
	(pc) =	sbr.rel @p0 .LBB2_2-.Ltmp0, $2  }
0x65: {  	_ =	sdelay $0x2  }
0x66: {  	s1 =	sadd.s32 $0x100, s1;
	s3 =	sadd.s32 s3, s7  }
0x67: {  	[tilespmem:s2], [sflag:$0x1] =	stream.linear.gather [hbm4b:s3+s5], $0x80, $0x38;
	[tilespmem:$0x1C080] =	vst v63  }
0x68: {  	s0 =	simm.s32 $0x8000  }
0x69: {  	s1 =	simm.s32 $0x10;
	s3 =	sadd.s32 $0x0, s8;
	s2 =	simm.s32 $0x8100  }
.LBB2_4:
0x6a: {  	[tilespmem:s0], [sflag:$0x3] =	stream.linear.gather [hbm4b:s3+s5], $0x80, $0x38;
	[tilespmem:$0x1C080] =	vst v63  }
0x6b: {  	s3 =	smov.u32 s1;
	s0 =	smov.u32 s2;
	p0 =	sne.s32 s1, $0x7F0  }
.Ltmp1:
0x6c: {  	s1 =	sadd.s32 $0x10, s1;
	(pc) =	sbr.rel @p0 .LBB2_4-.Ltmp1, $2  }
0x6d: {  	_ =	sdelay $0x2  }
0x6e: {  	s2 =	sadd.s32 $0x100, s2;
	s3 =	sadd.s32 s3, s8  }
0x6f: {  	[tilespmem:s0], [sflag:$0x3] =	stream.linear.gather [hbm4b:s3+s5], $0x80, $0x38;
	[tilespmem:$0x1C080] =	vst v63  }
0x70: {  	s3 =	simm.s32 $0x0;
	s0 =	simm.s32 $0x10000  }
0x71: {  	s1 =	simm.s32 $0x10;
	s4 =	sadd.s32 $0x0, s9;
	s2 =	simm.s32 $0x10100  }
.LBB2_6:
0x72: {  	[tilespmem:s0], [sflag:$0x5] =	stream.linear.gather [hbm4b:s4+s3], $0x80, $0x38;
	[tilespmem:$0x1C080] =	vst v63  }
0x73: {  	s4 =	smov.u32 s1;
	s0 =	smov.u32 s2;
	p0 =	sne.s32 s1, $0x7F0  }
.Ltmp2:
0x74: {  	s1 =	sadd.s32 $0x10, s1;
	(pc) =	sbr.rel @p0 .LBB2_6-.Ltmp2, $2  }
0x75: {  	_ =	sdelay $0x2  }
0x76: {  	s2 =	sadd.s32 $0x100, s2;
	s4 =	sadd.s32 s4, s9  }
0x77: {  	[tilespmem:s0], [sflag:$0x5] =	stream.linear.gather [hbm4b:s4+s3], $0x80, $0x38;
	[tilespmem:$0x1C080] =	vst v63  }
.LBB2_8:
0x78: {  	_ =	swait.ge [sflag:s29], $0x4000  }
0x79: {  	[sflag:s29] =	ssyncset.done $0x0  }
0x7a: {  	[sflag:s29] =	ssyncadd.s32 $0xFFFFC000  }
0x7b: {  	_ =	swait.ge [sflag:s31], $0x4000  }
0x7c: {  	s11 =	sshll.u32 s3, $0xF;
	[sflag:s31] =	ssyncset.done $0x0  }
0x7d: {  	s1 =	simm.s32 $0x5;
	s0 =	sor.u32 s11, s26;
	[sflag:s31] =	ssyncadd.s32 $0xFFFFC000  }
0x7e: {  	s0 =	sshrl.u32 s0, $0x3;
	_ =	swait.ge [sflag:s1], $0x4000  }
0x7f: {  	s0 =	sor.u32 $0x800, s0;
	[sflag:s1] =	ssyncset.done $0x0  }
0x80: {  	s2 =	simm.s32 $0x80;
	[sflag:s1] =	ssyncadd.s32 $0xFFFFC000;
	s1 =	sadd.s32 s15, s0  }
0x81: {  	s4 =	simm.s32 $0x10;
	s6 =	simm.s32 $0x180;
	s10 =	sadd.s32 $0x0, s1  }
.LBB2_9:
0x82: {  	[tilespmem:s2], [sflag:$0x2] =	stream.linear.gather [hbm4b:s10+s5], $0x80, $0x38;
	[tilespmem:$0x1C080] =	vst v63  }
0x83: {  	s10 =	smov.u32 s4;
	s2 =	smov.u32 s6;
	p0 =	sne.s32 s4, $0x7F0  }
.Ltmp3:
0x84: {  	s4 =	sadd.s32 $0x10, s4;
	(pc) =	sbr.rel @p0 .LBB2_9-.Ltmp3, $2  }
0x85: {  	_ =	sdelay $0x2  }
0x86: {  	s6 =	sadd.s32 $0x100, s6;
	s10 =	sadd.s32 s10, s1  }
0x87: {  	[tilespmem:s2], [sflag:$0x2] =	stream.linear.gather [hbm4b:s10+s5], $0x80, $0x38;
	[tilespmem:$0x1C080] =	vst v63  }
0x88: {  	s1 =	sadd.s32 s16, s0;
	s2 =	simm.s32 $0x8080  }
0x89: {  	s4 =	simm.s32 $0x10;
	s6 =	simm.s32 $0x8180;
	s10 =	sadd.s32 $0x0, s1  }
.LBB2_11:
0x8a: {  	[tilespmem:s2], [sflag:$0x4] =	stream.linear.gather [hbm4b:s10+s5], $0x80, $0x38;
	[tilespmem:$0x1C080] =	vst v63  }
0x8b: {  	s10 =	smov.u32 s4;
	s2 =	smov.u32 s6;
	p0 =	sne.s32 s4, $0x7F0  }
.Ltmp4:
0x8c: {  	s4 =	sadd.s32 $0x10, s4;
	(pc) =	sbr.rel @p0 .LBB2_11-.Ltmp4, $2  }
0x8d: {  	_ =	sdelay $0x2  }
0x8e: {  	s6 =	sadd.s32 $0x100, s6;
	s10 =	sadd.s32 s10, s1  }
0x8f: {  	[tilespmem:s2], [sflag:$0x4] =	stream.linear.gather [hbm4b:s10+s5], $0x80, $0x38;
	[tilespmem:$0x1C080] =	vst v63  }
0x90: {  	s0 =	sadd.s32 s17, s0;
	s1 =	simm.s32 $0x0;
	s2 =	simm.s32 $0x10080  }
.LBB2_13:
0x91: {  	p0 =	sne.s32 s1, $0x7F0  }
.Ltmp5:
0x92: {  	_ = 	snop;
	(pc) =	sbr.rel @p0 .LBB2_13-.Ltmp5, $4  }
0x93: {  	_ = 	snop  }
0x94: {  	s4 =	sadd.s32 s1, s0  }
0x95: {  	[tilespmem:s2], [sflag:$0x6] =	stream.linear.gather [hbm4b:s4+s5], $0x80, $0x38;
	[tilespmem:$0x1C080] =	vst v63  }
0x96: {  	s1 =	sadd.s32 $0x10, s1;
	s2 =	sadd.s32 $0x100, s2  }
0x97: {  	s14 =	simm.s32 $0x400  }
0x98: {  	v6 =	vld [tilespmem:s14+$0x340]  }
0x99: {  	v21 =	vld [tilespmem:s14+$0xFFFFFC40]  }
0x9a: {  	v16 =	vld [tilespmem:s14+$0xFFFFFD00]  }
0x9b: {  	v15 =	vld [tilespmem:s14+$0xFFFFFD40]  }
0x9c: {  	v14 =	vld [tilespmem:s14+$0xFFFFFE00]  }
0x9d: {  	v13 =	vld [tilespmem:s14+$0xFFFFFE40]  }
0x9e: {  	v12 =	vld [tilespmem:s14+$0xFFFFFF00]  }
0x9f: {  	s12 =	simm.s32 $0x8400;
	v11 =	vld [tilespmem:s14+$0xFFFFFF40]  }
0xa0: {  	s13 =	simm.s32 $0x10400;
	v17 =	vld [tilespmem:s12+$0x340]  }
0xa1: {  	v18 =	vld [tilespmem:s13+$0x340]  }
0xa2: {  	v10 =	vld [tilespmem:s14+$0x0]  }
0xa3: {  	v9 =	vld [tilespmem:s14+$0x40]  }
0xa4: {  	v8 =	vld [tilespmem:s14+$0x100]  }
0xa5: {  	v7 =	vld [tilespmem:s14+$0x140]  }
0xa6: {  	v5 =	vld [tilespmem:s14+$0x200]  }
0xa7: {  	v22 =	vld [tilespmem:s14+$0xFFFFFC00]  }
0xa8: {  	v23 =	vld [tilespmem:s12+$0xFFFFFC00];
	v4 =	vmul.f32 $1.000000000e+01, v6  }
0xa9: {  	v24 =	vld [tilespmem:s13+$0xFFFFFC00]  }
0xaa: {  	v25 =	vld [tilespmem:s12+$0xFFFFFC40];
	v4 =	vtrunc.f32 v4  }
0xab: {  	v26 =	vld [tilespmem:s13+$0xFFFFFC40];
	v4 =	vcvt.f32.s32 v4  }
0xac: {  	v27 =	vld [tilespmem:s12+$0xFFFFFD00]  }
0xad: {  	v28 =	vld [tilespmem:s13+$0xFFFFFD00];
	v4 =	vshll.u32 v4, $0x7  }
0xae: {  	v29 =	vld [tilespmem:s12+$0xFFFFFD40];
	v19 =	vor.u32 v3, v4  }
0xaf: {  	v30 =	vld [tilespmem:s13+$0xFFFFFD40]  }
0xb0: {  	v31 =	vld [tilespmem:s12+$0xFFFFFE00]  }
0xb1: {  	v32 =	vld [tilespmem:s13+$0xFFFFFE00];
	vm0 =	veq.s32 v17, v18  }
0xb2: {  	v33 =	vld [tilespmem:s12+$0xFFFFFE40];
	v17 =	vsel vm0, $0x10001, v2  }
0xb3: {  	[tilespmem:v19+s18+$0x0] =	vst.idx.add.s32.msk $0xffff, v17  }
0xb4: {  	[tilespmem:v19+s19+$0x0] =	vst.idx.add.f32.msk $0xffff, v6  }
0xb5: {  	v17 =	vld [tilespmem:s14+$0x350]  }
0xb6: {  	v35 =	vld [tilespmem:s13+$0xFFFFFE40]  }
0xb7: {  	v36 =	vld [tilespmem:s12+$0xFFFFFF00]  }
0xb8: {  	v37 =	vld [tilespmem:s13+$0xFFFFFF00]  }
0xb9: {  	v38 =	vld [tilespmem:s12+$0xFFFFFF40]  }
0xba: {  	v39 =	vld [tilespmem:s13+$0xFFFFFF40];
	v54 =	vmul.f32 $1.000000000e+01, v17  }
0xbb: {  	v40 =	vld [tilespmem:s12+$0x0]  }
0xbc: {  	v41 =	vld [tilespmem:s13+$0x0];
	v18 =	vtrunc.f32 v54  }
0xbd: {  	v19 =	vld [tilespmem:s12+$0x350];
	v18 =	vcvt.f32.s32 v18  }
0xbe: {  	v20 =	vld [tilespmem:s13+$0x350]  }
0xbf: {  	v43 =	vld [tilespmem:s12+$0x40];
	v18 =	vshll.u32 v18, $0x7  }
0xc0: {  	v44 =	vld [tilespmem:s13+$0x40];
	v18 =	vor.u32 v3, v18  }
0xc1: {  	v50 =	vld [tilespmem:s12+$0x200];
	v56 =	vmul.f32 $1.000000000e+01, v22  }
0xc2: {  	v52 =	vld [tilespmem:s12+$0x240];
	v59 =	vmul.f32 $1.000000000e+01, v14;
	vm4 =	veq.s32 v23, v24  }
0xc3: {  	v23 =	vld [tilespmem:s13+$0x200];
	vm6 =	veq.s32 v27, v28;
	v57 =	vtrunc.f32 v56;
	vm14 =	veq.s32 v19, v20  }
0xc4: {  	v27 =	vld [tilespmem:s12+$0x300];
	v24 =	vtrunc.f32 v59;
	v46 =	vcvt.f32.s32 v57;
	v19 =	vsel vm14, $0x10001, v2  }
0xc5: {  	v24 =	vcvt.f32.s32 v24;
	[tilespmem:v18+s20+$0x0] =	vst.idx.add.s32.msk $0xffff, v19  }
0xc6: {  	v46 =	vshll.u32 v46, $0x7;
	[tilespmem:v18+s21+$0x0] =	vst.idx.add.f32.msk $0xffff, v17  }
0xc7: {  	v24 =	vshll.u32 v24, $0x7;
	v46 =	vor.u32 v3, v46;
	v18 =	vld [tilespmem:s12+$0x360]  }
0xc8: {  	v24 =	vor.u32 v3, v24;
	v42 =	vld [tilespmem:s13+$0x360]  }
0xc9: {  	v34 =	vld [tilespmem:s14+$0x360]  }
0xca: {  	vm1 =	veq.s32 v29, v30;
	v30 =	vld [tilespmem:s13+$0x300]  }
0xcb: {  	v58 =	vmul.f32 $1.000000000e+01, v21;
	vm8 =	veq.s32 v31, v32;
	v62 =	vsel vm4, $0x10001, v2;
	v4 =	vld [tilespmem:s14+$0x240]  }
0xcc: {  	v31 =	vsel vm8, $0x10001, v2;
	[tilespmem:v46+s18+$0x0] =	vst.idx.add.s32.msk $0xffff, v62  }
0xcd: {  	[tilespmem:v24+s18+$0x0] =	vst.idx.add.s32.msk $0xffff, v31;
	vm15 =	veq.s32 v18, v42;
	v42 =	vtrunc.f32 v58  }
0xce: {  	v6 =	vld [tilespmem:s14+$0x300];
	v55 =	vmul.f32 $1.000000000e+01, v34;
	v42 =	vcvt.f32.s32 v42  }
0xcf: {  	[tilespmem:v46+s19+$0x0] =	vst.idx.add.f32.msk $0xffff, v22  }
0xd0: {  	[tilespmem:v24+s19+$0x0] =	vst.idx.add.f32.msk $0xffff, v14;
	v17 =	vtrunc.f32 v55;
	v42 =	vshll.u32 v42, $0x7  }
0xd1: {  	v28 =	vld [tilespmem:s13+$0xFFFFFE10];
	v17 =	vcvt.f32.s32 v17;
	v42 =	vor.u32 v3, v42  }
0xd2: {  	v20 =	vld [tilespmem:s13+$0x100]  }
0xd3: {  	v19 =	vld [tilespmem:s12+$0x100];
	v17 =	vshll.u32 v17, $0x7  }
0xd4: {  	v49 =	vmul.f32 $1.000000000e+01, v15;
	vm5 =	veq.s32 v25, v26;
	v18 =	vld [tilespmem:s13+$0x140];
	v45 =	vor.u32 v3, v17  }
0xd5: {  	v57 =	vsel vm5, $0x10001, v2;
	v17 =	vld [tilespmem:s12+$0x140]  }
0xd6: {  	v48 =	vmul.f32 $1.000000000e+01, v16;
	v49 =	vtrunc.f32 v49;
	[tilespmem:v42+s18+$0x0] =	vst.idx.add.s32.msk $0xffff, v57  }
0xd7: {  	v61 =	vmul.f32 $1.000000000e+01, v13;
	v55 =	vcvt.f32.s32 v49;
	[tilespmem:v42+s19+$0x0] =	vst.idx.add.f32.msk $0xffff, v21  }
0xd8: {  	v53 =	vmul.f32 $1.000000000e+01, v11;
	v47 =	vsel vm15, $0x10001, v2;
	v42 =	vld [tilespmem:s13+$0x240]  }
0xd9: {  	v60 =	vtrunc.f32 v48;
	v48 =	vtrunc.f32 v61;
	v26 =	vshll.u32 v55, $0x7;
	[tilespmem:v45+s22+$0x0] =	vst.idx.add.s32.msk $0xffff, v47  }
0xda: {  	v61 =	vmul.f32 $1.000000000e+01, v9;
	v26 =	vor.u32 v3, v26;
	[tilespmem:v45+s23+$0x0] =	vst.idx.add.f32.msk $0xffff, v34;
	v34 =	vcvt.f32.s32 v60  }
0xdb: {  	v51 =	vmul.f32 $1.000000000e+01, v12;
	v60 =	vmul.f32 $1.000000000e+01, v10;
	v45 =	vld [tilespmem:s14+$0x370]  }
0xdc: {  	v55 =	vtrunc.f32 v61;
	v54 =	vld [tilespmem:s12+$0x370];
	v56 =	vshll.u32 v34, $0x7;
	v34 =	vtrunc.f32 v53  }
0xdd: {  	v59 =	vld [tilespmem:s13+$0x370];
	v21 =	vtrunc.f32 v60;
	v53 =	vsel vm6, $0x10001, v2;
	vm6 =	veq.s32 v27, v30  }
0xde: {  	v27 =	vld [tilespmem:s12+$0xFFFFFE10];
	v22 =	vor.u32 v3, v56;
	v56 =	vsel vm1, $0x10001, v2;
	v21 =	vcvt.f32.s32 v21  }
0xdf: {  	v61 =	vcvt.f32.s32 v34;
	v34 =	vcvt.f32.s32 v55;
	[tilespmem:v26+s18+$0x0] =	vst.idx.add.s32.msk $0xffff, v56  }
0xe0: {  	v25 =	vtrunc.f32 v51;
	[tilespmem:v26+s19+$0x0] =	vst.idx.add.f32.msk $0xffff, v15;
	v21 =	vshll.u32 v21, $0x7  }
0xe1: {  	v57 =	vcvt.f32.s32 v25;
	v14 =	vshll.u32 v34, $0x7;
	v21 =	vor.u32 v3, v21;
	v25 =	vld [tilespmem:s12+$0xFFFFFD50]  }
0xe2: {  	v63 =	vmul.f32 $1.000000000e+01, v45;
	v14 =	vor.u32 v3, v14;
	v26 =	vld [tilespmem:s13+$0xFFFFFD50]  }
0xe3: {  	vm12 =	veq.s32 v40, v41;
	v48 =	vcvt.f32.s32 v48;
	[tilespmem:v22+s18+$0x0] =	vst.idx.add.s32.msk $0xffff, v53  }
0xe4: {  	vm13 =	veq.s32 v43, v44;
	vm4 =	veq.s32 v50, v23;
	v58 =	vtrunc.f32 v63;
	[tilespmem:v22+s19+$0x0] =	vst.idx.add.f32.msk $0xffff, v16  }
0xe5: {  	v46 =	vcvt.f32.s32 v58;
	v58 =	vshll.u32 v48, $0x7;
	v48 =	vsel vm12, $0x10001, v2;
	v23 =	vld [tilespmem:s12+$0xFFFFFD10]  }
0xe6: {  	v53 =	vsel vm13, $0x10001, v2;
	[tilespmem:v21+s18+$0x0] =	vst.idx.add.s32.msk $0xffff, v48  }
0xe7: {  	[tilespmem:v14+s18+$0x0] =	vst.idx.add.s32.msk $0xffff, v53  }
0xe8: {  	[tilespmem:v21+s19+$0x0] =	vst.idx.add.f32.msk $0xffff, v10  }
0xe9: {  	v63 =	vmul.f32 $1.000000000e+01, v8;
	[tilespmem:v14+s19+$0x0] =	vst.idx.add.f32.msk $0xffff, v9  }
0xea: {  	v16 =	vshll.u32 v57, $0x7;
	v22 =	vor.u32 v3, v58;
	v46 =	vshll.u32 v46, $0x7;
	v14 =	vld [tilespmem:s14+$0xFFFFFD10]  }
0xeb: {  	v62 =	vor.u32 v3, v46;
	v46 =	vtrunc.f32 v63;
	v63 =	vshll.u32 v61, $0x7;
	v61 =	vld [tilespmem:s12+$0xFFFFFC10]  }
0xec: {  	v16 =	vor.u32 v3, v16;
	v21 =	vld [tilespmem:s12+$0xFFFFFC50]  }
0xed: {  	v9 =	vld [tilespmem:s14+$0x50]  }
0xee: {  	vm9 =	veq.s32 v33, v35;
	v15 =	vor.u32 v3, v63;
	v63 =	vld [tilespmem:s13+$0xFFFFFD10]  }
0xef: {  	vm10 =	veq.s32 v36, v37;
	v33 =	vsel vm9, $0x10001, v2;
	v41 =	vld [tilespmem:s13+$0x50]  }
0xf0: {  	v36 =	vsel vm10, $0x10001, v2;
	[tilespmem:v22+s18+$0x0] =	vst.idx.add.s32.msk $0xffff, v33  }
0xf1: {  	[tilespmem:v16+s18+$0x0] =	vst.idx.add.s32.msk $0xffff, v36  }
0xf2: {  	v36 =	vld [tilespmem:s12+$0x10]  }
0xf3: {  	[tilespmem:v22+s19+$0x0] =	vst.idx.add.f32.msk $0xffff, v13  }
0xf4: {  	[tilespmem:v16+s19+$0x0] =	vst.idx.add.f32.msk $0xffff, v12  }
0xf5: {  	v35 =	vmul.f32 $1.000000000e+01, v4;
	v37 =	vcvt.f32.s32 v46;
	v16 =	vld [tilespmem:s14+$0xFFFFFE10]  }
0xf6: {  	vm7 =	veq.s32 v54, v59;
	v22 =	vld [tilespmem:s13+$0xFFFFFC50]  }
0xf7: {  	v47 =	vtrunc.f32 v35;
	v59 =	vsel vm7, $0x10001, v2;
	v13 =	vshll.u32 v37, $0x7;
	v37 =	vld [tilespmem:s13+$0x10]  }
0xf8: {  	v54 =	vcvt.f32.s32 v47;
	[tilespmem:v62+s24+$0x0] =	vst.idx.add.s32.msk $0xffff, v59  }
0xf9: {  	vm15 =	veq.s32 v17, v18;
	v17 =	vld [tilespmem:s14+$0xFFFFFE50]  }
0xfa: {  	v10 =	vshll.u32 v54, $0x7;
	v18 =	vld [tilespmem:s14+$0xFFFFFF10]  }
0xfb: {  	v60 =	vmul.f32 $1.000000000e+01, v7;
	v10 =	vor.u32 v3, v10;
	v29 =	vld [tilespmem:s12+$0xFFFFFE50]  }
0xfc: {  	v30 =	vld [tilespmem:s13+$0xFFFFFE50]  }
0xfd: {  	v32 =	vtrunc.f32 v60;
	v31 =	vld [tilespmem:s12+$0xFFFFFF10]  }
0xfe: {  	vm5 =	veq.s32 v52, v42;
	v46 =	vcvt.f32.s32 v32;
	v32 =	vld [tilespmem:s13+$0xFFFFFF10]  }
0xff: {  	vm11 =	veq.s32 v38, v39;
	v60 =	vsel vm5, $0x10001, v2;
	[tilespmem:v62+s25+$0x0] =	vst.idx.add.f32.msk $0xffff, v45  }
0x100: {  	v45 =	vsel vm11, $0x10001, v2;
	[tilespmem:v10+s18+$0x0] =	vst.idx.add.s32.msk $0xffff, v60  }
0x101: {  	[tilespmem:v15+s18+$0x0] =	vst.idx.add.s32.msk $0xffff, v45  }
0x102: {  	[tilespmem:v10+s19+$0x0] =	vst.idx.add.f32.msk $0xffff, v4  }
0x103: {  	v62 =	vmul.f32 $1.000000000e+01, v5;
	v10 =	vld [tilespmem:s14+$0x10]  }
0x104: {  	v51 =	vmul.f32 $1.000000000e+01, v6;
	v52 =	vmul.f32 $1.000000000e+01, v14;
	[tilespmem:v15+s19+$0x0] =	vst.idx.add.f32.msk $0xffff, v11  }
0x105: {  	v12 =	vshll.u32 v46, $0x7;
	v39 =	vtrunc.f32 v62;
	v62 =	vld [tilespmem:s13+$0xFFFFFC10]  }
0x106: {  	v13 =	vor.u32 v3, v13;
	v40 =	vtrunc.f32 v52;
	v15 =	vtrunc.f32 v51;
	v52 =	vld [tilespmem:s12+$0x250]  }
0x107: {  	v12 =	vor.u32 v3, v12;
	v56 =	vcvt.f32.s32 v15;
	v15 =	vld [tilespmem:s14+$0xFFFFFD50]  }
0x108: {  	v33 =	vld [tilespmem:s12+$0xFFFFFF50]  }
0x109: {  	vm14 =	veq.s32 v19, v20;
	v34 =	vld [tilespmem:s13+$0xFFFFFF50]  }
0x10a: {  	v55 =	vsel vm14, $0x10001, v2;
	v49 =	vcvt.f32.s32 v39;
	v39 =	vld [tilespmem:s12+$0x50]  }
0x10b: {  	v57 =	vsel vm15, $0x10001, v2;
	[tilespmem:v13+s18+$0x0] =	vst.idx.add.s32.msk $0xffff, v55  }
0x10c: {  	[tilespmem:v12+s18+$0x0] =	vst.idx.add.s32.msk $0xffff, v57  }
0x10d: {  	[tilespmem:v13+s19+$0x0] =	vst.idx.add.f32.msk $0xffff, v8  }
0x10e: {  	[tilespmem:v12+s19+$0x0] =	vst.idx.add.f32.msk $0xffff, v7  }
0x10f: {  	v12 =	vld [tilespmem:s14+$0xFFFFFC10]  }
0x110: {  	v13 =	vld [tilespmem:s14+$0xFFFFFC50]  }
0x111: {  	v11 =	vshll.u32 v49, $0x7;
	v7 =	vld [tilespmem:s14+$0x150]  }
0x112: {  	v11 =	vor.u32 v3, v11;
	v43 =	vld [tilespmem:s12+$0x110]  }
0x113: {  	v45 =	vld [tilespmem:s13+$0x110]  }
0x114: {  	v58 =	vshll.u32 v56, $0x7;
	v47 =	vld [tilespmem:s12+$0x150];
	v53 =	vmul.f32 $1.000000000e+01, v15  }
0x115: {  	v8 =	vor.u32 v3, v58;
	v49 =	vld [tilespmem:s13+$0x150]  }
0x116: {  	v59 =	vsel vm4, $0x10001, v2;
	v42 =	vtrunc.f32 v53;
	v53 =	vld [tilespmem:s13+$0x250]  }
0x117: {  	v54 =	vmul.f32 $1.000000000e+01, v16;
	[tilespmem:v11+s18+$0x0] =	vst.idx.add.s32.msk $0xffff, v59  }
0x118: {  	[tilespmem:v11+s19+$0x0] =	vst.idx.add.f32.msk $0xffff, v5  }
0x119: {  	v44 =	vtrunc.f32 v54;
	v58 =	vcvt.f32.s32 v40;
	v5 =	vsel vm6, $0x10001, v2;
	v11 =	vld [tilespmem:s14+$0xFFFFFF50]  }
0x11a: {  	v44 =	vcvt.f32.s32 v44;
	v50 =	vmul.f32 $1.000000000e+01, v12;
	[tilespmem:v8+s18+$0x0] =	vst.idx.add.s32.msk $0xffff, v5  }
0x11b: {  	v20 =	vshll.u32 v58, $0x7;
	v5 =	vld [tilespmem:s14+$0x250]  }
0x11c: {  	v44 =	vshll.u32 v44, $0x7;
	v20 =	vor.u32 v3, v20;
	v35 =	vtrunc.f32 v50;
	v50 =	vld [tilespmem:s12+$0x210]  }
0x11d: {  	v44 =	vor.u32 v3, v44;
	v19 =	vld [tilespmem:s13+$0x210]  }
0x11e: {  	v56 =	vmul.f32 $1.000000000e+01, v18;
	[tilespmem:v8+s19+$0x0] =	vst.idx.add.f32.msk $0xffff, v6  }
0x11f: {  	vm10 =	veq.s32 v25, v26;
	vm9 =	veq.s32 v23, v63;
	v8 =	vld [tilespmem:s14+$0x110]  }
0x120: {  	vm11 =	veq.s32 v27, v28;
	v48 =	vtrunc.f32 v56;
	v56 =	vsel vm9, $0x10001, v2;
	v6 =	vld [tilespmem:s14+$0x210]  }
0x121: {  	v27 =	vsel vm11, $0x10001, v2;
	vm8 =	veq.s32 v21, v22;
	v55 =	vmul.f32 $1.000000000e+01, v17;
	[tilespmem:v20+s20+$0x0] =	vst.idx.add.s32.msk $0xffff, v56  }
0x122: {  	vm12 =	veq.s32 v29, v30;
	v51 =	vmul.f32 $1.000000000e+01, v13;
	v42 =	vcvt.f32.s32 v42;
	[tilespmem:v44+s20+$0x0] =	vst.idx.add.s32.msk $0xffff, v27  }
0x123: {  	v46 =	vtrunc.f32 v55;
	vm7 =	veq.s32 v61, v62;
	v61 =	vmul.f32 $1.000000000e+01, v9;
	v4 =	vld [tilespmem:s14+$0x310]  }
0x124: {  	v38 =	vtrunc.f32 v51;
	v35 =	vcvt.f32.s32 v35;
	v42 =	vshll.u32 v42, $0x7;
	v21 =	vld [tilespmem:s12+$0x310]  }
0x125: {  	v40 =	vtrunc.f32 v61;
	v38 =	vcvt.f32.s32 v38;
	v22 =	vor.u32 v3, v42;
	v24 =	vld [tilespmem:s13+$0x310]  }
0x126: {  	v29 =	vcvt.f32.s32 v40;
	v55 =	vmul.f32 $1.000000000e+01, v7;
	v35 =	vshll.u32 v35, $0x7;
	[tilespmem:v20+s21+$0x0] =	vst.idx.add.f32.msk $0xffff, v14  }
0x127: {  	vm14 =	veq.s32 v33, v34;
	v38 =	vshll.u32 v38, $0x7;
	[tilespmem:v44+s21+$0x0] =	vst.idx.add.f32.msk $0xffff, v16;
	v35 =	vor.u32 v3, v35  }
0x128: {  	v27 =	vtrunc.f32 v55;
	v16 =	vshll.u32 v29, $0x7;
	v38 =	vor.u32 v3, v38;
	v23 =	vld [tilespmem:s12+$0xFFFFFD20]  }
0x129: {  	v61 =	vsel vm10, $0x10001, v2;
	v34 =	vcvt.f32.s32 v27;
	v16 =	vor.u32 v3, v16;
	v27 =	vld [tilespmem:s12+$0xFFFFFE20]  }
0x12a: {  	[tilespmem:v22+s20+$0x0] =	vst.idx.add.s32.msk $0xffff, v61  }
0x12b: {  	v59 =	vsel vm7, $0x10001, v2;
	[tilespmem:v22+s21+$0x0] =	vst.idx.add.f32.msk $0xffff, v15  }
0x12c: {  	v63 =	vsel vm8, $0x10001, v2;
	vm4 =	veq.s32 v39, v41;
	[tilespmem:v35+s20+$0x0] =	vst.idx.add.s32.msk $0xffff, v59  }
0x12d: {  	v54 =	vcvt.f32.s32 v46;
	v46 =	vsel vm4, $0x10001, v2;
	[tilespmem:v38+s20+$0x0] =	vst.idx.add.s32.msk $0xffff, v63  }
0x12e: {  	[tilespmem:v16+s20+$0x0] =	vst.idx.add.s32.msk $0xffff, v46  }
0x12f: {  	v25 =	vld [tilespmem:s12+$0xFFFFFD60]  }
0x130: {  	v26 =	vld [tilespmem:s13+$0xFFFFFD60]  }
0x131: {  	[tilespmem:v35+s21+$0x0] =	vst.idx.add.f32.msk $0xffff, v12  }
0x132: {  	v57 =	vmul.f32 $1.000000000e+01, v11;
	[tilespmem:v38+s21+$0x0] =	vst.idx.add.f32.msk $0xffff, v13  }
0x133: {  	v62 =	vmul.f32 $1.000000000e+01, v8;
	[tilespmem:v16+s21+$0x0] =	vst.idx.add.f32.msk $0xffff, v9  }
0x134: {  	v51 =	vtrunc.f32 v57;
	v16 =	vld [tilespmem:s14+$0xFFFFFE20]  }
0x135: {  	v59 =	vtrunc.f32 v62;
	v62 =	vcvt.f32.s32 v51;
	v9 =	vld [tilespmem:s14+$0x60]  }
0x136: {  	v60 =	vmul.f32 $1.000000000e+01, v10;
	v58 =	vshll.u32 v54, $0x7;
	v61 =	vld [tilespmem:s12+$0xFFFFFC20]  }
0x137: {  	v57 =	vcvt.f32.s32 v48;
	vm9 =	veq.s32 v21, v24;
	v14 =	vshll.u32 v62, $0x7;
	v62 =	vld [tilespmem:s13+$0xFFFFFC20]  }
0x138: {  	v63 =	vmul.f32 $1.000000000e+01, v6;
	v12 =	vtrunc.f32 v60;
	v60 =	vor.u32 v3, v58;
	v21 =	vld [tilespmem:s12+$0xFFFFFC60]  }
0x139: {  	v22 =	vld [tilespmem:s13+$0xFFFFFC60]  }
0x13a: {  	v13 =	vshll.u32 v57, $0x7;
	v20 =	vtrunc.f32 v63;
	v63 =	vld [tilespmem:s13+$0xFFFFFD20]  }
0x13b: {  	v13 =	vor.u32 v3, v13;
	v39 =	vld [tilespmem:s12+$0x60]  }
0x13c: {  	v28 =	vsel vm12, $0x10001, v2;
	v41 =	vld [tilespmem:s13+$0x60]  }
0x13d: {  	v14 =	vor.u32 v3, v14;
	[tilespmem:v60+s20+$0x0] =	vst.idx.add.s32.msk $0xffff, v28  }
0x13e: {  	vm13 =	veq.s32 v31, v32;
	v28 =	vld [tilespmem:s13+$0xFFFFFE20]  }
0x13f: {  	v31 =	vsel vm13, $0x10001, v2;
	v32 =	vcvt.f32.s32 v59;
	[tilespmem:v60+s21+$0x0] =	vst.idx.add.f32.msk $0xffff, v17  }
0x140: {  	[tilespmem:v13+s20+$0x0] =	vst.idx.add.s32.msk $0xffff, v31  }
0x141: {  	v33 =	vsel vm14, $0x10001, v2;
	v35 =	vshll.u32 v32, $0x7;
	[tilespmem:v13+s21+$0x0] =	vst.idx.add.f32.msk $0xffff, v18  }
0x142: {  	v15 =	vor.u32 v3, v35;
	[tilespmem:v14+s20+$0x0] =	vst.idx.add.s32.msk $0xffff, v33  }
0x143: {  	v30 =	vmul.f32 $1.000000000e+01, v5;
	v17 =	vld [tilespmem:s14+$0xFFFFFE60]  }
0x144: {  	v12 =	vcvt.f32.s32 v12;
	v29 =	vld [tilespmem:s12+$0xFFFFFE60]  }
0x145: {  	vm5 =	veq.s32 v43, v45;
	v44 =	vtrunc.f32 v30;
	v30 =	vld [tilespmem:s13+$0xFFFFFE60]  }
0x146: {  	v54 =	vsel vm5, $0x10001, v2;
	v12 =	vshll.u32 v12, $0x7;
	[tilespmem:v14+s21+$0x0] =	vst.idx.add.f32.msk $0xffff, v11  }
0x147: {  	v12 =	vor.u32 v3, v12;
	[tilespmem:v15+s20+$0x0] =	vst.idx.add.s32.msk $0xffff, v54  }
0x148: {  	v14 =	vld [tilespmem:s14+$0xFFFFFD20]  }
0x149: {  	v18 =	vld [tilespmem:s14+$0xFFFFFF20]  }
0x14a: {  	vm15 =	veq.s32 v36, v37;
	v31 =	vld [tilespmem:s12+$0xFFFFFF20]  }
0x14b: {  	v40 =	vsel vm15, $0x10001, v2;
	v32 =	vld [tilespmem:s13+$0xFFFFFF20]  }
0x14c: {  	[tilespmem:v12+s20+$0x0] =	vst.idx.add.s32.msk $0xffff, v40  }
0x14d: {  	[tilespmem:v15+s21+$0x0] =	vst.idx.add.f32.msk $0xffff, v8  }
0x14e: {  	v15 =	vld [tilespmem:s14+$0xFFFFFD60]  }
0x14f: {  	v38 =	vmul.f32 $1.000000000e+01, v4;
	v33 =	vld [tilespmem:s12+$0xFFFFFF60]  }
0x150: {  	v13 =	vshll.u32 v34, $0x7;
	v34 =	vld [tilespmem:s13+$0xFFFFFF60]  }
0x151: {  	v42 =	vcvt.f32.s32 v20;
	v51 =	vtrunc.f32 v38;
	[tilespmem:v12+s21+$0x0] =	vst.idx.add.f32.msk $0xffff, v10  }
0x152: {  	v55 =	vcvt.f32.s32 v51;
	v13 =	vor.u32 v3, v13;
	v12 =	vld [tilespmem:s14+$0xFFFFFC20]  }
0x153: {  	v11 =	vshll.u32 v42, $0x7;
	v43 =	vld [tilespmem:s12+$0x120]  }
0x154: {  	v57 =	vshll.u32 v55, $0x7;
	v11 =	vor.u32 v3, v11;
	v45 =	vld [tilespmem:s13+$0x120]  }
0x155: {  	vm6 =	veq.s32 v47, v49;
	v8 =	vor.u32 v3, v57;
	v36 =	vld [tilespmem:s12+$0x20]  }
0x156: {  	v56 =	vsel vm6, $0x10001, v2;
	v37 =	vld [tilespmem:s13+$0x20]  }
0x157: {  	vm7 =	veq.s32 v50, v19;
	[tilespmem:v13+s20+$0x0] =	vst.idx.add.s32.msk $0xffff, v56  }
0x158: {  	v58 =	vsel vm7, $0x10001, v2;
	[tilespmem:v13+s21+$0x0] =	vst.idx.add.f32.msk $0xffff, v7  }
0x159: {  	v60 =	vsel vm9, $0x10001, v2;
	[tilespmem:v11+s20+$0x0] =	vst.idx.add.s32.msk $0xffff, v58  }
0x15a: {  	[tilespmem:v8+s20+$0x0] =	vst.idx.add.s32.msk $0xffff, v60  }
0x15b: {  	v48 =	vcvt.f32.s32 v44;
	v13 =	vld [tilespmem:s14+$0xFFFFFC60]  }
0x15c: {  	[tilespmem:v11+s21+$0x0] =	vst.idx.add.f32.msk $0xffff, v6  }
0x15d: {  	v10 =	vshll.u32 v48, $0x7;
	[tilespmem:v8+s21+$0x0] =	vst.idx.add.f32.msk $0xffff, v4  }
0x15e: {  	v10 =	vor.u32 v3, v10;
	v11 =	vld [tilespmem:s14+$0xFFFFFF60]  }
0x15f: {  	v8 =	vld [tilespmem:s14+$0x120]  }
0x160: {  	v7 =	vld [tilespmem:s14+$0x160]  }
0x161: {  	vm8 =	veq.s32 v52, v53;
	v47 =	vld [tilespmem:s12+$0x160]  }
0x162: {  	v59 =	vsel vm8, $0x10001, v2;
	v49 =	vld [tilespmem:s13+$0x160]  }
0x163: {  	[tilespmem:v10+s20+$0x0] =	vst.idx.add.s32.msk $0xffff, v59  }
0x164: {  	v54 =	vmul.f32 $1.000000000e+01, v16;
	v6 =	vld [tilespmem:s14+$0x220]  }
0x165: {  	vm10 =	veq.s32 v61, v62;
	v61 =	vmul.f32 $1.000000000e+01, v9;
	v4 =	vld [tilespmem:s14+$0x320]  }
0x166: {  	vm11 =	veq.s32 v21, v22;
	vm12 =	veq.s32 v23, v63;
	v44 =	vtrunc.f32 v54;
	v19 =	vld [tilespmem:s13+$0x220]  }
0x167: {  	vm14 =	veq.s32 v27, v28;
	v44 =	vcvt.f32.s32 v44;
	v52 =	vmul.f32 $1.000000000e+01, v14;
	v21 =	vld [tilespmem:s12+$0x320]  }
0x168: {  	v27 =	vsel vm14, $0x10001, v2;
	v55 =	vmul.f32 $1.000000000e+01, v17;
	v53 =	vmul.f32 $1.000000000e+01, v15;
	v24 =	vld [tilespmem:s13+$0x320]  }
0x169: {  	v44 =	vshll.u32 v44, $0x7;
	v50 =	vmul.f32 $1.000000000e+01, v12;
	v40 =	vtrunc.f32 v52;
	[tilespmem:v10+s21+$0x0] =	vst.idx.add.f32.msk $0xffff, v5  }
0x16a: {  	v56 =	vmul.f32 $1.000000000e+01, v18;
	v44 =	vor.u32 v3, v44;
	v58 =	vcvt.f32.s32 v40;
	v10 =	vld [tilespmem:s14+$0x20]  }
0x16b: {  	vm15 =	veq.s32 v29, v30;
	v42 =	vtrunc.f32 v53;
	v35 =	vtrunc.f32 v50;
	v50 =	vld [tilespmem:s12+$0x220]  }
0x16c: {  	v46 =	vtrunc.f32 v55;
	v42 =	vcvt.f32.s32 v42;
	v5 =	vld [tilespmem:s14+$0x260];
	v20 =	vshll.u32 v58, $0x7  }
0x16d: {  	vm5 =	veq.s32 v33, v34;
	v35 =	vcvt.f32.s32 v35;
	v52 =	vld [tilespmem:s12+$0x260];
	v20 =	vor.u32 v3, v20  }
0x16e: {  	v40 =	vtrunc.f32 v61;
	v53 =	vld [tilespmem:s13+$0x260];
	v42 =	vshll.u32 v42, $0x7;
	v55 =	vmul.f32 $1.000000000e+01, v7  }
0x16f: {  	v29 =	vcvt.f32.s32 v40;
	[tilespmem:v44+s22+$0x0] =	vst.idx.add.s32.msk $0xffff, v27;
	v35 =	vshll.u32 v35, $0x7;
	v22 =	vor.u32 v3, v42  }
0x170: {  	v48 =	vtrunc.f32 v56;
	[tilespmem:v44+s23+$0x0] =	vst.idx.add.f32.msk $0xffff, v16;
	v35 =	vor.u32 v3, v35;
	v27 =	vtrunc.f32 v55  }
0x171: {  	v56 =	vsel vm12, $0x10001, v2;
	v16 =	vshll.u32 v29, $0x7;
	v34 =	vcvt.f32.s32 v27;
	v27 =	vld [tilespmem:s12+$0xFFFFFE30]  }
0x172: {  	vm13 =	veq.s32 v25, v26;
	v16 =	vor.u32 v3, v16;
	[tilespmem:v20+s22+$0x0] =	vst.idx.add.s32.msk $0xffff, v56  }
0x173: {  	v61 =	vsel vm13, $0x10001, v2;
	[tilespmem:v20+s23+$0x0] =	vst.idx.add.f32.msk $0xffff, v14  }
0x174: {  	v59 =	vsel vm10, $0x10001, v2;
	[tilespmem:v22+s22+$0x0] =	vst.idx.add.s32.msk $0xffff, v61  }
0x175: {  	vm7 =	veq.s32 v39, v41;
	[tilespmem:v35+s22+$0x0] =	vst.idx.add.s32.msk $0xffff, v59  }
0x176: {  	v54 =	vcvt.f32.s32 v46;
	v46 =	vsel vm7, $0x10001, v2;
	[tilespmem:v22+s23+$0x0] =	vst.idx.add.f32.msk $0xffff, v15  }
0x177: {  	[tilespmem:v16+s22+$0x0] =	vst.idx.add.s32.msk $0xffff, v46  }
0x178: {  	v51 =	vmul.f32 $1.000000000e+01, v13;
	v23 =	vld [tilespmem:s12+$0xFFFFFD30]  }
0x179: {  	[tilespmem:v35+s23+$0x0] =	vst.idx.add.f32.msk $0xffff, v12  }
0x17a: {  	v38 =	vtrunc.f32 v51;
	[tilespmem:v16+s23+$0x0] =	vst.idx.add.f32.msk $0xffff, v9  }
0x17b: {  	v57 =	vmul.f32 $1.000000000e+01, v11;
	v38 =	vcvt.f32.s32 v38;
	v16 =	vld [tilespmem:s14+$0xFFFFFE30]  }
0x17c: {  	v62 =	vmul.f32 $1.000000000e+01, v8;
	v25 =	vld [tilespmem:s12+$0xFFFFFD70]  }
0x17d: {  	v60 =	vmul.f32 $1.000000000e+01, v10;
	v51 =	vtrunc.f32 v57;
	v38 =	vshll.u32 v38, $0x7;
	v26 =	vld [tilespmem:s13+$0xFFFFFD70]  }
0x17e: {  	v38 =	vor.u32 v3, v38;
	v59 =	vtrunc.f32 v62;
	v62 =	vcvt.f32.s32 v51;
	v9 =	vld [tilespmem:s14+$0x70]  }
0x17f: {  	v58 =	vshll.u32 v54, $0x7;
	v61 =	vld [tilespmem:s12+$0xFFFFFC30]  }
0x180: {  	v12 =	vtrunc.f32 v60;
	v60 =	vor.u32 v3, v58;
	v14 =	vshll.u32 v62, $0x7;
	v62 =	vld [tilespmem:s13+$0xFFFFFC30]  }
0x181: {  	v39 =	vld [tilespmem:s12+$0x70]  }
0x182: {  	v63 =	vsel vm11, $0x10001, v2;
	v41 =	vld [tilespmem:s13+$0x70]  }
0x183: {  	[tilespmem:v38+s22+$0x0] =	vst.idx.add.s32.msk $0xffff, v63  }
0x184: {  	v28 =	vsel vm15, $0x10001, v2;
	[tilespmem:v38+s23+$0x0] =	vst.idx.add.f32.msk $0xffff, v13  }
0x185: {  	[tilespmem:v60+s22+$0x0] =	vst.idx.add.s32.msk $0xffff, v28  }
0x186: {  	vm12 =	veq.s32 v21, v24;
	v14 =	vor.u32 v3, v14;
	v63 =	vmul.f32 $1.000000000e+01, v6;
	v21 =	vld [tilespmem:s12+$0xFFFFFC70]  }
0x187: {  	v22 =	vld [tilespmem:s13+$0xFFFFFC70]  }
0x188: {  	vm4 =	veq.s32 v31, v32;
	v32 =	vcvt.f32.s32 v59;
	v20 =	vtrunc.f32 v63;
	v63 =	vld [tilespmem:s13+$0xFFFFFD30]  }
0x189: {  	v28 =	vld [tilespmem:s13+$0xFFFFFE30]  }
0x18a: {  	v33 =	vsel vm5, $0x10001, v2;
	v12 =	vcvt.f32.s32 v12;
	v35 =	vshll.u32 v32, $0x7;
	[tilespmem:v60+s23+$0x0] =	vst.idx.add.f32.msk $0xffff, v17  }
0x18b: {  	v15 =	vor.u32 v3, v35;
	[tilespmem:v14+s22+$0x0] =	vst.idx.add.s32.msk $0xffff, v33  }
0x18c: {  	v30 =	vmul.f32 $1.000000000e+01, v5;
	v12 =	vshll.u32 v12, $0x7;
	v17 =	vld [tilespmem:s14+$0xFFFFFE70]  }
0x18d: {  	v12 =	vor.u32 v3, v12;
	v29 =	vld [tilespmem:s12+$0xFFFFFE70]  }
0x18e: {  	vm8 =	veq.s32 v43, v45;
	v57 =	vcvt.f32.s32 v48;
	v44 =	vtrunc.f32 v30;
	v30 =	vld [tilespmem:s13+$0xFFFFFE70]  }
0x18f: {  	v54 =	vsel vm8, $0x10001, v2;
	[tilespmem:v14+s23+$0x0] =	vst.idx.add.f32.msk $0xffff, v11  }
0x190: {  	vm6 =	veq.s32 v36, v37;
	v13 =	vshll.u32 v57, $0x7;
	[tilespmem:v15+s22+$0x0] =	vst.idx.add.s32.msk $0xffff, v54  }
0x191: {  	v40 =	vsel vm6, $0x10001, v2;
	v13 =	vor.u32 v3, v13;
	v14 =	vld [tilespmem:s14+$0xFFFFFD30]  }
0x192: {  	[tilespmem:v12+s22+$0x0] =	vst.idx.add.s32.msk $0xffff, v40  }
0x193: {  	[tilespmem:v15+s23+$0x0] =	vst.idx.add.f32.msk $0xffff, v8  }
0x194: {  	v15 =	vld [tilespmem:s14+$0xFFFFFD70]  }
0x195: {  	v31 =	vsel vm4, $0x10001, v2;
	v33 =	vld [tilespmem:s12+$0xFFFFFF70]  }
0x196: {  	[tilespmem:v13+s22+$0x0] =	vst.idx.add.s32.msk $0xffff, v31  }
0x197: {  	[tilespmem:v12+s23+$0x0] =	vst.idx.add.f32.msk $0xffff, v10  }
0x198: {  	v12 =	vld [tilespmem:s14+$0xFFFFFC30]  }
0x199: {  	v38 =	vmul.f32 $1.000000000e+01, v4;
	v43 =	vld [tilespmem:s12+$0x130]  }
0x19a: {  	v42 =	vcvt.f32.s32 v20;
	v45 =	vld [tilespmem:s13+$0x130]  }
0x19b: {  	v51 =	vtrunc.f32 v38;
	[tilespmem:v13+s23+$0x0] =	vst.idx.add.f32.msk $0xffff, v18  }
0x19c: {  	v55 =	vcvt.f32.s32 v51;
	v11 =	vshll.u32 v42, $0x7;
	v13 =	vshll.u32 v34, $0x7;
	v34 =	vld [tilespmem:s13+$0xFFFFFF70]  }
0x19d: {  	v11 =	vor.u32 v3, v11;
	v36 =	vld [tilespmem:s12+$0x30]  }
0x19e: {  	v48 =	vcvt.f32.s32 v44;
	v57 =	vshll.u32 v55, $0x7;
	v37 =	vld [tilespmem:s13+$0x30]  }
0x19f: {  	v8 =	vor.u32 v3, v57;
	v18 =	vld [tilespmem:s14+$0xFFFFFF30]  }
0x1a0: {  	vm10 =	veq.s32 v50, v19;
	v10 =	vshll.u32 v48, $0x7;
	v31 =	vld [tilespmem:s12+$0xFFFFFF30]  }
0x1a1: {  	v58 =	vsel vm10, $0x10001, v2;
	v10 =	vor.u32 v3, v10;
	v32 =	vld [tilespmem:s13+$0xFFFFFF30]  }
0x1a2: {  	[tilespmem:v11+s22+$0x0] =	vst.idx.add.s32.msk $0xffff, v58  }
0x1a3: {  	v60 =	vsel vm12, $0x10001, v2;
	[tilespmem:v11+s23+$0x0] =	vst.idx.add.f32.msk $0xffff, v6  }
0x1a4: {  	vm11 =	veq.s32 v52, v53;
	[tilespmem:v8+s22+$0x0] =	vst.idx.add.s32.msk $0xffff, v60  }
0x1a5: {  	v59 =	vsel vm11, $0x10001, v2;
	v11 =	vld [tilespmem:s14+$0xFFFFFF70]  }
0x1a6: {  	v13 =	vor.u32 v3, v13;
	[tilespmem:v10+s22+$0x0] =	vst.idx.add.s32.msk $0xffff, v59  }
0x1a7: {  	[tilespmem:v8+s23+$0x0] =	vst.idx.add.f32.msk $0xffff, v4  }
0x1a8: {  	v8 =	vld [tilespmem:s14+$0x130]  }
0x1a9: {  	vm9 =	veq.s32 v47, v49;
	v6 =	vld [tilespmem:s14+$0x230]  }
0x1aa: {  	v56 =	vsel vm9, $0x10001, v2;
	v19 =	vld [tilespmem:s13+$0x230]  }
0x1ab: {  	[tilespmem:v13+s22+$0x0] =	vst.idx.add.s32.msk $0xffff, v56  }
0x1ac: {  	[tilespmem:v10+s23+$0x0] =	vst.idx.add.f32.msk $0xffff, v5  }
0x1ad: {  	v50 =	vmul.f32 $1.000000000e+01, v12;
	v10 =	vld [tilespmem:s14+$0x30]  }
0x1ae: {  	vm4 =	veq.s32 v25, v26;
	v54 =	vmul.f32 $1.000000000e+01, v16;
	v4 =	vld [tilespmem:s14+$0x330]  }
0x1af: {  	vm13 =	veq.s32 v61, v62;
	v61 =	vmul.f32 $1.000000000e+01, v9;
	v35 =	vtrunc.f32 v50;
	v50 =	vld [tilespmem:s12+$0x230]  }
0x1b0: {  	vm10 =	veq.s32 v39, v41;
	v44 =	vtrunc.f32 v54;
	vm14 =	veq.s32 v21, v22;
	v21 =	vld [tilespmem:s12+$0x330]  }
0x1b1: {  	vm15 =	veq.s32 v23, v63;
	vm5 =	veq.s32 v27, v28;
	v52 =	vmul.f32 $1.000000000e+01, v14;
	v24 =	vld [tilespmem:s13+$0x330]  }
0x1b2: {  	v44 =	vcvt.f32.s32 v44;
	v63 =	vsel vm14, $0x10001, v2;
	v27 =	vsel vm5, $0x10001, v2;
	[tilespmem:v13+s23+$0x0] =	vst.idx.add.f32.msk $0xffff, v7  }
0x1b3: {  	v55 =	vmul.f32 $1.000000000e+01, v17;
	vm6 =	veq.s32 v29, v30;
	v40 =	vtrunc.f32 v52;
	v13 =	vld [tilespmem:s14+$0xFFFFFC70]  }
0x1b4: {  	v44 =	vshll.u32 v44, $0x7;
	v53 =	vmul.f32 $1.000000000e+01, v15;
	v58 =	vcvt.f32.s32 v40;
	v5 =	vld [tilespmem:s14+$0x270]  }
0x1b5: {  	v29 =	vsel vm6, $0x10001, v2;
	v46 =	vtrunc.f32 v55;
	v44 =	vor.u32 v3, v44;
	v52 =	vld [tilespmem:s12+$0x270]  }
0x1b6: {  	v42 =	vtrunc.f32 v53;
	v35 =	vcvt.f32.s32 v35;
	v20 =	vshll.u32 v58, $0x7;
	v53 =	vld [tilespmem:s13+$0x270]  }
0x1b7: {  	v54 =	vcvt.f32.s32 v46;
	vm11 =	veq.s32 v43, v45;
	v7 =	vld [tilespmem:s14+$0x170];
	v20 =	vor.u32 v3, v20  }
0x1b8: {  	v56 =	vmul.f32 $1.000000000e+01, v18;
	v42 =	vcvt.f32.s32 v42;
	v47 =	vld [tilespmem:s12+$0x170];
	v35 =	vshll.u32 v35, $0x7  }
0x1b9: {  	v59 =	vsel vm13, $0x10001, v2;
	v40 =	vtrunc.f32 v61;
	v49 =	vld [tilespmem:s13+$0x170];
	v35 =	vor.u32 v3, v35  }
0x1ba: {  	v30 =	vcvt.f32.s32 v40;
	v48 =	vtrunc.f32 v56;
	v42 =	vshll.u32 v42, $0x7;
	[tilespmem:v44+s24+$0x0] =	vst.idx.add.s32.msk $0xffff, v27  }
0x1bb: {  	v56 =	vsel vm15, $0x10001, v2;
	v22 =	vor.u32 v3, v42;
	[tilespmem:v44+s25+$0x0] =	vst.idx.add.f32.msk $0xffff, v16;
	v51 =	vmul.f32 $1.000000000e+01, v13  }
0x1bc: {  	v61 =	vsel vm4, $0x10001, v2;
	vm8 =	veq.s32 v33, v34;
	v16 =	vshll.u32 v30, $0x7;
	[tilespmem:v20+s24+$0x0] =	vst.idx.add.s32.msk $0xffff, v56  }
0x1bd: {  	v16 =	vor.u32 v3, v16;
	v60 =	vmul.f32 $1.000000000e+01, v10;
	v38 =	vtrunc.f32 v51;
	[tilespmem:v20+s25+$0x0] =	vst.idx.add.f32.msk $0xffff, v14  }
0x1be: {  	v58 =	vshll.u32 v54, $0x7;
	v62 =	vmul.f32 $1.000000000e+01, v8;
	v38 =	vcvt.f32.s32 v38;
	[tilespmem:v35+s24+$0x0] =	vst.idx.add.s32.msk $0xffff, v59  }
0x1bf: {  	v54 =	vsel vm10, $0x10001, v2;
	[tilespmem:v35+s25+$0x0] =	vst.idx.add.f32.msk $0xffff, v12;
	v12 =	vtrunc.f32 v60;
	v60 =	vor.u32 v3, v58  }
0x1c0: {  	[tilespmem:v22+s24+$0x0] =	vst.idx.add.s32.msk $0xffff, v61;
	v59 =	vtrunc.f32 v62;
	v38 =	vshll.u32 v38, $0x7;
	v12 =	vcvt.f32.s32 v12  }
0x1c1: {  	v57 =	vmul.f32 $1.000000000e+01, v11;
	[tilespmem:v22+s25+$0x0] =	vst.idx.add.f32.msk $0xffff, v15;
	v35 =	vcvt.f32.s32 v59;
	v38 =	vor.u32 v3, v38  }
0x1c2: {  	vm9 =	veq.s32 v36, v37;
	vm7 =	veq.s32 v31, v32;
	[tilespmem:v16+s24+$0x0] =	vst.idx.add.s32.msk $0xffff, v54;
	v12 =	vshll.u32 v12, $0x7  }
0x1c3: {  	v51 =	vtrunc.f32 v57;
	[tilespmem:v16+s25+$0x0] =	vst.idx.add.f32.msk $0xffff, v9;
	v42 =	vshll.u32 v35, $0x7;
	v12 =	vor.u32 v3, v12  }
0x1c4: {  	v44 =	vmul.f32 $1.000000000e+01, v4;
	v62 =	vcvt.f32.s32 v51;
	v15 =	vor.u32 v3, v42;
	[tilespmem:v60+s24+$0x0] =	vst.idx.add.s32.msk $0xffff, v29  }
0x1c5: {  	v46 =	vsel vm9, $0x10001, v2;
	v31 =	vmul.f32 $1.000000000e+01, v5;
	v55 =	vmul.f32 $1.000000000e+01, v7;
	[tilespmem:v60+s25+$0x0] =	vst.idx.add.f32.msk $0xffff, v17  }
0x1c6: {  	v56 =	vtrunc.f32 v44;
	v57 =	vcvt.f32.s32 v48;
	v14 =	vshll.u32 v62, $0x7;
	[tilespmem:v38+s24+$0x0] =	vst.idx.add.s32.msk $0xffff, v63  }
0x1c7: {  	v28 =	vtrunc.f32 v55;
	v51 =	vtrunc.f32 v31;
	v14 =	vor.u32 v3, v14;
	[tilespmem:v38+s25+$0x0] =	vst.idx.add.f32.msk $0xffff, v13  }
0x1c8: {  	v58 =	vcvt.f32.s32 v56;
	v13 =	vshll.u32 v57, $0x7;
	v57 =	vsel vm11, $0x10001, v2;
	[tilespmem:v12+s24+$0x0] =	vst.idx.add.s32.msk $0xffff, v46  }
0x1c9: {  	v55 =	vcvt.f32.s32 v51;
	v63 =	vmul.f32 $1.000000000e+01, v6;
	v13 =	vor.u32 v3, v13;
	[tilespmem:v15+s24+$0x0] =	vst.idx.add.s32.msk $0xffff, v57  }
0x1ca: {  	v60 =	vshll.u32 v58, $0x7;
	v38 =	vsel vm8, $0x10001, v2;
	[tilespmem:v12+s25+$0x0] =	vst.idx.add.f32.msk $0xffff, v10  }
0x1cb: {  	v20 =	vtrunc.f32 v63;
	v10 =	vshll.u32 v55, $0x7;
	[tilespmem:v15+s25+$0x0] =	vst.idx.add.f32.msk $0xffff, v8;
	v8 =	vor.u32 v3, v60  }
0x1cc: {  	[tilespmem:v14+s24+$0x0] =	vst.idx.add.s32.msk $0xffff, v38;
	v48 =	vcvt.f32.s32 v20;
	v10 =	vor.u32 v3, v10  }
0x1cd: {  	v32 =	vsel vm7, $0x10001, v2;
	[tilespmem:v14+s25+$0x0] =	vst.idx.add.f32.msk $0xffff, v11  }
0x1ce: {  	vm15 =	veq.s32 v21, v24;
	v40 =	vcvt.f32.s32 v28;
	v11 =	vshll.u32 v48, $0x7;
	[tilespmem:v13+s24+$0x0] =	vst.idx.add.s32.msk $0xffff, v32  }
0x1cf: {  	vm14 =	veq.s32 v52, v53;
	v63 =	vsel vm15, $0x10001, v2;
	v11 =	vor.u32 v3, v11;
	[tilespmem:v13+s25+$0x0] =	vst.idx.add.f32.msk $0xffff, v18  }
0x1d0: {  	v62 =	vsel vm14, $0x10001, v2;
	v13 =	vshll.u32 v40, $0x7;
	[tilespmem:v8+s24+$0x0] =	vst.idx.add.s32.msk $0xffff, v63  }
0x1d1: {  	v13 =	vor.u32 v3, v13;
	[tilespmem:v10+s24+$0x0] =	vst.idx.add.s32.msk $0xffff, v62  }
0x1d2: {  	vm13 =	veq.s32 v50, v19;
	[tilespmem:v8+s25+$0x0] =	vst.idx.add.f32.msk $0xffff, v4  }
0x1d3: {  	v61 =	vsel vm13, $0x10001, v2;
	[tilespmem:v10+s25+$0x0] =	vst.idx.add.f32.msk $0xffff, v5  }
0x1d4: {  	vm12 =	veq.s32 v47, v49;
	[tilespmem:v11+s24+$0x0] =	vst.idx.add.s32.msk $0xffff, v61  }
0x1d5: {  	v59 =	vsel vm12, $0x10001, v2;
	[tilespmem:v11+s25+$0x0] =	vst.idx.add.f32.msk $0xffff, v6  }
0x1d6: {  	[tilespmem:v13+s24+$0x0] =	vst.idx.add.s32.msk $0xffff, v59  }
0x1d7: {  	s30 =	simm.s32 $0xC00;
	s14 =	simm.s32 $0x0;
	[tilespmem:v13+s25+$0x0] =	vst.idx.add.f32.msk $0xffff, v7  }
.LBB2_15:
0x1d8: {  	v17 =	vld [tilespmem:s30+$0x340]  }
0x1d9: {  	v15 =	vld [tilespmem:s30+$0xFFFFFC40]  }
0x1da: {  	v9 =	vld [tilespmem:s30+$0xFFFFFD00]  }
0x1db: {  	v8 =	vld [tilespmem:s30+$0xFFFFFD40]  }
0x1dc: {  	s14 =	sadd.s32 $0x40, s14;
	v6 =	vld [tilespmem:s30+$0xFFFFFE00]  }
0x1dd: {  	p0 =	slt.u32 s14, $0x3C0;
	v4 =	vld [tilespmem:s30+$0xFFFFFE40];
	v10 =	vmul.f32 $1.000000000e+01, v17  }
0x1de: {  	v11 =	vmul.f32 $1.000000000e+01, v15;
	v7 =	vld [tilespmem:s30+$0xFFFFFF00]  }
0x1df: {  	s12 =	sadd.s32 $0x800, s12;
	v12 =	vmul.f32 $1.000000000e+01, v9;
	v5 =	vld [tilespmem:s30+$0xFFFFFF40];
	v10 =	vtrunc.f32 v10  }
0x1e0: {  	s13 =	sadd.s32 $0x800, s13;
	v13 =	vmul.f32 $1.000000000e+01, v8;
	v16 =	vld [tilespmem:s12+$0x340];
	v14 =	vcvt.f32.s32 v10  }
0x1e1: {  	v18 =	vtrunc.f32 v11;
	v19 =	vmul.f32 $1.000000000e+01, v6;
	v20 =	vld [tilespmem:s13+$0x340]  }
0x1e2: {  	v21 =	vtrunc.f32 v12;
	v22 =	vmul.f32 $1.000000000e+01, v4;
	v10 =	vld [tilespmem:s30+$0x0];
	v12 =	vshll.u32 v14, $0x7  }
0x1e3: {  	v23 =	vtrunc.f32 v13;
	v13 =	vmul.f32 $1.000000000e+01, v7;
	v11 =	vld [tilespmem:s30+$0x40];
	v24 =	vor.u32 v3, v12  }
0x1e4: {  	v25 =	vtrunc.f32 v19;
	v14 =	vmul.f32 $1.000000000e+01, v5;
	v12 =	vld [tilespmem:s30+$0x100]  }
0x1e5: {  	v22 =	vtrunc.f32 v22;
	v26 =	vtrunc.f32 v13;
	v13 =	vld [tilespmem:s30+$0x140]  }
0x1e6: {  	v18 =	vcvt.f32.s32 v18;
	v27 =	vtrunc.f32 v14;
	v14 =	vld [tilespmem:s30+$0x200];
	vm0 =	veq.s32 v16, v20  }
0x1e7: {  	v19 =	vcvt.f32.s32 v21;
	v20 =	vmul.f32 $1.000000000e+01, v10;
	v16 =	vld [tilespmem:s30+$0x240];
	v21 =	vsel vm0, $0x10001, v2  }
0x1e8: {  	v18 =	vshll.u32 v18, $0x7;
	v23 =	vcvt.f32.s32 v23;
	v28 =	vmul.f32 $1.000000000e+01, v11;
	[tilespmem:v24+s18+$0x0] =	vst.idx.add.s32.msk $0xffff, v21  }
0x1e9: {  	v29 =	vshll.u32 v19, $0x7;
	v30 =	vtrunc.f32 v20;
	v20 =	vmul.f32 $1.000000000e+01, v12;
	[tilespmem:v24+s19+$0x0] =	vst.idx.add.f32.msk $0xffff, v17  }
0x1ea: {  	v23 =	vshll.u32 v23, $0x7;
	v24 =	vtrunc.f32 v28;
	v28 =	vmul.f32 $1.000000000e+01, v13;
	v31 =	vld [tilespmem:s30+$0x350]  }
0x1eb: {  	v19 =	vor.u32 v3, v18;
	v32 =	vtrunc.f32 v20;
	v33 =	vmul.f32 $1.000000000e+01, v14;
	v17 =	vld [tilespmem:s30+$0x300]  }
0x1ec: {  	v20 =	vor.u32 v3, v29;
	v21 =	vld [tilespmem:s30+$0xFFFFFC00];
	v28 =	vtrunc.f32 v28;
	v29 =	vmul.f32 $1.000000000e+01, v16  }
0x1ed: {  	v18 =	vor.u32 v3, v23;
	v23 =	vcvt.f32.s32 v25;
	v34 =	vld [tilespmem:s12+$0xFFFFFC00];
	v25 =	vtrunc.f32 v33  }
0x1ee: {  	v22 =	vcvt.f32.s32 v22;
	v33 =	vld [tilespmem:s13+$0xFFFFFC00];
	v29 =	vtrunc.f32 v29  }
0x1ef: {  	v26 =	vcvt.f32.s32 v26;
	v23 =	vshll.u32 v23, $0x7;
	v35 =	vld [tilespmem:s12+$0xFFFFFC40];
	v36 =	vmul.f32 $1.000000000e+01, v31  }
0x1f0: {  	v22 =	vshll.u32 v22, $0x7;
	v27 =	vcvt.f32.s32 v27;
	v37 =	vld [tilespmem:s13+$0xFFFFFC40];
	v38 =	vmul.f32 $1.000000000e+01, v17  }
0x1f1: {  	v26 =	vshll.u32 v26, $0x7;
	v39 =	vmul.f32 $1.000000000e+01, v21;
	v40 =	vld [tilespmem:s12+$0xFFFFFD00];
	v36 =	vtrunc.f32 v36  }
0x1f2: {  	v27 =	vshll.u32 v27, $0x7;
	v38 =	vtrunc.f32 v38;
	v41 =	vld [tilespmem:s12+$0x350];
	v36 =	vcvt.f32.s32 v36  }
0x1f3: {  	v30 =	vcvt.f32.s32 v30;
	vm0 =	veq.s32 v34, v33;
	v33 =	vtrunc.f32 v39;
	v34 =	vld [tilespmem:s13+$0x350]  }
0x1f4: {  	v24 =	vcvt.f32.s32 v24;
	v33 =	vcvt.f32.s32 v33;
	v39 =	vld [tilespmem:s13+$0xFFFFFD00];
	v36 =	vshll.u32 v36, $0x7  }
0x1f5: {  	v32 =	vcvt.f32.s32 v32;
	v28 =	vcvt.f32.s32 v28;
	v42 =	vld [tilespmem:s12+$0xFFFFFD40];
	v36 =	vor.u32 v3, v36  }
0x1f6: {  	v25 =	vcvt.f32.s32 v25;
	v29 =	vcvt.f32.s32 v29;
	v33 =	vshll.u32 v33, $0x7;
	v43 =	vld [tilespmem:s13+$0xFFFFFD40]  }
0x1f7: {  	v45 =	vshll.u32 v30, $0x7;
	v24 =	vshll.u32 v24, $0x7;
	v30 =	vcvt.f32.s32 v38;
	v44 =	vld [tilespmem:s12+$0xFFFFFE00]  }
0x1f8: {  	v32 =	vshll.u32 v32, $0x7;
	v46 =	vshll.u32 v28, $0x7;
	v38 =	vld [tilespmem:s13+$0xFFFFFE00];
	vm1 =	veq.s32 v41, v34  }
0x1f9: {  	v47 =	vshll.u32 v29, $0x7;
	v41 =	vshll.u32 v25, $0x7;
	v34 =	vld [tilespmem:s12+$0xFFFFFE40];
	v25 =	vsel vm1, $0x10001, v2  }
0x1fa: {  	vm1 =	veq.s32 v35, v37;
	vm2 =	veq.s32 v40, v39;
	v35 =	vshll.u32 v30, $0x7;
	[tilespmem:v36+s20+$0x0] =	vst.idx.add.s32.msk $0xffff, v25  }
0x1fb: {  	v33 =	vor.u32 v3, v33;
	v37 =	vsel vm0, $0x10001, v2;
	vm0 =	veq.s32 v42, v43;
	[tilespmem:v36+s21+$0x0] =	vst.idx.add.f32.msk $0xffff, v31  }
0x1fc: {  	v29 =	vor.u32 v3, v26;
	v36 =	vor.u32 v3, v23;
	v31 =	vor.u32 v3, v22;
	v39 =	vld [tilespmem:s30+$0x360]  }
0x1fd: {  	v28 =	vor.u32 v3, v45;
	v30 =	vor.u32 v3, v27;
	vm3 =	veq.s32 v44, v38;
	v38 =	vld [tilespmem:s13+$0xFFFFFE40]  }
0x1fe: {  	v26 =	vor.u32 v3, v32;
	v27 =	vor.u32 v3, v24;
	v25 =	vor.u32 v3, v46;
	v40 =	vld [tilespmem:s12+$0xFFFFFF00]  }
0x1ff: {  	v24 =	vor.u32 v3, v41;
	v23 =	vor.u32 v3, v47;
	v22 =	vor.u32 v3, v35;
	v32 =	vld [tilespmem:s13+$0xFFFFFF00]  }
0x200: {  	v41 =	vsel vm2, $0x10001, v2;
	v35 =	vsel vm1, $0x10001, v2;
	v42 =	vsel vm0, $0x10001, v2;
	v43 =	vld [tilespmem:s12+$0xFFFFFF40]  }
0x201: {  	v44 =	vsel vm3, $0x10001, v2;
	v45 =	vld [tilespmem:s13+$0xFFFFFF40];
	v46 =	vmul.f32 $1.000000000e+01, v39  }
0x202: {  	vm0 =	veq.s32 v34, v38;
	v34 =	vld [tilespmem:s12+$0x0]  }
0x203: {  	v38 =	vsel vm0, $0x10001, v2;
	v47 =	vld [tilespmem:s13+$0x0];
	v46 =	vtrunc.f32 v46  }
0x204: {  	vm0 =	veq.s32 v40, v32;
	v32 =	vld [tilespmem:s12+$0x360];
	v40 =	vcvt.f32.s32 v46  }
0x205: {  	v46 =	vsel vm0, $0x10001, v2;
	v48 =	vld [tilespmem:s13+$0x360]  }
0x206: {  	vm0 =	veq.s32 v43, v45;
	v43 =	vld [tilespmem:s12+$0x40];
	v40 =	vshll.u32 v40, $0x7  }
0x207: {  	v45 =	vsel vm0, $0x10001, v2;
	v49 =	vld [tilespmem:s13+$0x40];
	v40 =	vor.u32 v3, v40  }
0x208: {  	vm0 =	veq.s32 v34, v47;
	v34 =	vld [tilespmem:s12+$0x100]  }
0x209: {  	v47 =	vsel vm0, $0x10001, v2;
	v50 =	vld [tilespmem:s13+$0x100]  }
0x20a: {  	v51 =	vld [tilespmem:s12+$0x140];
	vm0 =	veq.s32 v32, v48  }
0x20b: {  	v32 =	vld [tilespmem:s13+$0x140];
	v48 =	vsel vm0, $0x10001, v2  }
0x20c: {  	vm0 =	veq.s32 v43, v49;
	[tilespmem:v40+s22+$0x0] =	vst.idx.add.s32.msk $0xffff, v48  }
0x20d: {  	v43 =	vsel vm0, $0x10001, v2;
	[tilespmem:v40+s23+$0x0] =	vst.idx.add.f32.msk $0xffff, v39  }
0x20e: {  	vm0 =	veq.s32 v34, v50;
	v34 =	vld [tilespmem:s30+$0x370]  }
0x20f: {  	v39 =	vsel vm0, $0x10001, v2;
	v40 =	vld [tilespmem:s12+$0x200]  }
0x210: {  	vm0 =	veq.s32 v51, v32;
	v32 =	vld [tilespmem:s13+$0x200]  }
0x211: {  	v48 =	vsel vm0, $0x10001, v2;
	v49 =	vld [tilespmem:s12+$0x240]  }
0x212: {  	v50 =	vld [tilespmem:s13+$0x240]  }
0x213: {  	v51 =	vld [tilespmem:s12+$0x300];
	v52 =	vmul.f32 $1.000000000e+01, v34  }
0x214: {  	v53 =	vld [tilespmem:s13+$0x300]  }
0x215: {  	[tilespmem:v33+s18+$0x0] =	vst.idx.add.s32.msk $0xffff, v37;
	vm0 =	veq.s32 v40, v32;
	v32 =	vtrunc.f32 v52  }
0x216: {  	v37 =	vsel vm0, $0x10001, v2;
	v40 =	vld [tilespmem:s12+$0x370];
	v32 =	vcvt.f32.s32 v32  }
0x217: {  	vm0 =	veq.s32 v49, v50;
	v49 =	vld [tilespmem:s13+$0x370]  }
0x218: {  	[tilespmem:v33+s19+$0x0] =	vst.idx.add.f32.msk $0xffff, v21;
	v21 =	vsel vm0, $0x10001, v2;
	v32 =	vshll.u32 v32, $0x7  }
0x219: {  	[tilespmem:v19+s18+$0x0] =	vst.idx.add.s32.msk $0xffff, v35;
	vm0 =	veq.s32 v51, v53;
	v32 =	vor.u32 v3, v32  }
0x21a: {  	[tilespmem:v19+s19+$0x0] =	vst.idx.add.f32.msk $0xffff, v15;
	v15 =	vsel vm0, $0x10001, v2  }
0x21b: {  	[tilespmem:v20+s18+$0x0] =	vst.idx.add.s32.msk $0xffff, v41  }
0x21c: {  	[tilespmem:v20+s19+$0x0] =	vst.idx.add.f32.msk $0xffff, v9;
	vm0 =	veq.s32 v40, v49  }
0x21d: {  	[tilespmem:v18+s18+$0x0] =	vst.idx.add.s32.msk $0xffff, v42;
	v9 =	vsel vm0, $0x10001, v2  }
0x21e: {  	[tilespmem:v32+s24+$0x0] =	vst.idx.add.s32.msk $0xffff, v9  }
0x21f: {  	[tilespmem:v32+s25+$0x0] =	vst.idx.add.f32.msk $0xffff, v34  }
0x220: {  	[tilespmem:v18+s19+$0x0] =	vst.idx.add.f32.msk $0xffff, v8  }
0x221: {  	[tilespmem:v36+s18+$0x0] =	vst.idx.add.s32.msk $0xffff, v44  }
0x222: {  	[tilespmem:v36+s19+$0x0] =	vst.idx.add.f32.msk $0xffff, v6  }
0x223: {  	[tilespmem:v31+s18+$0x0] =	vst.idx.add.s32.msk $0xffff, v38  }
0x224: {  	[tilespmem:v31+s19+$0x0] =	vst.idx.add.f32.msk $0xffff, v4  }
0x225: {  	[tilespmem:v29+s18+$0x0] =	vst.idx.add.s32.msk $0xffff, v46  }
0x226: {  	[tilespmem:v29+s19+$0x0] =	vst.idx.add.f32.msk $0xffff, v7  }
0x227: {  	[tilespmem:v30+s18+$0x0] =	vst.idx.add.s32.msk $0xffff, v45  }
0x228: {  	[tilespmem:v30+s19+$0x0] =	vst.idx.add.f32.msk $0xffff, v5  }
0x229: {  	[tilespmem:v28+s18+$0x0] =	vst.idx.add.s32.msk $0xffff, v47  }
0x22a: {  	[tilespmem:v28+s19+$0x0] =	vst.idx.add.f32.msk $0xffff, v10  }
0x22b: {  	[tilespmem:v27+s18+$0x0] =	vst.idx.add.s32.msk $0xffff, v43  }
0x22c: {  	[tilespmem:v27+s19+$0x0] =	vst.idx.add.f32.msk $0xffff, v11  }
0x22d: {  	[tilespmem:v26+s18+$0x0] =	vst.idx.add.s32.msk $0xffff, v39  }
0x22e: {  	[tilespmem:v26+s19+$0x0] =	vst.idx.add.f32.msk $0xffff, v12  }
0x22f: {  	[tilespmem:v25+s18+$0x0] =	vst.idx.add.s32.msk $0xffff, v48  }
0x230: {  	[tilespmem:v25+s19+$0x0] =	vst.idx.add.f32.msk $0xffff, v13  }
0x231: {  	[tilespmem:v24+s18+$0x0] =	vst.idx.add.s32.msk $0xffff, v37  }
0x232: {  	[tilespmem:v24+s19+$0x0] =	vst.idx.add.f32.msk $0xffff, v14  }
0x233: {  	[tilespmem:v23+s18+$0x0] =	vst.idx.add.s32.msk $0xffff, v21  }
0x234: {  	[tilespmem:v23+s19+$0x0] =	vst.idx.add.f32.msk $0xffff, v16  }
0x235: {  	[tilespmem:v22+s18+$0x0] =	vst.idx.add.s32.msk $0xffff, v15  }
0x236: {  	[tilespmem:v22+s19+$0x0] =	vst.idx.add.f32.msk $0xffff, v17  }
0x237: {  	v18 =	vld [tilespmem:s30+$0xFFFFFC10]  }
0x238: {  	v17 =	vld [tilespmem:s30+$0xFFFFFC50]  }
0x239: {  	v16 =	vld [tilespmem:s30+$0xFFFFFD10]  }
0x23a: {  	v15 =	vld [tilespmem:s30+$0xFFFFFD50]  }
0x23b: {  	v14 =	vld [tilespmem:s30+$0xFFFFFE10]  }
0x23c: {  	v5 =	vmul.f32 $1.000000000e+01, v18;
	v13 =	vld [tilespmem:s30+$0xFFFFFE50]  }
0x23d: {  	v6 =	vmul.f32 $1.000000000e+01, v17;
	v4 =	vld [tilespmem:s30+$0xFFFFFF10]  }
0x23e: {  	v19 =	vtrunc.f32 v5;
	v7 =	vmul.f32 $1.000000000e+01, v16;
	v5 =	vld [tilespmem:s30+$0xFFFFFF50]  }
0x23f: {  	v20 =	vtrunc.f32 v6;
	v8 =	vmul.f32 $1.000000000e+01, v15;
	v6 =	vld [tilespmem:s30+$0x10]  }
0x240: {  	v21 =	vtrunc.f32 v7;
	v9 =	vmul.f32 $1.000000000e+01, v14;
	v7 =	vld [tilespmem:s30+$0x50]  }
0x241: {  	v22 =	vtrunc.f32 v8;
	v10 =	vmul.f32 $1.000000000e+01, v13;
	v8 =	vld [tilespmem:s30+$0x110]  }
0x242: {  	v23 =	vtrunc.f32 v9;
	v11 =	vmul.f32 $1.000000000e+01, v4;
	v9 =	vld [tilespmem:s30+$0x150]  }
0x243: {  	v24 =	vtrunc.f32 v10;
	v12 =	vmul.f32 $1.000000000e+01, v5;
	v10 =	vld [tilespmem:s30+$0x210]  }
0x244: {  	v25 =	vtrunc.f32 v11;
	v26 =	vmul.f32 $1.000000000e+01, v6;
	v11 =	vld [tilespmem:s30+$0x250]  }
0x245: {  	v27 =	vtrunc.f32 v12;
	v28 =	vmul.f32 $1.000000000e+01, v7;
	v12 =	vld [tilespmem:s30+$0x310]  }
0x246: {  	v29 =	vld [tilespmem:s12+$0xFFFFFC10];
	v26 =	vtrunc.f32 v26;
	v30 =	vmul.f32 $1.000000000e+01, v8  }
0x247: {  	v31 =	vld [tilespmem:s13+$0xFFFFFC10];
	v28 =	vtrunc.f32 v28;
	v32 =	vmul.f32 $1.000000000e+01, v9  }
0x248: {  	v33 =	vld [tilespmem:s12+$0xFFFFFC50];
	v30 =	vtrunc.f32 v30;
	v34 =	vmul.f32 $1.000000000e+01, v10  }
0x249: {  	v35 =	vld [tilespmem:s13+$0xFFFFFC50];
	v32 =	vtrunc.f32 v32;
	v36 =	vmul.f32 $1.000000000e+01, v11  }
0x24a: {  	v37 =	vld [tilespmem:s12+$0xFFFFFD10];
	v34 =	vtrunc.f32 v34;
	v38 =	vmul.f32 $1.000000000e+01, v12  }
0x24b: {  	v19 =	vcvt.f32.s32 v19;
	v39 =	vld [tilespmem:s13+$0xFFFFFD10];
	v36 =	vtrunc.f32 v36  }
0x24c: {  	v20 =	vcvt.f32.s32 v20;
	vm0 =	veq.s32 v29, v31;
	v29 =	vld [tilespmem:s12+$0xFFFFFD50];
	v31 =	vtrunc.f32 v38  }
0x24d: {  	v19 =	vshll.u32 v19, $0x7;
	v21 =	vcvt.f32.s32 v21;
	v22 =	vcvt.f32.s32 v22;
	v38 =	vld [tilespmem:s13+$0xFFFFFD50]  }
0x24e: {  	v20 =	vshll.u32 v20, $0x7;
	v23 =	vcvt.f32.s32 v23;
	v24 =	vcvt.f32.s32 v24;
	v40 =	vld [tilespmem:s12+$0xFFFFFE10]  }
0x24f: {  	v21 =	vshll.u32 v21, $0x7;
	v25 =	vcvt.f32.s32 v25;
	v27 =	vcvt.f32.s32 v27;
	v41 =	vld [tilespmem:s13+$0xFFFFFE10]  }
0x250: {  	v22 =	vshll.u32 v22, $0x7;
	v26 =	vcvt.f32.s32 v26;
	v28 =	vcvt.f32.s32 v28;
	v42 =	vld [tilespmem:s12+$0xFFFFFE50]  }
0x251: {  	v23 =	vshll.u32 v23, $0x7;
	v30 =	vcvt.f32.s32 v30;
	v32 =	vcvt.f32.s32 v32;
	v43 =	vld [tilespmem:s13+$0xFFFFFE50]  }
0x252: {  	v24 =	vshll.u32 v24, $0x7;
	v34 =	vcvt.f32.s32 v34;
	v36 =	vcvt.f32.s32 v36;
	v44 =	vld [tilespmem:s12+$0xFFFFFF10]  }
0x253: {  	v25 =	vshll.u32 v25, $0x7;
	v27 =	vshll.u32 v27, $0x7;
	v31 =	vcvt.f32.s32 v31;
	v45 =	vld [tilespmem:s13+$0xFFFFFF10]  }
0x254: {  	v26 =	vshll.u32 v26, $0x7;
	v28 =	vshll.u32 v28, $0x7;
	v30 =	vshll.u32 v30, $0x7;
	v46 =	vld [tilespmem:s12+$0xFFFFFF50]  }
0x255: {  	v32 =	vshll.u32 v32, $0x7;
	v34 =	vshll.u32 v34, $0x7;
	v36 =	vshll.u32 v36, $0x7;
	v47 =	vld [tilespmem:s13+$0xFFFFFF50]  }
0x256: {  	vm3 =	veq.s32 v33, v35;
	v31 =	vshll.u32 v31, $0x7;
	vm1 =	veq.s32 v37, v39;
	v33 =	vld [tilespmem:s12+$0x10]  }
0x257: {  	vm4 =	veq.s32 v29, v38;
	vm5 =	veq.s32 v40, v41;
	vm2 =	veq.s32 v42, v43;
	v29 =	vld [tilespmem:s13+$0x10]  }
0x258: {  	v19 =	vor.u32 v3, v19;
	v20 =	vor.u32 v3, v20;
	vm6 =	veq.s32 v44, v45;
	v35 =	vld [tilespmem:s12+$0x50]  }
0x259: {  	v21 =	vor.u32 v3, v21;
	v22 =	vor.u32 v3, v22;
	v23 =	vor.u32 v3, v23;
	v37 =	vld [tilespmem:s13+$0x50]  }
0x25a: {  	v24 =	vor.u32 v3, v24;
	v25 =	vor.u32 v3, v25;
	vm7 =	veq.s32 v46, v47;
	v38 =	vld [tilespmem:s12+$0x110]  }
0x25b: {  	v27 =	vor.u32 v3, v27;
	v26 =	vor.u32 v3, v26;
	v28 =	vor.u32 v3, v28;
	v39 =	vld [tilespmem:s13+$0x110]  }
0x25c: {  	v32 =	vor.u32 v3, v32;
	vm8 =	veq.s32 v33, v29;
	v29 =	vor.u32 v3, v30;
	v30 =	vld [tilespmem:s12+$0x150]  }
0x25d: {  	v34 =	vor.u32 v3, v34;
	v36 =	vor.u32 v3, v36;
	v31 =	vor.u32 v3, v31;
	v33 =	vld [tilespmem:s13+$0x150]  }
0x25e: {  	v40 =	vsel vm0, $0x10001, v2;
	v41 =	vsel vm3, $0x10001, v2;
	vm0 =	veq.s32 v35, v37;
	v35 =	vld [tilespmem:s12+$0x210]  }
0x25f: {  	v42 =	vsel vm4, $0x10001, v2;
	v43 =	vsel vm5, $0x10001, v2;
	v37 =	vsel vm1, $0x10001, v2;
	v44 =	vld [tilespmem:s13+$0x210]  }
0x260: {  	v45 =	vsel vm2, $0x10001, v2;
	v46 =	vsel vm6, $0x10001, v2;
	vm1 =	veq.s32 v38, v39;
	v38 =	vld [tilespmem:s12+$0x250]  }
0x261: {  	v47 =	vsel vm8, $0x10001, v2;
	v48 =	vsel vm0, $0x10001, v2;
	v39 =	vsel vm7, $0x10001, v2;
	v49 =	vld [tilespmem:s13+$0x250]  }
0x262: {  	v50 =	vsel vm1, $0x10001, v2;
	vm0 =	veq.s32 v30, v33;
	v30 =	vld [tilespmem:s12+$0x310]  }
0x263: {  	v33 =	vsel vm0, $0x10001, v2;
	v51 =	vld [tilespmem:s13+$0x310]  }
0x264: {  	[tilespmem:v19+s20+$0x0] =	vst.idx.add.s32.msk $0xffff, v40;
	vm0 =	veq.s32 v35, v44  }
0x265: {  	[tilespmem:v19+s21+$0x0] =	vst.idx.add.f32.msk $0xffff, v18;
	v18 =	vsel vm0, $0x10001, v2  }
0x266: {  	[tilespmem:v20+s20+$0x0] =	vst.idx.add.s32.msk $0xffff, v41;
	vm0 =	veq.s32 v38, v49  }
0x267: {  	[tilespmem:v20+s21+$0x0] =	vst.idx.add.f32.msk $0xffff, v17;
	v17 =	vsel vm0, $0x10001, v2  }
0x268: {  	[tilespmem:v21+s20+$0x0] =	vst.idx.add.s32.msk $0xffff, v37;
	vm0 =	veq.s32 v30, v51  }
0x269: {  	[tilespmem:v21+s21+$0x0] =	vst.idx.add.f32.msk $0xffff, v16;
	v16 =	vsel vm0, $0x10001, v2  }
0x26a: {  	[tilespmem:v22+s20+$0x0] =	vst.idx.add.s32.msk $0xffff, v42  }
0x26b: {  	[tilespmem:v22+s21+$0x0] =	vst.idx.add.f32.msk $0xffff, v15  }
0x26c: {  	[tilespmem:v23+s20+$0x0] =	vst.idx.add.s32.msk $0xffff, v43  }
0x26d: {  	[tilespmem:v23+s21+$0x0] =	vst.idx.add.f32.msk $0xffff, v14  }
0x26e: {  	[tilespmem:v24+s20+$0x0] =	vst.idx.add.s32.msk $0xffff, v45  }
0x26f: {  	[tilespmem:v24+s21+$0x0] =	vst.idx.add.f32.msk $0xffff, v13  }
0x270: {  	[tilespmem:v25+s20+$0x0] =	vst.idx.add.s32.msk $0xffff, v46  }
0x271: {  	[tilespmem:v25+s21+$0x0] =	vst.idx.add.f32.msk $0xffff, v4  }
0x272: {  	[tilespmem:v27+s20+$0x0] =	vst.idx.add.s32.msk $0xffff, v39  }
0x273: {  	[tilespmem:v27+s21+$0x0] =	vst.idx.add.f32.msk $0xffff, v5  }
0x274: {  	[tilespmem:v26+s20+$0x0] =	vst.idx.add.s32.msk $0xffff, v47  }
0x275: {  	[tilespmem:v26+s21+$0x0] =	vst.idx.add.f32.msk $0xffff, v6  }
0x276: {  	[tilespmem:v28+s20+$0x0] =	vst.idx.add.s32.msk $0xffff, v48  }
0x277: {  	[tilespmem:v28+s21+$0x0] =	vst.idx.add.f32.msk $0xffff, v7  }
0x278: {  	[tilespmem:v29+s20+$0x0] =	vst.idx.add.s32.msk $0xffff, v50  }
0x279: {  	[tilespmem:v29+s21+$0x0] =	vst.idx.add.f32.msk $0xffff, v8  }
0x27a: {  	[tilespmem:v32+s20+$0x0] =	vst.idx.add.s32.msk $0xffff, v33  }
0x27b: {  	[tilespmem:v32+s21+$0x0] =	vst.idx.add.f32.msk $0xffff, v9  }
0x27c: {  	[tilespmem:v34+s20+$0x0] =	vst.idx.add.s32.msk $0xffff, v18  }
0x27d: {  	[tilespmem:v34+s21+$0x0] =	vst.idx.add.f32.msk $0xffff, v10  }
0x27e: {  	[tilespmem:v36+s20+$0x0] =	vst.idx.add.s32.msk $0xffff, v17  }
0x27f: {  	[tilespmem:v36+s21+$0x0] =	vst.idx.add.f32.msk $0xffff, v11  }
0x280: {  	[tilespmem:v31+s20+$0x0] =	vst.idx.add.s32.msk $0xffff, v16  }
0x281: {  	[tilespmem:v31+s21+$0x0] =	vst.idx.add.f32.msk $0xffff, v12  }
0x282: {  	v18 =	vld [tilespmem:s30+$0xFFFFFC20]  }
0x283: {  	v17 =	vld [tilespmem:s30+$0xFFFFFC60]  }
0x284: {  	v16 =	vld [tilespmem:s30+$0xFFFFFD20]  }
0x285: {  	v15 =	vld [tilespmem:s30+$0xFFFFFD60]  }
0x286: {  	v14 =	vld [tilespmem:s30+$0xFFFFFE20]  }
0x287: {  	v5 =	vmul.f32 $1.000000000e+01, v18;
	v13 =	vld [tilespmem:s30+$0xFFFFFE60]  }
0x288: {  	v6 =	vmul.f32 $1.000000000e+01, v17;
	v4 =	vld [tilespmem:s30+$0xFFFFFF20]  }
0x289: {  	v19 =	vtrunc.f32 v5;
	v7 =	vmul.f32 $1.000000000e+01, v16;
	v5 =	vld [tilespmem:s30+$0xFFFFFF60]  }
0x28a: {  	v20 =	vtrunc.f32 v6;
	v8 =	vmul.f32 $1.000000000e+01, v15;
	v6 =	vld [tilespmem:s30+$0x20]  }
0x28b: {  	v21 =	vtrunc.f32 v7;
	v9 =	vmul.f32 $1.000000000e+01, v14;
	v7 =	vld [tilespmem:s30+$0x60]  }
0x28c: {  	v22 =	vtrunc.f32 v8;
	v10 =	vmul.f32 $1.000000000e+01, v13;
	v8 =	vld [tilespmem:s30+$0x120]  }
0x28d: {  	v23 =	vtrunc.f32 v9;
	v11 =	vmul.f32 $1.000000000e+01, v4;
	v9 =	vld [tilespmem:s30+$0x160]  }
0x28e: {  	v24 =	vtrunc.f32 v10;
	v12 =	vmul.f32 $1.000000000e+01, v5;
	v10 =	vld [tilespmem:s30+$0x220]  }
0x28f: {  	v25 =	vtrunc.f32 v11;
	v26 =	vmul.f32 $1.000000000e+01, v6;
	v11 =	vld [tilespmem:s30+$0x260]  }
0x290: {  	v27 =	vtrunc.f32 v12;
	v28 =	vmul.f32 $1.000000000e+01, v7;
	v12 =	vld [tilespmem:s30+$0x320]  }
0x291: {  	v29 =	vld [tilespmem:s12+$0xFFFFFC20];
	v26 =	vtrunc.f32 v26;
	v30 =	vmul.f32 $1.000000000e+01, v8  }
0x292: {  	v31 =	vld [tilespmem:s13+$0xFFFFFC20];
	v28 =	vtrunc.f32 v28;
	v32 =	vmul.f32 $1.000000000e+01, v9  }
0x293: {  	v33 =	vld [tilespmem:s12+$0xFFFFFC60];
	v30 =	vtrunc.f32 v30;
	v34 =	vmul.f32 $1.000000000e+01, v10  }
0x294: {  	v35 =	vld [tilespmem:s13+$0xFFFFFC60];
	v32 =	vtrunc.f32 v32;
	v36 =	vmul.f32 $1.000000000e+01, v11  }
0x295: {  	v37 =	vld [tilespmem:s12+$0xFFFFFD20];
	v34 =	vtrunc.f32 v34;
	v38 =	vmul.f32 $1.000000000e+01, v12  }
0x296: {  	v19 =	vcvt.f32.s32 v19;
	v39 =	vld [tilespmem:s13+$0xFFFFFD20];
	v36 =	vtrunc.f32 v36  }
0x297: {  	v20 =	vcvt.f32.s32 v20;
	vm0 =	veq.s32 v29, v31;
	v29 =	vld [tilespmem:s12+$0xFFFFFD60];
	v31 =	vtrunc.f32 v38  }
0x298: {  	v19 =	vshll.u32 v19, $0x7;
	v21 =	vcvt.f32.s32 v21;
	v22 =	vcvt.f32.s32 v22;
	v38 =	vld [tilespmem:s13+$0xFFFFFD60]  }
0x299: {  	v20 =	vshll.u32 v20, $0x7;
	v23 =	vcvt.f32.s32 v23;
	v24 =	vcvt.f32.s32 v24;
	v40 =	vld [tilespmem:s12+$0xFFFFFE20]  }
0x29a: {  	v21 =	vshll.u32 v21, $0x7;
	v25 =	vcvt.f32.s32 v25;
	v27 =	vcvt.f32.s32 v27;
	v41 =	vld [tilespmem:s13+$0xFFFFFE20]  }
0x29b: {  	v22 =	vshll.u32 v22, $0x7;
	v26 =	vcvt.f32.s32 v26;
	v28 =	vcvt.f32.s32 v28;
	v42 =	vld [tilespmem:s12+$0xFFFFFE60]  }
0x29c: {  	v23 =	vshll.u32 v23, $0x7;
	v30 =	vcvt.f32.s32 v30;
	v32 =	vcvt.f32.s32 v32;
	v43 =	vld [tilespmem:s13+$0xFFFFFE60]  }
0x29d: {  	v24 =	vshll.u32 v24, $0x7;
	v34 =	vcvt.f32.s32 v34;
	v36 =	vcvt.f32.s32 v36;
	v44 =	vld [tilespmem:s12+$0xFFFFFF20]  }
0x29e: {  	v25 =	vshll.u32 v25, $0x7;
	v27 =	vshll.u32 v27, $0x7;
	v31 =	vcvt.f32.s32 v31;
	v45 =	vld [tilespmem:s13+$0xFFFFFF20]  }
0x29f: {  	v26 =	vshll.u32 v26, $0x7;
	v28 =	vshll.u32 v28, $0x7;
	v30 =	vshll.u32 v30, $0x7;
	v46 =	vld [tilespmem:s12+$0xFFFFFF60]  }
0x2a0: {  	v32 =	vshll.u32 v32, $0x7;
	v34 =	vshll.u32 v34, $0x7;
	v36 =	vshll.u32 v36, $0x7;
	v47 =	vld [tilespmem:s13+$0xFFFFFF60]  }
0x2a1: {  	vm3 =	veq.s32 v33, v35;
	v31 =	vshll.u32 v31, $0x7;
	vm1 =	veq.s32 v37, v39;
	v33 =	vld [tilespmem:s12+$0x20]  }
0x2a2: {  	vm4 =	veq.s32 v29, v38;
	vm5 =	veq.s32 v40, v41;
	vm2 =	veq.s32 v42, v43;
	v29 =	vld [tilespmem:s13+$0x20]  }
0x2a3: {  	v19 =	vor.u32 v3, v19;
	v20 =	vor.u32 v3, v20;
	vm6 =	veq.s32 v44, v45;
	v35 =	vld [tilespmem:s12+$0x60]  }
0x2a4: {  	v21 =	vor.u32 v3, v21;
	v22 =	vor.u32 v3, v22;
	v23 =	vor.u32 v3, v23;
	v37 =	vld [tilespmem:s13+$0x60]  }
0x2a5: {  	v24 =	vor.u32 v3, v24;
	v25 =	vor.u32 v3, v25;
	vm7 =	veq.s32 v46, v47;
	v38 =	vld [tilespmem:s12+$0x120]  }
0x2a6: {  	v27 =	vor.u32 v3, v27;
	v26 =	vor.u32 v3, v26;
	v28 =	vor.u32 v3, v28;
	v39 =	vld [tilespmem:s13+$0x120]  }
0x2a7: {  	v32 =	vor.u32 v3, v32;
	vm8 =	veq.s32 v33, v29;
	v29 =	vor.u32 v3, v30;
	v30 =	vld [tilespmem:s12+$0x160]  }
0x2a8: {  	v34 =	vor.u32 v3, v34;
	v36 =	vor.u32 v3, v36;
	v31 =	vor.u32 v3, v31;
	v33 =	vld [tilespmem:s13+$0x160]  }
0x2a9: {  	v40 =	vsel vm0, $0x10001, v2;
	v41 =	vsel vm3, $0x10001, v2;
	vm0 =	veq.s32 v35, v37;
	v35 =	vld [tilespmem:s12+$0x220]  }
0x2aa: {  	v42 =	vsel vm4, $0x10001, v2;
	v43 =	vsel vm5, $0x10001, v2;
	v37 =	vsel vm1, $0x10001, v2;
	v44 =	vld [tilespmem:s13+$0x220]  }
0x2ab: {  	v45 =	vsel vm2, $0x10001, v2;
	v46 =	vsel vm6, $0x10001, v2;
	vm1 =	veq.s32 v38, v39;
	v38 =	vld [tilespmem:s12+$0x260]  }
0x2ac: {  	v47 =	vsel vm8, $0x10001, v2;
	v48 =	vsel vm0, $0x10001, v2;
	v39 =	vsel vm7, $0x10001, v2;
	v49 =	vld [tilespmem:s13+$0x260]  }
0x2ad: {  	v50 =	vsel vm1, $0x10001, v2;
	vm0 =	veq.s32 v30, v33;
	v30 =	vld [tilespmem:s12+$0x320]  }
0x2ae: {  	v33 =	vsel vm0, $0x10001, v2;
	v51 =	vld [tilespmem:s13+$0x320]  }
0x2af: {  	[tilespmem:v19+s22+$0x0] =	vst.idx.add.s32.msk $0xffff, v40;
	vm0 =	veq.s32 v35, v44  }
0x2b0: {  	[tilespmem:v19+s23+$0x0] =	vst.idx.add.f32.msk $0xffff, v18;
	v18 =	vsel vm0, $0x10001, v2  }
0x2b1: {  	[tilespmem:v20+s22+$0x0] =	vst.idx.add.s32.msk $0xffff, v41;
	vm0 =	veq.s32 v38, v49  }
0x2b2: {  	[tilespmem:v20+s23+$0x0] =	vst.idx.add.f32.msk $0xffff, v17;
	v17 =	vsel vm0, $0x10001, v2  }
0x2b3: {  	[tilespmem:v21+s22+$0x0] =	vst.idx.add.s32.msk $0xffff, v37;
	vm0 =	veq.s32 v30, v51  }
0x2b4: {  	[tilespmem:v21+s23+$0x0] =	vst.idx.add.f32.msk $0xffff, v16;
	v16 =	vsel vm0, $0x10001, v2  }
0x2b5: {  	[tilespmem:v22+s22+$0x0] =	vst.idx.add.s32.msk $0xffff, v42  }
0x2b6: {  	[tilespmem:v22+s23+$0x0] =	vst.idx.add.f32.msk $0xffff, v15  }
0x2b7: {  	[tilespmem:v23+s22+$0x0] =	vst.idx.add.s32.msk $0xffff, v43  }
0x2b8: {  	[tilespmem:v23+s23+$0x0] =	vst.idx.add.f32.msk $0xffff, v14  }
0x2b9: {  	[tilespmem:v24+s22+$0x0] =	vst.idx.add.s32.msk $0xffff, v45  }
0x2ba: {  	[tilespmem:v24+s23+$0x0] =	vst.idx.add.f32.msk $0xffff, v13  }
0x2bb: {  	[tilespmem:v25+s22+$0x0] =	vst.idx.add.s32.msk $0xffff, v46  }
0x2bc: {  	[tilespmem:v25+s23+$0x0] =	vst.idx.add.f32.msk $0xffff, v4  }
0x2bd: {  	[tilespmem:v27+s22+$0x0] =	vst.idx.add.s32.msk $0xffff, v39  }
0x2be: {  	[tilespmem:v27+s23+$0x0] =	vst.idx.add.f32.msk $0xffff, v5  }
0x2bf: {  	[tilespmem:v26+s22+$0x0] =	vst.idx.add.s32.msk $0xffff, v47  }
0x2c0: {  	[tilespmem:v26+s23+$0x0] =	vst.idx.add.f32.msk $0xffff, v6  }
0x2c1: {  	[tilespmem:v28+s22+$0x0] =	vst.idx.add.s32.msk $0xffff, v48  }
0x2c2: {  	[tilespmem:v28+s23+$0x0] =	vst.idx.add.f32.msk $0xffff, v7  }
0x2c3: {  	[tilespmem:v29+s22+$0x0] =	vst.idx.add.s32.msk $0xffff, v50  }
0x2c4: {  	[tilespmem:v29+s23+$0x0] =	vst.idx.add.f32.msk $0xffff, v8  }
0x2c5: {  	[tilespmem:v32+s22+$0x0] =	vst.idx.add.s32.msk $0xffff, v33  }
0x2c6: {  	[tilespmem:v32+s23+$0x0] =	vst.idx.add.f32.msk $0xffff, v9  }
0x2c7: {  	[tilespmem:v34+s22+$0x0] =	vst.idx.add.s32.msk $0xffff, v18  }
0x2c8: {  	[tilespmem:v34+s23+$0x0] =	vst.idx.add.f32.msk $0xffff, v10  }
0x2c9: {  	[tilespmem:v36+s22+$0x0] =	vst.idx.add.s32.msk $0xffff, v17  }
0x2ca: {  	[tilespmem:v36+s23+$0x0] =	vst.idx.add.f32.msk $0xffff, v11  }
0x2cb: {  	[tilespmem:v31+s22+$0x0] =	vst.idx.add.s32.msk $0xffff, v16  }
0x2cc: {  	[tilespmem:v31+s23+$0x0] =	vst.idx.add.f32.msk $0xffff, v12  }
0x2cd: {  	v18 =	vld [tilespmem:s30+$0xFFFFFC30]  }
0x2ce: {  	v17 =	vld [tilespmem:s30+$0xFFFFFC70]  }
0x2cf: {  	v16 =	vld [tilespmem:s30+$0xFFFFFD30]  }
0x2d0: {  	v15 =	vld [tilespmem:s30+$0xFFFFFD70]  }
0x2d1: {  	v14 =	vld [tilespmem:s30+$0xFFFFFE30]  }
0x2d2: {  	v5 =	vmul.f32 $1.000000000e+01, v18;
	v13 =	vld [tilespmem:s30+$0xFFFFFE70]  }
0x2d3: {  	v6 =	vmul.f32 $1.000000000e+01, v17;
	v4 =	vld [tilespmem:s30+$0xFFFFFF30]  }
0x2d4: {  	v19 =	vtrunc.f32 v5;
	v7 =	vmul.f32 $1.000000000e+01, v16;
	v5 =	vld [tilespmem:s30+$0xFFFFFF70]  }
0x2d5: {  	v20 =	vtrunc.f32 v6;
	v8 =	vmul.f32 $1.000000000e+01, v15;
	v6 =	vld [tilespmem:s30+$0x30]  }
0x2d6: {  	v21 =	vtrunc.f32 v7;
	v9 =	vmul.f32 $1.000000000e+01, v14;
	v7 =	vld [tilespmem:s30+$0x70]  }
0x2d7: {  	v22 =	vtrunc.f32 v8;
	v10 =	vmul.f32 $1.000000000e+01, v13;
	v8 =	vld [tilespmem:s30+$0x130]  }
0x2d8: {  	v23 =	vtrunc.f32 v9;
	v11 =	vmul.f32 $1.000000000e+01, v4;
	v9 =	vld [tilespmem:s30+$0x170]  }
0x2d9: {  	v24 =	vtrunc.f32 v10;
	v12 =	vmul.f32 $1.000000000e+01, v5;
	v10 =	vld [tilespmem:s30+$0x230]  }
0x2da: {  	v25 =	vtrunc.f32 v11;
	v26 =	vmul.f32 $1.000000000e+01, v6;
	v11 =	vld [tilespmem:s30+$0x270]  }
0x2db: {  	v27 =	vtrunc.f32 v12;
	v28 =	vmul.f32 $1.000000000e+01, v7;
	v12 =	vld [tilespmem:s30+$0x330]  }
0x2dc: {  	v29 =	vld [tilespmem:s12+$0xFFFFFC30];
	v26 =	vtrunc.f32 v26;
	v30 =	vmul.f32 $1.000000000e+01, v8  }
0x2dd: {  	v31 =	vld [tilespmem:s13+$0xFFFFFC30];
	v28 =	vtrunc.f32 v28;
	v32 =	vmul.f32 $1.000000000e+01, v9  }
0x2de: {  	v33 =	vld [tilespmem:s12+$0xFFFFFC70];
	v30 =	vtrunc.f32 v30;
	v34 =	vmul.f32 $1.000000000e+01, v10  }
0x2df: {  	v35 =	vld [tilespmem:s13+$0xFFFFFC70];
	v32 =	vtrunc.f32 v32;
	v36 =	vmul.f32 $1.000000000e+01, v11  }
0x2e0: {  	v37 =	vld [tilespmem:s12+$0xFFFFFD30];
	v34 =	vtrunc.f32 v34;
	v38 =	vmul.f32 $1.000000000e+01, v12  }
0x2e1: {  	v19 =	vcvt.f32.s32 v19;
	v39 =	vld [tilespmem:s13+$0xFFFFFD30];
	v36 =	vtrunc.f32 v36  }
0x2e2: {  	v20 =	vcvt.f32.s32 v20;
	vm0 =	veq.s32 v29, v31;
	v29 =	vld [tilespmem:s12+$0xFFFFFD70];
	v31 =	vtrunc.f32 v38  }
0x2e3: {  	v19 =	vshll.u32 v19, $0x7;
	v21 =	vcvt.f32.s32 v21;
	v22 =	vcvt.f32.s32 v22;
	v38 =	vld [tilespmem:s13+$0xFFFFFD70]  }
0x2e4: {  	v20 =	vshll.u32 v20, $0x7;
	v23 =	vcvt.f32.s32 v23;
	v24 =	vcvt.f32.s32 v24;
	v40 =	vld [tilespmem:s12+$0xFFFFFE30]  }
0x2e5: {  	v21 =	vshll.u32 v21, $0x7;
	v25 =	vcvt.f32.s32 v25;
	v27 =	vcvt.f32.s32 v27;
	v41 =	vld [tilespmem:s13+$0xFFFFFE30]  }
0x2e6: {  	v22 =	vshll.u32 v22, $0x7;
	v26 =	vcvt.f32.s32 v26;
	v28 =	vcvt.f32.s32 v28;
	v42 =	vld [tilespmem:s12+$0xFFFFFE70]  }
0x2e7: {  	v23 =	vshll.u32 v23, $0x7;
	v30 =	vcvt.f32.s32 v30;
	v32 =	vcvt.f32.s32 v32;
	v43 =	vld [tilespmem:s13+$0xFFFFFE70]  }
0x2e8: {  	v24 =	vshll.u32 v24, $0x7;
	v34 =	vcvt.f32.s32 v34;
	v36 =	vcvt.f32.s32 v36;
	v44 =	vld [tilespmem:s12+$0xFFFFFF30]  }
0x2e9: {  	v25 =	vshll.u32 v25, $0x7;
	v27 =	vshll.u32 v27, $0x7;
	v31 =	vcvt.f32.s32 v31;
	v45 =	vld [tilespmem:s13+$0xFFFFFF30]  }
0x2ea: {  	v26 =	vshll.u32 v26, $0x7;
	v28 =	vshll.u32 v28, $0x7;
	v30 =	vshll.u32 v30, $0x7;
	v46 =	vld [tilespmem:s12+$0xFFFFFF70]  }
0x2eb: {  	v32 =	vshll.u32 v32, $0x7;
	v34 =	vshll.u32 v34, $0x7;
	v36 =	vshll.u32 v36, $0x7;
	v47 =	vld [tilespmem:s13+$0xFFFFFF70]  }
0x2ec: {  	vm3 =	veq.s32 v33, v35;
	v31 =	vshll.u32 v31, $0x7;
	vm1 =	veq.s32 v37, v39;
	v33 =	vld [tilespmem:s12+$0x30]  }
0x2ed: {  	vm4 =	veq.s32 v29, v38;
	vm5 =	veq.s32 v40, v41;
	vm2 =	veq.s32 v42, v43;
	v29 =	vld [tilespmem:s13+$0x30]  }
0x2ee: {  	v19 =	vor.u32 v3, v19;
	v20 =	vor.u32 v3, v20;
	vm6 =	veq.s32 v44, v45;
	v35 =	vld [tilespmem:s12+$0x70]  }
0x2ef: {  	v21 =	vor.u32 v3, v21;
	v22 =	vor.u32 v3, v22;
	v23 =	vor.u32 v3, v23;
	v37 =	vld [tilespmem:s13+$0x70]  }
0x2f0: {  	v24 =	vor.u32 v3, v24;
	v25 =	vor.u32 v3, v25;
	vm7 =	veq.s32 v46, v47;
	v38 =	vld [tilespmem:s12+$0x130]  }
0x2f1: {  	v27 =	vor.u32 v3, v27;
	v26 =	vor.u32 v3, v26;
	v28 =	vor.u32 v3, v28;
	v39 =	vld [tilespmem:s13+$0x130]  }
0x2f2: {  	v32 =	vor.u32 v3, v32;
	vm8 =	veq.s32 v33, v29;
	v29 =	vor.u32 v3, v30;
	v30 =	vld [tilespmem:s12+$0x170]  }
0x2f3: {  	v34 =	vor.u32 v3, v34;
	v36 =	vor.u32 v3, v36;
	v31 =	vor.u32 v3, v31;
	v33 =	vld [tilespmem:s13+$0x170]  }
0x2f4: {  	v40 =	vsel vm0, $0x10001, v2;
	v41 =	vsel vm3, $0x10001, v2;
	vm0 =	veq.s32 v35, v37;
	v35 =	vld [tilespmem:s12+$0x230]  }
0x2f5: {  	v42 =	vsel vm4, $0x10001, v2;
	v43 =	vsel vm5, $0x10001, v2;
	v37 =	vsel vm1, $0x10001, v2;
	v44 =	vld [tilespmem:s13+$0x230]  }
0x2f6: {  	v45 =	vsel vm2, $0x10001, v2;
	v46 =	vsel vm6, $0x10001, v2;
	vm1 =	veq.s32 v38, v39;
	v38 =	vld [tilespmem:s12+$0x270]  }
0x2f7: {  	v47 =	vsel vm8, $0x10001, v2;
	v48 =	vsel vm0, $0x10001, v2;
	v39 =	vsel vm7, $0x10001, v2;
	v49 =	vld [tilespmem:s13+$0x270]  }
0x2f8: {  	v50 =	vsel vm1, $0x10001, v2;
	vm0 =	veq.s32 v30, v33;
	v30 =	vld [tilespmem:s12+$0x330]  }
0x2f9: {  	v33 =	vsel vm0, $0x10001, v2;
	v51 =	vld [tilespmem:s13+$0x330]  }
0x2fa: {  	[tilespmem:v19+s24+$0x0] =	vst.idx.add.s32.msk $0xffff, v40;
	vm0 =	veq.s32 v35, v44  }
0x2fb: {  	[tilespmem:v19+s25+$0x0] =	vst.idx.add.f32.msk $0xffff, v18;
	v18 =	vsel vm0, $0x10001, v2  }
0x2fc: {  	[tilespmem:v20+s24+$0x0] =	vst.idx.add.s32.msk $0xffff, v41;
	vm0 =	veq.s32 v38, v49  }
0x2fd: {  	[tilespmem:v20+s25+$0x0] =	vst.idx.add.f32.msk $0xffff, v17;
	v17 =	vsel vm0, $0x10001, v2  }
0x2fe: {  	[tilespmem:v21+s24+$0x0] =	vst.idx.add.s32.msk $0xffff, v37;
	vm0 =	veq.s32 v30, v51  }
0x2ff: {  	[tilespmem:v21+s25+$0x0] =	vst.idx.add.f32.msk $0xffff, v16;
	v16 =	vsel vm0, $0x10001, v2  }
0x300: {  	[tilespmem:v22+s24+$0x0] =	vst.idx.add.s32.msk $0xffff, v42  }
0x301: {  	[tilespmem:v22+s25+$0x0] =	vst.idx.add.f32.msk $0xffff, v15  }
0x302: {  	[tilespmem:v23+s24+$0x0] =	vst.idx.add.s32.msk $0xffff, v43  }
0x303: {  	[tilespmem:v23+s25+$0x0] =	vst.idx.add.f32.msk $0xffff, v14  }
0x304: {  	[tilespmem:v24+s24+$0x0] =	vst.idx.add.s32.msk $0xffff, v45  }
0x305: {  	[tilespmem:v24+s25+$0x0] =	vst.idx.add.f32.msk $0xffff, v13  }
0x306: {  	[tilespmem:v25+s24+$0x0] =	vst.idx.add.s32.msk $0xffff, v46  }
0x307: {  	[tilespmem:v25+s25+$0x0] =	vst.idx.add.f32.msk $0xffff, v4  }
0x308: {  	[tilespmem:v27+s24+$0x0] =	vst.idx.add.s32.msk $0xffff, v39  }
0x309: {  	[tilespmem:v27+s25+$0x0] =	vst.idx.add.f32.msk $0xffff, v5  }
0x30a: {  	[tilespmem:v26+s24+$0x0] =	vst.idx.add.s32.msk $0xffff, v47  }
0x30b: {  	[tilespmem:v26+s25+$0x0] =	vst.idx.add.f32.msk $0xffff, v6  }
0x30c: {  	[tilespmem:v28+s24+$0x0] =	vst.idx.add.s32.msk $0xffff, v48  }
0x30d: {  	[tilespmem:v28+s25+$0x0] =	vst.idx.add.f32.msk $0xffff, v7  }
0x30e: {  	[tilespmem:v29+s24+$0x0] =	vst.idx.add.s32.msk $0xffff, v50  }
0x30f: {  	[tilespmem:v29+s25+$0x0] =	vst.idx.add.f32.msk $0xffff, v8  }
0x310: {  	[tilespmem:v32+s24+$0x0] =	vst.idx.add.s32.msk $0xffff, v33  }
0x311: {  	[tilespmem:v32+s25+$0x0] =	vst.idx.add.f32.msk $0xffff, v9  }
0x312: {  	[tilespmem:v34+s24+$0x0] =	vst.idx.add.s32.msk $0xffff, v18  }
.Ltmp6:
0x313: {  	[tilespmem:v34+s25+$0x0] =	vst.idx.add.f32.msk $0xffff, v10;
	(pc) =	sbr.rel @p0 .LBB2_15-.Ltmp6, $4  }
0x314: {  	[tilespmem:v36+s24+$0x0] =	vst.idx.add.s32.msk $0xffff, v17  }
0x315: {  	[tilespmem:v36+s25+$0x0] =	vst.idx.add.f32.msk $0xffff, v11  }
0x316: {  	[tilespmem:v31+s24+$0x0] =	vst.idx.add.s32.msk $0xffff, v16  }
0x317: {  	s30 =	sadd.s32 $0x800, s30;
	[tilespmem:v31+s25+$0x0] =	vst.idx.add.f32.msk $0xffff, v12  }
0x318: {  	s0 =	simm.s32 $0x2  }
0x319: {  	_ =	swait.ge [sflag:s0], $0x4000  }
0x31a: {  	[sflag:s0] =	ssyncset.done $0x0  }
0x31b: {  	s14 =	simm.s32 $0x4;
	[sflag:s0] =	ssyncadd.s32 $0xFFFFC000  }
0x31c: {  	p0 =	seq.s32 s3, $0xF;
	_ =	swait.ge [sflag:s14], $0x4000  }
.Ltmp7:
0x31d: {  	[sflag:s14] =	ssyncset.done $0x0;
	(pc) =	sbr.rel @p0 .LBB2_24-.Ltmp7, $4  }
0x31e: {  	s30 =	simm.s32 $0x6;
	[sflag:s14] =	ssyncadd.s32 $0xFFFFC000  }
0x31f: {  	_ =	swait.ge [sflag:s30], $0x4000  }
0x320: {  	[sflag:s30] =	ssyncset.done $0x0  }
0x321: {  	[sflag:s30] =	ssyncadd.s32 $0xFFFFC000  }
0x322: {  	s0 =	sadd.s32 s11, s28  }
0x323: {  	s0 =	sshrl.u32 s0, $0x3  }
0x324: {  	s2 =	simm.s32 $0x0;
	s1 =	sadd.s32 s15, s0  }
0x325: {  	s4 =	simm.s32 $0x10;
	s6 =	simm.s32 $0x100;
	s10 =	sadd.s32 $0x0, s1  }
.LBB2_18:
0x326: {  	[tilespmem:s2], [sflag:$0x1] =	stream.linear.gather [hbm4b:s10+s5], $0x80, $0x38;
	[tilespmem:$0x1C080] =	vst v63  }
0x327: {  	s10 =	smov.u32 s4;
	s2 =	smov.u32 s6;
	p0 =	sne.s32 s4, $0x7F0  }
.Ltmp8:
0x328: {  	s4 =	sadd.s32 $0x10, s4;
	(pc) =	sbr.rel @p0 .LBB2_18-.Ltmp8, $2  }
0x329: {  	_ =	sdelay $0x2  }
0x32a: {  	s6 =	sadd.s32 $0x100, s6;
	s10 =	sadd.s32 s10, s1  }
0x32b: {  	[tilespmem:s2], [sflag:$0x1] =	stream.linear.gather [hbm4b:s10+s5], $0x80, $0x38;
	[tilespmem:$0x1C080] =	vst v63  }
0x32c: {  	s1 =	sadd.s32 s16, s0;
	s2 =	simm.s32 $0x8000  }
0x32d: {  	s4 =	simm.s32 $0x10;
	s6 =	simm.s32 $0x8100;
	s10 =	sadd.s32 $0x0, s1  }
.LBB2_20:
0x32e: {  	[tilespmem:s2], [sflag:$0x3] =	stream.linear.gather [hbm4b:s10+s5], $0x80, $0x38;
	[tilespmem:$0x1C080] =	vst v63  }
0x32f: {  	s10 =	smov.u32 s4;
	s2 =	smov.u32 s6;
	p0 =	sne.s32 s4, $0x7F0  }
.Ltmp9:
0x330: {  	s4 =	sadd.s32 $0x10, s4;
	(pc) =	sbr.rel @p0 .LBB2_20-.Ltmp9, $2  }
0x331: {  	_ =	sdelay $0x2  }
0x332: {  	s6 =	sadd.s32 $0x100, s6;
	s10 =	sadd.s32 s10, s1  }
0x333: {  	[tilespmem:s2], [sflag:$0x3] =	stream.linear.gather [hbm4b:s10+s5], $0x80, $0x38;
	[tilespmem:$0x1C080] =	vst v63  }
0x334: {  	s0 =	sadd.s32 s17, s0;
	s1 =	simm.s32 $0x10000  }
0x335: {  	s2 =	simm.s32 $0x10;
	s4 =	simm.s32 $0x10100;
	s6 =	sadd.s32 $0x0, s0  }
.LBB2_22:
0x336: {  	[tilespmem:s1], [sflag:$0x5] =	stream.linear.gather [hbm4b:s6+s5], $0x80, $0x38;
	[tilespmem:$0x1C080] =	vst v63  }
0x337: {  	s6 =	smov.u32 s2;
	s1 =	smov.u32 s4;
	p0 =	sne.s32 s2, $0x7F0  }
.Ltmp10:
0x338: {  	s2 =	sadd.s32 $0x10, s2;
	(pc) =	sbr.rel @p0 .LBB2_22-.Ltmp10, $2  }
0x339: {  	_ =	sdelay $0x2  }
0x33a: {  	s4 =	sadd.s32 $0x100, s4;
	s6 =	sadd.s32 s6, s0  }
0x33b: {  	[tilespmem:s1], [sflag:$0x5] =	stream.linear.gather [hbm4b:s6+s5], $0x80, $0x38;
	[tilespmem:$0x1C080] =	vst v63  }
.LBB2_24:
0x33c: {  	s13 =	simm.s32 $0x480  }
0x33d: {  	v6 =	vld [tilespmem:s13+$0x340]  }
0x33e: {  	v21 =	vld [tilespmem:s13+$0xFFFFFC40]  }
0x33f: {  	v16 =	vld [tilespmem:s13+$0xFFFFFD00]  }
0x340: {  	v15 =	vld [tilespmem:s13+$0xFFFFFD40]  }
0x341: {  	v14 =	vld [tilespmem:s13+$0xFFFFFE00]  }
0x342: {  	v13 =	vld [tilespmem:s13+$0xFFFFFE40]  }
0x343: {  	v12 =	vld [tilespmem:s13+$0xFFFFFF00]  }
0x344: {  	s11 =	simm.s32 $0x8480;
	v11 =	vld [tilespmem:s13+$0xFFFFFF40]  }
0x345: {  	s12 =	simm.s32 $0x10480;
	v17 =	vld [tilespmem:s11+$0x340]  }
0x346: {  	v18 =	vld [tilespmem:s12+$0x340]  }
0x347: {  	v10 =	vld [tilespmem:s13+$0x0]  }
0x348: {  	v9 =	vld [tilespmem:s13+$0x40]  }
0x349: {  	v8 =	vld [tilespmem:s13+$0x100]  }
0x34a: {  	v7 =	vld [tilespmem:s13+$0x140]  }
0x34b: {  	v5 =	vld [tilespmem:s13+$0x200]  }
0x34c: {  	v22 =	vld [tilespmem:s13+$0xFFFFFC00]  }
0x34d: {  	v23 =	vld [tilespmem:s11+$0xFFFFFC00];
	v4 =	vmul.f32 $1.000000000e+01, v6  }
0x34e: {  	v24 =	vld [tilespmem:s12+$0xFFFFFC00]  }
0x34f: {  	v25 =	vld [tilespmem:s11+$0xFFFFFC40];
	v4 =	vtrunc.f32 v4  }
0x350: {  	v26 =	vld [tilespmem:s12+$0xFFFFFC40];
	v4 =	vcvt.f32.s32 v4  }
0x351: {  	v27 =	vld [tilespmem:s11+$0xFFFFFD00]  }
0x352: {  	v28 =	vld [tilespmem:s12+$0xFFFFFD00];
	v4 =	vshll.u32 v4, $0x7  }
0x353: {  	v29 =	vld [tilespmem:s11+$0xFFFFFD40];
	v19 =	vor.u32 v3, v4  }
0x354: {  	v30 =	vld [tilespmem:s12+$0xFFFFFD40]  }
0x355: {  	v31 =	vld [tilespmem:s11+$0xFFFFFE00]  }
0x356: {  	v32 =	vld [tilespmem:s12+$0xFFFFFE00];
	vm0 =	veq.s32 v17, v18  }
0x357: {  	v33 =	vld [tilespmem:s11+$0xFFFFFE40];
	v17 =	vsel vm0, $0x10001, v2  }
0x358: {  	[tilespmem:v19+s18+$0x0] =	vst.idx.add.s32.msk $0xffff, v17  }
0x359: {  	[tilespmem:v19+s19+$0x0] =	vst.idx.add.f32.msk $0xffff, v6  }
0x35a: {  	v17 =	vld [tilespmem:s13+$0x350]  }
0x35b: {  	v35 =	vld [tilespmem:s12+$0xFFFFFE40]  }
0x35c: {  	v36 =	vld [tilespmem:s11+$0xFFFFFF00]  }
0x35d: {  	v37 =	vld [tilespmem:s12+$0xFFFFFF00]  }
0x35e: {  	v38 =	vld [tilespmem:s11+$0xFFFFFF40]  }
0x35f: {  	v39 =	vld [tilespmem:s12+$0xFFFFFF40];
	v54 =	vmul.f32 $1.000000000e+01, v17  }
0x360: {  	v40 =	vld [tilespmem:s11+$0x0]  }
0x361: {  	v41 =	vld [tilespmem:s12+$0x0];
	v18 =	vtrunc.f32 v54  }
0x362: {  	v19 =	vld [tilespmem:s11+$0x350];
	v18 =	vcvt.f32.s32 v18  }
0x363: {  	v20 =	vld [tilespmem:s12+$0x350]  }
0x364: {  	v43 =	vld [tilespmem:s11+$0x40];
	v18 =	vshll.u32 v18, $0x7  }
0x365: {  	v44 =	vld [tilespmem:s12+$0x40];
	v18 =	vor.u32 v3, v18  }
0x366: {  	v50 =	vld [tilespmem:s11+$0x200];
	v56 =	vmul.f32 $1.000000000e+01, v22  }
0x367: {  	v52 =	vld [tilespmem:s11+$0x240];
	v59 =	vmul.f32 $1.000000000e+01, v14;
	vm4 =	veq.s32 v23, v24  }
0x368: {  	v23 =	vld [tilespmem:s12+$0x200];
	vm6 =	veq.s32 v27, v28;
	v57 =	vtrunc.f32 v56;
	vm14 =	veq.s32 v19, v20  }
0x369: {  	v27 =	vld [tilespmem:s11+$0x300];
	v24 =	vtrunc.f32 v59;
	v46 =	vcvt.f32.s32 v57;
	v19 =	vsel vm14, $0x10001, v2  }
0x36a: {  	v24 =	vcvt.f32.s32 v24;
	[tilespmem:v18+s20+$0x0] =	vst.idx.add.s32.msk $0xffff, v19  }
0x36b: {  	v46 =	vshll.u32 v46, $0x7;
	[tilespmem:v18+s21+$0x0] =	vst.idx.add.f32.msk $0xffff, v17  }
0x36c: {  	v24 =	vshll.u32 v24, $0x7;
	v46 =	vor.u32 v3, v46;
	v18 =	vld [tilespmem:s11+$0x360]  }
0x36d: {  	v24 =	vor.u32 v3, v24;
	v42 =	vld [tilespmem:s12+$0x360]  }
0x36e: {  	v34 =	vld [tilespmem:s13+$0x360]  }
0x36f: {  	vm1 =	veq.s32 v29, v30;
	v30 =	vld [tilespmem:s12+$0x300]  }
0x370: {  	v58 =	vmul.f32 $1.000000000e+01, v21;
	vm8 =	veq.s32 v31, v32;
	v62 =	vsel vm4, $0x10001, v2;
	v4 =	vld [tilespmem:s13+$0x240]  }
0x371: {  	v31 =	vsel vm8, $0x10001, v2;
	[tilespmem:v46+s18+$0x0] =	vst.idx.add.s32.msk $0xffff, v62  }
0x372: {  	[tilespmem:v24+s18+$0x0] =	vst.idx.add.s32.msk $0xffff, v31;
	vm15 =	veq.s32 v18, v42;
	v42 =	vtrunc.f32 v58  }
0x373: {  	v6 =	vld [tilespmem:s13+$0x300];
	v55 =	vmul.f32 $1.000000000e+01, v34;
	v42 =	vcvt.f32.s32 v42  }
0x374: {  	[tilespmem:v46+s19+$0x0] =	vst.idx.add.f32.msk $0xffff, v22  }
0x375: {  	[tilespmem:v24+s19+$0x0] =	vst.idx.add.f32.msk $0xffff, v14;
	v17 =	vtrunc.f32 v55;
	v42 =	vshll.u32 v42, $0x7  }
0x376: {  	v28 =	vld [tilespmem:s12+$0xFFFFFE10];
	v17 =	vcvt.f32.s32 v17;
	v42 =	vor.u32 v3, v42  }
0x377: {  	v20 =	vld [tilespmem:s12+$0x100]  }
0x378: {  	v19 =	vld [tilespmem:s11+$0x100];
	v17 =	vshll.u32 v17, $0x7  }
0x379: {  	v49 =	vmul.f32 $1.000000000e+01, v15;
	vm5 =	veq.s32 v25, v26;
	v18 =	vld [tilespmem:s12+$0x140];
	v45 =	vor.u32 v3, v17  }
0x37a: {  	v57 =	vsel vm5, $0x10001, v2;
	v17 =	vld [tilespmem:s11+$0x140]  }
0x37b: {  	v48 =	vmul.f32 $1.000000000e+01, v16;
	v49 =	vtrunc.f32 v49;
	[tilespmem:v42+s18+$0x0] =	vst.idx.add.s32.msk $0xffff, v57  }
0x37c: {  	v61 =	vmul.f32 $1.000000000e+01, v13;
	v55 =	vcvt.f32.s32 v49;
	[tilespmem:v42+s19+$0x0] =	vst.idx.add.f32.msk $0xffff, v21  }
0x37d: {  	v53 =	vmul.f32 $1.000000000e+01, v11;
	v47 =	vsel vm15, $0x10001, v2;
	v42 =	vld [tilespmem:s12+$0x240]  }
0x37e: {  	v60 =	vtrunc.f32 v48;
	v48 =	vtrunc.f32 v61;
	v26 =	vshll.u32 v55, $0x7;
	[tilespmem:v45+s22+$0x0] =	vst.idx.add.s32.msk $0xffff, v47  }
0x37f: {  	v61 =	vmul.f32 $1.000000000e+01, v9;
	v26 =	vor.u32 v3, v26;
	[tilespmem:v45+s23+$0x0] =	vst.idx.add.f32.msk $0xffff, v34;
	v34 =	vcvt.f32.s32 v60  }
0x380: {  	v51 =	vmul.f32 $1.000000000e+01, v12;
	v60 =	vmul.f32 $1.000000000e+01, v10;
	v45 =	vld [tilespmem:s13+$0x370]  }
0x381: {  	v55 =	vtrunc.f32 v61;
	v54 =	vld [tilespmem:s11+$0x370];
	v56 =	vshll.u32 v34, $0x7;
	v34 =	vtrunc.f32 v53  }
0x382: {  	v59 =	vld [tilespmem:s12+$0x370];
	v21 =	vtrunc.f32 v60;
	v53 =	vsel vm6, $0x10001, v2;
	vm6 =	veq.s32 v27, v30  }
0x383: {  	v27 =	vld [tilespmem:s11+$0xFFFFFE10];
	v22 =	vor.u32 v3, v56;
	v56 =	vsel vm1, $0x10001, v2;
	v21 =	vcvt.f32.s32 v21  }
0x384: {  	v61 =	vcvt.f32.s32 v34;
	v34 =	vcvt.f32.s32 v55;
	[tilespmem:v26+s18+$0x0] =	vst.idx.add.s32.msk $0xffff, v56  }
0x385: {  	v25 =	vtrunc.f32 v51;
	[tilespmem:v26+s19+$0x0] =	vst.idx.add.f32.msk $0xffff, v15;
	v21 =	vshll.u32 v21, $0x7  }
0x386: {  	v57 =	vcvt.f32.s32 v25;
	v14 =	vshll.u32 v34, $0x7;
	v21 =	vor.u32 v3, v21;
	v25 =	vld [tilespmem:s11+$0xFFFFFD50]  }
0x387: {  	v63 =	vmul.f32 $1.000000000e+01, v45;
	v14 =	vor.u32 v3, v14;
	v26 =	vld [tilespmem:s12+$0xFFFFFD50]  }
0x388: {  	vm12 =	veq.s32 v40, v41;
	v48 =	vcvt.f32.s32 v48;
	[tilespmem:v22+s18+$0x0] =	vst.idx.add.s32.msk $0xffff, v53  }
0x389: {  	vm13 =	veq.s32 v43, v44;
	vm4 =	veq.s32 v50, v23;
	v58 =	vtrunc.f32 v63;
	[tilespmem:v22+s19+$0x0] =	vst.idx.add.f32.msk $0xffff, v16  }
0x38a: {  	v46 =	vcvt.f32.s32 v58;
	v58 =	vshll.u32 v48, $0x7;
	v48 =	vsel vm12, $0x10001, v2;
	v23 =	vld [tilespmem:s11+$0xFFFFFD10]  }
0x38b: {  	v53 =	vsel vm13, $0x10001, v2;
	[tilespmem:v21+s18+$0x0] =	vst.idx.add.s32.msk $0xffff, v48  }
0x38c: {  	[tilespmem:v14+s18+$0x0] =	vst.idx.add.s32.msk $0xffff, v53  }
0x38d: {  	[tilespmem:v21+s19+$0x0] =	vst.idx.add.f32.msk $0xffff, v10  }
0x38e: {  	v63 =	vmul.f32 $1.000000000e+01, v8;
	[tilespmem:v14+s19+$0x0] =	vst.idx.add.f32.msk $0xffff, v9  }
0x38f: {  	v16 =	vshll.u32 v57, $0x7;
	v22 =	vor.u32 v3, v58;
	v46 =	vshll.u32 v46, $0x7;
	v14 =	vld [tilespmem:s13+$0xFFFFFD10]  }
0x390: {  	v62 =	vor.u32 v3, v46;
	v46 =	vtrunc.f32 v63;
	v63 =	vshll.u32 v61, $0x7;
	v61 =	vld [tilespmem:s11+$0xFFFFFC10]  }
0x391: {  	v16 =	vor.u32 v3, v16;
	v21 =	vld [tilespmem:s11+$0xFFFFFC50]  }
0x392: {  	v9 =	vld [tilespmem:s13+$0x50]  }
0x393: {  	vm9 =	veq.s32 v33, v35;
	v15 =	vor.u32 v3, v63;
	v63 =	vld [tilespmem:s12+$0xFFFFFD10]  }
0x394: {  	vm10 =	veq.s32 v36, v37;
	v33 =	vsel vm9, $0x10001, v2;
	v41 =	vld [tilespmem:s12+$0x50]  }
0x395: {  	v36 =	vsel vm10, $0x10001, v2;
	[tilespmem:v22+s18+$0x0] =	vst.idx.add.s32.msk $0xffff, v33  }
0x396: {  	[tilespmem:v16+s18+$0x0] =	vst.idx.add.s32.msk $0xffff, v36  }
0x397: {  	v36 =	vld [tilespmem:s11+$0x10]  }
0x398: {  	[tilespmem:v22+s19+$0x0] =	vst.idx.add.f32.msk $0xffff, v13  }
0x399: {  	[tilespmem:v16+s19+$0x0] =	vst.idx.add.f32.msk $0xffff, v12  }
0x39a: {  	v35 =	vmul.f32 $1.000000000e+01, v4;
	v37 =	vcvt.f32.s32 v46;
	v16 =	vld [tilespmem:s13+$0xFFFFFE10]  }
0x39b: {  	vm7 =	veq.s32 v54, v59;
	v22 =	vld [tilespmem:s12+$0xFFFFFC50]  }
0x39c: {  	v47 =	vtrunc.f32 v35;
	v59 =	vsel vm7, $0x10001, v2;
	v13 =	vshll.u32 v37, $0x7;
	v37 =	vld [tilespmem:s12+$0x10]  }
0x39d: {  	v54 =	vcvt.f32.s32 v47;
	[tilespmem:v62+s24+$0x0] =	vst.idx.add.s32.msk $0xffff, v59  }
0x39e: {  	vm15 =	veq.s32 v17, v18;
	v17 =	vld [tilespmem:s13+$0xFFFFFE50]  }
0x39f: {  	v10 =	vshll.u32 v54, $0x7;
	v18 =	vld [tilespmem:s13+$0xFFFFFF10]  }
0x3a0: {  	v60 =	vmul.f32 $1.000000000e+01, v7;
	v10 =	vor.u32 v3, v10;
	v29 =	vld [tilespmem:s11+$0xFFFFFE50]  }
0x3a1: {  	v30 =	vld [tilespmem:s12+$0xFFFFFE50]  }
0x3a2: {  	v32 =	vtrunc.f32 v60;
	v31 =	vld [tilespmem:s11+$0xFFFFFF10]  }
0x3a3: {  	vm5 =	veq.s32 v52, v42;
	v46 =	vcvt.f32.s32 v32;
	v32 =	vld [tilespmem:s12+$0xFFFFFF10]  }
0x3a4: {  	vm11 =	veq.s32 v38, v39;
	v60 =	vsel vm5, $0x10001, v2;
	[tilespmem:v62+s25+$0x0] =	vst.idx.add.f32.msk $0xffff, v45  }
0x3a5: {  	v45 =	vsel vm11, $0x10001, v2;
	[tilespmem:v10+s18+$0x0] =	vst.idx.add.s32.msk $0xffff, v60  }
0x3a6: {  	[tilespmem:v15+s18+$0x0] =	vst.idx.add.s32.msk $0xffff, v45  }
0x3a7: {  	[tilespmem:v10+s19+$0x0] =	vst.idx.add.f32.msk $0xffff, v4  }
0x3a8: {  	v62 =	vmul.f32 $1.000000000e+01, v5;
	v10 =	vld [tilespmem:s13+$0x10]  }
0x3a9: {  	v51 =	vmul.f32 $1.000000000e+01, v6;
	v52 =	vmul.f32 $1.000000000e+01, v14;
	[tilespmem:v15+s19+$0x0] =	vst.idx.add.f32.msk $0xffff, v11  }
0x3aa: {  	v12 =	vshll.u32 v46, $0x7;
	v39 =	vtrunc.f32 v62;
	v62 =	vld [tilespmem:s12+$0xFFFFFC10]  }
0x3ab: {  	v13 =	vor.u32 v3, v13;
	v40 =	vtrunc.f32 v52;
	v15 =	vtrunc.f32 v51;
	v52 =	vld [tilespmem:s11+$0x250]  }
0x3ac: {  	v12 =	vor.u32 v3, v12;
	v56 =	vcvt.f32.s32 v15;
	v15 =	vld [tilespmem:s13+$0xFFFFFD50]  }
0x3ad: {  	v33 =	vld [tilespmem:s11+$0xFFFFFF50]  }
0x3ae: {  	vm14 =	veq.s32 v19, v20;
	v34 =	vld [tilespmem:s12+$0xFFFFFF50]  }
0x3af: {  	v55 =	vsel vm14, $0x10001, v2;
	v49 =	vcvt.f32.s32 v39;
	v39 =	vld [tilespmem:s11+$0x50]  }
0x3b0: {  	v57 =	vsel vm15, $0x10001, v2;
	[tilespmem:v13+s18+$0x0] =	vst.idx.add.s32.msk $0xffff, v55  }
0x3b1: {  	[tilespmem:v12+s18+$0x0] =	vst.idx.add.s32.msk $0xffff, v57  }
0x3b2: {  	[tilespmem:v13+s19+$0x0] =	vst.idx.add.f32.msk $0xffff, v8  }
0x3b3: {  	[tilespmem:v12+s19+$0x0] =	vst.idx.add.f32.msk $0xffff, v7  }
0x3b4: {  	v12 =	vld [tilespmem:s13+$0xFFFFFC10]  }
0x3b5: {  	v13 =	vld [tilespmem:s13+$0xFFFFFC50]  }
0x3b6: {  	v11 =	vshll.u32 v49, $0x7;
	v7 =	vld [tilespmem:s13+$0x150]  }
0x3b7: {  	v11 =	vor.u32 v3, v11;
	v43 =	vld [tilespmem:s11+$0x110]  }
0x3b8: {  	v45 =	vld [tilespmem:s12+$0x110]  }
0x3b9: {  	v58 =	vshll.u32 v56, $0x7;
	v47 =	vld [tilespmem:s11+$0x150];
	v53 =	vmul.f32 $1.000000000e+01, v15  }
0x3ba: {  	v8 =	vor.u32 v3, v58;
	v49 =	vld [tilespmem:s12+$0x150]  }
0x3bb: {  	v59 =	vsel vm4, $0x10001, v2;
	v42 =	vtrunc.f32 v53;
	v53 =	vld [tilespmem:s12+$0x250]  }
0x3bc: {  	v54 =	vmul.f32 $1.000000000e+01, v16;
	[tilespmem:v11+s18+$0x0] =	vst.idx.add.s32.msk $0xffff, v59  }
0x3bd: {  	[tilespmem:v11+s19+$0x0] =	vst.idx.add.f32.msk $0xffff, v5  }
0x3be: {  	v44 =	vtrunc.f32 v54;
	v58 =	vcvt.f32.s32 v40;
	v5 =	vsel vm6, $0x10001, v2;
	v11 =	vld [tilespmem:s13+$0xFFFFFF50]  }
0x3bf: {  	v44 =	vcvt.f32.s32 v44;
	v50 =	vmul.f32 $1.000000000e+01, v12;
	[tilespmem:v8+s18+$0x0] =	vst.idx.add.s32.msk $0xffff, v5  }
0x3c0: {  	v20 =	vshll.u32 v58, $0x7;
	v5 =	vld [tilespmem:s13+$0x250]  }
0x3c1: {  	v44 =	vshll.u32 v44, $0x7;
	v20 =	vor.u32 v3, v20;
	v35 =	vtrunc.f32 v50;
	v50 =	vld [tilespmem:s11+$0x210]  }
0x3c2: {  	v44 =	vor.u32 v3, v44;
	v19 =	vld [tilespmem:s12+$0x210]  }
0x3c3: {  	v56 =	vmul.f32 $1.000000000e+01, v18;
	[tilespmem:v8+s19+$0x0] =	vst.idx.add.f32.msk $0xffff, v6  }
0x3c4: {  	vm10 =	veq.s32 v25, v26;
	vm9 =	veq.s32 v23, v63;
	v8 =	vld [tilespmem:s13+$0x110]  }
0x3c5: {  	vm11 =	veq.s32 v27, v28;
	v48 =	vtrunc.f32 v56;
	v56 =	vsel vm9, $0x10001, v2;
	v6 =	vld [tilespmem:s13+$0x210]  }
0x3c6: {  	v27 =	vsel vm11, $0x10001, v2;
	vm8 =	veq.s32 v21, v22;
	v55 =	vmul.f32 $1.000000000e+01, v17;
	[tilespmem:v20+s20+$0x0] =	vst.idx.add.s32.msk $0xffff, v56  }
0x3c7: {  	vm12 =	veq.s32 v29, v30;
	v51 =	vmul.f32 $1.000000000e+01, v13;
	v42 =	vcvt.f32.s32 v42;
	[tilespmem:v44+s20+$0x0] =	vst.idx.add.s32.msk $0xffff, v27  }
0x3c8: {  	v46 =	vtrunc.f32 v55;
	vm7 =	veq.s32 v61, v62;
	v61 =	vmul.f32 $1.000000000e+01, v9;
	v4 =	vld [tilespmem:s13+$0x310]  }
0x3c9: {  	v38 =	vtrunc.f32 v51;
	v35 =	vcvt.f32.s32 v35;
	v42 =	vshll.u32 v42, $0x7;
	v21 =	vld [tilespmem:s11+$0x310]  }
0x3ca: {  	v40 =	vtrunc.f32 v61;
	v38 =	vcvt.f32.s32 v38;
	v22 =	vor.u32 v3, v42;
	v24 =	vld [tilespmem:s12+$0x310]  }
0x3cb: {  	v29 =	vcvt.f32.s32 v40;
	v55 =	vmul.f32 $1.000000000e+01, v7;
	v35 =	vshll.u32 v35, $0x7;
	[tilespmem:v20+s21+$0x0] =	vst.idx.add.f32.msk $0xffff, v14  }
0x3cc: {  	vm14 =	veq.s32 v33, v34;
	v38 =	vshll.u32 v38, $0x7;
	[tilespmem:v44+s21+$0x0] =	vst.idx.add.f32.msk $0xffff, v16;
	v35 =	vor.u32 v3, v35  }
0x3cd: {  	v27 =	vtrunc.f32 v55;
	v16 =	vshll.u32 v29, $0x7;
	v38 =	vor.u32 v3, v38;
	v23 =	vld [tilespmem:s11+$0xFFFFFD20]  }
0x3ce: {  	v61 =	vsel vm10, $0x10001, v2;
	v34 =	vcvt.f32.s32 v27;
	v16 =	vor.u32 v3, v16;
	v27 =	vld [tilespmem:s11+$0xFFFFFE20]  }
0x3cf: {  	[tilespmem:v22+s20+$0x0] =	vst.idx.add.s32.msk $0xffff, v61  }
0x3d0: {  	v59 =	vsel vm7, $0x10001, v2;
	[tilespmem:v22+s21+$0x0] =	vst.idx.add.f32.msk $0xffff, v15  }
0x3d1: {  	v63 =	vsel vm8, $0x10001, v2;
	vm4 =	veq.s32 v39, v41;
	[tilespmem:v35+s20+$0x0] =	vst.idx.add.s32.msk $0xffff, v59  }
0x3d2: {  	v54 =	vcvt.f32.s32 v46;
	v46 =	vsel vm4, $0x10001, v2;
	[tilespmem:v38+s20+$0x0] =	vst.idx.add.s32.msk $0xffff, v63  }
0x3d3: {  	[tilespmem:v16+s20+$0x0] =	vst.idx.add.s32.msk $0xffff, v46  }
0x3d4: {  	v25 =	vld [tilespmem:s11+$0xFFFFFD60]  }
0x3d5: {  	v26 =	vld [tilespmem:s12+$0xFFFFFD60]  }
0x3d6: {  	[tilespmem:v35+s21+$0x0] =	vst.idx.add.f32.msk $0xffff, v12  }
0x3d7: {  	v57 =	vmul.f32 $1.000000000e+01, v11;
	[tilespmem:v38+s21+$0x0] =	vst.idx.add.f32.msk $0xffff, v13  }
0x3d8: {  	v62 =	vmul.f32 $1.000000000e+01, v8;
	[tilespmem:v16+s21+$0x0] =	vst.idx.add.f32.msk $0xffff, v9  }
0x3d9: {  	v51 =	vtrunc.f32 v57;
	v16 =	vld [tilespmem:s13+$0xFFFFFE20]  }
0x3da: {  	v59 =	vtrunc.f32 v62;
	v62 =	vcvt.f32.s32 v51;
	v9 =	vld [tilespmem:s13+$0x60]  }
0x3db: {  	v60 =	vmul.f32 $1.000000000e+01, v10;
	v58 =	vshll.u32 v54, $0x7;
	v61 =	vld [tilespmem:s11+$0xFFFFFC20]  }
0x3dc: {  	v57 =	vcvt.f32.s32 v48;
	vm9 =	veq.s32 v21, v24;
	v14 =	vshll.u32 v62, $0x7;
	v62 =	vld [tilespmem:s12+$0xFFFFFC20]  }
0x3dd: {  	v63 =	vmul.f32 $1.000000000e+01, v6;
	v12 =	vtrunc.f32 v60;
	v60 =	vor.u32 v3, v58;
	v21 =	vld [tilespmem:s11+$0xFFFFFC60]  }
0x3de: {  	v22 =	vld [tilespmem:s12+$0xFFFFFC60]  }
0x3df: {  	v13 =	vshll.u32 v57, $0x7;
	v20 =	vtrunc.f32 v63;
	v63 =	vld [tilespmem:s12+$0xFFFFFD20]  }
0x3e0: {  	v13 =	vor.u32 v3, v13;
	v39 =	vld [tilespmem:s11+$0x60]  }
0x3e1: {  	v28 =	vsel vm12, $0x10001, v2;
	v41 =	vld [tilespmem:s12+$0x60]  }
0x3e2: {  	v14 =	vor.u32 v3, v14;
	[tilespmem:v60+s20+$0x0] =	vst.idx.add.s32.msk $0xffff, v28  }
0x3e3: {  	vm13 =	veq.s32 v31, v32;
	v28 =	vld [tilespmem:s12+$0xFFFFFE20]  }
0x3e4: {  	v31 =	vsel vm13, $0x10001, v2;
	v32 =	vcvt.f32.s32 v59;
	[tilespmem:v60+s21+$0x0] =	vst.idx.add.f32.msk $0xffff, v17  }
0x3e5: {  	[tilespmem:v13+s20+$0x0] =	vst.idx.add.s32.msk $0xffff, v31  }
0x3e6: {  	v33 =	vsel vm14, $0x10001, v2;
	v35 =	vshll.u32 v32, $0x7;
	[tilespmem:v13+s21+$0x0] =	vst.idx.add.f32.msk $0xffff, v18  }
0x3e7: {  	v15 =	vor.u32 v3, v35;
	[tilespmem:v14+s20+$0x0] =	vst.idx.add.s32.msk $0xffff, v33  }
0x3e8: {  	v30 =	vmul.f32 $1.000000000e+01, v5;
	v17 =	vld [tilespmem:s13+$0xFFFFFE60]  }
0x3e9: {  	v12 =	vcvt.f32.s32 v12;
	v29 =	vld [tilespmem:s11+$0xFFFFFE60]  }
0x3ea: {  	vm5 =	veq.s32 v43, v45;
	v44 =	vtrunc.f32 v30;
	v30 =	vld [tilespmem:s12+$0xFFFFFE60]  }
0x3eb: {  	v54 =	vsel vm5, $0x10001, v2;
	v12 =	vshll.u32 v12, $0x7;
	[tilespmem:v14+s21+$0x0] =	vst.idx.add.f32.msk $0xffff, v11  }
0x3ec: {  	v12 =	vor.u32 v3, v12;
	[tilespmem:v15+s20+$0x0] =	vst.idx.add.s32.msk $0xffff, v54  }
0x3ed: {  	v14 =	vld [tilespmem:s13+$0xFFFFFD20]  }
0x3ee: {  	v18 =	vld [tilespmem:s13+$0xFFFFFF20]  }
0x3ef: {  	vm15 =	veq.s32 v36, v37;
	v31 =	vld [tilespmem:s11+$0xFFFFFF20]  }
0x3f0: {  	v40 =	vsel vm15, $0x10001, v2;
	v32 =	vld [tilespmem:s12+$0xFFFFFF20]  }
0x3f1: {  	[tilespmem:v12+s20+$0x0] =	vst.idx.add.s32.msk $0xffff, v40  }
0x3f2: {  	[tilespmem:v15+s21+$0x0] =	vst.idx.add.f32.msk $0xffff, v8  }
0x3f3: {  	v15 =	vld [tilespmem:s13+$0xFFFFFD60]  }
0x3f4: {  	v38 =	vmul.f32 $1.000000000e+01, v4;
	v33 =	vld [tilespmem:s11+$0xFFFFFF60]  }
0x3f5: {  	v13 =	vshll.u32 v34, $0x7;
	v34 =	vld [tilespmem:s12+$0xFFFFFF60]  }
0x3f6: {  	v42 =	vcvt.f32.s32 v20;
	v51 =	vtrunc.f32 v38;
	[tilespmem:v12+s21+$0x0] =	vst.idx.add.f32.msk $0xffff, v10  }
0x3f7: {  	v55 =	vcvt.f32.s32 v51;
	v13 =	vor.u32 v3, v13;
	v12 =	vld [tilespmem:s13+$0xFFFFFC20]  }
0x3f8: {  	v11 =	vshll.u32 v42, $0x7;
	v43 =	vld [tilespmem:s11+$0x120]  }
0x3f9: {  	v57 =	vshll.u32 v55, $0x7;
	v11 =	vor.u32 v3, v11;
	v45 =	vld [tilespmem:s12+$0x120]  }
0x3fa: {  	vm6 =	veq.s32 v47, v49;
	v8 =	vor.u32 v3, v57;
	v36 =	vld [tilespmem:s11+$0x20]  }
0x3fb: {  	v56 =	vsel vm6, $0x10001, v2;
	v37 =	vld [tilespmem:s12+$0x20]  }
0x3fc: {  	vm7 =	veq.s32 v50, v19;
	[tilespmem:v13+s20+$0x0] =	vst.idx.add.s32.msk $0xffff, v56  }
0x3fd: {  	v58 =	vsel vm7, $0x10001, v2;
	[tilespmem:v13+s21+$0x0] =	vst.idx.add.f32.msk $0xffff, v7  }
0x3fe: {  	v60 =	vsel vm9, $0x10001, v2;
	[tilespmem:v11+s20+$0x0] =	vst.idx.add.s32.msk $0xffff, v58  }
0x3ff: {  	[tilespmem:v8+s20+$0x0] =	vst.idx.add.s32.msk $0xffff, v60  }
0x400: {  	v48 =	vcvt.f32.s32 v44;
	v13 =	vld [tilespmem:s13+$0xFFFFFC60]  }
0x401: {  	[tilespmem:v11+s21+$0x0] =	vst.idx.add.f32.msk $0xffff, v6  }
0x402: {  	v10 =	vshll.u32 v48, $0x7;
	[tilespmem:v8+s21+$0x0] =	vst.idx.add.f32.msk $0xffff, v4  }
0x403: {  	v10 =	vor.u32 v3, v10;
	v11 =	vld [tilespmem:s13+$0xFFFFFF60]  }
0x404: {  	v8 =	vld [tilespmem:s13+$0x120]  }
0x405: {  	v7 =	vld [tilespmem:s13+$0x160]  }
0x406: {  	vm8 =	veq.s32 v52, v53;
	v47 =	vld [tilespmem:s11+$0x160]  }
0x407: {  	v59 =	vsel vm8, $0x10001, v2;
	v49 =	vld [tilespmem:s12+$0x160]  }
0x408: {  	[tilespmem:v10+s20+$0x0] =	vst.idx.add.s32.msk $0xffff, v59  }
0x409: {  	v54 =	vmul.f32 $1.000000000e+01, v16;
	v6 =	vld [tilespmem:s13+$0x220]  }
0x40a: {  	vm10 =	veq.s32 v61, v62;
	v61 =	vmul.f32 $1.000000000e+01, v9;
	v4 =	vld [tilespmem:s13+$0x320]  }
0x40b: {  	vm11 =	veq.s32 v21, v22;
	vm12 =	veq.s32 v23, v63;
	v44 =	vtrunc.f32 v54;
	v19 =	vld [tilespmem:s12+$0x220]  }
0x40c: {  	vm14 =	veq.s32 v27, v28;
	v44 =	vcvt.f32.s32 v44;
	v52 =	vmul.f32 $1.000000000e+01, v14;
	v21 =	vld [tilespmem:s11+$0x320]  }
0x40d: {  	v27 =	vsel vm14, $0x10001, v2;
	v55 =	vmul.f32 $1.000000000e+01, v17;
	v53 =	vmul.f32 $1.000000000e+01, v15;
	v24 =	vld [tilespmem:s12+$0x320]  }
0x40e: {  	v44 =	vshll.u32 v44, $0x7;
	v50 =	vmul.f32 $1.000000000e+01, v12;
	v40 =	vtrunc.f32 v52;
	[tilespmem:v10+s21+$0x0] =	vst.idx.add.f32.msk $0xffff, v5  }
0x40f: {  	v56 =	vmul.f32 $1.000000000e+01, v18;
	v44 =	vor.u32 v3, v44;
	v58 =	vcvt.f32.s32 v40;
	v10 =	vld [tilespmem:s13+$0x20]  }
0x410: {  	vm15 =	veq.s32 v29, v30;
	v42 =	vtrunc.f32 v53;
	v35 =	vtrunc.f32 v50;
	v50 =	vld [tilespmem:s11+$0x220]  }
0x411: {  	v46 =	vtrunc.f32 v55;
	v42 =	vcvt.f32.s32 v42;
	v5 =	vld [tilespmem:s13+$0x260];
	v20 =	vshll.u32 v58, $0x7  }
0x412: {  	vm5 =	veq.s32 v33, v34;
	v35 =	vcvt.f32.s32 v35;
	v52 =	vld [tilespmem:s11+$0x260];
	v20 =	vor.u32 v3, v20  }
0x413: {  	v40 =	vtrunc.f32 v61;
	v53 =	vld [tilespmem:s12+$0x260];
	v42 =	vshll.u32 v42, $0x7;
	v55 =	vmul.f32 $1.000000000e+01, v7  }
0x414: {  	v29 =	vcvt.f32.s32 v40;
	[tilespmem:v44+s22+$0x0] =	vst.idx.add.s32.msk $0xffff, v27;
	v35 =	vshll.u32 v35, $0x7;
	v22 =	vor.u32 v3, v42  }
0x415: {  	v48 =	vtrunc.f32 v56;
	[tilespmem:v44+s23+$0x0] =	vst.idx.add.f32.msk $0xffff, v16;
	v35 =	vor.u32 v3, v35;
	v27 =	vtrunc.f32 v55  }
0x416: {  	v56 =	vsel vm12, $0x10001, v2;
	v16 =	vshll.u32 v29, $0x7;
	v34 =	vcvt.f32.s32 v27;
	v27 =	vld [tilespmem:s11+$0xFFFFFE30]  }
0x417: {  	vm13 =	veq.s32 v25, v26;
	v16 =	vor.u32 v3, v16;
	[tilespmem:v20+s22+$0x0] =	vst.idx.add.s32.msk $0xffff, v56  }
0x418: {  	v61 =	vsel vm13, $0x10001, v2;
	[tilespmem:v20+s23+$0x0] =	vst.idx.add.f32.msk $0xffff, v14  }
0x419: {  	v59 =	vsel vm10, $0x10001, v2;
	[tilespmem:v22+s22+$0x0] =	vst.idx.add.s32.msk $0xffff, v61  }
0x41a: {  	vm7 =	veq.s32 v39, v41;
	[tilespmem:v35+s22+$0x0] =	vst.idx.add.s32.msk $0xffff, v59  }
0x41b: {  	v54 =	vcvt.f32.s32 v46;
	v46 =	vsel vm7, $0x10001, v2;
	[tilespmem:v22+s23+$0x0] =	vst.idx.add.f32.msk $0xffff, v15  }
0x41c: {  	[tilespmem:v16+s22+$0x0] =	vst.idx.add.s32.msk $0xffff, v46  }
0x41d: {  	v51 =	vmul.f32 $1.000000000e+01, v13;
	v23 =	vld [tilespmem:s11+$0xFFFFFD30]  }
0x41e: {  	[tilespmem:v35+s23+$0x0] =	vst.idx.add.f32.msk $0xffff, v12  }
0x41f: {  	v38 =	vtrunc.f32 v51;
	[tilespmem:v16+s23+$0x0] =	vst.idx.add.f32.msk $0xffff, v9  }
0x420: {  	v57 =	vmul.f32 $1.000000000e+01, v11;
	v38 =	vcvt.f32.s32 v38;
	v16 =	vld [tilespmem:s13+$0xFFFFFE30]  }
0x421: {  	v62 =	vmul.f32 $1.000000000e+01, v8;
	v25 =	vld [tilespmem:s11+$0xFFFFFD70]  }
0x422: {  	v60 =	vmul.f32 $1.000000000e+01, v10;
	v51 =	vtrunc.f32 v57;
	v38 =	vshll.u32 v38, $0x7;
	v26 =	vld [tilespmem:s12+$0xFFFFFD70]  }
0x423: {  	v38 =	vor.u32 v3, v38;
	v59 =	vtrunc.f32 v62;
	v62 =	vcvt.f32.s32 v51;
	v9 =	vld [tilespmem:s13+$0x70]  }
0x424: {  	v58 =	vshll.u32 v54, $0x7;
	v61 =	vld [tilespmem:s11+$0xFFFFFC30]  }
0x425: {  	v12 =	vtrunc.f32 v60;
	v60 =	vor.u32 v3, v58;
	v14 =	vshll.u32 v62, $0x7;
	v62 =	vld [tilespmem:s12+$0xFFFFFC30]  }
0x426: {  	v39 =	vld [tilespmem:s11+$0x70]  }
0x427: {  	v63 =	vsel vm11, $0x10001, v2;
	v41 =	vld [tilespmem:s12+$0x70]  }
0x428: {  	[tilespmem:v38+s22+$0x0] =	vst.idx.add.s32.msk $0xffff, v63  }
0x429: {  	v28 =	vsel vm15, $0x10001, v2;
	[tilespmem:v38+s23+$0x0] =	vst.idx.add.f32.msk $0xffff, v13  }
0x42a: {  	[tilespmem:v60+s22+$0x0] =	vst.idx.add.s32.msk $0xffff, v28  }
0x42b: {  	vm12 =	veq.s32 v21, v24;
	v14 =	vor.u32 v3, v14;
	v63 =	vmul.f32 $1.000000000e+01, v6;
	v21 =	vld [tilespmem:s11+$0xFFFFFC70]  }
0x42c: {  	v22 =	vld [tilespmem:s12+$0xFFFFFC70]  }
0x42d: {  	vm4 =	veq.s32 v31, v32;
	v32 =	vcvt.f32.s32 v59;
	v20 =	vtrunc.f32 v63;
	v63 =	vld [tilespmem:s12+$0xFFFFFD30]  }
0x42e: {  	v28 =	vld [tilespmem:s12+$0xFFFFFE30]  }
0x42f: {  	v33 =	vsel vm5, $0x10001, v2;
	v12 =	vcvt.f32.s32 v12;
	v35 =	vshll.u32 v32, $0x7;
	[tilespmem:v60+s23+$0x0] =	vst.idx.add.f32.msk $0xffff, v17  }
0x430: {  	v15 =	vor.u32 v3, v35;
	[tilespmem:v14+s22+$0x0] =	vst.idx.add.s32.msk $0xffff, v33  }
0x431: {  	v30 =	vmul.f32 $1.000000000e+01, v5;
	v12 =	vshll.u32 v12, $0x7;
	v17 =	vld [tilespmem:s13+$0xFFFFFE70]  }
0x432: {  	v12 =	vor.u32 v3, v12;
	v29 =	vld [tilespmem:s11+$0xFFFFFE70]  }
0x433: {  	vm8 =	veq.s32 v43, v45;
	v57 =	vcvt.f32.s32 v48;
	v44 =	vtrunc.f32 v30;
	v30 =	vld [tilespmem:s12+$0xFFFFFE70]  }
0x434: {  	v54 =	vsel vm8, $0x10001, v2;
	[tilespmem:v14+s23+$0x0] =	vst.idx.add.f32.msk $0xffff, v11  }
0x435: {  	vm6 =	veq.s32 v36, v37;
	v13 =	vshll.u32 v57, $0x7;
	[tilespmem:v15+s22+$0x0] =	vst.idx.add.s32.msk $0xffff, v54  }
0x436: {  	v40 =	vsel vm6, $0x10001, v2;
	v13 =	vor.u32 v3, v13;
	v14 =	vld [tilespmem:s13+$0xFFFFFD30]  }
0x437: {  	[tilespmem:v12+s22+$0x0] =	vst.idx.add.s32.msk $0xffff, v40  }
0x438: {  	[tilespmem:v15+s23+$0x0] =	vst.idx.add.f32.msk $0xffff, v8  }
0x439: {  	v15 =	vld [tilespmem:s13+$0xFFFFFD70]  }
0x43a: {  	v31 =	vsel vm4, $0x10001, v2;
	v33 =	vld [tilespmem:s11+$0xFFFFFF70]  }
0x43b: {  	[tilespmem:v13+s22+$0x0] =	vst.idx.add.s32.msk $0xffff, v31  }
0x43c: {  	[tilespmem:v12+s23+$0x0] =	vst.idx.add.f32.msk $0xffff, v10  }
0x43d: {  	v12 =	vld [tilespmem:s13+$0xFFFFFC30]  }
0x43e: {  	v38 =	vmul.f32 $1.000000000e+01, v4;
	v43 =	vld [tilespmem:s11+$0x130]  }
0x43f: {  	v42 =	vcvt.f32.s32 v20;
	v45 =	vld [tilespmem:s12+$0x130]  }
0x440: {  	v51 =	vtrunc.f32 v38;
	[tilespmem:v13+s23+$0x0] =	vst.idx.add.f32.msk $0xffff, v18  }
0x441: {  	v55 =	vcvt.f32.s32 v51;
	v11 =	vshll.u32 v42, $0x7;
	v13 =	vshll.u32 v34, $0x7;
	v34 =	vld [tilespmem:s12+$0xFFFFFF70]  }
0x442: {  	v11 =	vor.u32 v3, v11;
	v36 =	vld [tilespmem:s11+$0x30]  }
0x443: {  	v48 =	vcvt.f32.s32 v44;
	v57 =	vshll.u32 v55, $0x7;
	v37 =	vld [tilespmem:s12+$0x30]  }
0x444: {  	v8 =	vor.u32 v3, v57;
	v18 =	vld [tilespmem:s13+$0xFFFFFF30]  }
0x445: {  	vm10 =	veq.s32 v50, v19;
	v10 =	vshll.u32 v48, $0x7;
	v31 =	vld [tilespmem:s11+$0xFFFFFF30]  }
0x446: {  	v58 =	vsel vm10, $0x10001, v2;
	v10 =	vor.u32 v3, v10;
	v32 =	vld [tilespmem:s12+$0xFFFFFF30]  }
0x447: {  	[tilespmem:v11+s22+$0x0] =	vst.idx.add.s32.msk $0xffff, v58  }
0x448: {  	v60 =	vsel vm12, $0x10001, v2;
	[tilespmem:v11+s23+$0x0] =	vst.idx.add.f32.msk $0xffff, v6  }
0x449: {  	vm11 =	veq.s32 v52, v53;
	[tilespmem:v8+s22+$0x0] =	vst.idx.add.s32.msk $0xffff, v60  }
0x44a: {  	v59 =	vsel vm11, $0x10001, v2;
	v11 =	vld [tilespmem:s13+$0xFFFFFF70]  }
0x44b: {  	v13 =	vor.u32 v3, v13;
	[tilespmem:v10+s22+$0x0] =	vst.idx.add.s32.msk $0xffff, v59  }
0x44c: {  	[tilespmem:v8+s23+$0x0] =	vst.idx.add.f32.msk $0xffff, v4  }
0x44d: {  	v8 =	vld [tilespmem:s13+$0x130]  }
0x44e: {  	vm9 =	veq.s32 v47, v49;
	v6 =	vld [tilespmem:s13+$0x230]  }
0x44f: {  	v56 =	vsel vm9, $0x10001, v2;
	v19 =	vld [tilespmem:s12+$0x230]  }
0x450: {  	[tilespmem:v13+s22+$0x0] =	vst.idx.add.s32.msk $0xffff, v56  }
0x451: {  	[tilespmem:v10+s23+$0x0] =	vst.idx.add.f32.msk $0xffff, v5  }
0x452: {  	v50 =	vmul.f32 $1.000000000e+01, v12;
	v10 =	vld [tilespmem:s13+$0x30]  }
0x453: {  	vm4 =	veq.s32 v25, v26;
	v54 =	vmul.f32 $1.000000000e+01, v16;
	v4 =	vld [tilespmem:s13+$0x330]  }
0x454: {  	vm13 =	veq.s32 v61, v62;
	v61 =	vmul.f32 $1.000000000e+01, v9;
	v35 =	vtrunc.f32 v50;
	v50 =	vld [tilespmem:s11+$0x230]  }
0x455: {  	vm10 =	veq.s32 v39, v41;
	v44 =	vtrunc.f32 v54;
	vm14 =	veq.s32 v21, v22;
	v21 =	vld [tilespmem:s11+$0x330]  }
0x456: {  	vm15 =	veq.s32 v23, v63;
	vm5 =	veq.s32 v27, v28;
	v52 =	vmul.f32 $1.000000000e+01, v14;
	v24 =	vld [tilespmem:s12+$0x330]  }
0x457: {  	v44 =	vcvt.f32.s32 v44;
	v63 =	vsel vm14, $0x10001, v2;
	v27 =	vsel vm5, $0x10001, v2;
	[tilespmem:v13+s23+$0x0] =	vst.idx.add.f32.msk $0xffff, v7  }
0x458: {  	v55 =	vmul.f32 $1.000000000e+01, v17;
	vm6 =	veq.s32 v29, v30;
	v40 =	vtrunc.f32 v52;
	v13 =	vld [tilespmem:s13+$0xFFFFFC70]  }
0x459: {  	v44 =	vshll.u32 v44, $0x7;
	v53 =	vmul.f32 $1.000000000e+01, v15;
	v58 =	vcvt.f32.s32 v40;
	v5 =	vld [tilespmem:s13+$0x270]  }
0x45a: {  	v29 =	vsel vm6, $0x10001, v2;
	v46 =	vtrunc.f32 v55;
	v44 =	vor.u32 v3, v44;
	v52 =	vld [tilespmem:s11+$0x270]  }
0x45b: {  	v42 =	vtrunc.f32 v53;
	v35 =	vcvt.f32.s32 v35;
	v20 =	vshll.u32 v58, $0x7;
	v53 =	vld [tilespmem:s12+$0x270]  }
0x45c: {  	v54 =	vcvt.f32.s32 v46;
	vm11 =	veq.s32 v43, v45;
	v7 =	vld [tilespmem:s13+$0x170];
	v20 =	vor.u32 v3, v20  }
0x45d: {  	v56 =	vmul.f32 $1.000000000e+01, v18;
	v42 =	vcvt.f32.s32 v42;
	v47 =	vld [tilespmem:s11+$0x170];
	v35 =	vshll.u32 v35, $0x7  }
0x45e: {  	v59 =	vsel vm13, $0x10001, v2;
	v40 =	vtrunc.f32 v61;
	v49 =	vld [tilespmem:s12+$0x170];
	v35 =	vor.u32 v3, v35  }
0x45f: {  	v30 =	vcvt.f32.s32 v40;
	v48 =	vtrunc.f32 v56;
	v42 =	vshll.u32 v42, $0x7;
	[tilespmem:v44+s24+$0x0] =	vst.idx.add.s32.msk $0xffff, v27  }
0x460: {  	v56 =	vsel vm15, $0x10001, v2;
	v22 =	vor.u32 v3, v42;
	[tilespmem:v44+s25+$0x0] =	vst.idx.add.f32.msk $0xffff, v16;
	v51 =	vmul.f32 $1.000000000e+01, v13  }
0x461: {  	v61 =	vsel vm4, $0x10001, v2;
	vm8 =	veq.s32 v33, v34;
	v16 =	vshll.u32 v30, $0x7;
	[tilespmem:v20+s24+$0x0] =	vst.idx.add.s32.msk $0xffff, v56  }
0x462: {  	v16 =	vor.u32 v3, v16;
	v60 =	vmul.f32 $1.000000000e+01, v10;
	v38 =	vtrunc.f32 v51;
	[tilespmem:v20+s25+$0x0] =	vst.idx.add.f32.msk $0xffff, v14  }
0x463: {  	v58 =	vshll.u32 v54, $0x7;
	v62 =	vmul.f32 $1.000000000e+01, v8;
	v38 =	vcvt.f32.s32 v38;
	[tilespmem:v35+s24+$0x0] =	vst.idx.add.s32.msk $0xffff, v59  }
0x464: {  	v54 =	vsel vm10, $0x10001, v2;
	[tilespmem:v35+s25+$0x0] =	vst.idx.add.f32.msk $0xffff, v12;
	v12 =	vtrunc.f32 v60;
	v60 =	vor.u32 v3, v58  }
0x465: {  	[tilespmem:v22+s24+$0x0] =	vst.idx.add.s32.msk $0xffff, v61;
	v59 =	vtrunc.f32 v62;
	v38 =	vshll.u32 v38, $0x7;
	v12 =	vcvt.f32.s32 v12  }
0x466: {  	v57 =	vmul.f32 $1.000000000e+01, v11;
	[tilespmem:v22+s25+$0x0] =	vst.idx.add.f32.msk $0xffff, v15;
	v35 =	vcvt.f32.s32 v59;
	v38 =	vor.u32 v3, v38  }
0x467: {  	vm9 =	veq.s32 v36, v37;
	vm7 =	veq.s32 v31, v32;
	[tilespmem:v16+s24+$0x0] =	vst.idx.add.s32.msk $0xffff, v54;
	v12 =	vshll.u32 v12, $0x7  }
0x468: {  	v51 =	vtrunc.f32 v57;
	[tilespmem:v16+s25+$0x0] =	vst.idx.add.f32.msk $0xffff, v9;
	v42 =	vshll.u32 v35, $0x7;
	v12 =	vor.u32 v3, v12  }
0x469: {  	v44 =	vmul.f32 $1.000000000e+01, v4;
	v62 =	vcvt.f32.s32 v51;
	v15 =	vor.u32 v3, v42;
	[tilespmem:v60+s24+$0x0] =	vst.idx.add.s32.msk $0xffff, v29  }
0x46a: {  	v46 =	vsel vm9, $0x10001, v2;
	v31 =	vmul.f32 $1.000000000e+01, v5;
	v55 =	vmul.f32 $1.000000000e+01, v7;
	[tilespmem:v60+s25+$0x0] =	vst.idx.add.f32.msk $0xffff, v17  }
0x46b: {  	v56 =	vtrunc.f32 v44;
	v57 =	vcvt.f32.s32 v48;
	v14 =	vshll.u32 v62, $0x7;
	[tilespmem:v38+s24+$0x0] =	vst.idx.add.s32.msk $0xffff, v63  }
0x46c: {  	v28 =	vtrunc.f32 v55;
	v51 =	vtrunc.f32 v31;
	v14 =	vor.u32 v3, v14;
	[tilespmem:v38+s25+$0x0] =	vst.idx.add.f32.msk $0xffff, v13  }
0x46d: {  	v58 =	vcvt.f32.s32 v56;
	v13 =	vshll.u32 v57, $0x7;
	v57 =	vsel vm11, $0x10001, v2;
	[tilespmem:v12+s24+$0x0] =	vst.idx.add.s32.msk $0xffff, v46  }
0x46e: {  	v55 =	vcvt.f32.s32 v51;
	v63 =	vmul.f32 $1.000000000e+01, v6;
	v13 =	vor.u32 v3, v13;
	[tilespmem:v15+s24+$0x0] =	vst.idx.add.s32.msk $0xffff, v57  }
0x46f: {  	v60 =	vshll.u32 v58, $0x7;
	v38 =	vsel vm8, $0x10001, v2;
	[tilespmem:v12+s25+$0x0] =	vst.idx.add.f32.msk $0xffff, v10  }
0x470: {  	v20 =	vtrunc.f32 v63;
	v10 =	vshll.u32 v55, $0x7;
	[tilespmem:v15+s25+$0x0] =	vst.idx.add.f32.msk $0xffff, v8;
	v8 =	vor.u32 v3, v60  }
0x471: {  	[tilespmem:v14+s24+$0x0] =	vst.idx.add.s32.msk $0xffff, v38;
	v48 =	vcvt.f32.s32 v20;
	v10 =	vor.u32 v3, v10  }
0x472: {  	v32 =	vsel vm7, $0x10001, v2;
	[tilespmem:v14+s25+$0x0] =	vst.idx.add.f32.msk $0xffff, v11  }
0x473: {  	vm15 =	veq.s32 v21, v24;
	v40 =	vcvt.f32.s32 v28;
	v11 =	vshll.u32 v48, $0x7;
	[tilespmem:v13+s24+$0x0] =	vst.idx.add.s32.msk $0xffff, v32  }
0x474: {  	vm14 =	veq.s32 v52, v53;
	v63 =	vsel vm15, $0x10001, v2;
	v11 =	vor.u32 v3, v11;
	[tilespmem:v13+s25+$0x0] =	vst.idx.add.f32.msk $0xffff, v18  }
0x475: {  	v62 =	vsel vm14, $0x10001, v2;
	v13 =	vshll.u32 v40, $0x7;
	[tilespmem:v8+s24+$0x0] =	vst.idx.add.s32.msk $0xffff, v63  }
0x476: {  	v13 =	vor.u32 v3, v13;
	[tilespmem:v10+s24+$0x0] =	vst.idx.add.s32.msk $0xffff, v62  }
0x477: {  	vm13 =	veq.s32 v50, v19;
	[tilespmem:v8+s25+$0x0] =	vst.idx.add.f32.msk $0xffff, v4  }
0x478: {  	v61 =	vsel vm13, $0x10001, v2;
	[tilespmem:v10+s25+$0x0] =	vst.idx.add.f32.msk $0xffff, v5  }
0x479: {  	vm12 =	veq.s32 v47, v49;
	[tilespmem:v11+s24+$0x0] =	vst.idx.add.s32.msk $0xffff, v61  }
0x47a: {  	v59 =	vsel vm12, $0x10001, v2;
	[tilespmem:v11+s25+$0x0] =	vst.idx.add.f32.msk $0xffff, v6  }
0x47b: {  	[tilespmem:v13+s24+$0x0] =	vst.idx.add.s32.msk $0xffff, v59  }
0x47c: {  	s14 =	simm.s32 $0xC80;
	s13 =	simm.s32 $0x0;
	[tilespmem:v13+s25+$0x0] =	vst.idx.add.f32.msk $0xffff, v7  }
.LBB2_25:
0x47d: {  	v17 =	vld [tilespmem:s14+$0x340]  }
0x47e: {  	v15 =	vld [tilespmem:s14+$0xFFFFFC40]  }
0x47f: {  	v9 =	vld [tilespmem:s14+$0xFFFFFD00]  }
0x480: {  	v8 =	vld [tilespmem:s14+$0xFFFFFD40]  }
0x481: {  	s13 =	sadd.s32 $0x40, s13;
	v6 =	vld [tilespmem:s14+$0xFFFFFE00]  }
0x482: {  	p0 =	slt.u32 s13, $0x3C0;
	v4 =	vld [tilespmem:s14+$0xFFFFFE40];
	v10 =	vmul.f32 $1.000000000e+01, v17  }
0x483: {  	v11 =	vmul.f32 $1.000000000e+01, v15;
	v7 =	vld [tilespmem:s14+$0xFFFFFF00]  }
0x484: {  	s11 =	sadd.s32 $0x800, s11;
	v12 =	vmul.f32 $1.000000000e+01, v9;
	v5 =	vld [tilespmem:s14+$0xFFFFFF40];
	v10 =	vtrunc.f32 v10  }
0x485: {  	s12 =	sadd.s32 $0x800, s12;
	v13 =	vmul.f32 $1.000000000e+01, v8;
	v16 =	vld [tilespmem:s11+$0x340];
	v14 =	vcvt.f32.s32 v10  }
0x486: {  	v18 =	vtrunc.f32 v11;
	v19 =	vmul.f32 $1.000000000e+01, v6;
	v20 =	vld [tilespmem:s12+$0x340]  }
0x487: {  	v21 =	vtrunc.f32 v12;
	v22 =	vmul.f32 $1.000000000e+01, v4;
	v10 =	vld [tilespmem:s14+$0x0];
	v12 =	vshll.u32 v14, $0x7  }
0x488: {  	v23 =	vtrunc.f32 v13;
	v13 =	vmul.f32 $1.000000000e+01, v7;
	v11 =	vld [tilespmem:s14+$0x40];
	v24 =	vor.u32 v3, v12  }
0x489: {  	v25 =	vtrunc.f32 v19;
	v14 =	vmul.f32 $1.000000000e+01, v5;
	v12 =	vld [tilespmem:s14+$0x100]  }
0x48a: {  	v22 =	vtrunc.f32 v22;
	v26 =	vtrunc.f32 v13;
	v13 =	vld [tilespmem:s14+$0x140]  }
0x48b: {  	v18 =	vcvt.f32.s32 v18;
	v27 =	vtrunc.f32 v14;
	v14 =	vld [tilespmem:s14+$0x200];
	vm0 =	veq.s32 v16, v20  }
0x48c: {  	v19 =	vcvt.f32.s32 v21;
	v20 =	vmul.f32 $1.000000000e+01, v10;
	v16 =	vld [tilespmem:s14+$0x240];
	v21 =	vsel vm0, $0x10001, v2  }
0x48d: {  	v18 =	vshll.u32 v18, $0x7;
	v23 =	vcvt.f32.s32 v23;
	v28 =	vmul.f32 $1.000000000e+01, v11;
	[tilespmem:v24+s18+$0x0] =	vst.idx.add.s32.msk $0xffff, v21  }
0x48e: {  	v29 =	vshll.u32 v19, $0x7;
	v30 =	vtrunc.f32 v20;
	v20 =	vmul.f32 $1.000000000e+01, v12;
	[tilespmem:v24+s19+$0x0] =	vst.idx.add.f32.msk $0xffff, v17  }
0x48f: {  	v23 =	vshll.u32 v23, $0x7;
	v24 =	vtrunc.f32 v28;
	v28 =	vmul.f32 $1.000000000e+01, v13;
	v31 =	vld [tilespmem:s14+$0x350]  }
0x490: {  	v19 =	vor.u32 v3, v18;
	v32 =	vtrunc.f32 v20;
	v33 =	vmul.f32 $1.000000000e+01, v14;
	v17 =	vld [tilespmem:s14+$0x300]  }
0x491: {  	v20 =	vor.u32 v3, v29;
	v21 =	vld [tilespmem:s14+$0xFFFFFC00];
	v28 =	vtrunc.f32 v28;
	v29 =	vmul.f32 $1.000000000e+01, v16  }
0x492: {  	v18 =	vor.u32 v3, v23;
	v23 =	vcvt.f32.s32 v25;
	v34 =	vld [tilespmem:s11+$0xFFFFFC00];
	v25 =	vtrunc.f32 v33  }
0x493: {  	v22 =	vcvt.f32.s32 v22;
	v33 =	vld [tilespmem:s12+$0xFFFFFC00];
	v29 =	vtrunc.f32 v29  }
0x494: {  	v26 =	vcvt.f32.s32 v26;
	v23 =	vshll.u32 v23, $0x7;
	v35 =	vld [tilespmem:s11+$0xFFFFFC40];
	v36 =	vmul.f32 $1.000000000e+01, v31  }
0x495: {  	v22 =	vshll.u32 v22, $0x7;
	v27 =	vcvt.f32.s32 v27;
	v37 =	vld [tilespmem:s12+$0xFFFFFC40];
	v38 =	vmul.f32 $1.000000000e+01, v17  }
0x496: {  	v26 =	vshll.u32 v26, $0x7;
	v39 =	vmul.f32 $1.000000000e+01, v21;
	v40 =	vld [tilespmem:s11+$0xFFFFFD00];
	v36 =	vtrunc.f32 v36  }
0x497: {  	v27 =	vshll.u32 v27, $0x7;
	v38 =	vtrunc.f32 v38;
	v41 =	vld [tilespmem:s11+$0x350];
	v36 =	vcvt.f32.s32 v36  }
0x498: {  	v30 =	vcvt.f32.s32 v30;
	vm0 =	veq.s32 v34, v33;
	v33 =	vtrunc.f32 v39;
	v34 =	vld [tilespmem:s12+$0x350]  }
0x499: {  	v24 =	vcvt.f32.s32 v24;
	v33 =	vcvt.f32.s32 v33;
	v39 =	vld [tilespmem:s12+$0xFFFFFD00];
	v36 =	vshll.u32 v36, $0x7  }
0x49a: {  	v32 =	vcvt.f32.s32 v32;
	v28 =	vcvt.f32.s32 v28;
	v42 =	vld [tilespmem:s11+$0xFFFFFD40];
	v36 =	vor.u32 v3, v36  }
0x49b: {  	v25 =	vcvt.f32.s32 v25;
	v29 =	vcvt.f32.s32 v29;
	v33 =	vshll.u32 v33, $0x7;
	v43 =	vld [tilespmem:s12+$0xFFFFFD40]  }
0x49c: {  	v45 =	vshll.u32 v30, $0x7;
	v24 =	vshll.u32 v24, $0x7;
	v30 =	vcvt.f32.s32 v38;
	v44 =	vld [tilespmem:s11+$0xFFFFFE00]  }
0x49d: {  	v32 =	vshll.u32 v32, $0x7;
	v46 =	vshll.u32 v28, $0x7;
	v38 =	vld [tilespmem:s12+$0xFFFFFE00];
	vm1 =	veq.s32 v41, v34  }
0x49e: {  	v47 =	vshll.u32 v29, $0x7;
	v41 =	vshll.u32 v25, $0x7;
	v34 =	vld [tilespmem:s11+$0xFFFFFE40];
	v25 =	vsel vm1, $0x10001, v2  }
0x49f: {  	vm1 =	veq.s32 v35, v37;
	vm2 =	veq.s32 v40, v39;
	v35 =	vshll.u32 v30, $0x7;
	[tilespmem:v36+s20+$0x0] =	vst.idx.add.s32.msk $0xffff, v25  }
0x4a0: {  	v33 =	vor.u32 v3, v33;
	v37 =	vsel vm0, $0x10001, v2;
	vm0 =	veq.s32 v42, v43;
	[tilespmem:v36+s21+$0x0] =	vst.idx.add.f32.msk $0xffff, v31  }
0x4a1: {  	v29 =	vor.u32 v3, v26;
	v36 =	vor.u32 v3, v23;
	v31 =	vor.u32 v3, v22;
	v39 =	vld [tilespmem:s14+$0x360]  }
0x4a2: {  	v28 =	vor.u32 v3, v45;
	v30 =	vor.u32 v3, v27;
	vm3 =	veq.s32 v44, v38;
	v38 =	vld [tilespmem:s12+$0xFFFFFE40]  }
0x4a3: {  	v26 =	vor.u32 v3, v32;
	v27 =	vor.u32 v3, v24;
	v25 =	vor.u32 v3, v46;
	v40 =	vld [tilespmem:s11+$0xFFFFFF00]  }
0x4a4: {  	v24 =	vor.u32 v3, v41;
	v23 =	vor.u32 v3, v47;
	v22 =	vor.u32 v3, v35;
	v32 =	vld [tilespmem:s12+$0xFFFFFF00]  }
0x4a5: {  	v41 =	vsel vm2, $0x10001, v2;
	v35 =	vsel vm1, $0x10001, v2;
	v42 =	vsel vm0, $0x10001, v2;
	v43 =	vld [tilespmem:s11+$0xFFFFFF40]  }
0x4a6: {  	v44 =	vsel vm3, $0x10001, v2;
	v45 =	vld [tilespmem:s12+$0xFFFFFF40];
	v46 =	vmul.f32 $1.000000000e+01, v39  }
0x4a7: {  	vm0 =	veq.s32 v34, v38;
	v34 =	vld [tilespmem:s11+$0x0]  }
0x4a8: {  	v38 =	vsel vm0, $0x10001, v2;
	v47 =	vld [tilespmem:s12+$0x0];
	v46 =	vtrunc.f32 v46  }
0x4a9: {  	vm0 =	veq.s32 v40, v32;
	v32 =	vld [tilespmem:s11+$0x360];
	v40 =	vcvt.f32.s32 v46  }
0x4aa: {  	v46 =	vsel vm0, $0x10001, v2;
	v48 =	vld [tilespmem:s12+$0x360]  }
0x4ab: {  	vm0 =	veq.s32 v43, v45;
	v43 =	vld [tilespmem:s11+$0x40];
	v40 =	vshll.u32 v40, $0x7  }
0x4ac: {  	v45 =	vsel vm0, $0x10001, v2;
	v49 =	vld [tilespmem:s12+$0x40];
	v40 =	vor.u32 v3, v40  }
0x4ad: {  	vm0 =	veq.s32 v34, v47;
	v34 =	vld [tilespmem:s11+$0x100]  }
0x4ae: {  	v47 =	vsel vm0, $0x10001, v2;
	v50 =	vld [tilespmem:s12+$0x100]  }
0x4af: {  	v51 =	vld [tilespmem:s11+$0x140];
	vm0 =	veq.s32 v32, v48  }
0x4b0: {  	v32 =	vld [tilespmem:s12+$0x140];
	v48 =	vsel vm0, $0x10001, v2  }
0x4b1: {  	vm0 =	veq.s32 v43, v49;
	[tilespmem:v40+s22+$0x0] =	vst.idx.add.s32.msk $0xffff, v48  }
0x4b2: {  	v43 =	vsel vm0, $0x10001, v2;
	[tilespmem:v40+s23+$0x0] =	vst.idx.add.f32.msk $0xffff, v39  }
0x4b3: {  	vm0 =	veq.s32 v34, v50;
	v34 =	vld [tilespmem:s14+$0x370]  }
0x4b4: {  	v39 =	vsel vm0, $0x10001, v2;
	v40 =	vld [tilespmem:s11+$0x200]  }
0x4b5: {  	vm0 =	veq.s32 v51, v32;
	v32 =	vld [tilespmem:s12+$0x200]  }
0x4b6: {  	v48 =	vsel vm0, $0x10001, v2;
	v49 =	vld [tilespmem:s11+$0x240]  }
0x4b7: {  	v50 =	vld [tilespmem:s12+$0x240]  }
0x4b8: {  	v51 =	vld [tilespmem:s11+$0x300];
	v52 =	vmul.f32 $1.000000000e+01, v34  }
0x4b9: {  	v53 =	vld [tilespmem:s12+$0x300]  }
0x4ba: {  	[tilespmem:v33+s18+$0x0] =	vst.idx.add.s32.msk $0xffff, v37;
	vm0 =	veq.s32 v40, v32;
	v32 =	vtrunc.f32 v52  }
0x4bb: {  	v37 =	vsel vm0, $0x10001, v2;
	v40 =	vld [tilespmem:s11+$0x370];
	v32 =	vcvt.f32.s32 v32  }
0x4bc: {  	vm0 =	veq.s32 v49, v50;
	v49 =	vld [tilespmem:s12+$0x370]  }
0x4bd: {  	[tilespmem:v33+s19+$0x0] =	vst.idx.add.f32.msk $0xffff, v21;
	v21 =	vsel vm0, $0x10001, v2;
	v32 =	vshll.u32 v32, $0x7  }
0x4be: {  	[tilespmem:v19+s18+$0x0] =	vst.idx.add.s32.msk $0xffff, v35;
	vm0 =	veq.s32 v51, v53;
	v32 =	vor.u32 v3, v32  }
0x4bf: {  	[tilespmem:v19+s19+$0x0] =	vst.idx.add.f32.msk $0xffff, v15;
	v15 =	vsel vm0, $0x10001, v2  }
0x4c0: {  	[tilespmem:v20+s18+$0x0] =	vst.idx.add.s32.msk $0xffff, v41  }
0x4c1: {  	[tilespmem:v20+s19+$0x0] =	vst.idx.add.f32.msk $0xffff, v9;
	vm0 =	veq.s32 v40, v49  }
0x4c2: {  	[tilespmem:v18+s18+$0x0] =	vst.idx.add.s32.msk $0xffff, v42;
	v9 =	vsel vm0, $0x10001, v2  }
0x4c3: {  	[tilespmem:v32+s24+$0x0] =	vst.idx.add.s32.msk $0xffff, v9  }
0x4c4: {  	[tilespmem:v32+s25+$0x0] =	vst.idx.add.f32.msk $0xffff, v34  }
0x4c5: {  	[tilespmem:v18+s19+$0x0] =	vst.idx.add.f32.msk $0xffff, v8  }
0x4c6: {  	[tilespmem:v36+s18+$0x0] =	vst.idx.add.s32.msk $0xffff, v44  }
0x4c7: {  	[tilespmem:v36+s19+$0x0] =	vst.idx.add.f32.msk $0xffff, v6  }
0x4c8: {  	[tilespmem:v31+s18+$0x0] =	vst.idx.add.s32.msk $0xffff, v38  }
0x4c9: {  	[tilespmem:v31+s19+$0x0] =	vst.idx.add.f32.msk $0xffff, v4  }
0x4ca: {  	[tilespmem:v29+s18+$0x0] =	vst.idx.add.s32.msk $0xffff, v46  }
0x4cb: {  	[tilespmem:v29+s19+$0x0] =	vst.idx.add.f32.msk $0xffff, v7  }
0x4cc: {  	[tilespmem:v30+s18+$0x0] =	vst.idx.add.s32.msk $0xffff, v45  }
0x4cd: {  	[tilespmem:v30+s19+$0x0] =	vst.idx.add.f32.msk $0xffff, v5  }
0x4ce: {  	[tilespmem:v28+s18+$0x0] =	vst.idx.add.s32.msk $0xffff, v47  }
0x4cf: {  	[tilespmem:v28+s19+$0x0] =	vst.idx.add.f32.msk $0xffff, v10  }
0x4d0: {  	[tilespmem:v27+s18+$0x0] =	vst.idx.add.s32.msk $0xffff, v43  }
0x4d1: {  	[tilespmem:v27+s19+$0x0] =	vst.idx.add.f32.msk $0xffff, v11  }
0x4d2: {  	[tilespmem:v26+s18+$0x0] =	vst.idx.add.s32.msk $0xffff, v39  }
0x4d3: {  	[tilespmem:v26+s19+$0x0] =	vst.idx.add.f32.msk $0xffff, v12  }
0x4d4: {  	[tilespmem:v25+s18+$0x0] =	vst.idx.add.s32.msk $0xffff, v48  }
0x4d5: {  	[tilespmem:v25+s19+$0x0] =	vst.idx.add.f32.msk $0xffff, v13  }
0x4d6: {  	[tilespmem:v24+s18+$0x0] =	vst.idx.add.s32.msk $0xffff, v37  }
0x4d7: {  	[tilespmem:v24+s19+$0x0] =	vst.idx.add.f32.msk $0xffff, v14  }
0x4d8: {  	[tilespmem:v23+s18+$0x0] =	vst.idx.add.s32.msk $0xffff, v21  }
0x4d9: {  	[tilespmem:v23+s19+$0x0] =	vst.idx.add.f32.msk $0xffff, v16  }
0x4da: {  	[tilespmem:v22+s18+$0x0] =	vst.idx.add.s32.msk $0xffff, v15  }
0x4db: {  	[tilespmem:v22+s19+$0x0] =	vst.idx.add.f32.msk $0xffff, v17  }
0x4dc: {  	v18 =	vld [tilespmem:s14+$0xFFFFFC10]  }
0x4dd: {  	v17 =	vld [tilespmem:s14+$0xFFFFFC50]  }
0x4de: {  	v16 =	vld [tilespmem:s14+$0xFFFFFD10]  }
0x4df: {  	v15 =	vld [tilespmem:s14+$0xFFFFFD50]  }
0x4e0: {  	v14 =	vld [tilespmem:s14+$0xFFFFFE10]  }
0x4e1: {  	v5 =	vmul.f32 $1.000000000e+01, v18;
	v13 =	vld [tilespmem:s14+$0xFFFFFE50]  }
0x4e2: {  	v6 =	vmul.f32 $1.000000000e+01, v17;
	v4 =	vld [tilespmem:s14+$0xFFFFFF10]  }
0x4e3: {  	v19 =	vtrunc.f32 v5;
	v7 =	vmul.f32 $1.000000000e+01, v16;
	v5 =	vld [tilespmem:s14+$0xFFFFFF50]  }
0x4e4: {  	v20 =	vtrunc.f32 v6;
	v8 =	vmul.f32 $1.000000000e+01, v15;
	v6 =	vld [tilespmem:s14+$0x10]  }
0x4e5: {  	v21 =	vtrunc.f32 v7;
	v9 =	vmul.f32 $1.000000000e+01, v14;
	v7 =	vld [tilespmem:s14+$0x50]  }
0x4e6: {  	v22 =	vtrunc.f32 v8;
	v10 =	vmul.f32 $1.000000000e+01, v13;
	v8 =	vld [tilespmem:s14+$0x110]  }
0x4e7: {  	v23 =	vtrunc.f32 v9;
	v11 =	vmul.f32 $1.000000000e+01, v4;
	v9 =	vld [tilespmem:s14+$0x150]  }
0x4e8: {  	v24 =	vtrunc.f32 v10;
	v12 =	vmul.f32 $1.000000000e+01, v5;
	v10 =	vld [tilespmem:s14+$0x210]  }
0x4e9: {  	v25 =	vtrunc.f32 v11;
	v26 =	vmul.f32 $1.000000000e+01, v6;
	v11 =	vld [tilespmem:s14+$0x250]  }
0x4ea: {  	v27 =	vtrunc.f32 v12;
	v28 =	vmul.f32 $1.000000000e+01, v7;
	v12 =	vld [tilespmem:s14+$0x310]  }
0x4eb: {  	v29 =	vld [tilespmem:s11+$0xFFFFFC10];
	v26 =	vtrunc.f32 v26;
	v30 =	vmul.f32 $1.000000000e+01, v8  }
0x4ec: {  	v31 =	vld [tilespmem:s12+$0xFFFFFC10];
	v28 =	vtrunc.f32 v28;
	v32 =	vmul.f32 $1.000000000e+01, v9  }
0x4ed: {  	v33 =	vld [tilespmem:s11+$0xFFFFFC50];
	v30 =	vtrunc.f32 v30;
	v34 =	vmul.f32 $1.000000000e+01, v10  }
0x4ee: {  	v35 =	vld [tilespmem:s12+$0xFFFFFC50];
	v32 =	vtrunc.f32 v32;
	v36 =	vmul.f32 $1.000000000e+01, v11  }
0x4ef: {  	v37 =	vld [tilespmem:s11+$0xFFFFFD10];
	v34 =	vtrunc.f32 v34;
	v38 =	vmul.f32 $1.000000000e+01, v12  }
0x4f0: {  	v19 =	vcvt.f32.s32 v19;
	v39 =	vld [tilespmem:s12+$0xFFFFFD10];
	v36 =	vtrunc.f32 v36  }
0x4f1: {  	v20 =	vcvt.f32.s32 v20;
	vm0 =	veq.s32 v29, v31;
	v29 =	vld [tilespmem:s11+$0xFFFFFD50];
	v31 =	vtrunc.f32 v38  }
0x4f2: {  	v19 =	vshll.u32 v19, $0x7;
	v21 =	vcvt.f32.s32 v21;
	v22 =	vcvt.f32.s32 v22;
	v38 =	vld [tilespmem:s12+$0xFFFFFD50]  }
0x4f3: {  	v20 =	vshll.u32 v20, $0x7;
	v23 =	vcvt.f32.s32 v23;
	v24 =	vcvt.f32.s32 v24;
	v40 =	vld [tilespmem:s11+$0xFFFFFE10]  }
0x4f4: {  	v21 =	vshll.u32 v21, $0x7;
	v25 =	vcvt.f32.s32 v25;
	v27 =	vcvt.f32.s32 v27;
	v41 =	vld [tilespmem:s12+$0xFFFFFE10]  }
0x4f5: {  	v22 =	vshll.u32 v22, $0x7;
	v26 =	vcvt.f32.s32 v26;
	v28 =	vcvt.f32.s32 v28;
	v42 =	vld [tilespmem:s11+$0xFFFFFE50]  }
0x4f6: {  	v23 =	vshll.u32 v23, $0x7;
	v30 =	vcvt.f32.s32 v30;
	v32 =	vcvt.f32.s32 v32;
	v43 =	vld [tilespmem:s12+$0xFFFFFE50]  }
0x4f7: {  	v24 =	vshll.u32 v24, $0x7;
	v34 =	vcvt.f32.s32 v34;
	v36 =	vcvt.f32.s32 v36;
	v44 =	vld [tilespmem:s11+$0xFFFFFF10]  }
0x4f8: {  	v25 =	vshll.u32 v25, $0x7;
	v27 =	vshll.u32 v27, $0x7;
	v31 =	vcvt.f32.s32 v31;
	v45 =	vld [tilespmem:s12+$0xFFFFFF10]  }
0x4f9: {  	v26 =	vshll.u32 v26, $0x7;
	v28 =	vshll.u32 v28, $0x7;
	v30 =	vshll.u32 v30, $0x7;
	v46 =	vld [tilespmem:s11+$0xFFFFFF50]  }
0x4fa: {  	v32 =	vshll.u32 v32, $0x7;
	v34 =	vshll.u32 v34, $0x7;
	v36 =	vshll.u32 v36, $0x7;
	v47 =	vld [tilespmem:s12+$0xFFFFFF50]  }
0x4fb: {  	vm3 =	veq.s32 v33, v35;
	v31 =	vshll.u32 v31, $0x7;
	vm1 =	veq.s32 v37, v39;
	v33 =	vld [tilespmem:s11+$0x10]  }
0x4fc: {  	vm4 =	veq.s32 v29, v38;
	vm5 =	veq.s32 v40, v41;
	vm2 =	veq.s32 v42, v43;
	v29 =	vld [tilespmem:s12+$0x10]  }
0x4fd: {  	v19 =	vor.u32 v3, v19;
	v20 =	vor.u32 v3, v20;
	vm6 =	veq.s32 v44, v45;
	v35 =	vld [tilespmem:s11+$0x50]  }
0x4fe: {  	v21 =	vor.u32 v3, v21;
	v22 =	vor.u32 v3, v22;
	v23 =	vor.u32 v3, v23;
	v37 =	vld [tilespmem:s12+$0x50]  }
0x4ff: {  	v24 =	vor.u32 v3, v24;
	v25 =	vor.u32 v3, v25;
	vm7 =	veq.s32 v46, v47;
	v38 =	vld [tilespmem:s11+$0x110]  }
0x500: {  	v27 =	vor.u32 v3, v27;
	v26 =	vor.u32 v3, v26;
	v28 =	vor.u32 v3, v28;
	v39 =	vld [tilespmem:s12+$0x110]  }
0x501: {  	v32 =	vor.u32 v3, v32;
	vm8 =	veq.s32 v33, v29;
	v29 =	vor.u32 v3, v30;
	v30 =	vld [tilespmem:s11+$0x150]  }
0x502: {  	v34 =	vor.u32 v3, v34;
	v36 =	vor.u32 v3, v36;
	v31 =	vor.u32 v3, v31;
	v33 =	vld [tilespmem:s12+$0x150]  }
0x503: {  	v40 =	vsel vm0, $0x10001, v2;
	v41 =	vsel vm3, $0x10001, v2;
	vm0 =	veq.s32 v35, v37;
	v35 =	vld [tilespmem:s11+$0x210]  }
0x504: {  	v42 =	vsel vm4, $0x10001, v2;
	v43 =	vsel vm5, $0x10001, v2;
	v37 =	vsel vm1, $0x10001, v2;
	v44 =	vld [tilespmem:s12+$0x210]  }
0x505: {  	v45 =	vsel vm2, $0x10001, v2;
	v46 =	vsel vm6, $0x10001, v2;
	vm1 =	veq.s32 v38, v39;
	v38 =	vld [tilespmem:s11+$0x250]  }
0x506: {  	v47 =	vsel vm8, $0x10001, v2;
	v48 =	vsel vm0, $0x10001, v2;
	v39 =	vsel vm7, $0x10001, v2;
	v49 =	vld [tilespmem:s12+$0x250]  }
0x507: {  	v50 =	vsel vm1, $0x10001, v2;
	vm0 =	veq.s32 v30, v33;
	v30 =	vld [tilespmem:s11+$0x310]  }
0x508: {  	v33 =	vsel vm0, $0x10001, v2;
	v51 =	vld [tilespmem:s12+$0x310]  }
0x509: {  	[tilespmem:v19+s20+$0x0] =	vst.idx.add.s32.msk $0xffff, v40;
	vm0 =	veq.s32 v35, v44  }
0x50a: {  	[tilespmem:v19+s21+$0x0] =	vst.idx.add.f32.msk $0xffff, v18;
	v18 =	vsel vm0, $0x10001, v2  }
0x50b: {  	[tilespmem:v20+s20+$0x0] =	vst.idx.add.s32.msk $0xffff, v41;
	vm0 =	veq.s32 v38, v49  }
0x50c: {  	[tilespmem:v20+s21+$0x0] =	vst.idx.add.f32.msk $0xffff, v17;
	v17 =	vsel vm0, $0x10001, v2  }
0x50d: {  	[tilespmem:v21+s20+$0x0] =	vst.idx.add.s32.msk $0xffff, v37;
	vm0 =	veq.s32 v30, v51  }
0x50e: {  	[tilespmem:v21+s21+$0x0] =	vst.idx.add.f32.msk $0xffff, v16;
	v16 =	vsel vm0, $0x10001, v2  }
0x50f: {  	[tilespmem:v22+s20+$0x0] =	vst.idx.add.s32.msk $0xffff, v42  }
0x510: {  	[tilespmem:v22+s21+$0x0] =	vst.idx.add.f32.msk $0xffff, v15  }
0x511: {  	[tilespmem:v23+s20+$0x0] =	vst.idx.add.s32.msk $0xffff, v43  }
0x512: {  	[tilespmem:v23+s21+$0x0] =	vst.idx.add.f32.msk $0xffff, v14  }
0x513: {  	[tilespmem:v24+s20+$0x0] =	vst.idx.add.s32.msk $0xffff, v45  }
0x514: {  	[tilespmem:v24+s21+$0x0] =	vst.idx.add.f32.msk $0xffff, v13  }
0x515: {  	[tilespmem:v25+s20+$0x0] =	vst.idx.add.s32.msk $0xffff, v46  }
0x516: {  	[tilespmem:v25+s21+$0x0] =	vst.idx.add.f32.msk $0xffff, v4  }
0x517: {  	[tilespmem:v27+s20+$0x0] =	vst.idx.add.s32.msk $0xffff, v39  }
0x518: {  	[tilespmem:v27+s21+$0x0] =	vst.idx.add.f32.msk $0xffff, v5  }
0x519: {  	[tilespmem:v26+s20+$0x0] =	vst.idx.add.s32.msk $0xffff, v47  }
0x51a: {  	[tilespmem:v26+s21+$0x0] =	vst.idx.add.f32.msk $0xffff, v6  }
0x51b: {  	[tilespmem:v28+s20+$0x0] =	vst.idx.add.s32.msk $0xffff, v48  }
0x51c: {  	[tilespmem:v28+s21+$0x0] =	vst.idx.add.f32.msk $0xffff, v7  }
0x51d: {  	[tilespmem:v29+s20+$0x0] =	vst.idx.add.s32.msk $0xffff, v50  }
0x51e: {  	[tilespmem:v29+s21+$0x0] =	vst.idx.add.f32.msk $0xffff, v8  }
0x51f: {  	[tilespmem:v32+s20+$0x0] =	vst.idx.add.s32.msk $0xffff, v33  }
0x520: {  	[tilespmem:v32+s21+$0x0] =	vst.idx.add.f32.msk $0xffff, v9  }
0x521: {  	[tilespmem:v34+s20+$0x0] =	vst.idx.add.s32.msk $0xffff, v18  }
0x522: {  	[tilespmem:v34+s21+$0x0] =	vst.idx.add.f32.msk $0xffff, v10  }
0x523: {  	[tilespmem:v36+s20+$0x0] =	vst.idx.add.s32.msk $0xffff, v17  }
0x524: {  	[tilespmem:v36+s21+$0x0] =	vst.idx.add.f32.msk $0xffff, v11  }
0x525: {  	[tilespmem:v31+s20+$0x0] =	vst.idx.add.s32.msk $0xffff, v16  }
0x526: {  	[tilespmem:v31+s21+$0x0] =	vst.idx.add.f32.msk $0xffff, v12  }
0x527: {  	v18 =	vld [tilespmem:s14+$0xFFFFFC20]  }
0x528: {  	v17 =	vld [tilespmem:s14+$0xFFFFFC60]  }
0x529: {  	v16 =	vld [tilespmem:s14+$0xFFFFFD20]  }
0x52a: {  	v15 =	vld [tilespmem:s14+$0xFFFFFD60]  }
0x52b: {  	v14 =	vld [tilespmem:s14+$0xFFFFFE20]  }
0x52c: {  	v5 =	vmul.f32 $1.000000000e+01, v18;
	v13 =	vld [tilespmem:s14+$0xFFFFFE60]  }
0x52d: {  	v6 =	vmul.f32 $1.000000000e+01, v17;
	v4 =	vld [tilespmem:s14+$0xFFFFFF20]  }
0x52e: {  	v19 =	vtrunc.f32 v5;
	v7 =	vmul.f32 $1.000000000e+01, v16;
	v5 =	vld [tilespmem:s14+$0xFFFFFF60]  }
0x52f: {  	v20 =	vtrunc.f32 v6;
	v8 =	vmul.f32 $1.000000000e+01, v15;
	v6 =	vld [tilespmem:s14+$0x20]  }
0x530: {  	v21 =	vtrunc.f32 v7;
	v9 =	vmul.f32 $1.000000000e+01, v14;
	v7 =	vld [tilespmem:s14+$0x60]  }
0x531: {  	v22 =	vtrunc.f32 v8;
	v10 =	vmul.f32 $1.000000000e+01, v13;
	v8 =	vld [tilespmem:s14+$0x120]  }
0x532: {  	v23 =	vtrunc.f32 v9;
	v11 =	vmul.f32 $1.000000000e+01, v4;
	v9 =	vld [tilespmem:s14+$0x160]  }
0x533: {  	v24 =	vtrunc.f32 v10;
	v12 =	vmul.f32 $1.000000000e+01, v5;
	v10 =	vld [tilespmem:s14+$0x220]  }
0x534: {  	v25 =	vtrunc.f32 v11;
	v26 =	vmul.f32 $1.000000000e+01, v6;
	v11 =	vld [tilespmem:s14+$0x260]  }
0x535: {  	v27 =	vtrunc.f32 v12;
	v28 =	vmul.f32 $1.000000000e+01, v7;
	v12 =	vld [tilespmem:s14+$0x320]  }
0x536: {  	v29 =	vld [tilespmem:s11+$0xFFFFFC20];
	v26 =	vtrunc.f32 v26;
	v30 =	vmul.f32 $1.000000000e+01, v8  }
0x537: {  	v31 =	vld [tilespmem:s12+$0xFFFFFC20];
	v28 =	vtrunc.f32 v28;
	v32 =	vmul.f32 $1.000000000e+01, v9  }
0x538: {  	v33 =	vld [tilespmem:s11+$0xFFFFFC60];
	v30 =	vtrunc.f32 v30;
	v34 =	vmul.f32 $1.000000000e+01, v10  }
0x539: {  	v35 =	vld [tilespmem:s12+$0xFFFFFC60];
	v32 =	vtrunc.f32 v32;
	v36 =	vmul.f32 $1.000000000e+01, v11  }
0x53a: {  	v37 =	vld [tilespmem:s11+$0xFFFFFD20];
	v34 =	vtrunc.f32 v34;
	v38 =	vmul.f32 $1.000000000e+01, v12  }
0x53b: {  	v19 =	vcvt.f32.s32 v19;
	v39 =	vld [tilespmem:s12+$0xFFFFFD20];
	v36 =	vtrunc.f32 v36  }
0x53c: {  	v20 =	vcvt.f32.s32 v20;
	vm0 =	veq.s32 v29, v31;
	v29 =	vld [tilespmem:s11+$0xFFFFFD60];
	v31 =	vtrunc.f32 v38  }
0x53d: {  	v19 =	vshll.u32 v19, $0x7;
	v21 =	vcvt.f32.s32 v21;
	v22 =	vcvt.f32.s32 v22;
	v38 =	vld [tilespmem:s12+$0xFFFFFD60]  }
0x53e: {  	v20 =	vshll.u32 v20, $0x7;
	v23 =	vcvt.f32.s32 v23;
	v24 =	vcvt.f32.s32 v24;
	v40 =	vld [tilespmem:s11+$0xFFFFFE20]  }
0x53f: {  	v21 =	vshll.u32 v21, $0x7;
	v25 =	vcvt.f32.s32 v25;
	v27 =	vcvt.f32.s32 v27;
	v41 =	vld [tilespmem:s12+$0xFFFFFE20]  }
0x540: {  	v22 =	vshll.u32 v22, $0x7;
	v26 =	vcvt.f32.s32 v26;
	v28 =	vcvt.f32.s32 v28;
	v42 =	vld [tilespmem:s11+$0xFFFFFE60]  }
0x541: {  	v23 =	vshll.u32 v23, $0x7;
	v30 =	vcvt.f32.s32 v30;
	v32 =	vcvt.f32.s32 v32;
	v43 =	vld [tilespmem:s12+$0xFFFFFE60]  }
0x542: {  	v24 =	vshll.u32 v24, $0x7;
	v34 =	vcvt.f32.s32 v34;
	v36 =	vcvt.f32.s32 v36;
	v44 =	vld [tilespmem:s11+$0xFFFFFF20]  }
0x543: {  	v25 =	vshll.u32 v25, $0x7;
	v27 =	vshll.u32 v27, $0x7;
	v31 =	vcvt.f32.s32 v31;
	v45 =	vld [tilespmem:s12+$0xFFFFFF20]  }
0x544: {  	v26 =	vshll.u32 v26, $0x7;
	v28 =	vshll.u32 v28, $0x7;
	v30 =	vshll.u32 v30, $0x7;
	v46 =	vld [tilespmem:s11+$0xFFFFFF60]  }
0x545: {  	v32 =	vshll.u32 v32, $0x7;
	v34 =	vshll.u32 v34, $0x7;
	v36 =	vshll.u32 v36, $0x7;
	v47 =	vld [tilespmem:s12+$0xFFFFFF60]  }
0x546: {  	vm3 =	veq.s32 v33, v35;
	v31 =	vshll.u32 v31, $0x7;
	vm1 =	veq.s32 v37, v39;
	v33 =	vld [tilespmem:s11+$0x20]  }
0x547: {  	vm4 =	veq.s32 v29, v38;
	vm5 =	veq.s32 v40, v41;
	vm2 =	veq.s32 v42, v43;
	v29 =	vld [tilespmem:s12+$0x20]  }
0x548: {  	v19 =	vor.u32 v3, v19;
	v20 =	vor.u32 v3, v20;
	vm6 =	veq.s32 v44, v45;
	v35 =	vld [tilespmem:s11+$0x60]  }
0x549: {  	v21 =	vor.u32 v3, v21;
	v22 =	vor.u32 v3, v22;
	v23 =	vor.u32 v3, v23;
	v37 =	vld [tilespmem:s12+$0x60]  }
0x54a: {  	v24 =	vor.u32 v3, v24;
	v25 =	vor.u32 v3, v25;
	vm7 =	veq.s32 v46, v47;
	v38 =	vld [tilespmem:s11+$0x120]  }
0x54b: {  	v27 =	vor.u32 v3, v27;
	v26 =	vor.u32 v3, v26;
	v28 =	vor.u32 v3, v28;
	v39 =	vld [tilespmem:s12+$0x120]  }
0x54c: {  	v32 =	vor.u32 v3, v32;
	vm8 =	veq.s32 v33, v29;
	v29 =	vor.u32 v3, v30;
	v30 =	vld [tilespmem:s11+$0x160]  }
0x54d: {  	v34 =	vor.u32 v3, v34;
	v36 =	vor.u32 v3, v36;
	v31 =	vor.u32 v3, v31;
	v33 =	vld [tilespmem:s12+$0x160]  }
0x54e: {  	v40 =	vsel vm0, $0x10001, v2;
	v41 =	vsel vm3, $0x10001, v2;
	vm0 =	veq.s32 v35, v37;
	v35 =	vld [tilespmem:s11+$0x220]  }
0x54f: {  	v42 =	vsel vm4, $0x10001, v2;
	v43 =	vsel vm5, $0x10001, v2;
	v37 =	vsel vm1, $0x10001, v2;
	v44 =	vld [tilespmem:s12+$0x220]  }
0x550: {  	v45 =	vsel vm2, $0x10001, v2;
	v46 =	vsel vm6, $0x10001, v2;
	vm1 =	veq.s32 v38, v39;
	v38 =	vld [tilespmem:s11+$0x260]  }
0x551: {  	v47 =	vsel vm8, $0x10001, v2;
	v48 =	vsel vm0, $0x10001, v2;
	v39 =	vsel vm7, $0x10001, v2;
	v49 =	vld [tilespmem:s12+$0x260]  }
0x552: {  	v50 =	vsel vm1, $0x10001, v2;
	vm0 =	veq.s32 v30, v33;
	v30 =	vld [tilespmem:s11+$0x320]  }
0x553: {  	v33 =	vsel vm0, $0x10001, v2;
	v51 =	vld [tilespmem:s12+$0x320]  }
0x554: {  	[tilespmem:v19+s22+$0x0] =	vst.idx.add.s32.msk $0xffff, v40;
	vm0 =	veq.s32 v35, v44  }
0x555: {  	[tilespmem:v19+s23+$0x0] =	vst.idx.add.f32.msk $0xffff, v18;
	v18 =	vsel vm0, $0x10001, v2  }
0x556: {  	[tilespmem:v20+s22+$0x0] =	vst.idx.add.s32.msk $0xffff, v41;
	vm0 =	veq.s32 v38, v49  }
0x557: {  	[tilespmem:v20+s23+$0x0] =	vst.idx.add.f32.msk $0xffff, v17;
	v17 =	vsel vm0, $0x10001, v2  }
0x558: {  	[tilespmem:v21+s22+$0x0] =	vst.idx.add.s32.msk $0xffff, v37;
	vm0 =	veq.s32 v30, v51  }
0x559: {  	[tilespmem:v21+s23+$0x0] =	vst.idx.add.f32.msk $0xffff, v16;
	v16 =	vsel vm0, $0x10001, v2  }
0x55a: {  	[tilespmem:v22+s22+$0x0] =	vst.idx.add.s32.msk $0xffff, v42  }
0x55b: {  	[tilespmem:v22+s23+$0x0] =	vst.idx.add.f32.msk $0xffff, v15  }
0x55c: {  	[tilespmem:v23+s22+$0x0] =	vst.idx.add.s32.msk $0xffff, v43  }
0x55d: {  	[tilespmem:v23+s23+$0x0] =	vst.idx.add.f32.msk $0xffff, v14  }
0x55e: {  	[tilespmem:v24+s22+$0x0] =	vst.idx.add.s32.msk $0xffff, v45  }
0x55f: {  	[tilespmem:v24+s23+$0x0] =	vst.idx.add.f32.msk $0xffff, v13  }
0x560: {  	[tilespmem:v25+s22+$0x0] =	vst.idx.add.s32.msk $0xffff, v46  }
0x561: {  	[tilespmem:v25+s23+$0x0] =	vst.idx.add.f32.msk $0xffff, v4  }
0x562: {  	[tilespmem:v27+s22+$0x0] =	vst.idx.add.s32.msk $0xffff, v39  }
0x563: {  	[tilespmem:v27+s23+$0x0] =	vst.idx.add.f32.msk $0xffff, v5  }
0x564: {  	[tilespmem:v26+s22+$0x0] =	vst.idx.add.s32.msk $0xffff, v47  }
0x565: {  	[tilespmem:v26+s23+$0x0] =	vst.idx.add.f32.msk $0xffff, v6  }
0x566: {  	[tilespmem:v28+s22+$0x0] =	vst.idx.add.s32.msk $0xffff, v48  }
0x567: {  	[tilespmem:v28+s23+$0x0] =	vst.idx.add.f32.msk $0xffff, v7  }
0x568: {  	[tilespmem:v29+s22+$0x0] =	vst.idx.add.s32.msk $0xffff, v50  }
0x569: {  	[tilespmem:v29+s23+$0x0] =	vst.idx.add.f32.msk $0xffff, v8  }
0x56a: {  	[tilespmem:v32+s22+$0x0] =	vst.idx.add.s32.msk $0xffff, v33  }
0x56b: {  	[tilespmem:v32+s23+$0x0] =	vst.idx.add.f32.msk $0xffff, v9  }
0x56c: {  	[tilespmem:v34+s22+$0x0] =	vst.idx.add.s32.msk $0xffff, v18  }
0x56d: {  	[tilespmem:v34+s23+$0x0] =	vst.idx.add.f32.msk $0xffff, v10  }
0x56e: {  	[tilespmem:v36+s22+$0x0] =	vst.idx.add.s32.msk $0xffff, v17  }
0x56f: {  	[tilespmem:v36+s23+$0x0] =	vst.idx.add.f32.msk $0xffff, v11  }
0x570: {  	[tilespmem:v31+s22+$0x0] =	vst.idx.add.s32.msk $0xffff, v16  }
0x571: {  	[tilespmem:v31+s23+$0x0] =	vst.idx.add.f32.msk $0xffff, v12  }
0x572: {  	v18 =	vld [tilespmem:s14+$0xFFFFFC30]  }
0x573: {  	v17 =	vld [tilespmem:s14+$0xFFFFFC70]  }
0x574: {  	v16 =	vld [tilespmem:s14+$0xFFFFFD30]  }
0x575: {  	v15 =	vld [tilespmem:s14+$0xFFFFFD70]  }
0x576: {  	v14 =	vld [tilespmem:s14+$0xFFFFFE30]  }
0x577: {  	v5 =	vmul.f32 $1.000000000e+01, v18;
	v13 =	vld [tilespmem:s14+$0xFFFFFE70]  }
0x578: {  	v6 =	vmul.f32 $1.000000000e+01, v17;
	v4 =	vld [tilespmem:s14+$0xFFFFFF30]  }
0x579: {  	v19 =	vtrunc.f32 v5;
	v7 =	vmul.f32 $1.000000000e+01, v16;
	v5 =	vld [tilespmem:s14+$0xFFFFFF70]  }
0x57a: {  	v20 =	vtrunc.f32 v6;
	v8 =	vmul.f32 $1.000000000e+01, v15;
	v6 =	vld [tilespmem:s14+$0x30]  }
0x57b: {  	v21 =	vtrunc.f32 v7;
	v9 =	vmul.f32 $1.000000000e+01, v14;
	v7 =	vld [tilespmem:s14+$0x70]  }
0x57c: {  	v22 =	vtrunc.f32 v8;
	v10 =	vmul.f32 $1.000000000e+01, v13;
	v8 =	vld [tilespmem:s14+$0x130]  }
0x57d: {  	v23 =	vtrunc.f32 v9;
	v11 =	vmul.f32 $1.000000000e+01, v4;
	v9 =	vld [tilespmem:s14+$0x170]  }
0x57e: {  	v24 =	vtrunc.f32 v10;
	v12 =	vmul.f32 $1.000000000e+01, v5;
	v10 =	vld [tilespmem:s14+$0x230]  }
0x57f: {  	v25 =	vtrunc.f32 v11;
	v26 =	vmul.f32 $1.000000000e+01, v6;
	v11 =	vld [tilespmem:s14+$0x270]  }
0x580: {  	v27 =	vtrunc.f32 v12;
	v28 =	vmul.f32 $1.000000000e+01, v7;
	v12 =	vld [tilespmem:s14+$0x330]  }
0x581: {  	v29 =	vld [tilespmem:s11+$0xFFFFFC30];
	v26 =	vtrunc.f32 v26;
	v30 =	vmul.f32 $1.000000000e+01, v8  }
0x582: {  	v31 =	vld [tilespmem:s12+$0xFFFFFC30];
	v28 =	vtrunc.f32 v28;
	v32 =	vmul.f32 $1.000000000e+01, v9  }
0x583: {  	v33 =	vld [tilespmem:s11+$0xFFFFFC70];
	v30 =	vtrunc.f32 v30;
	v34 =	vmul.f32 $1.000000000e+01, v10  }
0x584: {  	v35 =	vld [tilespmem:s12+$0xFFFFFC70];
	v32 =	vtrunc.f32 v32;
	v36 =	vmul.f32 $1.000000000e+01, v11  }
0x585: {  	v37 =	vld [tilespmem:s11+$0xFFFFFD30];
	v34 =	vtrunc.f32 v34;
	v38 =	vmul.f32 $1.000000000e+01, v12  }
0x586: {  	v19 =	vcvt.f32.s32 v19;
	v39 =	vld [tilespmem:s12+$0xFFFFFD30];
	v36 =	vtrunc.f32 v36  }
0x587: {  	v20 =	vcvt.f32.s32 v20;
	vm0 =	veq.s32 v29, v31;
	v29 =	vld [tilespmem:s11+$0xFFFFFD70];
	v31 =	vtrunc.f32 v38  }
0x588: {  	v19 =	vshll.u32 v19, $0x7;
	v21 =	vcvt.f32.s32 v21;
	v22 =	vcvt.f32.s32 v22;
	v38 =	vld [tilespmem:s12+$0xFFFFFD70]  }
0x589: {  	v20 =	vshll.u32 v20, $0x7;
	v23 =	vcvt.f32.s32 v23;
	v24 =	vcvt.f32.s32 v24;
	v40 =	vld [tilespmem:s11+$0xFFFFFE30]  }
0x58a: {  	v21 =	vshll.u32 v21, $0x7;
	v25 =	vcvt.f32.s32 v25;
	v27 =	vcvt.f32.s32 v27;
	v41 =	vld [tilespmem:s12+$0xFFFFFE30]  }
0x58b: {  	v22 =	vshll.u32 v22, $0x7;
	v26 =	vcvt.f32.s32 v26;
	v28 =	vcvt.f32.s32 v28;
	v42 =	vld [tilespmem:s11+$0xFFFFFE70]  }
0x58c: {  	v23 =	vshll.u32 v23, $0x7;
	v30 =	vcvt.f32.s32 v30;
	v32 =	vcvt.f32.s32 v32;
	v43 =	vld [tilespmem:s12+$0xFFFFFE70]  }
0x58d: {  	v24 =	vshll.u32 v24, $0x7;
	v34 =	vcvt.f32.s32 v34;
	v36 =	vcvt.f32.s32 v36;
	v44 =	vld [tilespmem:s11+$0xFFFFFF30]  }
0x58e: {  	v25 =	vshll.u32 v25, $0x7;
	v27 =	vshll.u32 v27, $0x7;
	v31 =	vcvt.f32.s32 v31;
	v45 =	vld [tilespmem:s12+$0xFFFFFF30]  }
0x58f: {  	v26 =	vshll.u32 v26, $0x7;
	v28 =	vshll.u32 v28, $0x7;
	v30 =	vshll.u32 v30, $0x7;
	v46 =	vld [tilespmem:s11+$0xFFFFFF70]  }
0x590: {  	v32 =	vshll.u32 v32, $0x7;
	v34 =	vshll.u32 v34, $0x7;
	v36 =	vshll.u32 v36, $0x7;
	v47 =	vld [tilespmem:s12+$0xFFFFFF70]  }
0x591: {  	vm3 =	veq.s32 v33, v35;
	v31 =	vshll.u32 v31, $0x7;
	vm1 =	veq.s32 v37, v39;
	v33 =	vld [tilespmem:s11+$0x30]  }
0x592: {  	vm4 =	veq.s32 v29, v38;
	vm5 =	veq.s32 v40, v41;
	vm2 =	veq.s32 v42, v43;
	v29 =	vld [tilespmem:s12+$0x30]  }
0x593: {  	v19 =	vor.u32 v3, v19;
	v20 =	vor.u32 v3, v20;
	vm6 =	veq.s32 v44, v45;
	v35 =	vld [tilespmem:s11+$0x70]  }
0x594: {  	v21 =	vor.u32 v3, v21;
	v22 =	vor.u32 v3, v22;
	v23 =	vor.u32 v3, v23;
	v37 =	vld [tilespmem:s12+$0x70]  }
0x595: {  	v24 =	vor.u32 v3, v24;
	v25 =	vor.u32 v3, v25;
	vm7 =	veq.s32 v46, v47;
	v38 =	vld [tilespmem:s11+$0x130]  }
0x596: {  	v27 =	vor.u32 v3, v27;
	v26 =	vor.u32 v3, v26;
	v28 =	vor.u32 v3, v28;
	v39 =	vld [tilespmem:s12+$0x130]  }
0x597: {  	v32 =	vor.u32 v3, v32;
	vm8 =	veq.s32 v33, v29;
	v29 =	vor.u32 v3, v30;
	v30 =	vld [tilespmem:s11+$0x170]  }
0x598: {  	v34 =	vor.u32 v3, v34;
	v36 =	vor.u32 v3, v36;
	v31 =	vor.u32 v3, v31;
	v33 =	vld [tilespmem:s12+$0x170]  }
0x599: {  	v40 =	vsel vm0, $0x10001, v2;
	v41 =	vsel vm3, $0x10001, v2;
	vm0 =	veq.s32 v35, v37;
	v35 =	vld [tilespmem:s11+$0x230]  }
0x59a: {  	v42 =	vsel vm4, $0x10001, v2;
	v43 =	vsel vm5, $0x10001, v2;
	v37 =	vsel vm1, $0x10001, v2;
	v44 =	vld [tilespmem:s12+$0x230]  }
0x59b: {  	v45 =	vsel vm2, $0x10001, v2;
	v46 =	vsel vm6, $0x10001, v2;
	vm1 =	veq.s32 v38, v39;
	v38 =	vld [tilespmem:s11+$0x270]  }
0x59c: {  	v47 =	vsel vm8, $0x10001, v2;
	v48 =	vsel vm0, $0x10001, v2;
	v39 =	vsel vm7, $0x10001, v2;
	v49 =	vld [tilespmem:s12+$0x270]  }
0x59d: {  	v50 =	vsel vm1, $0x10001, v2;
	vm0 =	veq.s32 v30, v33;
	v30 =	vld [tilespmem:s11+$0x330]  }
0x59e: {  	v33 =	vsel vm0, $0x10001, v2;
	v51 =	vld [tilespmem:s12+$0x330]  }
0x59f: {  	[tilespmem:v19+s24+$0x0] =	vst.idx.add.s32.msk $0xffff, v40;
	vm0 =	veq.s32 v35, v44  }
0x5a0: {  	[tilespmem:v19+s25+$0x0] =	vst.idx.add.f32.msk $0xffff, v18;
	v18 =	vsel vm0, $0x10001, v2  }
0x5a1: {  	[tilespmem:v20+s24+$0x0] =	vst.idx.add.s32.msk $0xffff, v41;
	vm0 =	veq.s32 v38, v49  }
0x5a2: {  	[tilespmem:v20+s25+$0x0] =	vst.idx.add.f32.msk $0xffff, v17;
	v17 =	vsel vm0, $0x10001, v2  }
0x5a3: {  	[tilespmem:v21+s24+$0x0] =	vst.idx.add.s32.msk $0xffff, v37;
	vm0 =	veq.s32 v30, v51  }
0x5a4: {  	[tilespmem:v21+s25+$0x0] =	vst.idx.add.f32.msk $0xffff, v16;
	v16 =	vsel vm0, $0x10001, v2  }
0x5a5: {  	[tilespmem:v22+s24+$0x0] =	vst.idx.add.s32.msk $0xffff, v42  }
0x5a6: {  	[tilespmem:v22+s25+$0x0] =	vst.idx.add.f32.msk $0xffff, v15  }
0x5a7: {  	[tilespmem:v23+s24+$0x0] =	vst.idx.add.s32.msk $0xffff, v43  }
0x5a8: {  	[tilespmem:v23+s25+$0x0] =	vst.idx.add.f32.msk $0xffff, v14  }
0x5a9: {  	[tilespmem:v24+s24+$0x0] =	vst.idx.add.s32.msk $0xffff, v45  }
0x5aa: {  	[tilespmem:v24+s25+$0x0] =	vst.idx.add.f32.msk $0xffff, v13  }
0x5ab: {  	[tilespmem:v25+s24+$0x0] =	vst.idx.add.s32.msk $0xffff, v46  }
0x5ac: {  	[tilespmem:v25+s25+$0x0] =	vst.idx.add.f32.msk $0xffff, v4  }
0x5ad: {  	[tilespmem:v27+s24+$0x0] =	vst.idx.add.s32.msk $0xffff, v39  }
0x5ae: {  	[tilespmem:v27+s25+$0x0] =	vst.idx.add.f32.msk $0xffff, v5  }
0x5af: {  	[tilespmem:v26+s24+$0x0] =	vst.idx.add.s32.msk $0xffff, v47  }
0x5b0: {  	[tilespmem:v26+s25+$0x0] =	vst.idx.add.f32.msk $0xffff, v6  }
0x5b1: {  	[tilespmem:v28+s24+$0x0] =	vst.idx.add.s32.msk $0xffff, v48  }
0x5b2: {  	[tilespmem:v28+s25+$0x0] =	vst.idx.add.f32.msk $0xffff, v7  }
0x5b3: {  	[tilespmem:v29+s24+$0x0] =	vst.idx.add.s32.msk $0xffff, v50  }
0x5b4: {  	[tilespmem:v29+s25+$0x0] =	vst.idx.add.f32.msk $0xffff, v8  }
0x5b5: {  	[tilespmem:v32+s24+$0x0] =	vst.idx.add.s32.msk $0xffff, v33  }
0x5b6: {  	[tilespmem:v32+s25+$0x0] =	vst.idx.add.f32.msk $0xffff, v9  }
0x5b7: {  	[tilespmem:v34+s24+$0x0] =	vst.idx.add.s32.msk $0xffff, v18  }
.Ltmp11:
0x5b8: {  	[tilespmem:v34+s25+$0x0] =	vst.idx.add.f32.msk $0xffff, v10;
	(pc) =	sbr.rel @p0 .LBB2_25-.Ltmp11, $4  }
0x5b9: {  	[tilespmem:v36+s24+$0x0] =	vst.idx.add.s32.msk $0xffff, v17  }
0x5ba: {  	[tilespmem:v36+s25+$0x0] =	vst.idx.add.f32.msk $0xffff, v11  }
0x5bb: {  	[tilespmem:v31+s24+$0x0] =	vst.idx.add.s32.msk $0xffff, v16  }
0x5bc: {  	s14 =	sadd.s32 $0x800, s14;
	[tilespmem:v31+s25+$0x0] =	vst.idx.add.f32.msk $0xffff, v12  }
0x5bd: {  	s3 =	sadd.s32 $0x1, s3  }
0x5be: {  	p0 =	sne.s32 s3, $0x10  }
.Ltmp12:
0x5bf: {  	_ = 	snop;
	(pc) =	sbr.rel @p0 .LBB2_8-.Ltmp12, $1  }
0x5c0: {  	_ =	sdelay $0x3  }
0x5c1: {  	v10 =	vld [tilespmem:$0x18000];
	_ =	sdelay $0x1  }
0x5c2: {  	v9 =	vld [tilespmem:$0x18800]  }
0x5c3: {  	v4 =	vld [tilespmem:$0x1A000]  }
0x5c4: {  	v8 =	vld [tilespmem:$0x19000]  }
0x5c5: {  	v11 =	vld [tilespmem:$0x1A800];
	v5 =	vand.u32 $0xFFFF, v10  }
0x5c6: {  	v7 =	vld [tilespmem:$0x19800];
	v5 =	vcvt.s32.f32 v5  }
0x5c7: {  	v12 =	vld [tilespmem:$0x1B000];
	v6 =	vand.u32 $0xFFFF, v9  }
0x5c8: {  	(xrf2) =	vadd.scan.msk.f32 $0xffff, v5;
	v5 =	vcvt.s32.f32 v6;
	v6 =	vld [tilespmem:$0x18080]  }
0x5c9: {  	v13 =	vld [tilespmem:$0x1B800];
	(xrf2) =	vadd.scan.msk.f32 $0xffff, v4;
	v4 =	vand.u32 $0xFFFF, v8  }
0x5ca: {  	(xrf2) =	vadd.scan.msk.f32 $0xffff, v5;
	v4 =	vcvt.s32.f32 v4;
	v5 =	vld [tilespmem:$0x18880]  }
0x5cb: {  	v14 =	vld [tilespmem:$0x1A080];
	v30 =	vand.u32 $0xFFFF, v7;
	(xrf2) =	vadd.scan.msk.f32 $0xffff, v11  }
0x5cc: {  	v11 =	vcvt.s32.f32 v30;
	(xrf2) =	vadd.scan.msk.f32 $0xffff, v4;
	v4 =	vld [tilespmem:$0x19080]  }
0x5cd: {  	(xrf2) =	vadd.scan.msk.f32 $0xffff, v12;
	v31 =	vand.u32 $0xFFFF, v6  }
0x5ce: {  	v33 =	vld [tilespmem:$0x1A880];
	(xrf2) =	vadd.scan.msk.f32 $0xffff, v11;
	v32 =	vcvt.s32.f32 v31  }
0x5cf: {  	(xrf2) =	vadd.scan.msk.f32 $0xffff, v13;
	v34 =	vand.u32 $0xFFFF, v5  }
0x5d0: {  	v36 =	vld [tilespmem:$0x1B080];
	(xrf2) =	vadd.scan.msk.f32 $0xffff, v32;
	v35 =	vcvt.s32.f32 v34  }
0x5d1: {  	(xrf2) =	vadd.scan.msk.f32 $0xffff, v14;
	v37 =	vand.u32 $0xFFFF, v4  }
0x5d2: {  	v15, _, _ =	vpop (xrf2);
	(xrf2) =	vadd.scan.msk.f32 $0xffff, v35;
	v38 =	vcvt.s32.f32 v37  }
0x5d3: {  	(v2sf) =	vpush v15, $0xF;
	v39, _, _ =	vpop (xrf2);
	(xrf2) =	vadd.scan.msk.f32 $0xffff, v33  }
0x5d4: {  	(v2sf) =	vpush v39, $0xF;
	v40, _, _ =	vpop (xrf2);
	(xrf2) =	vadd.scan.msk.f32 $0xffff, v38  }
0x5d5: {  	(v2sf) =	vpush v40, $0xF;
	v41, _, _ =	vpop (xrf2);
	(xrf2) =	vadd.scan.msk.f32 $0xffff, v36  }
0x5d6: {  	(v2sf) =	vpush v41, $0xF;
	v42, _, _ =	vpop (xrf2)  }
0x5d7: {  	v14 =	vld [tilespmem:$0x19880];
	(v2sf) =	vpush v42, $0xF;
	v43, _, _ =	vpop (xrf2)  }
0x5d8: {  	(v2sf) =	vpush v43, $0xF;
	v44, _, _ =	vpop (xrf2)  }
0x5d9: {  	(v2sf) =	vpush v44, $0xF;
	v45, _, _ =	vpop (xrf2)  }
0x5da: {  	v25 =	vld [tilespmem:$0x18100];
	(v2sf) =	vpush v45, $0xF;
	v46, _, _ =	vpop (xrf2)  }
0x5db: {  	v53 =	vld [tilespmem:$0x1B880];
	(v2sf) =	vpush v46, $0xF;
	v47, _, _ =	vpop (xrf2)  }
0x5dc: {  	v23 =	vld [tilespmem:$0x18900];
	v52 =	vand.u32 $0xFFFF, v14;
	(v2sf) =	vpush v47, $0xF;
	v48, _, _ =	vpop (xrf2)  }
0x5dd: {  	v11 =	vcvt.s32.f32 v52;
	(v2sf) =	vpush v48, $0xF;
	v49, _, _ =	vpop (xrf2)  }
0x5de: {  	v54 =	vld [tilespmem:$0x1A100];
	(v2sf) =	vpush v49, $0xF;
	v50, _, _ =	vpop (xrf2)  }
0x5df: {  	v20 =	vld [tilespmem:$0x19100];
	v55 =	vand.u32 $0xFFFF, v25;
	(xrf2) =	vadd.scan.msk.f32 $0xffff, v11;
	(v2sf) =	vpush v50, $0xF;
	v51, _, _ =	vpop (xrf2)  }
0x5e0: {  	v19 =	vld [tilespmem:$0x1A900];
	v13 =	vcvt.s32.f32 v55;
	(xrf2) =	vadd.scan.msk.f32 $0xffff, v53;
	(v2sf) =	vpush v51, $0xF  }
0x5e1: {  	v18 =	vld [tilespmem:$0x19900];
	v56 =	vand.u32 $0xFFFF, v23  }
0x5e2: {  	v21 =	vld [tilespmem:$0x1B100];
	v11 =	vcvt.s32.f32 v56;
	(xrf2) =	vadd.scan.msk.f32 $0xffff, v13;
	s31 =	spop (v2sf)  }
0x5e3: {  	v17 =	vld [tilespmem:$0x18180];
	(xrf2) =	vadd.scan.msk.f32 $0xffff, v54;
	s30 =	spop (v2sf)  }
0x5e4: {  	v22 =	vld [tilespmem:$0x1B900];
	v57 =	vand.u32 $0xFFFF, v20;
	(xrf2) =	vadd.scan.msk.f32 $0xffff, v11;
	s15 =	spop (v2sf)  }
0x5e5: {  	v58 =	vcvt.s32.f32 v57;
	v15 =	vld [tilespmem:$0x18980];
	s14 =	spop (v2sf)  }
0x5e6: {  	v60 =	vld [tilespmem:$0x1A180];
	v59 =	vand.u32 $0xFFFF, v18;
	(xrf2) =	vadd.scan.msk.f32 $0xffff, v19;
	s13 =	spop (v2sf)  }
0x5e7: {  	v61 =	vcvt.s32.f32 v59;
	v13 =	vld [tilespmem:$0x19180];
	(xrf2) =	vadd.scan.msk.f32 $0xffff, v58;
	s12 =	spop (v2sf)  }
0x5e8: {  	v62 =	vand.u32 $0xFFFF, v17;
	(xrf2) =	vadd.scan.msk.f32 $0xffff, v21;
	s11 =	spop (v2sf)  }
0x5e9: {  	v63 =	vld [tilespmem:$0x1A980];
	v30 =	vcvt.s32.f32 v62;
	(xrf2) =	vadd.scan.msk.f32 $0xffff, v61;
	v16, _, _ =	vpop (xrf2);
	s10 =	spop (v2sf)  }
0x5ea: {  	v24 =	vld [tilespmem:$0x1B180];
	v31 =	vand.u32 $0xFFFF, v15;
	(xrf2) =	vadd.scan.msk.f32 $0xffff, v22;
	s16 =	sadd.f32 $0.0e+00, s31;
	(v2sf) =	vpush v16, $0xF;
	v32, _, _ =	vpop (xrf2);
	s6 =	spop (v2sf)  }
0x5eb: {  	v12 =	vld [tilespmem:$0x19980];
	v22 =	vcvt.s32.f32 v31;
	(xrf2) =	vadd.scan.msk.f32 $0xffff, v30;
	s17 =	sadd.f32 $0.0e+00, s30;
	(v2sf) =	vpush v32, $0xF;
	s4 =	spop (v2sf)  }
0x5ec: {  	v26 =	vld [tilespmem:$0x1B980];
	v33 =	vand.u32 $0xFFFF, v13;
	(xrf2) =	vadd.scan.msk.f32 $0xffff, v60;
	v27, _, _ =	vpop (xrf2);
	s15 =	sadd.f32 s15, s16;
	s3 =	spop (v2sf)  }
0x5ed: {  	v36 =	vld [tilespmem:$0x1A200];
	v19 =	vcvt.s32.f32 v33;
	(xrf2) =	vadd.scan.msk.f32 $0xffff, v22;
	(v2sf) =	vpush v27, $0xF;
	v34, _, _ =	vpop (xrf2);
	s14 =	sadd.f32 s14, s17;
	s2 =	spop (v2sf)  }
0x5ee: {  	v11 =	vld [tilespmem:$0x18200];
	(xrf2) =	vadd.scan.msk.f32 $0xffff, v63;
	(v2sf) =	vpush v34, $0xF;
	v37, _, _ =	vpop (xrf2);
	s13 =	sadd.f32 s13, s15;
	s1 =	spop (v2sf)  }
0x5ef: {  	v16 =	vld [tilespmem:$0x18A00];
	(xrf2) =	vadd.scan.msk.f32 $0xffff, v19;
	(v2sf) =	vpush v37, $0xF;
	s12 =	sadd.f32 s12, s14;
	s0 =	spop (v2sf)  }
0x5f0: {  	v35 =	vand.u32 $0xFFFF, v12;
	v19 =	vld [tilespmem:$0x19200];
	s11 =	sadd.f32 s11, s13;
	v22, _, _ =	vpop (xrf2)  }
0x5f1: {  	v21 =	vcvt.s32.f32 v35;
	s10 =	sadd.f32 s10, s12;
	(v2sf) =	vpush v22, $0xF;
	v39, _, _ =	vpop (xrf2)  }
0x5f2: {  	s6 =	sadd.f32 $0.0e+00, s6;
	(xrf2) =	vadd.scan.msk.f32 $0xffff, v24;
	(v2sf) =	vpush v39, $0xF;
	v40, _, _ =	vpop (xrf2)  }
0x5f3: {  	v38 =	vand.u32 $0xFFFF, v11;
	s4 =	sadd.f32 $0.0e+00, s4;
	(xrf2) =	vadd.scan.msk.f32 $0xffff, v21;
	(v2sf) =	vpush v40, $0xF;
	v30, _, _ =	vpop (xrf2)  }
0x5f4: {  	s3 =	sadd.f32 s3, s6;
	v28 =	vld [tilespmem:$0x1AA00];
	v24 =	vcvt.s32.f32 v38;
	(xrf2) =	vadd.scan.msk.f32 $0xffff, v26;
	(v2sf) =	vpush v30, $0xF;
	v43, _, _ =	vpop (xrf2)  }
0x5f5: {  	s2 =	sadd.f32 s2, s4;
	v21 =	vld [tilespmem:$0x19A00];
	(v2sf) =	vpush v43, $0xF  }
0x5f6: {  	v41 =	vand.u32 $0xFFFF, v16;
	s1 =	sadd.f32 s1, s3;
	(xrf2) =	vadd.scan.msk.f32 $0xffff, v24;
	v46, _, _ =	vpop (xrf2)  }
0x5f7: {  	v42 =	vcvt.s32.f32 v41;
	[dreg:$0xc] =	wrdreg s11;
	v29 =	vld [tilespmem:$0x1B200];
	(v2sf) =	vpush v46, $0xF  }
0x5f8: {  	v44 =	vand.u32 $0xFFFF, v19;
	[dreg:$0xb] =	wrdreg s10;
	v22 =	vld [tilespmem:$0x18280];
	(xrf2) =	vadd.scan.msk.f32 $0xffff, v36;
	v47, _, _ =	vpop (xrf2)  }
0x5f9: {  	v27 =	vcvt.s32.f32 v44;
	s0 =	sadd.f32 s0, s2;
	v45 =	vld [tilespmem:$0x1BA00];
	s15 =	spop (v2sf);
	(xrf2) =	vadd.scan.msk.f32 $0xffff, v42;
	(v2sf) =	vpush v47, $0xF;
	v32, _, _ =	vpop (xrf2)  }
0x5fa: {  	s12 =	spop (v2sf);
	s1 =	sadd.f32 s15, s1;
	(xrf2) =	vadd.scan.msk.f32 $0xffff, v28;
	v48 =	vand.u32 $0xFFFF, v21;
	(v2sf) =	vpush v32, $0xF;
	v50, _, _ =	vpop (xrf2)  }
0x5fb: {  	v24 =	vld [tilespmem:$0x18A80];
	s0 =	sadd.f32 s12, s0;
	(xrf2) =	vadd.scan.msk.f32 $0xffff, v27;
	v49 =	vcvt.s32.f32 v48;
	(v2sf) =	vpush v50, $0xF;
	v53, _, _ =	vpop (xrf2)  }
0x5fc: {  	v31 =	vld [tilespmem:$0x1A280];
	s13 =	spop (v2sf);
	[dreg:$0xe] =	wrdreg s1;
	(xrf2) =	vadd.scan.msk.f32 $0xffff, v29;
	(v2sf) =	vpush v53, $0xF;
	v54, _, _ =	vpop (xrf2)  }
0x5fd: {  	v26 =	vld [tilespmem:$0x19280];
	v51 =	vand.u32 $0xFFFF, v22;
	s12 =	sadd.f32 $0.0e+00, s13;
	(xrf2) =	vadd.scan.msk.f32 $0xffff, v49;
	(v2sf) =	vpush v54, $0xF;
	v34, _, _ =	vpop (xrf2)  }
0x5fe: {  	v52 =	vld [tilespmem:$0x1AA80];
	s14 =	spop (v2sf);
	[dreg:$0xd] =	wrdreg s0;
	v29 =	vcvt.s32.f32 v51;
	(xrf2) =	vadd.scan.msk.f32 $0xffff, v45;
	(v2sf) =	vpush v34, $0xF;
	v57, _, _ =	vpop (xrf2)  }
0x5ff: {  	s16 =	spop (v2sf);
	s13 =	sadd.f32 $0.0e+00, s14;
	v27 =	vld [tilespmem:$0x19A80];
	(v2sf) =	vpush v57, $0xF  }
0x600: {  	s6 =	sadd.f32 s16, s12;
	v55 =	vand.u32 $0xFFFF, v24;
	(xrf2) =	vadd.scan.msk.f32 $0xffff, v29;
	v60, _, _ =	vpop (xrf2);
	s30 =	spop (v2sf)  }
0x601: {  	v33 =	vld [tilespmem:$0x1B280];
	v56 =	vcvt.s32.f32 v55;
	(v2sf) =	vpush v60, $0xF;
	s17 =	spop (v2sf);
	s4 =	sadd.f32 s30, s13  }
0x602: {  	v28 =	vld [tilespmem:$0x18300];
	v58 =	vand.u32 $0xFFFF, v26;
	(xrf2) =	vadd.scan.msk.f32 $0xffff, v31;
	v61, _, _ =	vpop (xrf2);
	s26 =	spop (v2sf);
	s3 =	sadd.f32 s17, s6  }
0x603: {  	v59 =	vld [tilespmem:$0x1BA80];
	v31 =	vcvt.s32.f32 v58;
	(xrf2) =	vadd.scan.msk.f32 $0xffff, v56;
	(v2sf) =	vpush v61, $0xF;
	v36, _, _ =	vpop (xrf2);
	s1 =	spop (v2sf);
	s2 =	sadd.f32 s26, s4  }
0x604: {  	v29 =	vld [tilespmem:$0x18B00];
	v62 =	vand.u32 $0xFFFF, v27;
	(xrf2) =	vadd.scan.msk.f32 $0xffff, v52;
	(v2sf) =	vpush v36, $0xF;
	v40, _, _ =	vpop (xrf2);
	s11 =	spop (v2sf);
	s1 =	sadd.f32 s1, s3  }
0x605: {  	v35 =	vld [tilespmem:$0x1A300];
	v63 =	vcvt.s32.f32 v62;
	(xrf2) =	vadd.scan.msk.f32 $0xffff, v31;
	(v2sf) =	vpush v40, $0xF;
	v43, _, _ =	vpop (xrf2);
	s0 =	sadd.f32 s11, s2  }
0x606: {  	v30 =	vld [tilespmem:$0x19300];
	(xrf2) =	vadd.scan.msk.f32 $0xffff, v33;
	(v2sf) =	vpush v43, $0xF;
	v44, _, _ =	vpop (xrf2);
	s15 =	spop (v2sf);
	[dreg:$0x10] =	wrdreg s1  }
0x607: {  	v42 =	vld [tilespmem:$0x1AB00];
	v41 =	vand.u32 $0xFFFF, v28;
	(xrf2) =	vadd.scan.msk.f32 $0xffff, v63;
	(v2sf) =	vpush v44, $0xF;
	v38, _, _ =	vpop (xrf2);
	s11 =	sadd.f32 $0.0e+00, s15  }
0x608: {  	v31 =	vld [tilespmem:$0x19B00];
	v33 =	vcvt.s32.f32 v41;
	(xrf2) =	vadd.scan.msk.f32 $0xffff, v59;
	(v2sf) =	vpush v38, $0xF;
	v47, _, _ =	vpop (xrf2);
	s14 =	spop (v2sf);
	[dreg:$0xf] =	wrdreg s0  }
0x609: {  	v37 =	vld [tilespmem:$0x1B300];
	v45 =	vand.u32 $0xFFFF, v29;
	(v2sf) =	vpush v47, $0xF;
	s16 =	spop (v2sf);
	s13 =	sadd.f32 $0.0e+00, s14  }
0x60a: {  	v32 =	vld [tilespmem:$0x18380];
	v46 =	vcvt.s32.f32 v45;
	(xrf2) =	vadd.scan.msk.f32 $0xffff, v33;
	v50, _, _ =	vpop (xrf2);
	s30 =	spop (v2sf);
	s2 =	sadd.f32 s16, s11  }
0x60b: {  	v48 =	vand.u32 $0xFFFF, v30;
	v49 =	vld [tilespmem:$0x1BB00];
	(xrf2) =	vadd.scan.msk.f32 $0xffff, v35;
	(v2sf) =	vpush v50, $0xF;
	s17 =	spop (v2sf);
	s11 =	sadd.f32 s30, s13  }
0x60c: {  	v33 =	vld [tilespmem:$0x18B80];
	v35 =	vcvt.s32.f32 v48;
	(xrf2) =	vadd.scan.msk.f32 $0xffff, v46;
	v51, _, _ =	vpop (xrf2);
	s2 =	sadd.f32 s17, s2;
	s26 =	spop (v2sf)  }
0x60d: {  	v39 =	vld [tilespmem:$0x1A380];
	v52 =	vand.u32 $0xFFFF, v31;
	(xrf2) =	vadd.scan.msk.f32 $0xffff, v42;
	(v2sf) =	vpush v51, $0xF;
	v40, _, _ =	vpop (xrf2);
	s1 =	spop (v2sf);
	s4 =	sadd.f32 s26, s11  }
0x60e: {  	v34 =	vld [tilespmem:$0x19380];
	v53 =	vcvt.s32.f32 v52;
	(xrf2) =	vadd.scan.msk.f32 $0xffff, v35;
	(v2sf) =	vpush v40, $0xF;
	v54, _, _ =	vpop (xrf2);
	s3 =	spop (v2sf);
	s1 =	sadd.f32 s1, s2  }
0x60f: {  	v55 =	vand.u32 $0xFFFF, v32;
	v56 =	vld [tilespmem:$0x1AB80];
	(xrf2) =	vadd.scan.msk.f32 $0xffff, v37;
	(v2sf) =	vpush v54, $0xF;
	v57, _, _ =	vpop (xrf2);
	s0 =	sadd.f32 s3, s4  }
0x610: {  	v35 =	vld [tilespmem:$0x19B80];
	v37 =	vcvt.s32.f32 v55;
	(xrf2) =	vadd.scan.msk.f32 $0xffff, v53;
	(v2sf) =	vpush v57, $0xF;
	v58, _, _ =	vpop (xrf2);
	s15 =	spop (v2sf);
	[dreg:$0x12] =	wrdreg s1  }
0x611: {  	v41 =	vld [tilespmem:$0x1B380];
	v59 =	vand.u32 $0xFFFF, v33;
	(xrf2) =	vadd.scan.msk.f32 $0xffff, v49;
	(v2sf) =	vpush v58, $0xF;
	v42, _, _ =	vpop (xrf2);
	s4 =	sadd.f32 $0.0e+00, s15  }
0x612: {  	v36 =	vld [tilespmem:$0x18400];
	v60 =	vcvt.s32.f32 v59;
	(xrf2) =	vadd.scan.msk.f32 $0xffff, v37;
	(v2sf) =	vpush v42, $0xF;
	v61, _, _ =	vpop (xrf2);
	s14 =	spop (v2sf);
	[dreg:$0x11] =	wrdreg s0  }
0x613: {  	v62 =	vand.u32 $0xFFFF, v34;
	v63 =	vld [tilespmem:$0x1BB80];
	(xrf2) =	vadd.scan.msk.f32 $0xffff, v39;
	(v2sf) =	vpush v61, $0xF;
	s16 =	spop (v2sf);
	s13 =	sadd.f32 $0.0e+00, s14  }
0x614: {  	v37 =	vld [tilespmem:$0x18C00];
	v39 =	vcvt.s32.f32 v62;
	v46, _, _ =	vpop (xrf2);
	(xrf2) =	vadd.scan.msk.f32 $0xffff, v60;
	s30 =	spop (v2sf);
	s2 =	sadd.f32 s16, s4  }
0x615: {  	v43 =	vld [tilespmem:$0x1A400];
	v48 =	vand.u32 $0xFFFF, v35;
	(v2sf) =	vpush v46, $0xF;
	v47, _, _ =	vpop (xrf2);
	(xrf2) =	vadd.scan.msk.f32 $0xffff, v56;
	s17 =	spop (v2sf);
	s4 =	sadd.f32 s30, s13  }
0x616: {  	v38 =	vld [tilespmem:$0x19400];
	v49 =	vcvt.s32.f32 v48;
	(v2sf) =	vpush v47, $0xF;
	v44, _, _ =	vpop (xrf2);
	(xrf2) =	vadd.scan.msk.f32 $0xffff, v39;
	s26 =	spop (v2sf);
	s2 =	sadd.f32 s17, s2  }
0x617: {  	v52 =	vld [tilespmem:$0x1AC00];
	v51 =	vand.u32 $0xFFFF, v36;
	(v2sf) =	vpush v44, $0xF;
	v50, _, _ =	vpop (xrf2);
	(xrf2) =	vadd.scan.msk.f32 $0xffff, v41;
	s1 =	spop (v2sf);
	s4 =	sadd.f32 s26, s4  }
0x618: {  	v39 =	vld [tilespmem:$0x19C00];
	v41 =	vcvt.s32.f32 v51;
	(v2sf) =	vpush v50, $0xF;
	v53, _, _ =	vpop (xrf2);
	(xrf2) =	vadd.scan.msk.f32 $0xffff, v49;
	s0 =	spop (v2sf);
	s1 =	sadd.f32 s1, s2  }
0x619: {  	v45 =	vld [tilespmem:$0x1B400];
	v55 =	vand.u32 $0xFFFF, v37;
	(v2sf) =	vpush v53, $0xF;
	v54, _, _ =	vpop (xrf2);
	(xrf2) =	vadd.scan.msk.f32 $0xffff, v63;
	s0 =	sadd.f32 s0, s4  }
0x61a: {  	v40 =	vld [tilespmem:$0x18480];
	v56 =	vcvt.s32.f32 v55;
	(v2sf) =	vpush v54, $0xF;
	v46, _, _ =	vpop (xrf2);
	(xrf2) =	vadd.scan.msk.f32 $0xffff, v41;
	s15 =	spop (v2sf);
	[dreg:$0x14] =	wrdreg s1  }
0x61b: {  	v59 =	vld [tilespmem:$0x1BC00];
	v58 =	vand.u32 $0xFFFF, v38;
	(v2sf) =	vpush v46, $0xF;
	v57, _, _ =	vpop (xrf2);
	(xrf2) =	vadd.scan.msk.f32 $0xffff, v43;
	s4 =	sadd.f32 $0.0e+00, s15  }
0x61c: {  	v41 =	vld [tilespmem:$0x18C80];
	v43 =	vcvt.s32.f32 v58;
	(v2sf) =	vpush v57, $0xF;
	v60, _, _ =	vpop (xrf2);
	(xrf2) =	vadd.scan.msk.f32 $0xffff, v56;
	s14 =	spop (v2sf);
	[dreg:$0x13] =	wrdreg s0  }
0x61d: {  	v42 =	vld [tilespmem:$0x19480];
	v62 =	vand.u32 $0xFFFF, v39;
	(v2sf) =	vpush v60, $0xF;
	v61, _, _ =	vpop (xrf2);
	(xrf2) =	vadd.scan.msk.f32 $0xffff, v52;
	s16 =	spop (v2sf);
	s13 =	sadd.f32 $0.0e+00, s14  }
0x61e: {  	v47 =	vld [tilespmem:$0x1A480];
	v63 =	vcvt.s32.f32 v62;
	(v2sf) =	vpush v61, $0xF;
	v48, _, _ =	vpop (xrf2);
	(xrf2) =	vadd.scan.msk.f32 $0xffff, v43;
	s30 =	spop (v2sf);
	s2 =	sadd.f32 s16, s4  }
0x61f: {  	v53 =	vand.u32 $0xFFFF, v40;
	v43 =	vld [tilespmem:$0x19C80];
	(v2sf) =	vpush v48, $0xF;
	v52, _, _ =	vpop (xrf2);
	(xrf2) =	vadd.scan.msk.f32 $0xffff, v45;
	s17 =	spop (v2sf);
	s4 =	sadd.f32 s30, s13  }
0x620: {  	v48 =	vld [tilespmem:$0x1AC80];
	v45 =	vcvt.s32.f32 v53;
	(v2sf) =	vpush v52, $0xF;
	v54, _, _ =	vpop (xrf2);
	(xrf2) =	vadd.scan.msk.f32 $0xffff, v63;
	s26 =	spop (v2sf);
	s2 =	sadd.f32 s17, s2  }
0x621: {  	v56 =	vand.u32 $0xFFFF, v41;
	(v2sf) =	vpush v54, $0xF;
	v55, _, _ =	vpop (xrf2);
	(xrf2) =	vadd.scan.msk.f32 $0xffff, v59;
	s1 =	spop (v2sf);
	s4 =	sadd.f32 s26, s4  }
0x622: {  	v58 =	vcvt.s32.f32 v56;
	v59 =	vld [tilespmem:$0x1B480];
	(v2sf) =	vpush v55, $0xF;
	v57, _, _ =	vpop (xrf2);
	(xrf2) =	vadd.scan.msk.f32 $0xffff, v45;
	s0 =	spop (v2sf);
	s1 =	sadd.f32 s1, s2  }
0x623: {  	v61 =	vand.u32 $0xFFFF, v42;
	(v2sf) =	vpush v57, $0xF;
	v60, _, _ =	vpop (xrf2);
	(xrf2) =	vadd.scan.msk.f32 $0xffff, v47;
	s0 =	sadd.f32 s0, s4  }
0x624: {  	v63 =	vcvt.s32.f32 v61;
	v52 =	vld [tilespmem:$0x1BC80];
	s15 =	spop (v2sf);
	(v2sf) =	vpush v60, $0xF;
	v62, _, _ =	vpop (xrf2);
	(xrf2) =	vadd.scan.msk.f32 $0xffff, v58;
	[dreg:$0x16] =	wrdreg s1  }
0x625: {  	v54 =	vand.u32 $0xFFFF, v43;
	s14 =	spop (v2sf);
	(v2sf) =	vpush v62, $0xF;
	v53, _, _ =	vpop (xrf2);
	(xrf2) =	vadd.scan.msk.f32 $0xffff, v48;
	s4 =	sadd.f32 $0.0e+00, s15  }
0x626: {  	v56 =	vcvt.s32.f32 v54;
	(v2sf) =	vpush v53, $0xF;
	v55, _, _ =	vpop (xrf2);
	(xrf2) =	vadd.scan.msk.f32 $0xffff, v63;
	s16 =	spop (v2sf);
	[dreg:$0x15] =	wrdreg s0  }
0x627: {  	v10 =	vshrl.u32 v10, $0x10;
	s13 =	sadd.f32 $0.0e+00, s14;
	(v2sf) =	vpush v55, $0xF;
	v57, _, _ =	vpop (xrf2);
	(xrf2) =	vadd.scan.msk.f32 $0xffff, v59;
	s30 =	spop (v2sf)  }
0x628: {  	v9 =	vshrl.u32 v9, $0x10;
	v10 =	vcvt.s32.f32 v10;
	s2 =	sadd.f32 s16, s4;
	s17 =	spop (v2sf);
	(v2sf) =	vpush v57, $0xF;
	v58, _, _ =	vpop (xrf2);
	(xrf2) =	vadd.scan.msk.f32 $0xffff, v56  }
0x629: {  	v9 =	vcvt.s32.f32 v9;
	v8 =	vshrl.u32 v8, $0x10;
	s4 =	sadd.f32 s30, s13;
	s26 =	spop (v2sf);
	(v2sf) =	vpush v58, $0xF;
	v59, _, _ =	vpop (xrf2);
	(xrf2) =	vadd.scan.msk.f32 $0xffff, v52  }
0x62a: {  	v7 =	vshrl.u32 v7, $0x10;
	v8 =	vcvt.s32.f32 v8;
	s2 =	sadd.f32 s17, s2;
	s1 =	spop (v2sf);
	(v2sf) =	vpush v59, $0xF;
	v60, _, _ =	vpop (xrf2);
	(xrf2) =	vadd.scan.msk.f32 $0xffff, v10  }
0x62b: {  	v7 =	vcvt.s32.f32 v7;
	v6 =	vshrl.u32 v6, $0x10;
	s4 =	sadd.f32 s26, s4;
	s0 =	spop (v2sf);
	(v2sf) =	vpush v60, $0xF;
	v61, _, _ =	vpop (xrf2);
	(xrf2) =	vadd.scan.msk.f32 $0xffff, v9  }
0x62c: {  	v6 =	vcvt.s32.f32 v6;
	v5 =	vshrl.u32 v5, $0x10;
	s1 =	sadd.f32 s1, s2;
	s15 =	spop (v2sf);
	(v2sf) =	vpush v61, $0xF;
	v62, _, _ =	vpop (xrf2);
	(xrf2) =	vadd.scan.msk.f32 $0xffff, v8  }
0x62d: {  	v5 =	vcvt.s32.f32 v5;
	v4 =	vshrl.u32 v4, $0x10;
	s0 =	sadd.f32 s0, s4;
	s14 =	spop (v2sf);
	(v2sf) =	vpush v62, $0xF;
	v63, _, _ =	vpop (xrf2);
	(xrf2) =	vadd.scan.msk.f32 $0xffff, v7  }
0x62e: {  	v4 =	vcvt.s32.f32 v4;
	v14 =	vshrl.u32 v14, $0x10;
	[dreg:$0x18] =	wrdreg s1;
	s16 =	spop (v2sf);
	(v2sf) =	vpush v63, $0xF;
	v10, _, _ =	vpop (xrf2);
	(xrf2) =	vadd.scan.msk.f32 $0xffff, v6  }
0x62f: {  	v45 =	vshrl.u32 v25, $0x10;
	s4 =	sadd.f32 $0.0e+00, s15;
	s30 =	spop (v2sf);
	(v2sf) =	vpush v10, $0xF;
	v44, _, _ =	vpop (xrf2);
	(xrf2) =	vadd.scan.msk.f32 $0xffff, v5;
	v5 =	vcvt.s32.f32 v14  }
0x630: {  	v47 =	vshrl.u32 v23, $0x10;
	[dreg:$0x17] =	wrdreg s0;
	s17 =	spop (v2sf);
	(v2sf) =	vpush v44, $0xF;
	v46, _, _ =	vpop (xrf2);
	(xrf2) =	vadd.scan.msk.f32 $0xffff, v4;
	v4 =	vcvt.s32.f32 v45  }
0x631: {  	v49 =	vshrl.u32 v20, $0x10;
	s13 =	sadd.f32 $0.0e+00, s14;
	s26 =	spop (v2sf);
	(v2sf) =	vpush v46, $0xF;
	v48, _, _ =	vpop (xrf2);
	(xrf2) =	vadd.scan.msk.f32 $0xffff, v5;
	v5 =	vcvt.s32.f32 v47  }
0x632: {  	v51 =	vshrl.u32 v18, $0x10;
	s2 =	sadd.f32 s16, s4;
	s1 =	spop (v2sf);
	(v2sf) =	vpush v48, $0xF;
	v50, _, _ =	vpop (xrf2);
	(xrf2) =	vadd.scan.msk.f32 $0xffff, v4;
	v4 =	vcvt.s32.f32 v49  }
0x633: {  	v53 =	vshrl.u32 v17, $0x10;
	s4 =	sadd.f32 s30, s13;
	s0 =	spop (v2sf);
	(v2sf) =	vpush v50, $0xF;
	v52, _, _ =	vpop (xrf2);
	(xrf2) =	vadd.scan.msk.f32 $0xffff, v5;
	v5 =	vcvt.s32.f32 v51  }
0x634: {  	v55 =	vshrl.u32 v15, $0x10;
	s2 =	sadd.f32 s17, s2;
	s15 =	spop (v2sf);
	(v2sf) =	vpush v52, $0xF;
	v54, _, _ =	vpop (xrf2);
	(xrf2) =	vadd.scan.msk.f32 $0xffff, v4;
	v4 =	vcvt.s32.f32 v53  }
0x635: {  	v57 =	vshrl.u32 v13, $0x10;
	s4 =	sadd.f32 s26, s4;
	s14 =	spop (v2sf);
	(v2sf) =	vpush v54, $0xF;
	v56, _, _ =	vpop (xrf2);
	(xrf2) =	vadd.scan.msk.f32 $0xffff, v5;
	v5 =	vcvt.s32.f32 v55  }
0x636: {  	v59 =	vshrl.u32 v12, $0x10;
	s1 =	sadd.f32 s1, s2;
	s16 =	spop (v2sf);
	(v2sf) =	vpush v56, $0xF;
	v58, _, _ =	vpop (xrf2);
	(xrf2) =	vadd.scan.msk.f32 $0xffff, v4;
	v4 =	vcvt.s32.f32 v57  }
0x637: {  	v61 =	vshrl.u32 v11, $0x10;
	s0 =	sadd.f32 s0, s4;
	s30 =	spop (v2sf);
	(v2sf) =	vpush v58, $0xF;
	v60, _, _ =	vpop (xrf2);
	(xrf2) =	vadd.scan.msk.f32 $0xffff, v5;
	v5 =	vcvt.s32.f32 v59  }
0x638: {  	v63 =	vshrl.u32 v16, $0x10;
	[dreg:$0x1b] =	wrdreg s1;
	s17 =	spop (v2sf);
	(v2sf) =	vpush v60, $0xF;
	v62, _, _ =	vpop (xrf2);
	(xrf2) =	vadd.scan.msk.f32 $0xffff, v4;
	v4 =	vcvt.s32.f32 v61  }
0x639: {  	v10 =	vshrl.u32 v19, $0x10;
	s6 =	sadd.f32 $0.0e+00, s15;
	s26 =	spop (v2sf);
	(v2sf) =	vpush v62, $0xF;
	v9, _, _ =	vpop (xrf2);
	(xrf2) =	vadd.scan.msk.f32 $0xffff, v5;
	v5 =	vcvt.s32.f32 v63  }
0x63a: {  	v12 =	vshrl.u32 v21, $0x10;
	[dreg:$0x19] =	wrdreg s0;
	s1 =	spop (v2sf);
	(v2sf) =	vpush v9, $0xF;
	v11, _, _ =	vpop (xrf2);
	(xrf2) =	vadd.scan.msk.f32 $0xffff, v4;
	v4 =	vcvt.s32.f32 v10  }
0x63b: {  	v14 =	vshrl.u32 v22, $0x10;
	s12 =	sadd.f32 $0.0e+00, s14;
	s4 =	spop (v2sf);
	(v2sf) =	vpush v11, $0xF;
	v13, _, _ =	vpop (xrf2);
	(xrf2) =	vadd.scan.msk.f32 $0xffff, v5;
	v5 =	vcvt.s32.f32 v12  }
0x63c: {  	v16 =	vshrl.u32 v24, $0x10;
	s0 =	sadd.f32 s16, s6;
	s11 =	spop (v2sf);
	(v2sf) =	vpush v13, $0xF;
	v15, _, _ =	vpop (xrf2);
	(xrf2) =	vadd.scan.msk.f32 $0xffff, v4;
	v4 =	vcvt.s32.f32 v14  }
0x63d: {  	v18 =	vshrl.u32 v26, $0x10;
	s3 =	sadd.f32 s30, s12;
	s13 =	spop (v2sf);
	(v2sf) =	vpush v15, $0xF;
	v17, _, _ =	vpop (xrf2);
	(xrf2) =	vadd.scan.msk.f32 $0xffff, v5;
	v5 =	vcvt.s32.f32 v16  }
0x63e: {  	v20 =	vshrl.u32 v27, $0x10;
	s0 =	sadd.f32 s17, s0;
	s14 =	spop (v2sf);
	(v2sf) =	vpush v17, $0xF;
	v19, _, _ =	vpop (xrf2);
	(xrf2) =	vadd.scan.msk.f32 $0xffff, v4;
	v4 =	vcvt.s32.f32 v18  }
0x63f: {  	v22 =	vshrl.u32 v28, $0x10;
	s12 =	sadd.f32 s26, s3;
	s30 =	spop (v2sf);
	(v2sf) =	vpush v19, $0xF;
	v21, _, _ =	vpop (xrf2);
	(xrf2) =	vadd.scan.msk.f32 $0xffff, v5;
	v5 =	vcvt.s32.f32 v20  }
0x640: {  	s6 =	sadd.f32 s1, s0;
	s16 =	spop (v2sf);
	(v2sf) =	vpush v21, $0xF;
	v23, _, _ =	vpop (xrf2);
	(xrf2) =	vadd.scan.msk.f32 $0xffff, v4;
	v4 =	vcvt.s32.f32 v22  }
0x641: {  	[dreg:$0x1c] =	wrdreg s13;
	s13 =	spop (v2sf);
	(v2sf) =	vpush v23, $0xF;
	v25, _, _ =	vpop (xrf2);
	(xrf2) =	vadd.scan.msk.f32 $0xffff, v5  }
0x642: {  	v26 =	vshrl.u32 v30, $0x10;
	v24 =	vshrl.u32 v29, $0x10;
	s2 =	sadd.f32 $0.0e+00, s11;
	(v2sf) =	vpush v25, $0xF;
	v27, _, _ =	vpop (xrf2);
	(xrf2) =	vadd.scan.msk.f32 $0xffff, v4;
	s3 =	spop (v2sf)  }
0x643: {  	v30 =	vshrl.u32 v32, $0x10;
	[dreg:$0x1a] =	wrdreg s4;
	v5 =	vcvt.s32.f32 v24;
	(v2sf) =	vpush v27, $0xF;
	v29, _, _ =	vpop (xrf2);
	s11 =	spop (v2sf)  }
0x644: {  	v28 =	vshrl.u32 v31, $0x10;
	s4 =	sadd.f32 s14, s2;
	v4 =	vcvt.s32.f32 v26;
	(v2sf) =	vpush v29, $0xF;
	v31, _, _ =	vpop (xrf2);
	s10 =	spop (v2sf)  }
0x645: {  	v32 =	vshrl.u32 v33, $0x10;
	(xrf2) =	vadd.scan.msk.f32 $0xffff, v5;
	v5 =	vcvt.s32.f32 v28;
	s15 =	sadd.f32 $0.0e+00, s10;
	(v2sf) =	vpush v31, $0xF;
	v33, _, _ =	vpop (xrf2);
	s14 =	spop (v2sf)  }
0x646: {  	s0 =	sadd.f32 s16, s4;
	(xrf2) =	vadd.scan.msk.f32 $0xffff, v4;
	v4 =	vcvt.s32.f32 v30;
	(v2sf) =	vpush v33, $0xF;
	v45, _, _ =	vpop (xrf2);
	s1 =	spop (v2sf)  }
0x647: {  	v44 =	vshrl.u32 v34, $0x10;
	(xrf2) =	vadd.scan.msk.f32 $0xffff, v5;
	v5 =	vcvt.s32.f32 v32;
	s15 =	sadd.f32 s14, s15;
	(v2sf) =	vpush v45, $0xF;
	v47, _, _ =	vpop (xrf2);
	s2 =	spop (v2sf)  }
0x648: {  	v46 =	vshrl.u32 v35, $0x10;
	s10 =	sadd.f32 s3, s0;
	(xrf2) =	vadd.scan.msk.f32 $0xffff, v4;
	v4 =	vcvt.s32.f32 v44;
	(v2sf) =	vpush v47, $0xF;
	v49, _, _ =	vpop (xrf2);
	s3 =	spop (v2sf)  }
0x649: {  	v48 =	vshrl.u32 v36, $0x10;
	(xrf2) =	vadd.scan.msk.f32 $0xffff, v5;
	v5 =	vcvt.s32.f32 v46;
	s15 =	sadd.f32 s1, s15;
	(v2sf) =	vpush v49, $0xF;
	v50, _, _ =	vpop (xrf2);
	s4 =	spop (v2sf)  }
0x64a: {  	(xrf2) =	vadd.scan.msk.f32 $0xffff, v4;
	v4 =	vcvt.s32.f32 v48;
	s26 =	sadd.f32 $0.0e+00, s3;
	(v2sf) =	vpush v50, $0xF;
	v51, _, _ =	vpop (xrf2);
	s31 =	spop (v2sf)  }
0x64b: {  	(xrf2) =	vadd.scan.msk.f32 $0xffff, v5;
	v5 =	vshrl.u32 v37, $0x10;
	s15 =	sadd.f32 s2, s15;
	v52, _, _ =	vpop (xrf2);
	(v2sf) =	vpush v51, $0xF;
	s14 =	spop (v2sf)  }
0x64c: {  	(xrf2) =	vadd.scan.msk.f32 $0xffff, v4;
	v4 =	vcvt.s32.f32 v5;
	v5 =	vshrl.u32 v38, $0x10;
	s16 =	sadd.f32 s4, s26;
	(v2sf) =	vpush v52, $0xF;
	v54, _, _ =	vpop (xrf2);
	s0 =	spop (v2sf)  }
0x64d: {  	v53 =	vshrl.u32 v39, $0x10;
	v5 =	vcvt.s32.f32 v5;
	s4 =	smov.u32 s28;
	s26 =	sadd.f32 $0.0e+00, s0;
	(v2sf) =	vpush v54, $0xF;
	s28 =	spop (v2sf)  }
0x64e: {  	v55 =	vshrl.u32 v40, $0x10;
	(xrf2) =	vadd.scan.msk.f32 $0xffff, v4;
	v4 =	vcvt.s32.f32 v53;
	s16 =	sadd.f32 s31, s16;
	s29 =	spop (v2sf)  }
0x64f: {  	v56, _, _ =	vpop (xrf2);
	(xrf2) =	vadd.scan.msk.f32 $0xffff, v5;
	v5 =	vcvt.s32.f32 v55;
	s26 =	sadd.f32 s28, s26;
	s28 =	spop (v2sf)  }
0x650: {  	v57, _, _ =	vpop (xrf2);
	(xrf2) =	vadd.scan.msk.f32 $0xffff, v4;
	v4 =	vshrl.u32 v41, $0x10;
	s31 =	sadd.f32 s14, s16;
	s1 =	spop (v2sf)  }
0x651: {  	(v2sf) =	vpush v56, $0xF;
	v58, _, _ =	vpop (xrf2);
	(xrf2) =	vadd.scan.msk.f32 $0xffff, v5;
	v4 =	vcvt.s32.f32 v4;
	s2 =	sadd.f32 s29, s26;
	s3 =	spop (v2sf)  }
0x652: {  	v59 =	vshrl.u32 v42, $0x10;
	(v2sf) =	vpush v57, $0xF;
	s29 =	sadd.f32 $0.0e+00, s1;
	s14 =	spop (v2sf)  }
0x653: {  	(v2sf) =	vpush v58, $0xF;
	v5, _, _ =	vpop (xrf2);
	(xrf2) =	vadd.scan.msk.f32 $0xffff, v4;
	v4 =	vcvt.s32.f32 v59;
	s16 =	sadd.f32 s28, s2;
	s1 =	spop (v2sf)  }
0x654: {  	v60 =	vshrl.u32 v43, $0x10;
	(v2sf) =	vpush v5, $0xF;
	v5, _, _ =	vpop (xrf2);
	s26 =	sadd.f32 s3, s29;
	s28 =	spop (v2sf)  }
0x655: {  	v61, _, _ =	vpop (xrf2);
	(v2sf) =	vpush v5, $0xF;
	v5 =	vcvt.s32.f32 v60;
	s28 =	sadd.f32 $0.0e+00, s28;
	s29 =	spop (v2sf)  }
0x656: {  	(v2sf) =	vpush v61, $0xF;
	v62, _, _ =	vpop (xrf2);
	s0 =	sadd.f32 s14, s26;
	s2 =	spop (v2sf)  }
0x657: {  	(xrf2) =	vadd.scan.msk.f32 $0xffff, v4;
	(v2sf) =	vpush v62, $0xF;
	v4, _, _ =	vpop (xrf2);
	s28 =	sadd.f32 s29, s28;
	s29 =	spop (v2sf)  }
0x658: {  	(v2sf) =	vpush v4, $0xF;
	v4, _, _ =	vpop (xrf2);
	s17 =	sadd.f32 s1, s0;
	s3 =	spop (v2sf)  }
0x659: {  	(xrf2) =	vadd.scan.msk.f32 $0xffff, v5;
	v5, _, _ =	vpop (xrf2);
	(v2sf) =	vpush v4, $0xF;
	s26 =	sadd.f32 s2, s28;
	s28 =	spop (v2sf)  }
0x65a: {  	v4, _, _ =	vpop (xrf2);
	(v2sf) =	vpush v5, $0xF;
	s0 =	sadd.f32 $0.0e+00, s3;
	s14 =	spop (v2sf)  }
0x65b: {  	v5, _, _ =	vpop (xrf2);
	(v2sf) =	vpush v4, $0xF;
	s26 =	sadd.f32 s29, s26;
	s29 =	spop (v2sf)  }
0x65c: {  	vm0 =	veq.s32 v3, $0x0;
	(v2sf) =	vpush v5, $0xF;
	v5 =	vmov s15;
	s0 =	sadd.f32 s28, s0;
	s28 =	spop (v2sf)  }
0x65d: {  	vm1 =	veq.s32 v3, $0x1;
	v5 =	vnsel vm0, $0x0, v5;
	s28 =	sadd.f32 $0.0e+00, s28  }
0x65e: {  	vm2 =	veq.s32 v3, $0x2;
	v5 =	vsel vm1, s31, v5;
	s1 =	sadd.f32 s14, s0  }
0x65f: {  	vm3 =	veq.s32 v3, $0x3;
	v5 =	vsel vm2, s16, v5;
	s16 =	rddreg [dreg:$0x1]  }
0x660: {  	s3 =	spop (v2sf);
	v5 =	vsel vm3, s17, v5;
	s17 =	rddreg [dreg:$0x2]  }
0x661: {  	s0 =	sadd.f32 s3, s28  }
0x662: {  	vm4 =	veq.s32 v3, $0x4;
	s3 =	sadd.f32 s29, s1  }
0x663: {  	s14 =	spop (v2sf);
	v5 =	vsel vm4, s26, v5;
	s26 =	rddreg [dreg:$0x5]  }
0x664: {  	v4, _, _ =	vpop (xrf2);
	s28 =	spop (v2sf);
	s0 =	sadd.f32 s14, s0  }
0x665: {  	(v2sf) =	vpush v4, $0xF;
	v4, _, _ =	vpop (xrf2);
	s29 =	spop (v2sf);
	s14 =	rddreg [dreg:$0xc]  }
0x666: {  	(v2sf) =	vpush v4, $0xF;
	v4, _, _ =	vpop (xrf2);
	s29 =	sadd.f32 $0.0e+00, s29  }
0x667: {  	(v2sf) =	vpush v4, $0xF;
	v4 =	vmov s14;
	s14 =	rddreg [dreg:$0xe]  }
0x668: {  	s2 =	spop (v2sf);
	s0 =	sadd.f32 s28, s0  }
0x669: {  	s1 =	spop (v2sf);
	v4 =	vnsel vm0, $0x0, v4;
	s2 =	sadd.f32 s2, s29  }
0x66a: {  	s28 =	spop (v2sf);
	v4 =	vsel vm1, s14, v4;
	s14 =	rddreg [dreg:$0x10]  }
0x66b: {  	s29 =	spop (v2sf);
	v4 =	vsel vm2, s14, v4;
	s14 =	rddreg [dreg:$0x12]  }
0x66c: {  	s29 =	sadd.f32 $0.0e+00, s29  }
0x66d: {  	s1 =	sadd.f32 s1, s2  }
0x66e: {  	v4 =	vsel vm3, s14, v4;
	s14 =	rddreg [dreg:$0x14]  }
0x66f: {  	s2 =	spop (v2sf);
	v4 =	vsel vm4, s14, v4;
	s14 =	rddreg [dreg:$0x16]  }
0x670: {  	s2 =	sadd.f32 s2, s29  }
0x671: {  	vm5 =	veq.s32 v3, $0x5;
	s1 =	sadd.f32 s28, s1  }
0x672: {  	vm6 =	veq.s32 v3, $0x6;
	s29 =	spop (v2sf);
	v4 =	vsel vm5, s14, v4;
	s14 =	rddreg [dreg:$0x18]  }
0x673: {  	s15 =	spop (v2sf);
	v4 =	vsel vm6, s14, v4;
	s14 =	rddreg [dreg:$0x1b]  }
0x674: {  	s2 =	sadd.f32 s29, s2;
	s28 =	spop (v2sf)  }
0x675: {  	vm7 =	veq.s32 v3, $0x7;
	s28 =	sadd.f32 $0.0e+00, s28  }
0x676: {  	vm8 =	veq.s32 v3, $0x8;
	v4 =	vsel vm7, s14, v4;
	s2 =	sadd.f32 s15, s2  }
0x677: {  	vm9 =	veq.s32 v3, $0x9;
	v4 =	vsel vm8, s6, v4;
	s15 =	rddreg [dreg:$0x0]  }
0x678: {  	s14 =	spop (v2sf);
	v4 =	vsel vm9, s10, v4;
	s10 =	rddreg [dreg:$0xd]  }
0x679: {  	s6 =	sadd.f32 s14, s28  }
0x67a: {  	s14 =	rddreg [dreg:$0xb]  }
0x67b: {  	v63 =	vmov s14;
	s14 =	rddreg [dreg:$0x1c]  }
0x67c: {  	s28 =	smov.u32 s4;
	s4 =	spop (v2sf);
	s14 =	sadd.f32 $0.0e+00, s14  }
0x67d: {  	v5 =	vsel vm5, s3, v5;
	v6 =	vnsel vm0, $0x0, v63;
	s3 =	sadd.f32 s4, s6  }
0x67e: {  	[tilespmem:$0x1C000] =	vst v4;
	s6 =	simm.s32 $0x1C000;
	v4 =	vsel vm1, s10, v6;
	s10 =	rddreg [dreg:$0x6]  }
0x67f: {  	[hbm4b:s10+s5] =	stream.linear.scatter [tilespmem:s6], [sflag:$0x7], $0x80, $0x38;
	[tilespmem:$0x1C080] =	vst v63  }
0x680: {  	s4 =	spop (v2sf);
	s10 =	rddreg [dreg:$0xf]  }
0x681: {  	v5 =	vsel vm6, s0, v5;
	s0 =	sadd.f32 s4, s3;
	s3 =	simm.s32 $0x7  }
0x682: {  	s30 =	sadd.f32 s30, s14;
	_ =	swait.ge [sflag:s3], $0x80  }
0x683: {  	v4 =	vsel vm2, s10, v4;
	s10 =	rddreg [dreg:$0x11]  }
0x684: {  	s4 =	rddreg [dreg:$0x13]  }
0x685: {  	s14 =	rddreg [dreg:$0x15]  }
0x686: {  	s30 =	sadd.f32 s13, s30  }
0x687: {  	v5 =	vsel vm7, s1, v5;
	v4 =	vsel vm3, s10, v4;
	s10 =	rddreg [dreg:$0x1a]  }
0x688: {  	v5 =	vsel vm8, s2, v5;
	s2 =	sadd.f32 s10, s12  }
0x689: {  	[sflag:s3] =	ssyncset.done $0x0;
	v4 =	vsel vm4, s4, v4;
	s4 =	rddreg [dreg:$0x17]  }
0x68a: {  	v5 =	vsel vm9, s0, v5;
	[sflag:s3] =	ssyncadd.s32 $0xFFFFFF80;
	s10 =	rddreg [dreg:$0x7]  }
0x68b: {  	[tilespmem:$0x1C000] =	vst v5;
	s12 =	rddreg [dreg:$0x19];
	v4 =	vsel vm5, s14, v4  }
0x68c: {  	[hbm4b:s10+s5] =	stream.linear.scatter [tilespmem:s6], [sflag:$0x7], $0x80, $0x38;
	v4 =	vsel vm6, s4, v4;
	[tilespmem:$0x1C080] =	vst v63  }
0x68d: {  	s0 =	sadd.f32 s11, s30;
	_ =	swait.ge [sflag:s3], $0x80;
	v4 =	vsel vm7, s12, v4  }
0x68e: {  	[sflag:s3] =	ssyncset.done $0x0;
	v4 =	vsel vm8, s2, v4  }
0x68f: {  	[sflag:s3] =	ssyncadd.s32 $0xFFFFFF80;
	v4 =	vsel vm9, s0, v4  }
0x690: {  	s13 =	rddreg [dreg:$0x8];
	[tilespmem:$0x1C000] =	vst v4  }
0x691: {  	[hbm4b:s13+s5] =	stream.linear.scatter [tilespmem:s6], [sflag:$0x7], $0x80, $0x38;
	[tilespmem:$0x1C080] =	vst v63  }
0x692: {  	_ =	swait.ge [sflag:s3], $0x80  }
0x693: {  	s14 =	rddreg [dreg:$0xa]  }
0x694: {  	s30 =	rddreg [dreg:$0x9];
	s1 =	sadd.s32 $0x1, s14  }
0x695: {  	p0 =	sne.s32 s1, s30  }
.Ltmp13:
0x696: {  	_ = 	snop;
	(pc) =	sbr.rel @p0 .LBB2_1-.Ltmp13, $3  }
0x697: {  	_ =	sdelay $0x1  }
0x698: {  	[sflag:s3] =	ssyncset.done $0x0  }
0x699: {  	s31 =	simm.s32 $0x3;
	s29 =	simm.s32 $0x1;
	[sflag:s3] =	ssyncadd.s32 $0xFFFFFF80  }
0x69a: {  	_ =	sfence.sel $0x180000  }
0x69b: {  	[bflag:$0x0] =	sbarrier.arrive $0xFFFF  }
0x69c: {  	_ =	strace $0x90000047  }
0x69d: {  	s0 =	stileid.u32;
	[bflag:$0x2] =	sbarrier.arrive $0xFFFF  }
0x69e: {  	p0 =	sne.s32 s0, $0x0;
	s0 =	rddreg [dreg:$0x4]  }
0x69f: {  	s0 =	sadd.s32 @!p0 $0x100000, s0  }
0x6a0: {  	[sflag:s0] =	ssyncadd.tile.s32 @!p0 $0x1;
	_ =	shalt  }
.Lfunc_end2:
_tile_overlayer_lowered:
.L_overlay_start_2:
0x6a1: {  	(tag) =	ssettag $0x2  }
0x6a2: {  	s0 =	rddreg [dreg:$0x0];
	s2 =	stileid.u32  }
0x6a3: {  	s1 =	rddreg [dreg:$0x1];
	p0 =	sne.s32 s2, $0x0  }
0x6a4: {  	s3 =	rddreg [dreg:$0x2];
	[bflag:$0x3] =	sbarrier.arrive $0xFFFF;
	s2 =	simm.s32 @!p0 $0x1C07  }
0x6a5: {  	[timem:s3], [sflag:s2] =	dma.local @!p0 [hbm:s0], s1  }
0x6a6: {  	s0 =	simm.s32 @!p0 $0x7  }
0x6a7: {  	_ =	swait.ge @!p0 [sflag:s0], s1  }
0x6a8: {  	s1 =	ssub.s32 @!p0 $0x0, s1;
	[sflag:s0] =	ssyncset.done @!p0 $0x0  }
0x6a9: {  	[sflag:s0] =	ssyncadd.s32 @!p0 s1  }
0x6aa: {  	[bflag:$0x3] =	sbarrier.arrive $0xFFFF  }
0x6ab: {  	_ =	shalt  }

</sc_bundles>
